<compile_context>
chip_gen: v7x
topology: tpu7x:2x2x1
jax: 0.10.2.dev20260603
libtpu: 0.0.44.dev20260713+nightly
codegen_flags: <defaults>
</compile_context>

<pallas_src>
import functools

import jax
import jax.numpy as jnp
from jax import lax
from jax.experimental import pallas as pl
from jax.experimental.pallas import tpu as pltpu
from jax.experimental.pallas import tpu_sc as plsc

NC = 2
NS = 16
L = 16
K = 640
NSTR = K // 128
INT_MAX = 2**31 - 1


def _embedding_bag_sc(indices, offsets, table):
  total = indices.shape[0]
  nbags = offsets.shape[0] - 1
  vocab, d = table.shape
  nw = NC * NS
  c_per_w = total // nw
  g_per_w = c_per_w // K
  rows_per_w = nbags // NS
  noff = nbags + 1
  noff_pad = ((noff + L - 1) // L + 1) * L

  mesh = plsc.VectorSubcoreMesh(core_axis_name="c", subcore_axis_name="s")

  @functools.partial(
      pl.kernel,
      out_type=jax.ShapeDtypeStruct((NC, nbags, d), jnp.float32),
      mesh=mesh,
      compiler_params=pltpu.CompilerParams(needs_layout_passes=False,
                                           use_tc_tiling_on_sc=False),
      scratch_types=dict(
          offs_v=pltpu.VMEM((noff_pad,), jnp.int32),
          idx_a=pltpu.VMEM((NSTR, 128), jnp.int32),
          idx_b=pltpu.VMEM((NSTR, 128), jnp.int32),
          seg_a=pltpu.VMEM((NSTR, 128), jnp.int32),
          seg_b=pltpu.VMEM((NSTR, 128), jnp.int32),
          m_v=pltpu.VMEM((K,), jnp.int32),
          rows_a=pltpu.VMEM((K, d), jnp.float32),
          rows_b=pltpu.VMEM((K, d), jnp.float32),
          acc_sh=pltpu.VMEM_SHARED((nbags, d), jnp.float32),
          isem=pltpu.SemaphoreType.DMA,
          gsem=pltpu.SemaphoreType.DMA,
          ssem_a=pltpu.SemaphoreType.DMA,
          ssem_b=pltpu.SemaphoreType.DMA,
      ),
  )
  def emb_kernel(idx_hbm, off_hbm, table_hbm, out_hbm, *, offs_v, idx_a,
                 idx_b, seg_a, seg_b, m_v, rows_a, rows_b, acc_sh, isem,
                 gsem, ssem_a, ssem_b):
    c = lax.axis_index("c")
    s = lax.axis_index("s")
    wid = c * NS + s
    p0 = wid * c_per_w

    pltpu.sync_copy(off_hbm, offs_v.at[pl.ds(0, noff)])
    for i in range(noff - 1, noff_pad, L):
      base = (i // L) * L
      keep = lax.iota(jnp.int32, L) + base < noff - 1
      prev = offs_v[pl.ds(base, L)]
      offs_v[pl.ds(base, L)] = jnp.where(keep, prev, INT_MAX)

    zeros16 = jnp.zeros((L,), jnp.float32)
    for r in range(128):
      for q in range(d // L):
        rows_a[r, pl.ds(q * L, L)] = zeros16
    for k in range(rows_per_w // 128):
      pltpu.sync_copy(rows_a.at[pl.ds(0, 128)],
                      acc_sh.at[pl.ds(s * rows_per_w + k * 128, 128)])
    plsc.subcore_barrier()

    def val_at(i):
      v = offs_v[pl.ds(i, L)]
      return v[0]

    def lower_bound(target):
      def bs_body(_, lohi):
        lo, hi = lohi
        mid = (lo + hi) // 2
        ge = val_at(mid) >= target
        return (jnp.where(ge, lo, mid + 1), jnp.where(ge, mid, hi))
      lo, _ = lax.fori_loop(0, 15, bs_body,
                            (jnp.int32(0), jnp.int32(noff - 1)))
      return lo

    lo0 = lower_bound(p0)
    carry0 = lo0 - 1

    iota16 = lax.iota(jnp.int32, L)
    neg1 = jnp.full((L,), -1, jnp.int32)
    bufs = ((idx_a, seg_a, rows_a, ssem_a), (idx_b, seg_b, rows_b, ssem_b))

    def fire_idx(g, idx2d):
      p = p0 + g * K
      for j in range(NSTR):
        pltpu.async_copy(idx_hbm.at[pl.ds(p + j * 128, 128)],
                         idx2d.at[j], isem)

    def drain_idx(g, idx2d):
      p = p0 + g * K
      for j in range(NSTR):
        pltpu.make_async_copy(idx_hbm.at[pl.ds(p + j * 128, 128)],
                              idx2d.at[j], isem).wait()

    def compute_seg(g, lo_c, carry, seg2d):
      p = p0 + g * K
      for i in range(K // L):
        m_v[pl.ds(i * L, L)] = neg1

      hi = lower_bound(p + K)
      bo_al = (lo_c // L) * L
      nvec = jnp.where(hi > lo_c, (hi - 1) // L - lo_c // L + 1, 0)

      def off_body(t, _):
        bo = bo_al + t * L
        ovec = offs_v[pl.ds(bo, L)]
        nxt = offs_v[pl.ds(bo + 1, L)]
        in_range = (ovec >= p) & (ovec < p + K)
        is_last = ovec != nxt
        bvec = bo + iota16
        plsc.store_scatter(m_v, [ovec - p], bvec, mask=is_last & in_range)
        return 0

      lax.fori_loop(0, nvec, off_body, 0)

      for i in range(K // L):
        mv = m_v[pl.ds(i * L, L)]
        seg_vec = jnp.maximum(plsc.cummax(mv), carry)
        seg2d[i // 8, pl.ds((i % 8) * L, L)] = seg_vec
        carry = seg_vec[L - 1]
      return hi, carry

    fire_idx(0, idx_a)

    def pair_body(gg, state):
      lo_c, carry = state
      for par in range(2):
        g = gg + par
        idx2d, seg2d, rows_v, ssem = bufs[par]

        @pl.when(g >= 2)
        def _():
          pltpu.make_async_copy(table_hbm.at[pl.ds(0, K)], rows_v,
                                ssem).wait()

        drain_idx(g, idx2d)
        gcps = [
            pltpu.async_copy(table_hbm.at[idx2d.at[j]],
                             rows_v.at[pl.ds(j * 128, 128)], gsem)
            for j in range(NSTR)
        ]

        lo_c, carry = compute_seg(g, lo_c, carry, seg2d)

        @pl.when(g + 1 < g_per_w)
        def _():
          fire_idx(g + 1, bufs[1 - par][0])

        for cp in gcps:
          cp.wait()
        for j in range(NSTR):
          pltpu.async_copy(rows_v.at[pl.ds(j * 128, 128)],
                           acc_sh.at[seg2d.at[j]], ssem, add=True)
      return (lo_c, carry)

    lax.fori_loop(0, g_per_w // 2, lambda t, st: pair_body(2 * t, st),
                  (lo0, carry0))
    pltpu.make_async_copy(table_hbm.at[pl.ds(0, K)], rows_a, ssem_a).wait()
    pltpu.make_async_copy(table_hbm.at[pl.ds(0, K)], rows_b, ssem_b).wait()
    plsc.subcore_barrier()

    for k in range(rows_per_w // 512):
      sl = pl.ds(s * rows_per_w + k * 512, 512)
      pltpu.sync_copy(acc_sh.at[sl], rows_a.at[pl.ds(0, 512)])
      pltpu.sync_copy(rows_a.at[pl.ds(0, 512)], out_hbm.at[c, sl])

  return emb_kernel(indices, offsets, table)


def _combine_sc(partial):
  nc, nbags, d = partial.shape
  nw = NC * NS
  rows_w = nbags // nw
  mesh = plsc.VectorSubcoreMesh(core_axis_name="c", subcore_axis_name="s")

  @functools.partial(
      pl.kernel,
      out_type=jax.ShapeDtypeStruct((nbags, d), jnp.float32),
      mesh=mesh,
      compiler_params=pltpu.CompilerParams(needs_layout_passes=False,
                                           use_tc_tiling_on_sc=False),
      scratch_types=dict(
          a_v=pltpu.VMEM((rows_w, d), jnp.float32),
          b_v=pltpu.VMEM((rows_w, d), jnp.float32),
      ),
  )
  def comb_kernel(p_hbm, out_hbm, *, a_v, b_v):
    wid = lax.axis_index("c") * NS + lax.axis_index("s")
    sl = pl.ds(wid * rows_w, rows_w)
    pltpu.sync_copy(p_hbm.at[0, sl], a_v)
    pltpu.sync_copy(p_hbm.at[1, sl], b_v)

    def add_row(r, _):
      for q in range(d // L):
        cs = pl.ds(q * L, L)
        a_v[r, cs] = a_v[r, cs] + b_v[r, cs]
      return 0

    lax.fori_loop(0, rows_w, add_row, 0)
    pltpu.sync_copy(a_v, out_hbm.at[sl])

  return comb_kernel(partial)


def kernel(indices, offsets, table):
  partial = _embedding_bag_sc(indices, offsets, table)
  return _combine_sc(partial)

# --- scband reference (transcript-rebuilt; emitter-appended) ---
"""Pipeline reference for scband-base-batched-embedding-bag-39101382263509 (READ-ONLY COPY).

The authoritative reference and input builder live on the scoring server;
editing this copy changes nothing except your own understanding.
"""

import jax, jax.numpy as jnp
import numpy as np

VOCAB = 1000000
EMBED_DIM = 32
BATCH = 16384
TOTAL = 819200


def setup_inputs(seed: int = 0) -> dict:
    key = jax.random.key(seed)
    k1, k2, k3 = jax.random.split(key, 3)
    indices = jax.random.randint(k1, (TOTAL,), 0, VOCAB, dtype=jnp.int32)
    offsets = jnp.sort(jax.random.randint(k2, (BATCH + 1,), 0, TOTAL, dtype=jnp.int32))
    # EmbeddingBag semantics: offsets[0] == 0, last offset == total number of indices
    offsets = offsets.at[0].set(0).at[-1].set(TOTAL)
    # weight_init per torchrec default: uniform in a small range around 0
    table = jax.random.uniform(k3, (VOCAB, EMBED_DIM), dtype=jnp.float32, minval=-0.01, maxval=0.01)
    return {"indices": indices, "offsets": offsets, "table": table}


def reference(indices, offsets, table):
    # Batched EmbeddingBag with SUM pooling:
    # gather rows, then segment-sum per bag defined by offsets
    emb = jnp.take(table, indices, axis=0)                      # [TOTAL, D] gather
    positions = jnp.arange(indices.shape[0])
    seg = jnp.searchsorted(offsets, positions, side="right") - 1  # bag id per index
    seg = jnp.clip(seg, 0, offsets.shape[0] - 2)
    pooled = jax.ops.segment_sum(emb, seg, num_segments=offsets.shape[0] - 1)  # [B, D]
    return pooled

if __name__ == "__main__":
    import jax
    _d = setup_inputs()
    print(jax.jit(kernel)(*tuple(_d.values())))

</pallas_src>

<mosaic_0001>
#map = affine_map<(d0, d1) -> (0)>
#map1 = affine_map<(d0, d1) -> (0, 0)>
#map2 = affine_map<(d0, d1) -> (0, 0, 0)>
module attributes {stable_mosaic.version = 14 : i64} {
  func.func @emb_kernel(%arg0: i32, %arg1: i32, %arg2: memref<819200xi32, #tpu.memory_space<hbm>>, %arg3: memref<16385xi32, #tpu.memory_space<hbm>>, %arg4: memref<1000000x32xf32, #tpu.memory_space<hbm>>, %arg5: memref<2x16384x32xf32, #tpu.memory_space<hbm>>, %arg6: memref<16384x32xf32, #tpu.memory_space<vmem_shared>>, %arg7: memref<!tpu.dma_semaphore, #tpu.memory_space<semaphore_mem>>, %arg8: memref<5x128xi32, #tpu.memory_space<vmem>>, %arg9: memref<5x128xi32, #tpu.memory_space<vmem>>, %arg10: memref<!tpu.dma_semaphore, #tpu.memory_space<semaphore_mem>>, %arg11: memref<640xi32, #tpu.memory_space<vmem>>, %arg12: memref<16416xi32, #tpu.memory_space<vmem>>, %arg13: memref<640x32xf32, #tpu.memory_space<vmem>>, %arg14: memref<640x32xf32, #tpu.memory_space<vmem>>, %arg15: memref<5x128xi32, #tpu.memory_space<vmem>>, %arg16: memref<5x128xi32, #tpu.memory_space<vmem>>, %arg17: memref<!tpu.dma_semaphore, #tpu.memory_space<semaphore_mem>>, %arg18: memref<!tpu.dma_semaphore, #tpu.memory_space<semaphore_mem>>) attributes {dimension_semantics = [#tpu.dimension_semantics<core_parallel>, #tpu.dimension_semantics<subcore_parallel>], iteration_bounds = array<i64: 2, 16>, scalar_prefetch = 0 : i64, scratch_operands = 13 : i64, tpu.core_type = #tpu.core_type<sc_vector_subcore>, window_params = [{transform_indices = #map}, {transform_indices = #map}, {transform_indices = #map1}, {transform_indices = #map2}]} {
    %mul3A = arith.constant 16 : i32
    %mul3A_0 = arith.muli %arg0, %mul3A : i32
    %add3A = arith.addi %mul3A_0, %arg1 : i32
    %mul3A_1 = arith.constant 25600 : i32
    %mul3A_2 = arith.muli %add3A, %mul3A_1 : i32
    "tpu.region"() ({
      %run_scoped3A = tpu.sem_alloc : memref<!tpu.dma_semaphore, #tpu.memory_space<semaphore_mem>>
      %dma_start3A_1175 = arith.constant 0 : i32
      %dma_start3A_1176 = tpu.memref_slice %arg12[%dma_start3A_1175] : memref<16416xi32, #tpu.memory_space<vmem>> -> memref<16385xi32, #tpu.memory_space<vmem>>
      %dma_start3A_1177 = arith.constant 0 : i32
      %dma_start3A_1178 = tpu.memref_slice %arg12[%dma_start3A_1177] : memref<16416xi32, #tpu.memory_space<vmem>> -> memref<16385xi32, #tpu.memory_space<vmem>>
      tpu.enqueue_dma source(%arg3 : memref<16385xi32, #tpu.memory_space<hbm>>) target(%dma_start3A_1178 : memref<16385xi32, #tpu.memory_space<vmem>>) target_semaphore(%run_scoped3A : memref<!tpu.dma_semaphore, #tpu.memory_space<semaphore_mem>>)
      %dma_wait3A_1179 = arith.constant 0 : i32
      %dma_wait3A_1180 = tpu.memref_slice %arg12[%dma_wait3A_1179] : memref<16416xi32, #tpu.memory_space<vmem>> -> memref<16385xi32, #tpu.memory_space<vmem>>
      %dma_wait3A_1181 = arith.constant 0 : i32
      %dma_wait3A_1182 = tpu.memref_slice %arg12[%dma_wait3A_1181] : memref<16416xi32, #tpu.memory_space<vmem>> -> memref<16385xi32, #tpu.memory_space<vmem>>
      tpu.wait_dma2 semaphore(%run_scoped3A : memref<!tpu.dma_semaphore, #tpu.memory_space<semaphore_mem>>) src(%arg3 : memref<16385xi32, #tpu.memory_space<hbm>>) dst(%dma_wait3A_1182 : memref<16385xi32, #tpu.memory_space<vmem>>)
      tpu.yield
    }) : () -> ()
    %iota3A = tpu.iota {dimensions = array<i32: 0>} : vector<16xi32>
    %add3A_3 = arith.constant 16384 : i32
    %add3A_4 = vector.broadcast %add3A_3 : i32 to vector<16xi32>
    %add3A_5 = arith.addi %iota3A, %add3A_4 : vector<16xi32>
    %lt3A = arith.constant 16384 : i32
    %lt3A_6 = vector.broadcast %lt3A : i32 to vector<16xi32>
    %lt3A_7 = arith.cmpi slt, %add3A_5, %lt3A_6 : vector<16xi32>
    %get3A = arith.constant 16384 : index
    %get3A_8 = tpu.vector_load %arg12[%get3A] {strides = array<i32>} : memref<16416xi32, #tpu.memory_space<vmem>>, vector<16xi32>,
    %jit3A = arith.constant 2147483647 : i32
    %broadcast_in_dim3A = vector.broadcast %jit3A : i32 to vector<16xi32>
    %select_n3A = arith.select %lt3A_7, %get3A_8, %broadcast_in_dim3A : vector<16xi1>, vector<16xi32>
    %swap3A = arith.constant 16384 : index
    %swap3A_9 = tpu.vector_load %arg12[%swap3A] {strides = array<i32>} : memref<16416xi32, #tpu.memory_space<vmem>>, vector<16xi32>,
    tpu.vector_store %arg12[%swap3A], %select_n3A {strides = array<i32>} : memref<16416xi32, #tpu.memory_space<vmem>>, vector<16xi32>,
    %iota3A_10 = tpu.iota {dimensions = array<i32: 0>} : vector<16xi32>
    %add3A_11 = arith.constant 16400 : i32
    %add3A_12 = vector.broadcast %add3A_11 : i32 to vector<16xi32>
    %add3A_13 = arith.addi %iota3A_10, %add3A_12 : vector<16xi32>
    %lt3A_14 = arith.constant 16384 : i32
    %lt3A_15 = vector.broadcast %lt3A_14 : i32 to vector<16xi32>
    %lt3A_16 = arith.cmpi slt, %add3A_13, %lt3A_15 : vector<16xi32>
    %get3A_17 = arith.constant 16400 : index
    %get3A_18 = tpu.vector_load %arg12[%get3A_17] {strides = array<i32>} : memref<16416xi32, #tpu.memory_space<vmem>>, vector<16xi32>,
    %jit3A_19 = arith.constant 2147483647 : i32
    %broadcast_in_dim3A_20 = vector.broadcast %jit3A_19 : i32 to vector<16xi32>
    %select_n3A_21 = arith.select %lt3A_16, %get3A_18, %broadcast_in_dim3A_20 : vector<16xi1>, vector<16xi32>
    %swap3A_22 = arith.constant 16400 : index
    %swap3A_23 = tpu.vector_load %arg12[%swap3A_22] {strides = array<i32>} : memref<16416xi32, #tpu.memory_space<vmem>>, vector<16xi32>,
    tpu.vector_store %arg12[%swap3A_22], %select_n3A_21 {strides = array<i32>} : memref<16416xi32, #tpu.memory_space<vmem>>, vector<16xi32>,
    %broadcast_in_dim3A_24 = arith.constant 0.000000e+00 : f32
    %broadcast_in_dim3A_25 = vector.broadcast %broadcast_in_dim3A_24 : f32 to vector<16xf32>
    %swap3A_26 = arith.constant 0 : i32
    %swap3A_27 = arith.index_cast %swap3A_26 : i32 to index
    %swap3A_28 = arith.constant 0 : index
    %swap3A_29 = tpu.vector_load %arg13[%swap3A_27, %swap3A_28] {strides = array<i32>} : memref<640x32xf32, #tpu.memory_space<vmem>>, vector<16xf32>,
    tpu.vector_store %arg13[%swap3A_27, %swap3A_28], %broadcast_in_dim3A_25 {strides = array<i32>} : memref<640x32xf32, #tpu.memory_space<vmem>>, vector<16xf32>,
    %swap3A_30 = arith.constant 0 : i32
    %swap3A_31 = arith.index_cast %swap3A_30 : i32 to index
    %swap3A_32 = arith.constant 16 : index
    %swap3A_33 = tpu.vector_load %arg13[%swap3A_31, %swap3A_32] {strides = array<i32>} : memref<640x32xf32, #tpu.memory_space<vmem>>, vector<16xf32>,
    tpu.vector_store %arg13[%swap3A_31, %swap3A_32], %broadcast_in_dim3A_25 {strides = array<i32>} : memref<640x32xf32, #tpu.memory_space<vmem>>, vector<16xf32>,
    %swap3A_34 = arith.constant 1 : i32
    %swap3A_35 = arith.index_cast %swap3A_34 : i32 to index
    %swap3A_36 = arith.constant 0 : index
    %swap3A_37 = tpu.vector_load %arg13[%swap3A_35, %swap3A_36] {strides = array<i32>} : memref<640x32xf32, #tpu.memory_space<vmem>>, vector<16xf32>,
    tpu.vector_store %arg13[%swap3A_35, %swap3A_36], %broadcast_in_dim3A_25 {strides = array<i32>} : memref<640x32xf32, #tpu.memory_space<vmem>>, vector<16xf32>,
    %swap3A_38 = arith.constant 1 : i32
    %swap3A_39 = arith.index_cast %swap3A_38 : i32 to index
    %swap3A_40 = arith.constant 16 : index
    %swap3A_41 = tpu.vector_load %arg13[%swap3A_39, %swap3A_40] {strides = array<i32>} : memref<640x32xf32, #tpu.memory_space<vmem>>, vector<16xf32>,
    tpu.vector_store %arg13[%swap3A_39, %swap3A_40], %broadcast_in_dim3A_25 {strides = array<i32>} : memref<640x32xf32, #tpu.memory_space<vmem>>, vector<16xf32>,
    %swap3A_42 = arith.constant 2 : i32
    %swap3A_43 = arith.index_cast %swap3A_42 : i32 to index
    %swap3A_44 = arith.constant 0 : index
    %swap3A_45 = tpu.vector_load %arg13[%swap3A_43, %swap3A_44] {strides = array<i32>} : memref<640x32xf32, #tpu.memory_space<vmem>>, vector<16xf32>,
    tpu.vector_store %arg13[%swap3A_43, %swap3A_44], %broadcast_in_dim3A_25 {strides = array<i32>} : memref<640x32xf32, #tpu.memory_space<vmem>>, vector<16xf32>,
    %swap3A_46 = arith.constant 2 : i32
    %swap3A_47 = arith.index_cast %swap3A_46 : i32 to index
    %swap3A_48 = arith.constant 16 : index
    %swap3A_49 = tpu.vector_load %arg13[%swap3A_47, %swap3A_48] {strides = array<i32>} : memref<640x32xf32, #tpu.memory_space<vmem>>, vector<16xf32>,
    tpu.vector_store %arg13[%swap3A_47, %swap3A_48], %broadcast_in_dim3A_25 {strides = array<i32>} : memref<640x32xf32, #tpu.memory_space<vmem>>, vector<16xf32>,
    %swap3A_50 = arith.constant 3 : i32
    %swap3A_51 = arith.index_cast %swap3A_50 : i32 to index
    %swap3A_52 = arith.constant 0 : index
    %swap3A_53 = tpu.vector_load %arg13[%swap3A_51, %swap3A_52] {strides = array<i32>} : memref<640x32xf32, #tpu.memory_space<vmem>>, vector<16xf32>,
    tpu.vector_store %arg13[%swap3A_51, %swap3A_52], %broadcast_in_dim3A_25 {strides = array<i32>} : memref<640x32xf32, #tpu.memory_space<vmem>>, vector<16xf32>,
    %swap3A_54 = arith.constant 3 : i32
    %swap3A_55 = arith.index_cast %swap3A_54 : i32 to index
    %swap3A_56 = arith.constant 16 : index
    %swap3A_57 = tpu.vector_load %arg13[%swap3A_55, %swap3A_56] {strides = array<i32>} : memref<640x32xf32, #tpu.memory_space<vmem>>, vector<16xf32>,
    tpu.vector_store %arg13[%swap3A_55, %swap3A_56], %broadcast_in_dim3A_25 {strides = array<i32>} : memref<640x32xf32, #tpu.memory_space<vmem>>, vector<16xf32>,
    %swap3A_58 = arith.constant 4 : i32
    %swap3A_59 = arith.index_cast %swap3A_58 : i32 to index
    %swap3A_60 = arith.constant 0 : index
    %swap3A_61 = tpu.vector_load %arg13[%swap3A_59, %swap3A_60] {strides = array<i32>} : memref<640x32xf32, #tpu.memory_space<vmem>>, vector<16xf32>,
    tpu.vector_store %arg13[%swap3A_59, %swap3A_60], %broadcast_in_dim3A_25 {strides = array<i32>} : memref<640x32xf32, #tpu.memory_space<vmem>>, vector<16xf32>,
    %swap3A_62 = arith.constant 4 : i32
    %swap3A_63 = arith.index_cast %swap3A_62 : i32 to index
    %swap3A_64 = arith.constant 16 : index
    %swap3A_65 = tpu.vector_load %arg13[%swap3A_63, %swap3A_64] {strides = array<i32>} : memref<640x32xf32, #tpu.memory_space<vmem>>, vector<16xf32>,
    tpu.vector_store %arg13[%swap3A_63, %swap3A_64], %broadcast_in_dim3A_25 {strides = array<i32>} : memref<640x32xf32, #tpu.memory_space<vmem>>, vector<16xf32>,
    %swap3A_66 = arith.constant 5 : i32
    %swap3A_67 = arith.index_cast %swap3A_66 : i32 to index
    %swap3A_68 = arith.constant 0 : index
    %swap3A_69 = tpu.vector_load %arg13[%swap3A_67, %swap3A_68] {strides = array<i32>} : memref<640x32xf32, #tpu.memory_space<vmem>>, vector<16xf32>,
    tpu.vector_store %arg13[%swap3A_67, %swap3A_68], %broadcast_in_dim3A_25 {strides = array<i32>} : memref<640x32xf32, #tpu.memory_space<vmem>>, vector<16xf32>,
    %swap3A_70 = arith.constant 5 : i32
    %swap3A_71 = arith.index_cast %swap3A_70 : i32 to index
    %swap3A_72 = arith.constant 16 : index
    %swap3A_73 = tpu.vector_load %arg13[%swap3A_71, %swap3A_72] {strides = array<i32>} : memref<640x32xf32, #tpu.memory_space<vmem>>, vector<16xf32>,
    tpu.vector_store %arg13[%swap3A_71, %swap3A_72], %broadcast_in_dim3A_25 {strides = array<i32>} : memref<640x32xf32, #tpu.memory_space<vmem>>, vector<16xf32>,
    %swap3A_74 = arith.constant 6 : i32
    %swap3A_75 = arith.index_cast %swap3A_74 : i32 to index
    %swap3A_76 = arith.constant 0 : index
    %swap3A_77 = tpu.vector_load %arg13[%swap3A_75, %swap3A_76] {strides = array<i32>} : memref<640x32xf32, #tpu.memory_space<vmem>>, vector<16xf32>,
    tpu.vector_store %arg13[%swap3A_75, %swap3A_76], %broadcast_in_dim3A_25 {strides = array<i32>} : memref<640x32xf32, #tpu.memory_space<vmem>>, vector<16xf32>,
    %swap3A_78 = arith.constant 6 : i32
    %swap3A_79 = arith.index_cast %swap3A_78 : i32 to index
    %swap3A_80 = arith.constant 16 : index
    %swap3A_81 = tpu.vector_load %arg13[%swap3A_79, %swap3A_80] {strides = array<i32>} : memref<640x32xf32, #tpu.memory_space<vmem>>, vector<16xf32>,
    tpu.vector_store %arg13[%swap3A_79, %swap3A_80], %broadcast_in_dim3A_25 {strides = array<i32>} : memref<640x32xf32, #tpu.memory_space<vmem>>, vector<16xf32>,
    %swap3A_82 = arith.constant 7 : i32
    %swap3A_83 = arith.index_cast %swap3A_82 : i32 to index
    %swap3A_84 = arith.constant 0 : index
    %swap3A_85 = tpu.vector_load %arg13[%swap3A_83, %swap3A_84] {strides = array<i32>} : memref<640x32xf32, #tpu.memory_space<vmem>>, vector<16xf32>,
    tpu.vector_store %arg13[%swap3A_83, %swap3A_84], %broadcast_in_dim3A_25 {strides = array<i32>} : memref<640x32xf32, #tpu.memory_space<vmem>>, vector<16xf32>,
    %swap3A_86 = arith.constant 7 : i32
    %swap3A_87 = arith.index_cast %swap3A_86 : i32 to index
    %swap3A_88 = arith.constant 16 : index
    %swap3A_89 = tpu.vector_load %arg13[%swap3A_87, %swap3A_88] {strides = array<i32>} : memref<640x32xf32, #tpu.memory_space<vmem>>, vector<16xf32>,
    tpu.vector_store %arg13[%swap3A_87, %swap3A_88], %broadcast_in_dim3A_25 {strides = array<i32>} : memref<640x32xf32, #tpu.memory_space<vmem>>, vector<16xf32>,
    %swap3A_90 = arith.constant 8 : i32
    %swap3A_91 = arith.index_cast %swap3A_90 : i32 to index
    %swap3A_92 = arith.constant 0 : index
    %swap3A_93 = tpu.vector_load %arg13[%swap3A_91, %swap3A_92] {strides = array<i32>} : memref<640x32xf32, #tpu.memory_space<vmem>>, vector<16xf32>,
    tpu.vector_store %arg13[%swap3A_91, %swap3A_92], %broadcast_in_dim3A_25 {strides = array<i32>} : memref<640x32xf32, #tpu.memory_space<vmem>>, vector<16xf32>,
    %swap3A_94 = arith.constant 8 : i32
    %swap3A_95 = arith.index_cast %swap3A_94 : i32 to index
    %swap3A_96 = arith.constant 16 : index
    %swap3A_97 = tpu.vector_load %arg13[%swap3A_95, %swap3A_96] {strides = array<i32>} : memref<640x32xf32, #tpu.memory_space<vmem>>, vector<16xf32>,
    tpu.vector_store %arg13[%swap3A_95, %swap3A_96], %broadcast_in_dim3A_25 {strides = array<i32>} : memref<640x32xf32, #tpu.memory_space<vmem>>, vector<16xf32>,
    %swap3A_98 = arith.constant 9 : i32
    %swap3A_99 = arith.index_cast %swap3A_98 : i32 to index
    %swap3A_100 = arith.constant 0 : index
    %swap3A_101 = tpu.vector_load %arg13[%swap3A_99, %swap3A_100] {strides = array<i32>} : memref<640x32xf32, #tpu.memory_space<vmem>>, vector<16xf32>,
    tpu.vector_store %arg13[%swap3A_99, %swap3A_100], %broadcast_in_dim3A_25 {strides = array<i32>} : memref<640x32xf32, #tpu.memory_space<vmem>>, vector<16xf32>,
    %swap3A_102 = arith.constant 9 : i32
    %swap3A_103 = arith.index_cast %swap3A_102 : i32 to index
    %swap3A_104 = arith.constant 16 : index
    %swap3A_105 = tpu.vector_load %arg13[%swap3A_103, %swap3A_104] {strides = array<i32>} : memref<640x32xf32, #tpu.memory_space<vmem>>, vector<16xf32>,
    tpu.vector_store %arg13[%swap3A_103, %swap3A_104], %broadcast_in_dim3A_25 {strides = array<i32>} : memref<640x32xf32, #tpu.memory_space<vmem>>, vector<16xf32>,
    %swap3A_106 = arith.constant 10 : i32
    %swap3A_107 = arith.index_cast %swap3A_106 : i32 to index
    %swap3A_108 = arith.constant 0 : index
    %swap3A_109 = tpu.vector_load %arg13[%swap3A_107, %swap3A_108] {strides = array<i32>} : memref<640x32xf32, #tpu.memory_space<vmem>>, vector<16xf32>,
    tpu.vector_store %arg13[%swap3A_107, %swap3A_108], %broadcast_in_dim3A_25 {strides = array<i32>} : memref<640x32xf32, #tpu.memory_space<vmem>>, vector<16xf32>,
    %swap3A_110 = arith.constant 10 : i32
    %swap3A_111 = arith.index_cast %swap3A_110 : i32 to index
    %swap3A_112 = arith.constant 16 : index
    %swap3A_113 = tpu.vector_load %arg13[%swap3A_111, %swap3A_112] {strides = array<i32>} : memref<640x32xf32, #tpu.memory_space<vmem>>, vector<16xf32>,
    tpu.vector_store %arg13[%swap3A_111, %swap3A_112], %broadcast_in_dim3A_25 {strides = array<i32>} : memref<640x32xf32, #tpu.memory_space<vmem>>, vector<16xf32>,
    %swap3A_114 = arith.constant 11 : i32
    %swap3A_115 = arith.index_cast %swap3A_114 : i32 to index
    %swap3A_116 = arith.constant 0 : index
    %swap3A_117 = tpu.vector_load %arg13[%swap3A_115, %swap3A_116] {strides = array<i32>} : memref<640x32xf32, #tpu.memory_space<vmem>>, vector<16xf32>,
    tpu.vector_store %arg13[%swap3A_115, %swap3A_116], %broadcast_in_dim3A_25 {strides = array<i32>} : memref<640x32xf32, #tpu.memory_space<vmem>>, vector<16xf32>,
    %swap3A_118 = arith.constant 11 : i32
    %swap3A_119 = arith.index_cast %swap3A_118 : i32 to index
    %swap3A_120 = arith.constant 16 : index
    %swap3A_121 = tpu.vector_load %arg13[%swap3A_119, %swap3A_120] {strides = array<i32>} : memref<640x32xf32, #tpu.memory_space<vmem>>, vector<16xf32>,
    tpu.vector_store %arg13[%swap3A_119, %swap3A_120], %broadcast_in_dim3A_25 {strides = array<i32>} : memref<640x32xf32, #tpu.memory_space<vmem>>, vector<16xf32>,
    %swap3A_122 = arith.constant 12 : i32
    %swap3A_123 = arith.index_cast %swap3A_122 : i32 to index
    %swap3A_124 = arith.constant 0 : index
    %swap3A_125 = tpu.vector_load %arg13[%swap3A_123, %swap3A_124] {strides = array<i32>} : memref<640x32xf32, #tpu.memory_space<vmem>>, vector<16xf32>,
    tpu.vector_store %arg13[%swap3A_123, %swap3A_124], %broadcast_in_dim3A_25 {strides = array<i32>} : memref<640x32xf32, #tpu.memory_space<vmem>>, vector<16xf32>,
    %swap3A_126 = arith.constant 12 : i32
    %swap3A_127 = arith.index_cast %swap3A_126 : i32 to index
    %swap3A_128 = arith.constant 16 : index
    %swap3A_129 = tpu.vector_load %arg13[%swap3A_127, %swap3A_128] {strides = array<i32>} : memref<640x32xf32, #tpu.memory_space<vmem>>, vector<16xf32>,
    tpu.vector_store %arg13[%swap3A_127, %swap3A_128], %broadcast_in_dim3A_25 {strides = array<i32>} : memref<640x32xf32, #tpu.memory_space<vmem>>, vector<16xf32>,
    %swap3A_130 = arith.constant 13 : i32
    %swap3A_131 = arith.index_cast %swap3A_130 : i32 to index
    %swap3A_132 = arith.constant 0 : index
    %swap3A_133 = tpu.vector_load %arg13[%swap3A_131, %swap3A_132] {strides = array<i32>} : memref<640x32xf32, #tpu.memory_space<vmem>>, vector<16xf32>,
    tpu.vector_store %arg13[%swap3A_131, %swap3A_132], %broadcast_in_dim3A_25 {strides = array<i32>} : memref<640x32xf32, #tpu.memory_space<vmem>>, vector<16xf32>,
    %swap3A_134 = arith.constant 13 : i32
    %swap3A_135 = arith.index_cast %swap3A_134 : i32 to index
    %swap3A_136 = arith.constant 16 : index
    %swap3A_137 = tpu.vector_load %arg13[%swap3A_135, %swap3A_136] {strides = array<i32>} : memref<640x32xf32, #tpu.memory_space<vmem>>, vector<16xf32>,
    tpu.vector_store %arg13[%swap3A_135, %swap3A_136], %broadcast_in_dim3A_25 {strides = array<i32>} : memref<640x32xf32, #tpu.memory_space<vmem>>, vector<16xf32>,
    %swap3A_138 = arith.constant 14 : i32
    %swap3A_139 = arith.index_cast %swap3A_138 : i32 to index
    %swap3A_140 = arith.constant 0 : index
    %swap3A_141 = tpu.vector_load %arg13[%swap3A_139, %swap3A_140] {strides = array<i32>} : memref<640x32xf32, #tpu.memory_space<vmem>>, vector<16xf32>,
    tpu.vector_store %arg13[%swap3A_139, %swap3A_140], %broadcast_in_dim3A_25 {strides = array<i32>} : memref<640x32xf32, #tpu.memory_space<vmem>>, vector<16xf32>,
    %swap3A_142 = arith.constant 14 : i32
    %swap3A_143 = arith.index_cast %swap3A_142 : i32 to index
    %swap3A_144 = arith.constant 16 : index
    %swap3A_145 = tpu.vector_load %arg13[%swap3A_143, %swap3A_144] {strides = array<i32>} : memref<640x32xf32, #tpu.memory_space<vmem>>, vector<16xf32>,
    tpu.vector_store %arg13[%swap3A_143, %swap3A_144], %broadcast_in_dim3A_25 {strides = array<i32>} : memref<640x32xf32, #tpu.memory_space<vmem>>, vector<16xf32>,
    %swap3A_146 = arith.constant 15 : i32
    %swap3A_147 = arith.index_cast %swap3A_146 : i32 to index
    %swap3A_148 = arith.constant 0 : index
    %swap3A_149 = tpu.vector_load %arg13[%swap3A_147, %swap3A_148] {strides = array<i32>} : memref<640x32xf32, #tpu.memory_space<vmem>>, vector<16xf32>,
    tpu.vector_store %arg13[%swap3A_147, %swap3A_148], %broadcast_in_dim3A_25 {strides = array<i32>} : memref<640x32xf32, #tpu.memory_space<vmem>>, vector<16xf32>,
    %swap3A_150 = arith.constant 15 : i32
    %swap3A_151 = arith.index_cast %swap3A_150 : i32 to index
    %swap3A_152 = arith.constant 16 : index
    %swap3A_153 = tpu.vector_load %arg13[%swap3A_151, %swap3A_152] {strides = array<i32>} : memref<640x32xf32, #tpu.memory_space<vmem>>, vector<16xf32>,
    tpu.vector_store %arg13[%swap3A_151, %swap3A_152], %broadcast_in_dim3A_25 {strides = array<i32>} : memref<640x32xf32, #tpu.memory_space<vmem>>, vector<16xf32>,
    %swap3A_154 = arith.constant 16 : i32
    %swap3A_155 = arith.index_cast %swap3A_154 : i32 to index
    %swap3A_156 = arith.constant 0 : index
    %swap3A_157 = tpu.vector_load %arg13[%swap3A_155, %swap3A_156] {strides = array<i32>} : memref<640x32xf32, #tpu.memory_space<vmem>>, vector<16xf32>,
    tpu.vector_store %arg13[%swap3A_155, %swap3A_156], %broadcast_in_dim3A_25 {strides = array<i32>} : memref<640x32xf32, #tpu.memory_space<vmem>>, vector<16xf32>,
    %swap3A_158 = arith.constant 16 : i32
    %swap3A_159 = arith.index_cast %swap3A_158 : i32 to index
    %swap3A_160 = arith.constant 16 : index
    %swap3A_161 = tpu.vector_load %arg13[%swap3A_159, %swap3A_160] {strides = array<i32>} : memref<640x32xf32, #tpu.memory_space<vmem>>, vector<16xf32>,
    tpu.vector_store %arg13[%swap3A_159, %swap3A_160], %broadcast_in_dim3A_25 {strides = array<i32>} : memref<640x32xf32, #tpu.memory_space<vmem>>, vector<16xf32>,
    %swap3A_162 = arith.constant 17 : i32
    %swap3A_163 = arith.index_cast %swap3A_162 : i32 to index
    %swap3A_164 = arith.constant 0 : index
    %swap3A_165 = tpu.vector_load %arg13[%swap3A_163, %swap3A_164] {strides = array<i32>} : memref<640x32xf32, #tpu.memory_space<vmem>>, vector<16xf32>,
    tpu.vector_store %arg13[%swap3A_163, %swap3A_164], %broadcast_in_dim3A_25 {strides = array<i32>} : memref<640x32xf32, #tpu.memory_space<vmem>>, vector<16xf32>,
    %swap3A_166 = arith.constant 17 : i32
    %swap3A_167 = arith.index_cast %swap3A_166 : i32 to index
    %swap3A_168 = arith.constant 16 : index
    %swap3A_169 = tpu.vector_load %arg13[%swap3A_167, %swap3A_168] {strides = array<i32>} : memref<640x32xf32, #tpu.memory_space<vmem>>, vector<16xf32>,
    tpu.vector_store %arg13[%swap3A_167, %swap3A_168], %broadcast_in_dim3A_25 {strides = array<i32>} : memref<640x32xf32, #tpu.memory_space<vmem>>, vector<16xf32>,
    %swap3A_170 = arith.constant 18 : i32
    %swap3A_171 = arith.index_cast %swap3A_170 : i32 to index
    %swap3A_172 = arith.constant 0 : index
    %swap3A_173 = tpu.vector_load %arg13[%swap3A_171, %swap3A_172] {strides = array<i32>} : memref<640x32xf32, #tpu.memory_space<vmem>>, vector<16xf32>,
    tpu.vector_store %arg13[%swap3A_171, %swap3A_172], %broadcast_in_dim3A_25 {strides = array<i32>} : memref<640x32xf32, #tpu.memory_space<vmem>>, vector<16xf32>,
    %swap3A_174 = arith.constant 18 : i32
    %swap3A_175 = arith.index_cast %swap3A_174 : i32 to index
    %swap3A_176 = arith.constant 16 : index
    %swap3A_177 = tpu.vector_load %arg13[%swap3A_175, %swap3A_176] {strides = array<i32>} : memref<640x32xf32, #tpu.memory_space<vmem>>, vector<16xf32>,
    tpu.vector_store %arg13[%swap3A_175, %swap3A_176], %broadcast_in_dim3A_25 {strides = array<i32>} : memref<640x32xf32, #tpu.memory_space<vmem>>, vector<16xf32>,
    %swap3A_178 = arith.constant 19 : i32
    %swap3A_179 = arith.index_cast %swap3A_178 : i32 to index
    %swap3A_180 = arith.constant 0 : index
    %swap3A_181 = tpu.vector_load %arg13[%swap3A_179, %swap3A_180] {strides = array<i32>} : memref<640x32xf32, #tpu.memory_space<vmem>>, vector<16xf32>,
    tpu.vector_store %arg13[%swap3A_179, %swap3A_180], %broadcast_in_dim3A_25 {strides = array<i32>} : memref<640x32xf32, #tpu.memory_space<vmem>>, vector<16xf32>,
    %swap3A_182 = arith.constant 19 : i32
    %swap3A_183 = arith.index_cast %swap3A_182 : i32 to index
    %swap3A_184 = arith.constant 16 : index
    %swap3A_185 = tpu.vector_load %arg13[%swap3A_183, %swap3A_184] {strides = array<i32>} : memref<640x32xf32, #tpu.memory_space<vmem>>, vector<16xf32>,
    tpu.vector_store %arg13[%swap3A_183, %swap3A_184], %broadcast_in_dim3A_25 {strides = array<i32>} : memref<640x32xf32, #tpu.memory_space<vmem>>, vector<16xf32>,
    %swap3A_186 = arith.constant 20 : i32
    %swap3A_187 = arith.index_cast %swap3A_186 : i32 to index
    %swap3A_188 = arith.constant 0 : index
    %swap3A_189 = tpu.vector_load %arg13[%swap3A_187, %swap3A_188] {strides = array<i32>} : memref<640x32xf32, #tpu.memory_space<vmem>>, vector<16xf32>,
    tpu.vector_store %arg13[%swap3A_187, %swap3A_188], %broadcast_in_dim3A_25 {strides = array<i32>} : memref<640x32xf32, #tpu.memory_space<vmem>>, vector<16xf32>,
    %swap3A_190 = arith.constant 20 : i32
    %swap3A_191 = arith.index_cast %swap3A_190 : i32 to index
    %swap3A_192 = arith.constant 16 : index
    %swap3A_193 = tpu.vector_load %arg13[%swap3A_191, %swap3A_192] {strides = array<i32>} : memref<640x32xf32, #tpu.memory_space<vmem>>, vector<16xf32>,
    tpu.vector_store %arg13[%swap3A_191, %swap3A_192], %broadcast_in_dim3A_25 {strides = array<i32>} : memref<640x32xf32, #tpu.memory_space<vmem>>, vector<16xf32>,
    %swap3A_194 = arith.constant 21 : i32
    %swap3A_195 = arith.index_cast %swap3A_194 : i32 to index
    %swap3A_196 = arith.constant 0 : index
    %swap3A_197 = tpu.vector_load %arg13[%swap3A_195, %swap3A_196] {strides = array<i32>} : memref<640x32xf32, #tpu.memory_space<vmem>>, vector<16xf32>,
    tpu.vector_store %arg13[%swap3A_195, %swap3A_196], %broadcast_in_dim3A_25 {strides = array<i32>} : memref<640x32xf32, #tpu.memory_space<vmem>>, vector<16xf32>,
    %swap3A_198 = arith.constant 21 : i32
    %swap3A_199 = arith.index_cast %swap3A_198 : i32 to index
    %swap3A_200 = arith.constant 16 : index
    %swap3A_201 = tpu.vector_load %arg13[%swap3A_199, %swap3A_200] {strides = array<i32>} : memref<640x32xf32, #tpu.memory_space<vmem>>, vector<16xf32>,
    tpu.vector_store %arg13[%swap3A_199, %swap3A_200], %broadcast_in_dim3A_25 {strides = array<i32>} : memref<640x32xf32, #tpu.memory_space<vmem>>, vector<16xf32>,
    %swap3A_202 = arith.constant 22 : i32
    %swap3A_203 = arith.index_cast %swap3A_202 : i32 to index
    %swap3A_204 = arith.constant 0 : index
    %swap3A_205 = tpu.vector_load %arg13[%swap3A_203, %swap3A_204] {strides = array<i32>} : memref<640x32xf32, #tpu.memory_space<vmem>>, vector<16xf32>,
    tpu.vector_store %arg13[%swap3A_203, %swap3A_204], %broadcast_in_dim3A_25 {strides = array<i32>} : memref<640x32xf32, #tpu.memory_space<vmem>>, vector<16xf32>,
    %swap3A_206 = arith.constant 22 : i32
    %swap3A_207 = arith.index_cast %swap3A_206 : i32 to index
    %swap3A_208 = arith.constant 16 : index
    %swap3A_209 = tpu.vector_load %arg13[%swap3A_207, %swap3A_208] {strides = array<i32>} : memref<640x32xf32, #tpu.memory_space<vmem>>, vector<16xf32>,
    tpu.vector_store %arg13[%swap3A_207, %swap3A_208], %broadcast_in_dim3A_25 {strides = array<i32>} : memref<640x32xf32, #tpu.memory_space<vmem>>, vector<16xf32>,
    %swap3A_210 = arith.constant 23 : i32
    %swap3A_211 = arith.index_cast %swap3A_210 : i32 to index
    %swap3A_212 = arith.constant 0 : index
    %swap3A_213 = tpu.vector_load %arg13[%swap3A_211, %swap3A_212] {strides = array<i32>} : memref<640x32xf32, #tpu.memory_space<vmem>>, vector<16xf32>,
    tpu.vector_store %arg13[%swap3A_211, %swap3A_212], %broadcast_in_dim3A_25 {strides = array<i32>} : memref<640x32xf32, #tpu.memory_space<vmem>>, vector<16xf32>,
    %swap3A_214 = arith.constant 23 : i32
    %swap3A_215 = arith.index_cast %swap3A_214 : i32 to index
    %swap3A_216 = arith.constant 16 : index
    %swap3A_217 = tpu.vector_load %arg13[%swap3A_215, %swap3A_216] {strides = array<i32>} : memref<640x32xf32, #tpu.memory_space<vmem>>, vector<16xf32>,
    tpu.vector_store %arg13[%swap3A_215, %swap3A_216], %broadcast_in_dim3A_25 {strides = array<i32>} : memref<640x32xf32, #tpu.memory_space<vmem>>, vector<16xf32>,
    %swap3A_218 = arith.constant 24 : i32
    %swap3A_219 = arith.index_cast %swap3A_218 : i32 to index
    %swap3A_220 = arith.constant 0 : index
    %swap3A_221 = tpu.vector_load %arg13[%swap3A_219, %swap3A_220] {strides = array<i32>} : memref<640x32xf32, #tpu.memory_space<vmem>>, vector<16xf32>,
    tpu.vector_store %arg13[%swap3A_219, %swap3A_220], %broadcast_in_dim3A_25 {strides = array<i32>} : memref<640x32xf32, #tpu.memory_space<vmem>>, vector<16xf32>,
    %swap3A_222 = arith.constant 24 : i32
    %swap3A_223 = arith.index_cast %swap3A_222 : i32 to index
    %swap3A_224 = arith.constant 16 : index
    %swap3A_225 = tpu.vector_load %arg13[%swap3A_223, %swap3A_224] {strides = array<i32>} : memref<640x32xf32, #tpu.memory_space<vmem>>, vector<16xf32>,
    tpu.vector_store %arg13[%swap3A_223, %swap3A_224], %broadcast_in_dim3A_25 {strides = array<i32>} : memref<640x32xf32, #tpu.memory_space<vmem>>, vector<16xf32>,
    %swap3A_226 = arith.constant 25 : i32
    %swap3A_227 = arith.index_cast %swap3A_226 : i32 to index
    %swap3A_228 = arith.constant 0 : index
    %swap3A_229 = tpu.vector_load %arg13[%swap3A_227, %swap3A_228] {strides = array<i32>} : memref<640x32xf32, #tpu.memory_space<vmem>>, vector<16xf32>,
    tpu.vector_store %arg13[%swap3A_227, %swap3A_228], %broadcast_in_dim3A_25 {strides = array<i32>} : memref<640x32xf32, #tpu.memory_space<vmem>>, vector<16xf32>,
    %swap3A_230 = arith.constant 25 : i32
    %swap3A_231 = arith.index_cast %swap3A_230 : i32 to index
    %swap3A_232 = arith.constant 16 : index
    %swap3A_233 = tpu.vector_load %arg13[%swap3A_231, %swap3A_232] {strides = array<i32>} : memref<640x32xf32, #tpu.memory_space<vmem>>, vector<16xf32>,
    tpu.vector_store %arg13[%swap3A_231, %swap3A_232], %broadcast_in_dim3A_25 {strides = array<i32>} : memref<640x32xf32, #tpu.memory_space<vmem>>, vector<16xf32>,
    %swap3A_234 = arith.constant 26 : i32
    %swap3A_235 = arith.index_cast %swap3A_234 : i32 to index
    %swap3A_236 = arith.constant 0 : index
    %swap3A_237 = tpu.vector_load %arg13[%swap3A_235, %swap3A_236] {strides = array<i32>} : memref<640x32xf32, #tpu.memory_space<vmem>>, vector<16xf32>,
    tpu.vector_store %arg13[%swap3A_235, %swap3A_236], %broadcast_in_dim3A_25 {strides = array<i32>} : memref<640x32xf32, #tpu.memory_space<vmem>>, vector<16xf32>,
    %swap3A_238 = arith.constant 26 : i32
    %swap3A_239 = arith.index_cast %swap3A_238 : i32 to index
    %swap3A_240 = arith.constant 16 : index
    %swap3A_241 = tpu.vector_load %arg13[%swap3A_239, %swap3A_240] {strides = array<i32>} : memref<640x32xf32, #tpu.memory_space<vmem>>, vector<16xf32>,
    tpu.vector_store %arg13[%swap3A_239, %swap3A_240], %broadcast_in_dim3A_25 {strides = array<i32>} : memref<640x32xf32, #tpu.memory_space<vmem>>, vector<16xf32>,
    %swap3A_242 = arith.constant 27 : i32
    %swap3A_243 = arith.index_cast %swap3A_242 : i32 to index
    %swap3A_244 = arith.constant 0 : index
    %swap3A_245 = tpu.vector_load %arg13[%swap3A_243, %swap3A_244] {strides = array<i32>} : memref<640x32xf32, #tpu.memory_space<vmem>>, vector<16xf32>,
    tpu.vector_store %arg13[%swap3A_243, %swap3A_244], %broadcast_in_dim3A_25 {strides = array<i32>} : memref<640x32xf32, #tpu.memory_space<vmem>>, vector<16xf32>,
    %swap3A_246 = arith.constant 27 : i32
    %swap3A_247 = arith.index_cast %swap3A_246 : i32 to index
    %swap3A_248 = arith.constant 16 : index
    %swap3A_249 = tpu.vector_load %arg13[%swap3A_247, %swap3A_248] {strides = array<i32>} : memref<640x32xf32, #tpu.memory_space<vmem>>, vector<16xf32>,
    tpu.vector_store %arg13[%swap3A_247, %swap3A_248], %broadcast_in_dim3A_25 {strides = array<i32>} : memref<640x32xf32, #tpu.memory_space<vmem>>, vector<16xf32>,
    %swap3A_250 = arith.constant 28 : i32
    %swap3A_251 = arith.index_cast %swap3A_250 : i32 to index
    %swap3A_252 = arith.constant 0 : index
    %swap3A_253 = tpu.vector_load %arg13[%swap3A_251, %swap3A_252] {strides = array<i32>} : memref<640x32xf32, #tpu.memory_space<vmem>>, vector<16xf32>,
    tpu.vector_store %arg13[%swap3A_251, %swap3A_252], %broadcast_in_dim3A_25 {strides = array<i32>} : memref<640x32xf32, #tpu.memory_space<vmem>>, vector<16xf32>,
    %swap3A_254 = arith.constant 28 : i32
    %swap3A_255 = arith.index_cast %swap3A_254 : i32 to index
    %swap3A_256 = arith.constant 16 : index
    %swap3A_257 = tpu.vector_load %arg13[%swap3A_255, %swap3A_256] {strides = array<i32>} : memref<640x32xf32, #tpu.memory_space<vmem>>, vector<16xf32>,
    tpu.vector_store %arg13[%swap3A_255, %swap3A_256], %broadcast_in_dim3A_25 {strides = array<i32>} : memref<640x32xf32, #tpu.memory_space<vmem>>, vector<16xf32>,
    %swap3A_258 = arith.constant 29 : i32
    %swap3A_259 = arith.index_cast %swap3A_258 : i32 to index
    %swap3A_260 = arith.constant 0 : index
    %swap3A_261 = tpu.vector_load %arg13[%swap3A_259, %swap3A_260] {strides = array<i32>} : memref<640x32xf32, #tpu.memory_space<vmem>>, vector<16xf32>,
    tpu.vector_store %arg13[%swap3A_259, %swap3A_260], %broadcast_in_dim3A_25 {strides = array<i32>} : memref<640x32xf32, #tpu.memory_space<vmem>>, vector<16xf32>,
    %swap3A_262 = arith.constant 29 : i32
    %swap3A_263 = arith.index_cast %swap3A_262 : i32 to index
    %swap3A_264 = arith.constant 16 : index
    %swap3A_265 = tpu.vector_load %arg13[%swap3A_263, %swap3A_264] {strides = array<i32>} : memref<640x32xf32, #tpu.memory_space<vmem>>, vector<16xf32>,
    tpu.vector_store %arg13[%swap3A_263, %swap3A_264], %broadcast_in_dim3A_25 {strides = array<i32>} : memref<640x32xf32, #tpu.memory_space<vmem>>, vector<16xf32>,
    %swap3A_266 = arith.constant 30 : i32
    %swap3A_267 = arith.index_cast %swap3A_266 : i32 to index
    %swap3A_268 = arith.constant 0 : index
    %swap3A_269 = tpu.vector_load %arg13[%swap3A_267, %swap3A_268] {strides = array<i32>} : memref<640x32xf32, #tpu.memory_space<vmem>>, vector<16xf32>,
    tpu.vector_store %arg13[%swap3A_267, %swap3A_268], %broadcast_in_dim3A_25 {strides = array<i32>} : memref<640x32xf32, #tpu.memory_space<vmem>>, vector<16xf32>,
    %swap3A_270 = arith.constant 30 : i32
    %swap3A_271 = arith.index_cast %swap3A_270 : i32 to index
    %swap3A_272 = arith.constant 16 : index
    %swap3A_273 = tpu.vector_load %arg13[%swap3A_271, %swap3A_272] {strides = array<i32>} : memref<640x32xf32, #tpu.memory_space<vmem>>, vector<16xf32>,
    tpu.vector_store %arg13[%swap3A_271, %swap3A_272], %broadcast_in_dim3A_25 {strides = array<i32>} : memref<640x32xf32, #tpu.memory_space<vmem>>, vector<16xf32>,
    %swap3A_274 = arith.constant 31 : i32
    %swap3A_275 = arith.index_cast %swap3A_274 : i32 to index
    %swap3A_276 = arith.constant 0 : index
    %swap3A_277 = tpu.vector_load %arg13[%swap3A_275, %swap3A_276] {strides = array<i32>} : memref<640x32xf32, #tpu.memory_space<vmem>>, vector<16xf32>,
    tpu.vector_store %arg13[%swap3A_275, %swap3A_276], %broadcast_in_dim3A_25 {strides = array<i32>} : memref<640x32xf32, #tpu.memory_space<vmem>>, vector<16xf32>,
    %swap3A_278 = arith.constant 31 : i32
    %swap3A_279 = arith.index_cast %swap3A_278 : i32 to index
    %swap3A_280 = arith.constant 16 : index
    %swap3A_281 = tpu.vector_load %arg13[%swap3A_279, %swap3A_280] {strides = array<i32>} : memref<640x32xf32, #tpu.memory_space<vmem>>, vector<16xf32>,
    tpu.vector_store %arg13[%swap3A_279, %swap3A_280], %broadcast_in_dim3A_25 {strides = array<i32>} : memref<640x32xf32, #tpu.memory_space<vmem>>, vector<16xf32>,
    %swap3A_282 = arith.constant 32 : i32
    %swap3A_283 = arith.index_cast %swap3A_282 : i32 to index
    %swap3A_284 = arith.constant 0 : index
    %swap3A_285 = tpu.vector_load %arg13[%swap3A_283, %swap3A_284] {strides = array<i32>} : memref<640x32xf32, #tpu.memory_space<vmem>>, vector<16xf32>,
    tpu.vector_store %arg13[%swap3A_283, %swap3A_284], %broadcast_in_dim3A_25 {strides = array<i32>} : memref<640x32xf32, #tpu.memory_space<vmem>>, vector<16xf32>,
    %swap3A_286 = arith.constant 32 : i32
    %swap3A_287 = arith.index_cast %swap3A_286 : i32 to index
    %swap3A_288 = arith.constant 16 : index
    %swap3A_289 = tpu.vector_load %arg13[%swap3A_287, %swap3A_288] {strides = array<i32>} : memref<640x32xf32, #tpu.memory_space<vmem>>, vector<16xf32>,
    tpu.vector_store %arg13[%swap3A_287, %swap3A_288], %broadcast_in_dim3A_25 {strides = array<i32>} : memref<640x32xf32, #tpu.memory_space<vmem>>, vector<16xf32>,
    %swap3A_290 = arith.constant 33 : i32
    %swap3A_291 = arith.index_cast %swap3A_290 : i32 to index
    %swap3A_292 = arith.constant 0 : index
    %swap3A_293 = tpu.vector_load %arg13[%swap3A_291, %swap3A_292] {strides = array<i32>} : memref<640x32xf32, #tpu.memory_space<vmem>>, vector<16xf32>,
    tpu.vector_store %arg13[%swap3A_291, %swap3A_292], %broadcast_in_dim3A_25 {strides = array<i32>} : memref<640x32xf32, #tpu.memory_space<vmem>>, vector<16xf32>,
    %swap3A_294 = arith.constant 33 : i32
    %swap3A_295 = arith.index_cast %swap3A_294 : i32 to index
    %swap3A_296 = arith.constant 16 : index
    %swap3A_297 = tpu.vector_load %arg13[%swap3A_295, %swap3A_296] {strides = array<i32>} : memref<640x32xf32, #tpu.memory_space<vmem>>, vector<16xf32>,
    tpu.vector_store %arg13[%swap3A_295, %swap3A_296], %broadcast_in_dim3A_25 {strides = array<i32>} : memref<640x32xf32, #tpu.memory_space<vmem>>, vector<16xf32>,
    %swap3A_298 = arith.constant 34 : i32
    %swap3A_299 = arith.index_cast %swap3A_298 : i32 to index
    %swap3A_300 = arith.constant 0 : index
    %swap3A_301 = tpu.vector_load %arg13[%swap3A_299, %swap3A_300] {strides = array<i32>} : memref<640x32xf32, #tpu.memory_space<vmem>>, vector<16xf32>,
    tpu.vector_store %arg13[%swap3A_299, %swap3A_300], %broadcast_in_dim3A_25 {strides = array<i32>} : memref<640x32xf32, #tpu.memory_space<vmem>>, vector<16xf32>,
    %swap3A_302 = arith.constant 34 : i32
    %swap3A_303 = arith.index_cast %swap3A_302 : i32 to index
    %swap3A_304 = arith.constant 16 : index
    %swap3A_305 = tpu.vector_load %arg13[%swap3A_303, %swap3A_304] {strides = array<i32>} : memref<640x32xf32, #tpu.memory_space<vmem>>, vector<16xf32>,
    tpu.vector_store %arg13[%swap3A_303, %swap3A_304], %broadcast_in_dim3A_25 {strides = array<i32>} : memref<640x32xf32, #tpu.memory_space<vmem>>, vector<16xf32>,
    %swap3A_306 = arith.constant 35 : i32
    %swap3A_307 = arith.index_cast %swap3A_306 : i32 to index
    %swap3A_308 = arith.constant 0 : index
    %swap3A_309 = tpu.vector_load %arg13[%swap3A_307, %swap3A_308] {strides = array<i32>} : memref<640x32xf32, #tpu.memory_space<vmem>>, vector<16xf32>,
    tpu.vector_store %arg13[%swap3A_307, %swap3A_308], %broadcast_in_dim3A_25 {strides = array<i32>} : memref<640x32xf32, #tpu.memory_space<vmem>>, vector<16xf32>,
    %swap3A_310 = arith.constant 35 : i32
    %swap3A_311 = arith.index_cast %swap3A_310 : i32 to index
    %swap3A_312 = arith.constant 16 : index
    %swap3A_313 = tpu.vector_load %arg13[%swap3A_311, %swap3A_312] {strides = array<i32>} : memref<640x32xf32, #tpu.memory_space<vmem>>, vector<16xf32>,
    tpu.vector_store %arg13[%swap3A_311, %swap3A_312], %broadcast_in_dim3A_25 {strides = array<i32>} : memref<640x32xf32, #tpu.memory_space<vmem>>, vector<16xf32>,
    %swap3A_314 = arith.constant 36 : i32
    %swap3A_315 = arith.index_cast %swap3A_314 : i32 to index
    %swap3A_316 = arith.constant 0 : index
    %swap3A_317 = tpu.vector_load %arg13[%swap3A_315, %swap3A_316] {strides = array<i32>} : memref<640x32xf32, #tpu.memory_space<vmem>>, vector<16xf32>,
    tpu.vector_store %arg13[%swap3A_315, %swap3A_316], %broadcast_in_dim3A_25 {strides = array<i32>} : memref<640x32xf32, #tpu.memory_space<vmem>>, vector<16xf32>,
    %swap3A_318 = arith.constant 36 : i32
    %swap3A_319 = arith.index_cast %swap3A_318 : i32 to index
    %swap3A_320 = arith.constant 16 : index
    %swap3A_321 = tpu.vector_load %arg13[%swap3A_319, %swap3A_320] {strides = array<i32>} : memref<640x32xf32, #tpu.memory_space<vmem>>, vector<16xf32>,
    tpu.vector_store %arg13[%swap3A_319, %swap3A_320], %broadcast_in_dim3A_25 {strides = array<i32>} : memref<640x32xf32, #tpu.memory_space<vmem>>, vector<16xf32>,
    %swap3A_322 = arith.constant 37 : i32
    %swap3A_323 = arith.index_cast %swap3A_322 : i32 to index
    %swap3A_324 = arith.constant 0 : index
    %swap3A_325 = tpu.vector_load %arg13[%swap3A_323, %swap3A_324] {strides = array<i32>} : memref<640x32xf32, #tpu.memory_space<vmem>>, vector<16xf32>,
    tpu.vector_store %arg13[%swap3A_323, %swap3A_324], %broadcast_in_dim3A_25 {strides = array<i32>} : memref<640x32xf32, #tpu.memory_space<vmem>>, vector<16xf32>,
    %swap3A_326 = arith.constant 37 : i32
    %swap3A_327 = arith.index_cast %swap3A_326 : i32 to index
    %swap3A_328 = arith.constant 16 : index
    %swap3A_329 = tpu.vector_load %arg13[%swap3A_327, %swap3A_328] {strides = array<i32>} : memref<640x32xf32, #tpu.memory_space<vmem>>, vector<16xf32>,
    tpu.vector_store %arg13[%swap3A_327, %swap3A_328], %broadcast_in_dim3A_25 {strides = array<i32>} : memref<640x32xf32, #tpu.memory_space<vmem>>, vector<16xf32>,
    %swap3A_330 = arith.constant 38 : i32
    %swap3A_331 = arith.index_cast %swap3A_330 : i32 to index
    %swap3A_332 = arith.constant 0 : index
    %swap3A_333 = tpu.vector_load %arg13[%swap3A_331, %swap3A_332] {strides = array<i32>} : memref<640x32xf32, #tpu.memory_space<vmem>>, vector<16xf32>,
    tpu.vector_store %arg13[%swap3A_331, %swap3A_332], %broadcast_in_dim3A_25 {strides = array<i32>} : memref<640x32xf32, #tpu.memory_space<vmem>>, vector<16xf32>,
    %swap3A_334 = arith.constant 38 : i32
    %swap3A_335 = arith.index_cast %swap3A_334 : i32 to index
    %swap3A_336 = arith.constant 16 : index
    %swap3A_337 = tpu.vector_load %arg13[%swap3A_335, %swap3A_336] {strides = array<i32>} : memref<640x32xf32, #tpu.memory_space<vmem>>, vector<16xf32>,
    tpu.vector_store %arg13[%swap3A_335, %swap3A_336], %broadcast_in_dim3A_25 {strides = array<i32>} : memref<640x32xf32, #tpu.memory_space<vmem>>, vector<16xf32>,
    %swap3A_338 = arith.constant 39 : i32
    %swap3A_339 = arith.index_cast %swap3A_338 : i32 to index
    %swap3A_340 = arith.constant 0 : index
    %swap3A_341 = tpu.vector_load %arg13[%swap3A_339, %swap3A_340] {strides = array<i32>} : memref<640x32xf32, #tpu.memory_space<vmem>>, vector<16xf32>,
    tpu.vector_store %arg13[%swap3A_339, %swap3A_340], %broadcast_in_dim3A_25 {strides = array<i32>} : memref<640x32xf32, #tpu.memory_space<vmem>>, vector<16xf32>,
    %swap3A_342 = arith.constant 39 : i32
    %swap3A_343 = arith.index_cast %swap3A_342 : i32 to index
    %swap3A_344 = arith.constant 16 : index
    %swap3A_345 = tpu.vector_load %arg13[%swap3A_343, %swap3A_344] {strides = array<i32>} : memref<640x32xf32, #tpu.memory_space<vmem>>, vector<16xf32>,
    tpu.vector_store %arg13[%swap3A_343, %swap3A_344], %broadcast_in_dim3A_25 {strides = array<i32>} : memref<640x32xf32, #tpu.memory_space<vmem>>, vector<16xf32>,
    %swap3A_346 = arith.constant 40 : i32
    %swap3A_347 = arith.index_cast %swap3A_346 : i32 to index
    %swap3A_348 = arith.constant 0 : index
    %swap3A_349 = tpu.vector_load %arg13[%swap3A_347, %swap3A_348] {strides = array<i32>} : memref<640x32xf32, #tpu.memory_space<vmem>>, vector<16xf32>,
    tpu.vector_store %arg13[%swap3A_347, %swap3A_348], %broadcast_in_dim3A_25 {strides = array<i32>} : memref<640x32xf32, #tpu.memory_space<vmem>>, vector<16xf32>,
    %swap3A_350 = arith.constant 40 : i32
    %swap3A_351 = arith.index_cast %swap3A_350 : i32 to index
    %swap3A_352 = arith.constant 16 : index
    %swap3A_353 = tpu.vector_load %arg13[%swap3A_351, %swap3A_352] {strides = array<i32>} : memref<640x32xf32, #tpu.memory_space<vmem>>, vector<16xf32>,
    tpu.vector_store %arg13[%swap3A_351, %swap3A_352], %broadcast_in_dim3A_25 {strides = array<i32>} : memref<640x32xf32, #tpu.memory_space<vmem>>, vector<16xf32>,
    %swap3A_354 = arith.constant 41 : i32
    %swap3A_355 = arith.index_cast %swap3A_354 : i32 to index
    %swap3A_356 = arith.constant 0 : index
    %swap3A_357 = tpu.vector_load %arg13[%swap3A_355, %swap3A_356] {strides = array<i32>} : memref<640x32xf32, #tpu.memory_space<vmem>>, vector<16xf32>,
    tpu.vector_store %arg13[%swap3A_355, %swap3A_356], %broadcast_in_dim3A_25 {strides = array<i32>} : memref<640x32xf32, #tpu.memory_space<vmem>>, vector<16xf32>,
    %swap3A_358 = arith.constant 41 : i32
    %swap3A_359 = arith.index_cast %swap3A_358 : i32 to index
    %swap3A_360 = arith.constant 16 : index
    %swap3A_361 = tpu.vector_load %arg13[%swap3A_359, %swap3A_360] {strides = array<i32>} : memref<640x32xf32, #tpu.memory_space<vmem>>, vector<16xf32>,
    tpu.vector_store %arg13[%swap3A_359, %swap3A_360], %broadcast_in_dim3A_25 {strides = array<i32>} : memref<640x32xf32, #tpu.memory_space<vmem>>, vector<16xf32>,
    %swap3A_362 = arith.constant 42 : i32
    %swap3A_363 = arith.index_cast %swap3A_362 : i32 to index
    %swap3A_364 = arith.constant 0 : index
    %swap3A_365 = tpu.vector_load %arg13[%swap3A_363, %swap3A_364] {strides = array<i32>} : memref<640x32xf32, #tpu.memory_space<vmem>>, vector<16xf32>,
    tpu.vector_store %arg13[%swap3A_363, %swap3A_364], %broadcast_in_dim3A_25 {strides = array<i32>} : memref<640x32xf32, #tpu.memory_space<vmem>>, vector<16xf32>,
    %swap3A_366 = arith.constant 42 : i32
    %swap3A_367 = arith.index_cast %swap3A_366 : i32 to index
    %swap3A_368 = arith.constant 16 : index
    %swap3A_369 = tpu.vector_load %arg13[%swap3A_367, %swap3A_368] {strides = array<i32>} : memref<640x32xf32, #tpu.memory_space<vmem>>, vector<16xf32>,
    tpu.vector_store %arg13[%swap3A_367, %swap3A_368], %broadcast_in_dim3A_25 {strides = array<i32>} : memref<640x32xf32, #tpu.memory_space<vmem>>, vector<16xf32>,
    %swap3A_370 = arith.constant 43 : i32
    %swap3A_371 = arith.index_cast %swap3A_370 : i32 to index
    %swap3A_372 = arith.constant 0 : index
    %swap3A_373 = tpu.vector_load %arg13[%swap3A_371, %swap3A_372] {strides = array<i32>} : memref<640x32xf32, #tpu.memory_space<vmem>>, vector<16xf32>,
    tpu.vector_store %arg13[%swap3A_371, %swap3A_372], %broadcast_in_dim3A_25 {strides = array<i32>} : memref<640x32xf32, #tpu.memory_space<vmem>>, vector<16xf32>,
    %swap3A_374 = arith.constant 43 : i32
    %swap3A_375 = arith.index_cast %swap3A_374 : i32 to index
    %swap3A_376 = arith.constant 16 : index
    %swap3A_377 = tpu.vector_load %arg13[%swap3A_375, %swap3A_376] {strides = array<i32>} : memref<640x32xf32, #tpu.memory_space<vmem>>, vector<16xf32>,
    tpu.vector_store %arg13[%swap3A_375, %swap3A_376], %broadcast_in_dim3A_25 {strides = array<i32>} : memref<640x32xf32, #tpu.memory_space<vmem>>, vector<16xf32>,
    %swap3A_378 = arith.constant 44 : i32
    %swap3A_379 = arith.index_cast %swap3A_378 : i32 to index
    %swap3A_380 = arith.constant 0 : index
    %swap3A_381 = tpu.vector_load %arg13[%swap3A_379, %swap3A_380] {strides = array<i32>} : memref<640x32xf32, #tpu.memory_space<vmem>>, vector<16xf32>,
    tpu.vector_store %arg13[%swap3A_379, %swap3A_380], %broadcast_in_dim3A_25 {strides = array<i32>} : memref<640x32xf32, #tpu.memory_space<vmem>>, vector<16xf32>,
    %swap3A_382 = arith.constant 44 : i32
    %swap3A_383 = arith.index_cast %swap3A_382 : i32 to index
    %swap3A_384 = arith.constant 16 : index
    %swap3A_385 = tpu.vector_load %arg13[%swap3A_383, %swap3A_384] {strides = array<i32>} : memref<640x32xf32, #tpu.memory_space<vmem>>, vector<16xf32>,
    tpu.vector_store %arg13[%swap3A_383, %swap3A_384], %broadcast_in_dim3A_25 {strides = array<i32>} : memref<640x32xf32, #tpu.memory_space<vmem>>, vector<16xf32>,
    %swap3A_386 = arith.constant 45 : i32
    %swap3A_387 = arith.index_cast %swap3A_386 : i32 to index
    %swap3A_388 = arith.constant 0 : index
    %swap3A_389 = tpu.vector_load %arg13[%swap3A_387, %swap3A_388] {strides = array<i32>} : memref<640x32xf32, #tpu.memory_space<vmem>>, vector<16xf32>,
    tpu.vector_store %arg13[%swap3A_387, %swap3A_388], %broadcast_in_dim3A_25 {strides = array<i32>} : memref<640x32xf32, #tpu.memory_space<vmem>>, vector<16xf32>,
    %swap3A_390 = arith.constant 45 : i32
    %swap3A_391 = arith.index_cast %swap3A_390 : i32 to index
    %swap3A_392 = arith.constant 16 : index
    %swap3A_393 = tpu.vector_load %arg13[%swap3A_391, %swap3A_392] {strides = array<i32>} : memref<640x32xf32, #tpu.memory_space<vmem>>, vector<16xf32>,
    tpu.vector_store %arg13[%swap3A_391, %swap3A_392], %broadcast_in_dim3A_25 {strides = array<i32>} : memref<640x32xf32, #tpu.memory_space<vmem>>, vector<16xf32>,
    %swap3A_394 = arith.constant 46 : i32
    %swap3A_395 = arith.index_cast %swap3A_394 : i32 to index
    %swap3A_396 = arith.constant 0 : index
    %swap3A_397 = tpu.vector_load %arg13[%swap3A_395, %swap3A_396] {strides = array<i32>} : memref<640x32xf32, #tpu.memory_space<vmem>>, vector<16xf32>,
    tpu.vector_store %arg13[%swap3A_395, %swap3A_396], %broadcast_in_dim3A_25 {strides = array<i32>} : memref<640x32xf32, #tpu.memory_space<vmem>>, vector<16xf32>,
    %swap3A_398 = arith.constant 46 : i32
    %swap3A_399 = arith.index_cast %swap3A_398 : i32 to index
    %swap3A_400 = arith.constant 16 : index
    %swap3A_401 = tpu.vector_load %arg13[%swap3A_399, %swap3A_400] {strides = array<i32>} : memref<640x32xf32, #tpu.memory_space<vmem>>, vector<16xf32>,
    tpu.vector_store %arg13[%swap3A_399, %swap3A_400], %broadcast_in_dim3A_25 {strides = array<i32>} : memref<640x32xf32, #tpu.memory_space<vmem>>, vector<16xf32>,
    %swap3A_402 = arith.constant 47 : i32
    %swap3A_403 = arith.index_cast %swap3A_402 : i32 to index
    %swap3A_404 = arith.constant 0 : index
    %swap3A_405 = tpu.vector_load %arg13[%swap3A_403, %swap3A_404] {strides = array<i32>} : memref<640x32xf32, #tpu.memory_space<vmem>>, vector<16xf32>,
    tpu.vector_store %arg13[%swap3A_403, %swap3A_404], %broadcast_in_dim3A_25 {strides = array<i32>} : memref<640x32xf32, #tpu.memory_space<vmem>>, vector<16xf32>,
    %swap3A_406 = arith.constant 47 : i32
    %swap3A_407 = arith.index_cast %swap3A_406 : i32 to index
    %swap3A_408 = arith.constant 16 : index
    %swap3A_409 = tpu.vector_load %arg13[%swap3A_407, %swap3A_408] {strides = array<i32>} : memref<640x32xf32, #tpu.memory_space<vmem>>, vector<16xf32>,
    tpu.vector_store %arg13[%swap3A_407, %swap3A_408], %broadcast_in_dim3A_25 {strides = array<i32>} : memref<640x32xf32, #tpu.memory_space<vmem>>, vector<16xf32>,
    %swap3A_410 = arith.constant 48 : i32
    %swap3A_411 = arith.index_cast %swap3A_410 : i32 to index
    %swap3A_412 = arith.constant 0 : index
    %swap3A_413 = tpu.vector_load %arg13[%swap3A_411, %swap3A_412] {strides = array<i32>} : memref<640x32xf32, #tpu.memory_space<vmem>>, vector<16xf32>,
    tpu.vector_store %arg13[%swap3A_411, %swap3A_412], %broadcast_in_dim3A_25 {strides = array<i32>} : memref<640x32xf32, #tpu.memory_space<vmem>>, vector<16xf32>,
    %swap3A_414 = arith.constant 48 : i32
    %swap3A_415 = arith.index_cast %swap3A_414 : i32 to index
    %swap3A_416 = arith.constant 16 : index
    %swap3A_417 = tpu.vector_load %arg13[%swap3A_415, %swap3A_416] {strides = array<i32>} : memref<640x32xf32, #tpu.memory_space<vmem>>, vector<16xf32>,
    tpu.vector_store %arg13[%swap3A_415, %swap3A_416], %broadcast_in_dim3A_25 {strides = array<i32>} : memref<640x32xf32, #tpu.memory_space<vmem>>, vector<16xf32>,
    %swap3A_418 = arith.constant 49 : i32
    %swap3A_419 = arith.index_cast %swap3A_418 : i32 to index
    %swap3A_420 = arith.constant 0 : index
    %swap3A_421 = tpu.vector_load %arg13[%swap3A_419, %swap3A_420] {strides = array<i32>} : memref<640x32xf32, #tpu.memory_space<vmem>>, vector<16xf32>,
    tpu.vector_store %arg13[%swap3A_419, %swap3A_420], %broadcast_in_dim3A_25 {strides = array<i32>} : memref<640x32xf32, #tpu.memory_space<vmem>>, vector<16xf32>,
    %swap3A_422 = arith.constant 49 : i32
    %swap3A_423 = arith.index_cast %swap3A_422 : i32 to index
    %swap3A_424 = arith.constant 16 : index
    %swap3A_425 = tpu.vector_load %arg13[%swap3A_423, %swap3A_424] {strides = array<i32>} : memref<640x32xf32, #tpu.memory_space<vmem>>, vector<16xf32>,
    tpu.vector_store %arg13[%swap3A_423, %swap3A_424], %broadcast_in_dim3A_25 {strides = array<i32>} : memref<640x32xf32, #tpu.memory_space<vmem>>, vector<16xf32>,
    %swap3A_426 = arith.constant 50 : i32
    %swap3A_427 = arith.index_cast %swap3A_426 : i32 to index
    %swap3A_428 = arith.constant 0 : index
    %swap3A_429 = tpu.vector_load %arg13[%swap3A_427, %swap3A_428] {strides = array<i32>} : memref<640x32xf32, #tpu.memory_space<vmem>>, vector<16xf32>,
    tpu.vector_store %arg13[%swap3A_427, %swap3A_428], %broadcast_in_dim3A_25 {strides = array<i32>} : memref<640x32xf32, #tpu.memory_space<vmem>>, vector<16xf32>,
    %swap3A_430 = arith.constant 50 : i32
    %swap3A_431 = arith.index_cast %swap3A_430 : i32 to index
    %swap3A_432 = arith.constant 16 : index
    %swap3A_433 = tpu.vector_load %arg13[%swap3A_431, %swap3A_432] {strides = array<i32>} : memref<640x32xf32, #tpu.memory_space<vmem>>, vector<16xf32>,
    tpu.vector_store %arg13[%swap3A_431, %swap3A_432], %broadcast_in_dim3A_25 {strides = array<i32>} : memref<640x32xf32, #tpu.memory_space<vmem>>, vector<16xf32>,
    %swap3A_434 = arith.constant 51 : i32
    %swap3A_435 = arith.index_cast %swap3A_434 : i32 to index
    %swap3A_436 = arith.constant 0 : index
    %swap3A_437 = tpu.vector_load %arg13[%swap3A_435, %swap3A_436] {strides = array<i32>} : memref<640x32xf32, #tpu.memory_space<vmem>>, vector<16xf32>,
    tpu.vector_store %arg13[%swap3A_435, %swap3A_436], %broadcast_in_dim3A_25 {strides = array<i32>} : memref<640x32xf32, #tpu.memory_space<vmem>>, vector<16xf32>,
    %swap3A_438 = arith.constant 51 : i32
    %swap3A_439 = arith.index_cast %swap3A_438 : i32 to index
    %swap3A_440 = arith.constant 16 : index
    %swap3A_441 = tpu.vector_load %arg13[%swap3A_439, %swap3A_440] {strides = array<i32>} : memref<640x32xf32, #tpu.memory_space<vmem>>, vector<16xf32>,
    tpu.vector_store %arg13[%swap3A_439, %swap3A_440], %broadcast_in_dim3A_25 {strides = array<i32>} : memref<640x32xf32, #tpu.memory_space<vmem>>, vector<16xf32>,
    %swap3A_442 = arith.constant 52 : i32
    %swap3A_443 = arith.index_cast %swap3A_442 : i32 to index
    %swap3A_444 = arith.constant 0 : index
    %swap3A_445 = tpu.vector_load %arg13[%swap3A_443, %swap3A_444] {strides = array<i32>} : memref<640x32xf32, #tpu.memory_space<vmem>>, vector<16xf32>,
    tpu.vector_store %arg13[%swap3A_443, %swap3A_444], %broadcast_in_dim3A_25 {strides = array<i32>} : memref<640x32xf32, #tpu.memory_space<vmem>>, vector<16xf32>,
    %swap3A_446 = arith.constant 52 : i32
    %swap3A_447 = arith.index_cast %swap3A_446 : i32 to index
    %swap3A_448 = arith.constant 16 : index
    %swap3A_449 = tpu.vector_load %arg13[%swap3A_447, %swap3A_448] {strides = array<i32>} : memref<640x32xf32, #tpu.memory_space<vmem>>, vector<16xf32>,
    tpu.vector_store %arg13[%swap3A_447, %swap3A_448], %broadcast_in_dim3A_25 {strides = array<i32>} : memref<640x32xf32, #tpu.memory_space<vmem>>, vector<16xf32>,
    %swap3A_450 = arith.constant 53 : i32
    %swap3A_451 = arith.index_cast %swap3A_450 : i32 to index
    %swap3A_452 = arith.constant 0 : index
    %swap3A_453 = tpu.vector_load %arg13[%swap3A_451, %swap3A_452] {strides = array<i32>} : memref<640x32xf32, #tpu.memory_space<vmem>>, vector<16xf32>,
    tpu.vector_store %arg13[%swap3A_451, %swap3A_452], %broadcast_in_dim3A_25 {strides = array<i32>} : memref<640x32xf32, #tpu.memory_space<vmem>>, vector<16xf32>,
    %swap3A_454 = arith.constant 53 : i32
    %swap3A_455 = arith.index_cast %swap3A_454 : i32 to index
    %swap3A_456 = arith.constant 16 : index
    %swap3A_457 = tpu.vector_load %arg13[%swap3A_455, %swap3A_456] {strides = array<i32>} : memref<640x32xf32, #tpu.memory_space<vmem>>, vector<16xf32>,
    tpu.vector_store %arg13[%swap3A_455, %swap3A_456], %broadcast_in_dim3A_25 {strides = array<i32>} : memref<640x32xf32, #tpu.memory_space<vmem>>, vector<16xf32>,
    %swap3A_458 = arith.constant 54 : i32
    %swap3A_459 = arith.index_cast %swap3A_458 : i32 to index
    %swap3A_460 = arith.constant 0 : index
    %swap3A_461 = tpu.vector_load %arg13[%swap3A_459, %swap3A_460] {strides = array<i32>} : memref<640x32xf32, #tpu.memory_space<vmem>>, vector<16xf32>,
    tpu.vector_store %arg13[%swap3A_459, %swap3A_460], %broadcast_in_dim3A_25 {strides = array<i32>} : memref<640x32xf32, #tpu.memory_space<vmem>>, vector<16xf32>,
    %swap3A_462 = arith.constant 54 : i32
    %swap3A_463 = arith.index_cast %swap3A_462 : i32 to index
    %swap3A_464 = arith.constant 16 : index
    %swap3A_465 = tpu.vector_load %arg13[%swap3A_463, %swap3A_464] {strides = array<i32>} : memref<640x32xf32, #tpu.memory_space<vmem>>, vector<16xf32>,
    tpu.vector_store %arg13[%swap3A_463, %swap3A_464], %broadcast_in_dim3A_25 {strides = array<i32>} : memref<640x32xf32, #tpu.memory_space<vmem>>, vector<16xf32>,
    %swap3A_466 = arith.constant 55 : i32
    %swap3A_467 = arith.index_cast %swap3A_466 : i32 to index
    %swap3A_468 = arith.constant 0 : index
    %swap3A_469 = tpu.vector_load %arg13[%swap3A_467, %swap3A_468] {strides = array<i32>} : memref<640x32xf32, #tpu.memory_space<vmem>>, vector<16xf32>,
    tpu.vector_store %arg13[%swap3A_467, %swap3A_468], %broadcast_in_dim3A_25 {strides = array<i32>} : memref<640x32xf32, #tpu.memory_space<vmem>>, vector<16xf32>,
    %swap3A_470 = arith.constant 55 : i32
    %swap3A_471 = arith.index_cast %swap3A_470 : i32 to index
    %swap3A_472 = arith.constant 16 : index
    %swap3A_473 = tpu.vector_load %arg13[%swap3A_471, %swap3A_472] {strides = array<i32>} : memref<640x32xf32, #tpu.memory_space<vmem>>, vector<16xf32>,
    tpu.vector_store %arg13[%swap3A_471, %swap3A_472], %broadcast_in_dim3A_25 {strides = array<i32>} : memref<640x32xf32, #tpu.memory_space<vmem>>, vector<16xf32>,
    %swap3A_474 = arith.constant 56 : i32
    %swap3A_475 = arith.index_cast %swap3A_474 : i32 to index
    %swap3A_476 = arith.constant 0 : index
    %swap3A_477 = tpu.vector_load %arg13[%swap3A_475, %swap3A_476] {strides = array<i32>} : memref<640x32xf32, #tpu.memory_space<vmem>>, vector<16xf32>,
    tpu.vector_store %arg13[%swap3A_475, %swap3A_476], %broadcast_in_dim3A_25 {strides = array<i32>} : memref<640x32xf32, #tpu.memory_space<vmem>>, vector<16xf32>,
    %swap3A_478 = arith.constant 56 : i32
    %swap3A_479 = arith.index_cast %swap3A_478 : i32 to index
    %swap3A_480 = arith.constant 16 : index
    %swap3A_481 = tpu.vector_load %arg13[%swap3A_479, %swap3A_480] {strides = array<i32>} : memref<640x32xf32, #tpu.memory_space<vmem>>, vector<16xf32>,
    tpu.vector_store %arg13[%swap3A_479, %swap3A_480], %broadcast_in_dim3A_25 {strides = array<i32>} : memref<640x32xf32, #tpu.memory_space<vmem>>, vector<16xf32>,
    %swap3A_482 = arith.constant 57 : i32
    %swap3A_483 = arith.index_cast %swap3A_482 : i32 to index
    %swap3A_484 = arith.constant 0 : index
    %swap3A_485 = tpu.vector_load %arg13[%swap3A_483, %swap3A_484] {strides = array<i32>} : memref<640x32xf32, #tpu.memory_space<vmem>>, vector<16xf32>,
    tpu.vector_store %arg13[%swap3A_483, %swap3A_484], %broadcast_in_dim3A_25 {strides = array<i32>} : memref<640x32xf32, #tpu.memory_space<vmem>>, vector<16xf32>,
    %swap3A_486 = arith.constant 57 : i32
    %swap3A_487 = arith.index_cast %swap3A_486 : i32 to index
    %swap3A_488 = arith.constant 16 : index
    %swap3A_489 = tpu.vector_load %arg13[%swap3A_487, %swap3A_488] {strides = array<i32>} : memref<640x32xf32, #tpu.memory_space<vmem>>, vector<16xf32>,
    tpu.vector_store %arg13[%swap3A_487, %swap3A_488], %broadcast_in_dim3A_25 {strides = array<i32>} : memref<640x32xf32, #tpu.memory_space<vmem>>, vector<16xf32>,
    %swap3A_490 = arith.constant 58 : i32
    %swap3A_491 = arith.index_cast %swap3A_490 : i32 to index
    %swap3A_492 = arith.constant 0 : index
    %swap3A_493 = tpu.vector_load %arg13[%swap3A_491, %swap3A_492] {strides = array<i32>} : memref<640x32xf32, #tpu.memory_space<vmem>>, vector<16xf32>,
    tpu.vector_store %arg13[%swap3A_491, %swap3A_492], %broadcast_in_dim3A_25 {strides = array<i32>} : memref<640x32xf32, #tpu.memory_space<vmem>>, vector<16xf32>,
    %swap3A_494 = arith.constant 58 : i32
    %swap3A_495 = arith.index_cast %swap3A_494 : i32 to index
    %swap3A_496 = arith.constant 16 : index
    %swap3A_497 = tpu.vector_load %arg13[%swap3A_495, %swap3A_496] {strides = array<i32>} : memref<640x32xf32, #tpu.memory_space<vmem>>, vector<16xf32>,
    tpu.vector_store %arg13[%swap3A_495, %swap3A_496], %broadcast_in_dim3A_25 {strides = array<i32>} : memref<640x32xf32, #tpu.memory_space<vmem>>, vector<16xf32>,
    %swap3A_498 = arith.constant 59 : i32
    %swap3A_499 = arith.index_cast %swap3A_498 : i32 to index
    %swap3A_500 = arith.constant 0 : index
    %swap3A_501 = tpu.vector_load %arg13[%swap3A_499, %swap3A_500] {strides = array<i32>} : memref<640x32xf32, #tpu.memory_space<vmem>>, vector<16xf32>,
    tpu.vector_store %arg13[%swap3A_499, %swap3A_500], %broadcast_in_dim3A_25 {strides = array<i32>} : memref<640x32xf32, #tpu.memory_space<vmem>>, vector<16xf32>,
    %swap3A_502 = arith.constant 59 : i32
    %swap3A_503 = arith.index_cast %swap3A_502 : i32 to index
    %swap3A_504 = arith.constant 16 : index
    %swap3A_505 = tpu.vector_load %arg13[%swap3A_503, %swap3A_504] {strides = array<i32>} : memref<640x32xf32, #tpu.memory_space<vmem>>, vector<16xf32>,
    tpu.vector_store %arg13[%swap3A_503, %swap3A_504], %broadcast_in_dim3A_25 {strides = array<i32>} : memref<640x32xf32, #tpu.memory_space<vmem>>, vector<16xf32>,
    %swap3A_506 = arith.constant 60 : i32
    %swap3A_507 = arith.index_cast %swap3A_506 : i32 to index
    %swap3A_508 = arith.constant 0 : index
    %swap3A_509 = tpu.vector_load %arg13[%swap3A_507, %swap3A_508] {strides = array<i32>} : memref<640x32xf32, #tpu.memory_space<vmem>>, vector<16xf32>,
    tpu.vector_store %arg13[%swap3A_507, %swap3A_508], %broadcast_in_dim3A_25 {strides = array<i32>} : memref<640x32xf32, #tpu.memory_space<vmem>>, vector<16xf32>,
    %swap3A_510 = arith.constant 60 : i32
    %swap3A_511 = arith.index_cast %swap3A_510 : i32 to index
    %swap3A_512 = arith.constant 16 : index
    %swap3A_513 = tpu.vector_load %arg13[%swap3A_511, %swap3A_512] {strides = array<i32>} : memref<640x32xf32, #tpu.memory_space<vmem>>, vector<16xf32>,
    tpu.vector_store %arg13[%swap3A_511, %swap3A_512], %broadcast_in_dim3A_25 {strides = array<i32>} : memref<640x32xf32, #tpu.memory_space<vmem>>, vector<16xf32>,
    %swap3A_514 = arith.constant 61 : i32
    %swap3A_515 = arith.index_cast %swap3A_514 : i32 to index
    %swap3A_516 = arith.constant 0 : index
    %swap3A_517 = tpu.vector_load %arg13[%swap3A_515, %swap3A_516] {strides = array<i32>} : memref<640x32xf32, #tpu.memory_space<vmem>>, vector<16xf32>,
    tpu.vector_store %arg13[%swap3A_515, %swap3A_516], %broadcast_in_dim3A_25 {strides = array<i32>} : memref<640x32xf32, #tpu.memory_space<vmem>>, vector<16xf32>,
    %swap3A_518 = arith.constant 61 : i32
    %swap3A_519 = arith.index_cast %swap3A_518 : i32 to index
    %swap3A_520 = arith.constant 16 : index
    %swap3A_521 = tpu.vector_load %arg13[%swap3A_519, %swap3A_520] {strides = array<i32>} : memref<640x32xf32, #tpu.memory_space<vmem>>, vector<16xf32>,
    tpu.vector_store %arg13[%swap3A_519, %swap3A_520], %broadcast_in_dim3A_25 {strides = array<i32>} : memref<640x32xf32, #tpu.memory_space<vmem>>, vector<16xf32>,
    %swap3A_522 = arith.constant 62 : i32
    %swap3A_523 = arith.index_cast %swap3A_522 : i32 to index
    %swap3A_524 = arith.constant 0 : index
    %swap3A_525 = tpu.vector_load %arg13[%swap3A_523, %swap3A_524] {strides = array<i32>} : memref<640x32xf32, #tpu.memory_space<vmem>>, vector<16xf32>,
    tpu.vector_store %arg13[%swap3A_523, %swap3A_524], %broadcast_in_dim3A_25 {strides = array<i32>} : memref<640x32xf32, #tpu.memory_space<vmem>>, vector<16xf32>,
    %swap3A_526 = arith.constant 62 : i32
    %swap3A_527 = arith.index_cast %swap3A_526 : i32 to index
    %swap3A_528 = arith.constant 16 : index
    %swap3A_529 = tpu.vector_load %arg13[%swap3A_527, %swap3A_528] {strides = array<i32>} : memref<640x32xf32, #tpu.memory_space<vmem>>, vector<16xf32>,
    tpu.vector_store %arg13[%swap3A_527, %swap3A_528], %broadcast_in_dim3A_25 {strides = array<i32>} : memref<640x32xf32, #tpu.memory_space<vmem>>, vector<16xf32>,
    %swap3A_530 = arith.constant 63 : i32
    %swap3A_531 = arith.index_cast %swap3A_530 : i32 to index
    %swap3A_532 = arith.constant 0 : index
    %swap3A_533 = tpu.vector_load %arg13[%swap3A_531, %swap3A_532] {strides = array<i32>} : memref<640x32xf32, #tpu.memory_space<vmem>>, vector<16xf32>,
    tpu.vector_store %arg13[%swap3A_531, %swap3A_532], %broadcast_in_dim3A_25 {strides = array<i32>} : memref<640x32xf32, #tpu.memory_space<vmem>>, vector<16xf32>,
    %swap3A_534 = arith.constant 63 : i32
    %swap3A_535 = arith.index_cast %swap3A_534 : i32 to index
    %swap3A_536 = arith.constant 16 : index
    %swap3A_537 = tpu.vector_load %arg13[%swap3A_535, %swap3A_536] {strides = array<i32>} : memref<640x32xf32, #tpu.memory_space<vmem>>, vector<16xf32>,
    tpu.vector_store %arg13[%swap3A_535, %swap3A_536], %broadcast_in_dim3A_25 {strides = array<i32>} : memref<640x32xf32, #tpu.memory_space<vmem>>, vector<16xf32>,
    %swap3A_538 = arith.constant 64 : i32
    %swap3A_539 = arith.index_cast %swap3A_538 : i32 to index
    %swap3A_540 = arith.constant 0 : index
    %swap3A_541 = tpu.vector_load %arg13[%swap3A_539, %swap3A_540] {strides = array<i32>} : memref<640x32xf32, #tpu.memory_space<vmem>>, vector<16xf32>,
    tpu.vector_store %arg13[%swap3A_539, %swap3A_540], %broadcast_in_dim3A_25 {strides = array<i32>} : memref<640x32xf32, #tpu.memory_space<vmem>>, vector<16xf32>,
    %swap3A_542 = arith.constant 64 : i32
    %swap3A_543 = arith.index_cast %swap3A_542 : i32 to index
    %swap3A_544 = arith.constant 16 : index
    %swap3A_545 = tpu.vector_load %arg13[%swap3A_543, %swap3A_544] {strides = array<i32>} : memref<640x32xf32, #tpu.memory_space<vmem>>, vector<16xf32>,
    tpu.vector_store %arg13[%swap3A_543, %swap3A_544], %broadcast_in_dim3A_25 {strides = array<i32>} : memref<640x32xf32, #tpu.memory_space<vmem>>, vector<16xf32>,
    %swap3A_546 = arith.constant 65 : i32
    %swap3A_547 = arith.index_cast %swap3A_546 : i32 to index
    %swap3A_548 = arith.constant 0 : index
    %swap3A_549 = tpu.vector_load %arg13[%swap3A_547, %swap3A_548] {strides = array<i32>} : memref<640x32xf32, #tpu.memory_space<vmem>>, vector<16xf32>,
    tpu.vector_store %arg13[%swap3A_547, %swap3A_548], %broadcast_in_dim3A_25 {strides = array<i32>} : memref<640x32xf32, #tpu.memory_space<vmem>>, vector<16xf32>,
    %swap3A_550 = arith.constant 65 : i32
    %swap3A_551 = arith.index_cast %swap3A_550 : i32 to index
    %swap3A_552 = arith.constant 16 : index
    %swap3A_553 = tpu.vector_load %arg13[%swap3A_551, %swap3A_552] {strides = array<i32>} : memref<640x32xf32, #tpu.memory_space<vmem>>, vector<16xf32>,
    tpu.vector_store %arg13[%swap3A_551, %swap3A_552], %broadcast_in_dim3A_25 {strides = array<i32>} : memref<640x32xf32, #tpu.memory_space<vmem>>, vector<16xf32>,
    %swap3A_554 = arith.constant 66 : i32
    %swap3A_555 = arith.index_cast %swap3A_554 : i32 to index
    %swap3A_556 = arith.constant 0 : index
    %swap3A_557 = tpu.vector_load %arg13[%swap3A_555, %swap3A_556] {strides = array<i32>} : memref<640x32xf32, #tpu.memory_space<vmem>>, vector<16xf32>,
    tpu.vector_store %arg13[%swap3A_555, %swap3A_556], %broadcast_in_dim3A_25 {strides = array<i32>} : memref<640x32xf32, #tpu.memory_space<vmem>>, vector<16xf32>,
    %swap3A_558 = arith.constant 66 : i32
    %swap3A_559 = arith.index_cast %swap3A_558 : i32 to index
    %swap3A_560 = arith.constant 16 : index
    %swap3A_561 = tpu.vector_load %arg13[%swap3A_559, %swap3A_560] {strides = array<i32>} : memref<640x32xf32, #tpu.memory_space<vmem>>, vector<16xf32>,
    tpu.vector_store %arg13[%swap3A_559, %swap3A_560], %broadcast_in_dim3A_25 {strides = array<i32>} : memref<640x32xf32, #tpu.memory_space<vmem>>, vector<16xf32>,
    %swap3A_562 = arith.constant 67 : i32
    %swap3A_563 = arith.index_cast %swap3A_562 : i32 to index
    %swap3A_564 = arith.constant 0 : index
    %swap3A_565 = tpu.vector_load %arg13[%swap3A_563, %swap3A_564] {strides = array<i32>} : memref<640x32xf32, #tpu.memory_space<vmem>>, vector<16xf32>,
    tpu.vector_store %arg13[%swap3A_563, %swap3A_564], %broadcast_in_dim3A_25 {strides = array<i32>} : memref<640x32xf32, #tpu.memory_space<vmem>>, vector<16xf32>,
    %swap3A_566 = arith.constant 67 : i32
    %swap3A_567 = arith.index_cast %swap3A_566 : i32 to index
    %swap3A_568 = arith.constant 16 : index
    %swap3A_569 = tpu.vector_load %arg13[%swap3A_567, %swap3A_568] {strides = array<i32>} : memref<640x32xf32, #tpu.memory_space<vmem>>, vector<16xf32>,
    tpu.vector_store %arg13[%swap3A_567, %swap3A_568], %broadcast_in_dim3A_25 {strides = array<i32>} : memref<640x32xf32, #tpu.memory_space<vmem>>, vector<16xf32>,
    %swap3A_570 = arith.constant 68 : i32
    %swap3A_571 = arith.index_cast %swap3A_570 : i32 to index
    %swap3A_572 = arith.constant 0 : index
    %swap3A_573 = tpu.vector_load %arg13[%swap3A_571, %swap3A_572] {strides = array<i32>} : memref<640x32xf32, #tpu.memory_space<vmem>>, vector<16xf32>,
    tpu.vector_store %arg13[%swap3A_571, %swap3A_572], %broadcast_in_dim3A_25 {strides = array<i32>} : memref<640x32xf32, #tpu.memory_space<vmem>>, vector<16xf32>,
    %swap3A_574 = arith.constant 68 : i32
    %swap3A_575 = arith.index_cast %swap3A_574 : i32 to index
    %swap3A_576 = arith.constant 16 : index
    %swap3A_577 = tpu.vector_load %arg13[%swap3A_575, %swap3A_576] {strides = array<i32>} : memref<640x32xf32, #tpu.memory_space<vmem>>, vector<16xf32>,
    tpu.vector_store %arg13[%swap3A_575, %swap3A_576], %broadcast_in_dim3A_25 {strides = array<i32>} : memref<640x32xf32, #tpu.memory_space<vmem>>, vector<16xf32>,
    %swap3A_578 = arith.constant 69 : i32
    %swap3A_579 = arith.index_cast %swap3A_578 : i32 to index
    %swap3A_580 = arith.constant 0 : index
    %swap3A_581 = tpu.vector_load %arg13[%swap3A_579, %swap3A_580] {strides = array<i32>} : memref<640x32xf32, #tpu.memory_space<vmem>>, vector<16xf32>,
    tpu.vector_store %arg13[%swap3A_579, %swap3A_580], %broadcast_in_dim3A_25 {strides = array<i32>} : memref<640x32xf32, #tpu.memory_space<vmem>>, vector<16xf32>,
    %swap3A_582 = arith.constant 69 : i32
    %swap3A_583 = arith.index_cast %swap3A_582 : i32 to index
    %swap3A_584 = arith.constant 16 : index
    %swap3A_585 = tpu.vector_load %arg13[%swap3A_583, %swap3A_584] {strides = array<i32>} : memref<640x32xf32, #tpu.memory_space<vmem>>, vector<16xf32>,
    tpu.vector_store %arg13[%swap3A_583, %swap3A_584], %broadcast_in_dim3A_25 {strides = array<i32>} : memref<640x32xf32, #tpu.memory_space<vmem>>, vector<16xf32>,
    %swap3A_586 = arith.constant 70 : i32
    %swap3A_587 = arith.index_cast %swap3A_586 : i32 to index
    %swap3A_588 = arith.constant 0 : index
    %swap3A_589 = tpu.vector_load %arg13[%swap3A_587, %swap3A_588] {strides = array<i32>} : memref<640x32xf32, #tpu.memory_space<vmem>>, vector<16xf32>,
    tpu.vector_store %arg13[%swap3A_587, %swap3A_588], %broadcast_in_dim3A_25 {strides = array<i32>} : memref<640x32xf32, #tpu.memory_space<vmem>>, vector<16xf32>,
    %swap3A_590 = arith.constant 70 : i32
    %swap3A_591 = arith.index_cast %swap3A_590 : i32 to index
    %swap3A_592 = arith.constant 16 : index
    %swap3A_593 = tpu.vector_load %arg13[%swap3A_591, %swap3A_592] {strides = array<i32>} : memref<640x32xf32, #tpu.memory_space<vmem>>, vector<16xf32>,
    tpu.vector_store %arg13[%swap3A_591, %swap3A_592], %broadcast_in_dim3A_25 {strides = array<i32>} : memref<640x32xf32, #tpu.memory_space<vmem>>, vector<16xf32>,
    %swap3A_594 = arith.constant 71 : i32
    %swap3A_595 = arith.index_cast %swap3A_594 : i32 to index
    %swap3A_596 = arith.constant 0 : index
    %swap3A_597 = tpu.vector_load %arg13[%swap3A_595, %swap3A_596] {strides = array<i32>} : memref<640x32xf32, #tpu.memory_space<vmem>>, vector<16xf32>,
    tpu.vector_store %arg13[%swap3A_595, %swap3A_596], %broadcast_in_dim3A_25 {strides = array<i32>} : memref<640x32xf32, #tpu.memory_space<vmem>>, vector<16xf32>,
    %swap3A_598 = arith.constant 71 : i32
    %swap3A_599 = arith.index_cast %swap3A_598 : i32 to index
    %swap3A_600 = arith.constant 16 : index
    %swap3A_601 = tpu.vector_load %arg13[%swap3A_599, %swap3A_600] {strides = array<i32>} : memref<640x32xf32, #tpu.memory_space<vmem>>, vector<16xf32>,
    tpu.vector_store %arg13[%swap3A_599, %swap3A_600], %broadcast_in_dim3A_25 {strides = array<i32>} : memref<640x32xf32, #tpu.memory_space<vmem>>, vector<16xf32>,
    %swap3A_602 = arith.constant 72 : i32
    %swap3A_603 = arith.index_cast %swap3A_602 : i32 to index
    %swap3A_604 = arith.constant 0 : index
    %swap3A_605 = tpu.vector_load %arg13[%swap3A_603, %swap3A_604] {strides = array<i32>} : memref<640x32xf32, #tpu.memory_space<vmem>>, vector<16xf32>,
    tpu.vector_store %arg13[%swap3A_603, %swap3A_604], %broadcast_in_dim3A_25 {strides = array<i32>} : memref<640x32xf32, #tpu.memory_space<vmem>>, vector<16xf32>,
    %swap3A_606 = arith.constant 72 : i32
    %swap3A_607 = arith.index_cast %swap3A_606 : i32 to index
    %swap3A_608 = arith.constant 16 : index
    %swap3A_609 = tpu.vector_load %arg13[%swap3A_607, %swap3A_608] {strides = array<i32>} : memref<640x32xf32, #tpu.memory_space<vmem>>, vector<16xf32>,
    tpu.vector_store %arg13[%swap3A_607, %swap3A_608], %broadcast_in_dim3A_25 {strides = array<i32>} : memref<640x32xf32, #tpu.memory_space<vmem>>, vector<16xf32>,
    %swap3A_610 = arith.constant 73 : i32
    %swap3A_611 = arith.index_cast %swap3A_610 : i32 to index
    %swap3A_612 = arith.constant 0 : index
    %swap3A_613 = tpu.vector_load %arg13[%swap3A_611, %swap3A_612] {strides = array<i32>} : memref<640x32xf32, #tpu.memory_space<vmem>>, vector<16xf32>,
    tpu.vector_store %arg13[%swap3A_611, %swap3A_612], %broadcast_in_dim3A_25 {strides = array<i32>} : memref<640x32xf32, #tpu.memory_space<vmem>>, vector<16xf32>,
    %swap3A_614 = arith.constant 73 : i32
    %swap3A_615 = arith.index_cast %swap3A_614 : i32 to index
    %swap3A_616 = arith.constant 16 : index
    %swap3A_617 = tpu.vector_load %arg13[%swap3A_615, %swap3A_616] {strides = array<i32>} : memref<640x32xf32, #tpu.memory_space<vmem>>, vector<16xf32>,
    tpu.vector_store %arg13[%swap3A_615, %swap3A_616], %broadcast_in_dim3A_25 {strides = array<i32>} : memref<640x32xf32, #tpu.memory_space<vmem>>, vector<16xf32>,
    %swap3A_618 = arith.constant 74 : i32
    %swap3A_619 = arith.index_cast %swap3A_618 : i32 to index
    %swap3A_620 = arith.constant 0 : index
    %swap3A_621 = tpu.vector_load %arg13[%swap3A_619, %swap3A_620] {strides = array<i32>} : memref<640x32xf32, #tpu.memory_space<vmem>>, vector<16xf32>,
    tpu.vector_store %arg13[%swap3A_619, %swap3A_620], %broadcast_in_dim3A_25 {strides = array<i32>} : memref<640x32xf32, #tpu.memory_space<vmem>>, vector<16xf32>,
    %swap3A_622 = arith.constant 74 : i32
    %swap3A_623 = arith.index_cast %swap3A_622 : i32 to index
    %swap3A_624 = arith.constant 16 : index
    %swap3A_625 = tpu.vector_load %arg13[%swap3A_623, %swap3A_624] {strides = array<i32>} : memref<640x32xf32, #tpu.memory_space<vmem>>, vector<16xf32>,
    tpu.vector_store %arg13[%swap3A_623, %swap3A_624], %broadcast_in_dim3A_25 {strides = array<i32>} : memref<640x32xf32, #tpu.memory_space<vmem>>, vector<16xf32>,
    %swap3A_626 = arith.constant 75 : i32
    %swap3A_627 = arith.index_cast %swap3A_626 : i32 to index
    %swap3A_628 = arith.constant 0 : index
    %swap3A_629 = tpu.vector_load %arg13[%swap3A_627, %swap3A_628] {strides = array<i32>} : memref<640x32xf32, #tpu.memory_space<vmem>>, vector<16xf32>,
    tpu.vector_store %arg13[%swap3A_627, %swap3A_628], %broadcast_in_dim3A_25 {strides = array<i32>} : memref<640x32xf32, #tpu.memory_space<vmem>>, vector<16xf32>,
    %swap3A_630 = arith.constant 75 : i32
    %swap3A_631 = arith.index_cast %swap3A_630 : i32 to index
    %swap3A_632 = arith.constant 16 : index
    %swap3A_633 = tpu.vector_load %arg13[%swap3A_631, %swap3A_632] {strides = array<i32>} : memref<640x32xf32, #tpu.memory_space<vmem>>, vector<16xf32>,
    tpu.vector_store %arg13[%swap3A_631, %swap3A_632], %broadcast_in_dim3A_25 {strides = array<i32>} : memref<640x32xf32, #tpu.memory_space<vmem>>, vector<16xf32>,
    %swap3A_634 = arith.constant 76 : i32
    %swap3A_635 = arith.index_cast %swap3A_634 : i32 to index
    %swap3A_636 = arith.constant 0 : index
    %swap3A_637 = tpu.vector_load %arg13[%swap3A_635, %swap3A_636] {strides = array<i32>} : memref<640x32xf32, #tpu.memory_space<vmem>>, vector<16xf32>,
    tpu.vector_store %arg13[%swap3A_635, %swap3A_636], %broadcast_in_dim3A_25 {strides = array<i32>} : memref<640x32xf32, #tpu.memory_space<vmem>>, vector<16xf32>,
    %swap3A_638 = arith.constant 76 : i32
    %swap3A_639 = arith.index_cast %swap3A_638 : i32 to index
    %swap3A_640 = arith.constant 16 : index
    %swap3A_641 = tpu.vector_load %arg13[%swap3A_639, %swap3A_640] {strides = array<i32>} : memref<640x32xf32, #tpu.memory_space<vmem>>, vector<16xf32>,
    tpu.vector_store %arg13[%swap3A_639, %swap3A_640], %broadcast_in_dim3A_25 {strides = array<i32>} : memref<640x32xf32, #tpu.memory_space<vmem>>, vector<16xf32>,
    %swap3A_642 = arith.constant 77 : i32
    %swap3A_643 = arith.index_cast %swap3A_642 : i32 to index
    %swap3A_644 = arith.constant 0 : index
    %swap3A_645 = tpu.vector_load %arg13[%swap3A_643, %swap3A_644] {strides = array<i32>} : memref<640x32xf32, #tpu.memory_space<vmem>>, vector<16xf32>,
    tpu.vector_store %arg13[%swap3A_643, %swap3A_644], %broadcast_in_dim3A_25 {strides = array<i32>} : memref<640x32xf32, #tpu.memory_space<vmem>>, vector<16xf32>,
    %swap3A_646 = arith.constant 77 : i32
    %swap3A_647 = arith.index_cast %swap3A_646 : i32 to index
    %swap3A_648 = arith.constant 16 : index
    %swap3A_649 = tpu.vector_load %arg13[%swap3A_647, %swap3A_648] {strides = array<i32>} : memref<640x32xf32, #tpu.memory_space<vmem>>, vector<16xf32>,
    tpu.vector_store %arg13[%swap3A_647, %swap3A_648], %broadcast_in_dim3A_25 {strides = array<i32>} : memref<640x32xf32, #tpu.memory_space<vmem>>, vector<16xf32>,
    %swap3A_650 = arith.constant 78 : i32
    %swap3A_651 = arith.index_cast %swap3A_650 : i32 to index
    %swap3A_652 = arith.constant 0 : index
    %swap3A_653 = tpu.vector_load %arg13[%swap3A_651, %swap3A_652] {strides = array<i32>} : memref<640x32xf32, #tpu.memory_space<vmem>>, vector<16xf32>,
    tpu.vector_store %arg13[%swap3A_651, %swap3A_652], %broadcast_in_dim3A_25 {strides = array<i32>} : memref<640x32xf32, #tpu.memory_space<vmem>>, vector<16xf32>,
    %swap3A_654 = arith.constant 78 : i32
    %swap3A_655 = arith.index_cast %swap3A_654 : i32 to index
    %swap3A_656 = arith.constant 16 : index
    %swap3A_657 = tpu.vector_load %arg13[%swap3A_655, %swap3A_656] {strides = array<i32>} : memref<640x32xf32, #tpu.memory_space<vmem>>, vector<16xf32>,
    tpu.vector_store %arg13[%swap3A_655, %swap3A_656], %broadcast_in_dim3A_25 {strides = array<i32>} : memref<640x32xf32, #tpu.memory_space<vmem>>, vector<16xf32>,
    %swap3A_658 = arith.constant 79 : i32
    %swap3A_659 = arith.index_cast %swap3A_658 : i32 to index
    %swap3A_660 = arith.constant 0 : index
    %swap3A_661 = tpu.vector_load %arg13[%swap3A_659, %swap3A_660] {strides = array<i32>} : memref<640x32xf32, #tpu.memory_space<vmem>>, vector<16xf32>,
    tpu.vector_store %arg13[%swap3A_659, %swap3A_660], %broadcast_in_dim3A_25 {strides = array<i32>} : memref<640x32xf32, #tpu.memory_space<vmem>>, vector<16xf32>,
    %swap3A_662 = arith.constant 79 : i32
    %swap3A_663 = arith.index_cast %swap3A_662 : i32 to index
    %swap3A_664 = arith.constant 16 : index
    %swap3A_665 = tpu.vector_load %arg13[%swap3A_663, %swap3A_664] {strides = array<i32>} : memref<640x32xf32, #tpu.memory_space<vmem>>, vector<16xf32>,
    tpu.vector_store %arg13[%swap3A_663, %swap3A_664], %broadcast_in_dim3A_25 {strides = array<i32>} : memref<640x32xf32, #tpu.memory_space<vmem>>, vector<16xf32>,
    %swap3A_666 = arith.constant 80 : i32
    %swap3A_667 = arith.index_cast %swap3A_666 : i32 to index
    %swap3A_668 = arith.constant 0 : index
    %swap3A_669 = tpu.vector_load %arg13[%swap3A_667, %swap3A_668] {strides = array<i32>} : memref<640x32xf32, #tpu.memory_space<vmem>>, vector<16xf32>,
    tpu.vector_store %arg13[%swap3A_667, %swap3A_668], %broadcast_in_dim3A_25 {strides = array<i32>} : memref<640x32xf32, #tpu.memory_space<vmem>>, vector<16xf32>,
    %swap3A_670 = arith.constant 80 : i32
    %swap3A_671 = arith.index_cast %swap3A_670 : i32 to index
    %swap3A_672 = arith.constant 16 : index
    %swap3A_673 = tpu.vector_load %arg13[%swap3A_671, %swap3A_672] {strides = array<i32>} : memref<640x32xf32, #tpu.memory_space<vmem>>, vector<16xf32>,
    tpu.vector_store %arg13[%swap3A_671, %swap3A_672], %broadcast_in_dim3A_25 {strides = array<i32>} : memref<640x32xf32, #tpu.memory_space<vmem>>, vector<16xf32>,
    %swap3A_674 = arith.constant 81 : i32
    %swap3A_675 = arith.index_cast %swap3A_674 : i32 to index
    %swap3A_676 = arith.constant 0 : index
    %swap3A_677 = tpu.vector_load %arg13[%swap3A_675, %swap3A_676] {strides = array<i32>} : memref<640x32xf32, #tpu.memory_space<vmem>>, vector<16xf32>,
    tpu.vector_store %arg13[%swap3A_675, %swap3A_676], %broadcast_in_dim3A_25 {strides = array<i32>} : memref<640x32xf32, #tpu.memory_space<vmem>>, vector<16xf32>,
    %swap3A_678 = arith.constant 81 : i32
    %swap3A_679 = arith.index_cast %swap3A_678 : i32 to index
    %swap3A_680 = arith.constant 16 : index
    %swap3A_681 = tpu.vector_load %arg13[%swap3A_679, %swap3A_680] {strides = array<i32>} : memref<640x32xf32, #tpu.memory_space<vmem>>, vector<16xf32>,
    tpu.vector_store %arg13[%swap3A_679, %swap3A_680], %broadcast_in_dim3A_25 {strides = array<i32>} : memref<640x32xf32, #tpu.memory_space<vmem>>, vector<16xf32>,
    %swap3A_682 = arith.constant 82 : i32
    %swap3A_683 = arith.index_cast %swap3A_682 : i32 to index
    %swap3A_684 = arith.constant 0 : index
    %swap3A_685 = tpu.vector_load %arg13[%swap3A_683, %swap3A_684] {strides = array<i32>} : memref<640x32xf32, #tpu.memory_space<vmem>>, vector<16xf32>,
    tpu.vector_store %arg13[%swap3A_683, %swap3A_684], %broadcast_in_dim3A_25 {strides = array<i32>} : memref<640x32xf32, #tpu.memory_space<vmem>>, vector<16xf32>,
    %swap3A_686 = arith.constant 82 : i32
    %swap3A_687 = arith.index_cast %swap3A_686 : i32 to index
    %swap3A_688 = arith.constant 16 : index
    %swap3A_689 = tpu.vector_load %arg13[%swap3A_687, %swap3A_688] {strides = array<i32>} : memref<640x32xf32, #tpu.memory_space<vmem>>, vector<16xf32>,
    tpu.vector_store %arg13[%swap3A_687, %swap3A_688], %broadcast_in_dim3A_25 {strides = array<i32>} : memref<640x32xf32, #tpu.memory_space<vmem>>, vector<16xf32>,
    %swap3A_690 = arith.constant 83 : i32
    %swap3A_691 = arith.index_cast %swap3A_690 : i32 to index
    %swap3A_692 = arith.constant 0 : index
    %swap3A_693 = tpu.vector_load %arg13[%swap3A_691, %swap3A_692] {strides = array<i32>} : memref<640x32xf32, #tpu.memory_space<vmem>>, vector<16xf32>,
    tpu.vector_store %arg13[%swap3A_691, %swap3A_692], %broadcast_in_dim3A_25 {strides = array<i32>} : memref<640x32xf32, #tpu.memory_space<vmem>>, vector<16xf32>,
    %swap3A_694 = arith.constant 83 : i32
    %swap3A_695 = arith.index_cast %swap3A_694 : i32 to index
    %swap3A_696 = arith.constant 16 : index
    %swap3A_697 = tpu.vector_load %arg13[%swap3A_695, %swap3A_696] {strides = array<i32>} : memref<640x32xf32, #tpu.memory_space<vmem>>, vector<16xf32>,
    tpu.vector_store %arg13[%swap3A_695, %swap3A_696], %broadcast_in_dim3A_25 {strides = array<i32>} : memref<640x32xf32, #tpu.memory_space<vmem>>, vector<16xf32>,
    %swap3A_698 = arith.constant 84 : i32
    %swap3A_699 = arith.index_cast %swap3A_698 : i32 to index
    %swap3A_700 = arith.constant 0 : index
    %swap3A_701 = tpu.vector_load %arg13[%swap3A_699, %swap3A_700] {strides = array<i32>} : memref<640x32xf32, #tpu.memory_space<vmem>>, vector<16xf32>,
    tpu.vector_store %arg13[%swap3A_699, %swap3A_700], %broadcast_in_dim3A_25 {strides = array<i32>} : memref<640x32xf32, #tpu.memory_space<vmem>>, vector<16xf32>,
    %swap3A_702 = arith.constant 84 : i32
    %swap3A_703 = arith.index_cast %swap3A_702 : i32 to index
    %swap3A_704 = arith.constant 16 : index
    %swap3A_705 = tpu.vector_load %arg13[%swap3A_703, %swap3A_704] {strides = array<i32>} : memref<640x32xf32, #tpu.memory_space<vmem>>, vector<16xf32>,
    tpu.vector_store %arg13[%swap3A_703, %swap3A_704], %broadcast_in_dim3A_25 {strides = array<i32>} : memref<640x32xf32, #tpu.memory_space<vmem>>, vector<16xf32>,
    %swap3A_706 = arith.constant 85 : i32
    %swap3A_707 = arith.index_cast %swap3A_706 : i32 to index
    %swap3A_708 = arith.constant 0 : index
    %swap3A_709 = tpu.vector_load %arg13[%swap3A_707, %swap3A_708] {strides = array<i32>} : memref<640x32xf32, #tpu.memory_space<vmem>>, vector<16xf32>,
    tpu.vector_store %arg13[%swap3A_707, %swap3A_708], %broadcast_in_dim3A_25 {strides = array<i32>} : memref<640x32xf32, #tpu.memory_space<vmem>>, vector<16xf32>,
    %swap3A_710 = arith.constant 85 : i32
    %swap3A_711 = arith.index_cast %swap3A_710 : i32 to index
    %swap3A_712 = arith.constant 16 : index
    %swap3A_713 = tpu.vector_load %arg13[%swap3A_711, %swap3A_712] {strides = array<i32>} : memref<640x32xf32, #tpu.memory_space<vmem>>, vector<16xf32>,
    tpu.vector_store %arg13[%swap3A_711, %swap3A_712], %broadcast_in_dim3A_25 {strides = array<i32>} : memref<640x32xf32, #tpu.memory_space<vmem>>, vector<16xf32>,
    %swap3A_714 = arith.constant 86 : i32
    %swap3A_715 = arith.index_cast %swap3A_714 : i32 to index
    %swap3A_716 = arith.constant 0 : index
    %swap3A_717 = tpu.vector_load %arg13[%swap3A_715, %swap3A_716] {strides = array<i32>} : memref<640x32xf32, #tpu.memory_space<vmem>>, vector<16xf32>,
    tpu.vector_store %arg13[%swap3A_715, %swap3A_716], %broadcast_in_dim3A_25 {strides = array<i32>} : memref<640x32xf32, #tpu.memory_space<vmem>>, vector<16xf32>,
    %swap3A_718 = arith.constant 86 : i32
    %swap3A_719 = arith.index_cast %swap3A_718 : i32 to index
    %swap3A_720 = arith.constant 16 : index
    %swap3A_721 = tpu.vector_load %arg13[%swap3A_719, %swap3A_720] {strides = array<i32>} : memref<640x32xf32, #tpu.memory_space<vmem>>, vector<16xf32>,
    tpu.vector_store %arg13[%swap3A_719, %swap3A_720], %broadcast_in_dim3A_25 {strides = array<i32>} : memref<640x32xf32, #tpu.memory_space<vmem>>, vector<16xf32>,
    %swap3A_722 = arith.constant 87 : i32
    %swap3A_723 = arith.index_cast %swap3A_722 : i32 to index
    %swap3A_724 = arith.constant 0 : index
    %swap3A_725 = tpu.vector_load %arg13[%swap3A_723, %swap3A_724] {strides = array<i32>} : memref<640x32xf32, #tpu.memory_space<vmem>>, vector<16xf32>,
    tpu.vector_store %arg13[%swap3A_723, %swap3A_724], %broadcast_in_dim3A_25 {strides = array<i32>} : memref<640x32xf32, #tpu.memory_space<vmem>>, vector<16xf32>,
    %swap3A_726 = arith.constant 87 : i32
    %swap3A_727 = arith.index_cast %swap3A_726 : i32 to index
    %swap3A_728 = arith.constant 16 : index
    %swap3A_729 = tpu.vector_load %arg13[%swap3A_727, %swap3A_728] {strides = array<i32>} : memref<640x32xf32, #tpu.memory_space<vmem>>, vector<16xf32>,
    tpu.vector_store %arg13[%swap3A_727, %swap3A_728], %broadcast_in_dim3A_25 {strides = array<i32>} : memref<640x32xf32, #tpu.memory_space<vmem>>, vector<16xf32>,
    %swap3A_730 = arith.constant 88 : i32
    %swap3A_731 = arith.index_cast %swap3A_730 : i32 to index
    %swap3A_732 = arith.constant 0 : index
    %swap3A_733 = tpu.vector_load %arg13[%swap3A_731, %swap3A_732] {strides = array<i32>} : memref<640x32xf32, #tpu.memory_space<vmem>>, vector<16xf32>,
    tpu.vector_store %arg13[%swap3A_731, %swap3A_732], %broadcast_in_dim3A_25 {strides = array<i32>} : memref<640x32xf32, #tpu.memory_space<vmem>>, vector<16xf32>,
    %swap3A_734 = arith.constant 88 : i32
    %swap3A_735 = arith.index_cast %swap3A_734 : i32 to index
    %swap3A_736 = arith.constant 16 : index
    %swap3A_737 = tpu.vector_load %arg13[%swap3A_735, %swap3A_736] {strides = array<i32>} : memref<640x32xf32, #tpu.memory_space<vmem>>, vector<16xf32>,
    tpu.vector_store %arg13[%swap3A_735, %swap3A_736], %broadcast_in_dim3A_25 {strides = array<i32>} : memref<640x32xf32, #tpu.memory_space<vmem>>, vector<16xf32>,
    %swap3A_738 = arith.constant 89 : i32
    %swap3A_739 = arith.index_cast %swap3A_738 : i32 to index
    %swap3A_740 = arith.constant 0 : index
    %swap3A_741 = tpu.vector_load %arg13[%swap3A_739, %swap3A_740] {strides = array<i32>} : memref<640x32xf32, #tpu.memory_space<vmem>>, vector<16xf32>,
    tpu.vector_store %arg13[%swap3A_739, %swap3A_740], %broadcast_in_dim3A_25 {strides = array<i32>} : memref<640x32xf32, #tpu.memory_space<vmem>>, vector<16xf32>,
    %swap3A_742 = arith.constant 89 : i32
    %swap3A_743 = arith.index_cast %swap3A_742 : i32 to index
    %swap3A_744 = arith.constant 16 : index
    %swap3A_745 = tpu.vector_load %arg13[%swap3A_743, %swap3A_744] {strides = array<i32>} : memref<640x32xf32, #tpu.memory_space<vmem>>, vector<16xf32>,
    tpu.vector_store %arg13[%swap3A_743, %swap3A_744], %broadcast_in_dim3A_25 {strides = array<i32>} : memref<640x32xf32, #tpu.memory_space<vmem>>, vector<16xf32>,
    %swap3A_746 = arith.constant 90 : i32
    %swap3A_747 = arith.index_cast %swap3A_746 : i32 to index
    %swap3A_748 = arith.constant 0 : index
    %swap3A_749 = tpu.vector_load %arg13[%swap3A_747, %swap3A_748] {strides = array<i32>} : memref<640x32xf32, #tpu.memory_space<vmem>>, vector<16xf32>,
    tpu.vector_store %arg13[%swap3A_747, %swap3A_748], %broadcast_in_dim3A_25 {strides = array<i32>} : memref<640x32xf32, #tpu.memory_space<vmem>>, vector<16xf32>,
    %swap3A_750 = arith.constant 90 : i32
    %swap3A_751 = arith.index_cast %swap3A_750 : i32 to index
    %swap3A_752 = arith.constant 16 : index
    %swap3A_753 = tpu.vector_load %arg13[%swap3A_751, %swap3A_752] {strides = array<i32>} : memref<640x32xf32, #tpu.memory_space<vmem>>, vector<16xf32>,
    tpu.vector_store %arg13[%swap3A_751, %swap3A_752], %broadcast_in_dim3A_25 {strides = array<i32>} : memref<640x32xf32, #tpu.memory_space<vmem>>, vector<16xf32>,
    %swap3A_754 = arith.constant 91 : i32
    %swap3A_755 = arith.index_cast %swap3A_754 : i32 to index
    %swap3A_756 = arith.constant 0 : index
    %swap3A_757 = tpu.vector_load %arg13[%swap3A_755, %swap3A_756] {strides = array<i32>} : memref<640x32xf32, #tpu.memory_space<vmem>>, vector<16xf32>,
    tpu.vector_store %arg13[%swap3A_755, %swap3A_756], %broadcast_in_dim3A_25 {strides = array<i32>} : memref<640x32xf32, #tpu.memory_space<vmem>>, vector<16xf32>,
    %swap3A_758 = arith.constant 91 : i32
    %swap3A_759 = arith.index_cast %swap3A_758 : i32 to index
    %swap3A_760 = arith.constant 16 : index
    %swap3A_761 = tpu.vector_load %arg13[%swap3A_759, %swap3A_760] {strides = array<i32>} : memref<640x32xf32, #tpu.memory_space<vmem>>, vector<16xf32>,
    tpu.vector_store %arg13[%swap3A_759, %swap3A_760], %broadcast_in_dim3A_25 {strides = array<i32>} : memref<640x32xf32, #tpu.memory_space<vmem>>, vector<16xf32>,
    %swap3A_762 = arith.constant 92 : i32
    %swap3A_763 = arith.index_cast %swap3A_762 : i32 to index
    %swap3A_764 = arith.constant 0 : index
    %swap3A_765 = tpu.vector_load %arg13[%swap3A_763, %swap3A_764] {strides = array<i32>} : memref<640x32xf32, #tpu.memory_space<vmem>>, vector<16xf32>,
    tpu.vector_store %arg13[%swap3A_763, %swap3A_764], %broadcast_in_dim3A_25 {strides = array<i32>} : memref<640x32xf32, #tpu.memory_space<vmem>>, vector<16xf32>,
    %swap3A_766 = arith.constant 92 : i32
    %swap3A_767 = arith.index_cast %swap3A_766 : i32 to index
    %swap3A_768 = arith.constant 16 : index
    %swap3A_769 = tpu.vector_load %arg13[%swap3A_767, %swap3A_768] {strides = array<i32>} : memref<640x32xf32, #tpu.memory_space<vmem>>, vector<16xf32>,
    tpu.vector_store %arg13[%swap3A_767, %swap3A_768], %broadcast_in_dim3A_25 {strides = array<i32>} : memref<640x32xf32, #tpu.memory_space<vmem>>, vector<16xf32>,
    %swap3A_770 = arith.constant 93 : i32
    %swap3A_771 = arith.index_cast %swap3A_770 : i32 to index
    %swap3A_772 = arith.constant 0 : index
    %swap3A_773 = tpu.vector_load %arg13[%swap3A_771, %swap3A_772] {strides = array<i32>} : memref<640x32xf32, #tpu.memory_space<vmem>>, vector<16xf32>,
    tpu.vector_store %arg13[%swap3A_771, %swap3A_772], %broadcast_in_dim3A_25 {strides = array<i32>} : memref<640x32xf32, #tpu.memory_space<vmem>>, vector<16xf32>,
    %swap3A_774 = arith.constant 93 : i32
    %swap3A_775 = arith.index_cast %swap3A_774 : i32 to index
    %swap3A_776 = arith.constant 16 : index
    %swap3A_777 = tpu.vector_load %arg13[%swap3A_775, %swap3A_776] {strides = array<i32>} : memref<640x32xf32, #tpu.memory_space<vmem>>, vector<16xf32>,
    tpu.vector_store %arg13[%swap3A_775, %swap3A_776], %broadcast_in_dim3A_25 {strides = array<i32>} : memref<640x32xf32, #tpu.memory_space<vmem>>, vector<16xf32>,
    %swap3A_778 = arith.constant 94 : i32
    %swap3A_779 = arith.index_cast %swap3A_778 : i32 to index
    %swap3A_780 = arith.constant 0 : index
    %swap3A_781 = tpu.vector_load %arg13[%swap3A_779, %swap3A_780] {strides = array<i32>} : memref<640x32xf32, #tpu.memory_space<vmem>>, vector<16xf32>,
    tpu.vector_store %arg13[%swap3A_779, %swap3A_780], %broadcast_in_dim3A_25 {strides = array<i32>} : memref<640x32xf32, #tpu.memory_space<vmem>>, vector<16xf32>,
    %swap3A_782 = arith.constant 94 : i32
    %swap3A_783 = arith.index_cast %swap3A_782 : i32 to index
    %swap3A_784 = arith.constant 16 : index
    %swap3A_785 = tpu.vector_load %arg13[%swap3A_783, %swap3A_784] {strides = array<i32>} : memref<640x32xf32, #tpu.memory_space<vmem>>, vector<16xf32>,
    tpu.vector_store %arg13[%swap3A_783, %swap3A_784], %broadcast_in_dim3A_25 {strides = array<i32>} : memref<640x32xf32, #tpu.memory_space<vmem>>, vector<16xf32>,
    %swap3A_786 = arith.constant 95 : i32
    %swap3A_787 = arith.index_cast %swap3A_786 : i32 to index
    %swap3A_788 = arith.constant 0 : index
    %swap3A_789 = tpu.vector_load %arg13[%swap3A_787, %swap3A_788] {strides = array<i32>} : memref<640x32xf32, #tpu.memory_space<vmem>>, vector<16xf32>,
    tpu.vector_store %arg13[%swap3A_787, %swap3A_788], %broadcast_in_dim3A_25 {strides = array<i32>} : memref<640x32xf32, #tpu.memory_space<vmem>>, vector<16xf32>,
    %swap3A_790 = arith.constant 95 : i32
    %swap3A_791 = arith.index_cast %swap3A_790 : i32 to index
    %swap3A_792 = arith.constant 16 : index
    %swap3A_793 = tpu.vector_load %arg13[%swap3A_791, %swap3A_792] {strides = array<i32>} : memref<640x32xf32, #tpu.memory_space<vmem>>, vector<16xf32>,
    tpu.vector_store %arg13[%swap3A_791, %swap3A_792], %broadcast_in_dim3A_25 {strides = array<i32>} : memref<640x32xf32, #tpu.memory_space<vmem>>, vector<16xf32>,
    %swap3A_794 = arith.constant 96 : i32
    %swap3A_795 = arith.index_cast %swap3A_794 : i32 to index
    %swap3A_796 = arith.constant 0 : index
    %swap3A_797 = tpu.vector_load %arg13[%swap3A_795, %swap3A_796] {strides = array<i32>} : memref<640x32xf32, #tpu.memory_space<vmem>>, vector<16xf32>,
    tpu.vector_store %arg13[%swap3A_795, %swap3A_796], %broadcast_in_dim3A_25 {strides = array<i32>} : memref<640x32xf32, #tpu.memory_space<vmem>>, vector<16xf32>,
    %swap3A_798 = arith.constant 96 : i32
    %swap3A_799 = arith.index_cast %swap3A_798 : i32 to index
    %swap3A_800 = arith.constant 16 : index
    %swap3A_801 = tpu.vector_load %arg13[%swap3A_799, %swap3A_800] {strides = array<i32>} : memref<640x32xf32, #tpu.memory_space<vmem>>, vector<16xf32>,
    tpu.vector_store %arg13[%swap3A_799, %swap3A_800], %broadcast_in_dim3A_25 {strides = array<i32>} : memref<640x32xf32, #tpu.memory_space<vmem>>, vector<16xf32>,
    %swap3A_802 = arith.constant 97 : i32
    %swap3A_803 = arith.index_cast %swap3A_802 : i32 to index
    %swap3A_804 = arith.constant 0 : index
    %swap3A_805 = tpu.vector_load %arg13[%swap3A_803, %swap3A_804] {strides = array<i32>} : memref<640x32xf32, #tpu.memory_space<vmem>>, vector<16xf32>,
    tpu.vector_store %arg13[%swap3A_803, %swap3A_804], %broadcast_in_dim3A_25 {strides = array<i32>} : memref<640x32xf32, #tpu.memory_space<vmem>>, vector<16xf32>,
    %swap3A_806 = arith.constant 97 : i32
    %swap3A_807 = arith.index_cast %swap3A_806 : i32 to index
    %swap3A_808 = arith.constant 16 : index
    %swap3A_809 = tpu.vector_load %arg13[%swap3A_807, %swap3A_808] {strides = array<i32>} : memref<640x32xf32, #tpu.memory_space<vmem>>, vector<16xf32>,
    tpu.vector_store %arg13[%swap3A_807, %swap3A_808], %broadcast_in_dim3A_25 {strides = array<i32>} : memref<640x32xf32, #tpu.memory_space<vmem>>, vector<16xf32>,
    %swap3A_810 = arith.constant 98 : i32
    %swap3A_811 = arith.index_cast %swap3A_810 : i32 to index
    %swap3A_812 = arith.constant 0 : index
    %swap3A_813 = tpu.vector_load %arg13[%swap3A_811, %swap3A_812] {strides = array<i32>} : memref<640x32xf32, #tpu.memory_space<vmem>>, vector<16xf32>,
    tpu.vector_store %arg13[%swap3A_811, %swap3A_812], %broadcast_in_dim3A_25 {strides = array<i32>} : memref<640x32xf32, #tpu.memory_space<vmem>>, vector<16xf32>,
    %swap3A_814 = arith.constant 98 : i32
    %swap3A_815 = arith.index_cast %swap3A_814 : i32 to index
    %swap3A_816 = arith.constant 16 : index
    %swap3A_817 = tpu.vector_load %arg13[%swap3A_815, %swap3A_816] {strides = array<i32>} : memref<640x32xf32, #tpu.memory_space<vmem>>, vector<16xf32>,
    tpu.vector_store %arg13[%swap3A_815, %swap3A_816], %broadcast_in_dim3A_25 {strides = array<i32>} : memref<640x32xf32, #tpu.memory_space<vmem>>, vector<16xf32>,
    %swap3A_818 = arith.constant 99 : i32
    %swap3A_819 = arith.index_cast %swap3A_818 : i32 to index
    %swap3A_820 = arith.constant 0 : index
    %swap3A_821 = tpu.vector_load %arg13[%swap3A_819, %swap3A_820] {strides = array<i32>} : memref<640x32xf32, #tpu.memory_space<vmem>>, vector<16xf32>,
    tpu.vector_store %arg13[%swap3A_819, %swap3A_820], %broadcast_in_dim3A_25 {strides = array<i32>} : memref<640x32xf32, #tpu.memory_space<vmem>>, vector<16xf32>,
    %swap3A_822 = arith.constant 99 : i32
    %swap3A_823 = arith.index_cast %swap3A_822 : i32 to index
    %swap3A_824 = arith.constant 16 : index
    %swap3A_825 = tpu.vector_load %arg13[%swap3A_823, %swap3A_824] {strides = array<i32>} : memref<640x32xf32, #tpu.memory_space<vmem>>, vector<16xf32>,
    tpu.vector_store %arg13[%swap3A_823, %swap3A_824], %broadcast_in_dim3A_25 {strides = array<i32>} : memref<640x32xf32, #tpu.memory_space<vmem>>, vector<16xf32>,
    %swap3A_826 = arith.constant 100 : i32
    %swap3A_827 = arith.index_cast %swap3A_826 : i32 to index
    %swap3A_828 = arith.constant 0 : index
    %swap3A_829 = tpu.vector_load %arg13[%swap3A_827, %swap3A_828] {strides = array<i32>} : memref<640x32xf32, #tpu.memory_space<vmem>>, vector<16xf32>,
    tpu.vector_store %arg13[%swap3A_827, %swap3A_828], %broadcast_in_dim3A_25 {strides = array<i32>} : memref<640x32xf32, #tpu.memory_space<vmem>>, vector<16xf32>,
    %swap3A_830 = arith.constant 100 : i32
    %swap3A_831 = arith.index_cast %swap3A_830 : i32 to index
    %swap3A_832 = arith.constant 16 : index
    %swap3A_833 = tpu.vector_load %arg13[%swap3A_831, %swap3A_832] {strides = array<i32>} : memref<640x32xf32, #tpu.memory_space<vmem>>, vector<16xf32>,
    tpu.vector_store %arg13[%swap3A_831, %swap3A_832], %broadcast_in_dim3A_25 {strides = array<i32>} : memref<640x32xf32, #tpu.memory_space<vmem>>, vector<16xf32>,
    %swap3A_834 = arith.constant 101 : i32
    %swap3A_835 = arith.index_cast %swap3A_834 : i32 to index
    %swap3A_836 = arith.constant 0 : index
    %swap3A_837 = tpu.vector_load %arg13[%swap3A_835, %swap3A_836] {strides = array<i32>} : memref<640x32xf32, #tpu.memory_space<vmem>>, vector<16xf32>,
    tpu.vector_store %arg13[%swap3A_835, %swap3A_836], %broadcast_in_dim3A_25 {strides = array<i32>} : memref<640x32xf32, #tpu.memory_space<vmem>>, vector<16xf32>,
    %swap3A_838 = arith.constant 101 : i32
    %swap3A_839 = arith.index_cast %swap3A_838 : i32 to index
    %swap3A_840 = arith.constant 16 : index
    %swap3A_841 = tpu.vector_load %arg13[%swap3A_839, %swap3A_840] {strides = array<i32>} : memref<640x32xf32, #tpu.memory_space<vmem>>, vector<16xf32>,
    tpu.vector_store %arg13[%swap3A_839, %swap3A_840], %broadcast_in_dim3A_25 {strides = array<i32>} : memref<640x32xf32, #tpu.memory_space<vmem>>, vector<16xf32>,
    %swap3A_842 = arith.constant 102 : i32
    %swap3A_843 = arith.index_cast %swap3A_842 : i32 to index
    %swap3A_844 = arith.constant 0 : index
    %swap3A_845 = tpu.vector_load %arg13[%swap3A_843, %swap3A_844] {strides = array<i32>} : memref<640x32xf32, #tpu.memory_space<vmem>>, vector<16xf32>,
    tpu.vector_store %arg13[%swap3A_843, %swap3A_844], %broadcast_in_dim3A_25 {strides = array<i32>} : memref<640x32xf32, #tpu.memory_space<vmem>>, vector<16xf32>,
    %swap3A_846 = arith.constant 102 : i32
    %swap3A_847 = arith.index_cast %swap3A_846 : i32 to index
    %swap3A_848 = arith.constant 16 : index
    %swap3A_849 = tpu.vector_load %arg13[%swap3A_847, %swap3A_848] {strides = array<i32>} : memref<640x32xf32, #tpu.memory_space<vmem>>, vector<16xf32>,
    tpu.vector_store %arg13[%swap3A_847, %swap3A_848], %broadcast_in_dim3A_25 {strides = array<i32>} : memref<640x32xf32, #tpu.memory_space<vmem>>, vector<16xf32>,
    %swap3A_850 = arith.constant 103 : i32
    %swap3A_851 = arith.index_cast %swap3A_850 : i32 to index
    %swap3A_852 = arith.constant 0 : index
    %swap3A_853 = tpu.vector_load %arg13[%swap3A_851, %swap3A_852] {strides = array<i32>} : memref<640x32xf32, #tpu.memory_space<vmem>>, vector<16xf32>,
    tpu.vector_store %arg13[%swap3A_851, %swap3A_852], %broadcast_in_dim3A_25 {strides = array<i32>} : memref<640x32xf32, #tpu.memory_space<vmem>>, vector<16xf32>,
    %swap3A_854 = arith.constant 103 : i32
    %swap3A_855 = arith.index_cast %swap3A_854 : i32 to index
    %swap3A_856 = arith.constant 16 : index
    %swap3A_857 = tpu.vector_load %arg13[%swap3A_855, %swap3A_856] {strides = array<i32>} : memref<640x32xf32, #tpu.memory_space<vmem>>, vector<16xf32>,
    tpu.vector_store %arg13[%swap3A_855, %swap3A_856], %broadcast_in_dim3A_25 {strides = array<i32>} : memref<640x32xf32, #tpu.memory_space<vmem>>, vector<16xf32>,
    %swap3A_858 = arith.constant 104 : i32
    %swap3A_859 = arith.index_cast %swap3A_858 : i32 to index
    %swap3A_860 = arith.constant 0 : index
    %swap3A_861 = tpu.vector_load %arg13[%swap3A_859, %swap3A_860] {strides = array<i32>} : memref<640x32xf32, #tpu.memory_space<vmem>>, vector<16xf32>,
    tpu.vector_store %arg13[%swap3A_859, %swap3A_860], %broadcast_in_dim3A_25 {strides = array<i32>} : memref<640x32xf32, #tpu.memory_space<vmem>>, vector<16xf32>,
    %swap3A_862 = arith.constant 104 : i32
    %swap3A_863 = arith.index_cast %swap3A_862 : i32 to index
    %swap3A_864 = arith.constant 16 : index
    %swap3A_865 = tpu.vector_load %arg13[%swap3A_863, %swap3A_864] {strides = array<i32>} : memref<640x32xf32, #tpu.memory_space<vmem>>, vector<16xf32>,
    tpu.vector_store %arg13[%swap3A_863, %swap3A_864], %broadcast_in_dim3A_25 {strides = array<i32>} : memref<640x32xf32, #tpu.memory_space<vmem>>, vector<16xf32>,
    %swap3A_866 = arith.constant 105 : i32
    %swap3A_867 = arith.index_cast %swap3A_866 : i32 to index
    %swap3A_868 = arith.constant 0 : index
    %swap3A_869 = tpu.vector_load %arg13[%swap3A_867, %swap3A_868] {strides = array<i32>} : memref<640x32xf32, #tpu.memory_space<vmem>>, vector<16xf32>,
    tpu.vector_store %arg13[%swap3A_867, %swap3A_868], %broadcast_in_dim3A_25 {strides = array<i32>} : memref<640x32xf32, #tpu.memory_space<vmem>>, vector<16xf32>,
    %swap3A_870 = arith.constant 105 : i32
    %swap3A_871 = arith.index_cast %swap3A_870 : i32 to index
    %swap3A_872 = arith.constant 16 : index
    %swap3A_873 = tpu.vector_load %arg13[%swap3A_871, %swap3A_872] {strides = array<i32>} : memref<640x32xf32, #tpu.memory_space<vmem>>, vector<16xf32>,
    tpu.vector_store %arg13[%swap3A_871, %swap3A_872], %broadcast_in_dim3A_25 {strides = array<i32>} : memref<640x32xf32, #tpu.memory_space<vmem>>, vector<16xf32>,
    %swap3A_874 = arith.constant 106 : i32
    %swap3A_875 = arith.index_cast %swap3A_874 : i32 to index
    %swap3A_876 = arith.constant 0 : index
    %swap3A_877 = tpu.vector_load %arg13[%swap3A_875, %swap3A_876] {strides = array<i32>} : memref<640x32xf32, #tpu.memory_space<vmem>>, vector<16xf32>,
    tpu.vector_store %arg13[%swap3A_875, %swap3A_876], %broadcast_in_dim3A_25 {strides = array<i32>} : memref<640x32xf32, #tpu.memory_space<vmem>>, vector<16xf32>,
    %swap3A_878 = arith.constant 106 : i32
    %swap3A_879 = arith.index_cast %swap3A_878 : i32 to index
    %swap3A_880 = arith.constant 16 : index
    %swap3A_881 = tpu.vector_load %arg13[%swap3A_879, %swap3A_880] {strides = array<i32>} : memref<640x32xf32, #tpu.memory_space<vmem>>, vector<16xf32>,
    tpu.vector_store %arg13[%swap3A_879, %swap3A_880], %broadcast_in_dim3A_25 {strides = array<i32>} : memref<640x32xf32, #tpu.memory_space<vmem>>, vector<16xf32>,
    %swap3A_882 = arith.constant 107 : i32
    %swap3A_883 = arith.index_cast %swap3A_882 : i32 to index
    %swap3A_884 = arith.constant 0 : index
    %swap3A_885 = tpu.vector_load %arg13[%swap3A_883, %swap3A_884] {strides = array<i32>} : memref<640x32xf32, #tpu.memory_space<vmem>>, vector<16xf32>,
    tpu.vector_store %arg13[%swap3A_883, %swap3A_884], %broadcast_in_dim3A_25 {strides = array<i32>} : memref<640x32xf32, #tpu.memory_space<vmem>>, vector<16xf32>,
    %swap3A_886 = arith.constant 107 : i32
    %swap3A_887 = arith.index_cast %swap3A_886 : i32 to index
    %swap3A_888 = arith.constant 16 : index
    %swap3A_889 = tpu.vector_load %arg13[%swap3A_887, %swap3A_888] {strides = array<i32>} : memref<640x32xf32, #tpu.memory_space<vmem>>, vector<16xf32>,
    tpu.vector_store %arg13[%swap3A_887, %swap3A_888], %broadcast_in_dim3A_25 {strides = array<i32>} : memref<640x32xf32, #tpu.memory_space<vmem>>, vector<16xf32>,
    %swap3A_890 = arith.constant 108 : i32
    %swap3A_891 = arith.index_cast %swap3A_890 : i32 to index
    %swap3A_892 = arith.constant 0 : index
    %swap3A_893 = tpu.vector_load %arg13[%swap3A_891, %swap3A_892] {strides = array<i32>} : memref<640x32xf32, #tpu.memory_space<vmem>>, vector<16xf32>,
    tpu.vector_store %arg13[%swap3A_891, %swap3A_892], %broadcast_in_dim3A_25 {strides = array<i32>} : memref<640x32xf32, #tpu.memory_space<vmem>>, vector<16xf32>,
    %swap3A_894 = arith.constant 108 : i32
    %swap3A_895 = arith.index_cast %swap3A_894 : i32 to index
    %swap3A_896 = arith.constant 16 : index
    %swap3A_897 = tpu.vector_load %arg13[%swap3A_895, %swap3A_896] {strides = array<i32>} : memref<640x32xf32, #tpu.memory_space<vmem>>, vector<16xf32>,
    tpu.vector_store %arg13[%swap3A_895, %swap3A_896], %broadcast_in_dim3A_25 {strides = array<i32>} : memref<640x32xf32, #tpu.memory_space<vmem>>, vector<16xf32>,
    %swap3A_898 = arith.constant 109 : i32
    %swap3A_899 = arith.index_cast %swap3A_898 : i32 to index
    %swap3A_900 = arith.constant 0 : index
    %swap3A_901 = tpu.vector_load %arg13[%swap3A_899, %swap3A_900] {strides = array<i32>} : memref<640x32xf32, #tpu.memory_space<vmem>>, vector<16xf32>,
    tpu.vector_store %arg13[%swap3A_899, %swap3A_900], %broadcast_in_dim3A_25 {strides = array<i32>} : memref<640x32xf32, #tpu.memory_space<vmem>>, vector<16xf32>,
    %swap3A_902 = arith.constant 109 : i32
    %swap3A_903 = arith.index_cast %swap3A_902 : i32 to index
    %swap3A_904 = arith.constant 16 : index
    %swap3A_905 = tpu.vector_load %arg13[%swap3A_903, %swap3A_904] {strides = array<i32>} : memref<640x32xf32, #tpu.memory_space<vmem>>, vector<16xf32>,
    tpu.vector_store %arg13[%swap3A_903, %swap3A_904], %broadcast_in_dim3A_25 {strides = array<i32>} : memref<640x32xf32, #tpu.memory_space<vmem>>, vector<16xf32>,
    %swap3A_906 = arith.constant 110 : i32
    %swap3A_907 = arith.index_cast %swap3A_906 : i32 to index
    %swap3A_908 = arith.constant 0 : index
    %swap3A_909 = tpu.vector_load %arg13[%swap3A_907, %swap3A_908] {strides = array<i32>} : memref<640x32xf32, #tpu.memory_space<vmem>>, vector<16xf32>,
    tpu.vector_store %arg13[%swap3A_907, %swap3A_908], %broadcast_in_dim3A_25 {strides = array<i32>} : memref<640x32xf32, #tpu.memory_space<vmem>>, vector<16xf32>,
    %swap3A_910 = arith.constant 110 : i32
    %swap3A_911 = arith.index_cast %swap3A_910 : i32 to index
    %swap3A_912 = arith.constant 16 : index
    %swap3A_913 = tpu.vector_load %arg13[%swap3A_911, %swap3A_912] {strides = array<i32>} : memref<640x32xf32, #tpu.memory_space<vmem>>, vector<16xf32>,
    tpu.vector_store %arg13[%swap3A_911, %swap3A_912], %broadcast_in_dim3A_25 {strides = array<i32>} : memref<640x32xf32, #tpu.memory_space<vmem>>, vector<16xf32>,
    %swap3A_914 = arith.constant 111 : i32
    %swap3A_915 = arith.index_cast %swap3A_914 : i32 to index
    %swap3A_916 = arith.constant 0 : index
    %swap3A_917 = tpu.vector_load %arg13[%swap3A_915, %swap3A_916] {strides = array<i32>} : memref<640x32xf32, #tpu.memory_space<vmem>>, vector<16xf32>,
    tpu.vector_store %arg13[%swap3A_915, %swap3A_916], %broadcast_in_dim3A_25 {strides = array<i32>} : memref<640x32xf32, #tpu.memory_space<vmem>>, vector<16xf32>,
    %swap3A_918 = arith.constant 111 : i32
    %swap3A_919 = arith.index_cast %swap3A_918 : i32 to index
    %swap3A_920 = arith.constant 16 : index
    %swap3A_921 = tpu.vector_load %arg13[%swap3A_919, %swap3A_920] {strides = array<i32>} : memref<640x32xf32, #tpu.memory_space<vmem>>, vector<16xf32>,
    tpu.vector_store %arg13[%swap3A_919, %swap3A_920], %broadcast_in_dim3A_25 {strides = array<i32>} : memref<640x32xf32, #tpu.memory_space<vmem>>, vector<16xf32>,
    %swap3A_922 = arith.constant 112 : i32
    %swap3A_923 = arith.index_cast %swap3A_922 : i32 to index
    %swap3A_924 = arith.constant 0 : index
    %swap3A_925 = tpu.vector_load %arg13[%swap3A_923, %swap3A_924] {strides = array<i32>} : memref<640x32xf32, #tpu.memory_space<vmem>>, vector<16xf32>,
    tpu.vector_store %arg13[%swap3A_923, %swap3A_924], %broadcast_in_dim3A_25 {strides = array<i32>} : memref<640x32xf32, #tpu.memory_space<vmem>>, vector<16xf32>,
    %swap3A_926 = arith.constant 112 : i32
    %swap3A_927 = arith.index_cast %swap3A_926 : i32 to index
    %swap3A_928 = arith.constant 16 : index
    %swap3A_929 = tpu.vector_load %arg13[%swap3A_927, %swap3A_928] {strides = array<i32>} : memref<640x32xf32, #tpu.memory_space<vmem>>, vector<16xf32>,
    tpu.vector_store %arg13[%swap3A_927, %swap3A_928], %broadcast_in_dim3A_25 {strides = array<i32>} : memref<640x32xf32, #tpu.memory_space<vmem>>, vector<16xf32>,
    %swap3A_930 = arith.constant 113 : i32
    %swap3A_931 = arith.index_cast %swap3A_930 : i32 to index
    %swap3A_932 = arith.constant 0 : index
    %swap3A_933 = tpu.vector_load %arg13[%swap3A_931, %swap3A_932] {strides = array<i32>} : memref<640x32xf32, #tpu.memory_space<vmem>>, vector<16xf32>,
    tpu.vector_store %arg13[%swap3A_931, %swap3A_932], %broadcast_in_dim3A_25 {strides = array<i32>} : memref<640x32xf32, #tpu.memory_space<vmem>>, vector<16xf32>,
    %swap3A_934 = arith.constant 113 : i32
    %swap3A_935 = arith.index_cast %swap3A_934 : i32 to index
    %swap3A_936 = arith.constant 16 : index
    %swap3A_937 = tpu.vector_load %arg13[%swap3A_935, %swap3A_936] {strides = array<i32>} : memref<640x32xf32, #tpu.memory_space<vmem>>, vector<16xf32>,
    tpu.vector_store %arg13[%swap3A_935, %swap3A_936], %broadcast_in_dim3A_25 {strides = array<i32>} : memref<640x32xf32, #tpu.memory_space<vmem>>, vector<16xf32>,
    %swap3A_938 = arith.constant 114 : i32
    %swap3A_939 = arith.index_cast %swap3A_938 : i32 to index
    %swap3A_940 = arith.constant 0 : index
    %swap3A_941 = tpu.vector_load %arg13[%swap3A_939, %swap3A_940] {strides = array<i32>} : memref<640x32xf32, #tpu.memory_space<vmem>>, vector<16xf32>,
    tpu.vector_store %arg13[%swap3A_939, %swap3A_940], %broadcast_in_dim3A_25 {strides = array<i32>} : memref<640x32xf32, #tpu.memory_space<vmem>>, vector<16xf32>,
    %swap3A_942 = arith.constant 114 : i32
    %swap3A_943 = arith.index_cast %swap3A_942 : i32 to index
    %swap3A_944 = arith.constant 16 : index
    %swap3A_945 = tpu.vector_load %arg13[%swap3A_943, %swap3A_944] {strides = array<i32>} : memref<640x32xf32, #tpu.memory_space<vmem>>, vector<16xf32>,
    tpu.vector_store %arg13[%swap3A_943, %swap3A_944], %broadcast_in_dim3A_25 {strides = array<i32>} : memref<640x32xf32, #tpu.memory_space<vmem>>, vector<16xf32>,
    %swap3A_946 = arith.constant 115 : i32
    %swap3A_947 = arith.index_cast %swap3A_946 : i32 to index
    %swap3A_948 = arith.constant 0 : index
    %swap3A_949 = tpu.vector_load %arg13[%swap3A_947, %swap3A_948] {strides = array<i32>} : memref<640x32xf32, #tpu.memory_space<vmem>>, vector<16xf32>,
    tpu.vector_store %arg13[%swap3A_947, %swap3A_948], %broadcast_in_dim3A_25 {strides = array<i32>} : memref<640x32xf32, #tpu.memory_space<vmem>>, vector<16xf32>,
    %swap3A_950 = arith.constant 115 : i32
    %swap3A_951 = arith.index_cast %swap3A_950 : i32 to index
    %swap3A_952 = arith.constant 16 : index
    %swap3A_953 = tpu.vector_load %arg13[%swap3A_951, %swap3A_952] {strides = array<i32>} : memref<640x32xf32, #tpu.memory_space<vmem>>, vector<16xf32>,
    tpu.vector_store %arg13[%swap3A_951, %swap3A_952], %broadcast_in_dim3A_25 {strides = array<i32>} : memref<640x32xf32, #tpu.memory_space<vmem>>, vector<16xf32>,
    %swap3A_954 = arith.constant 116 : i32
    %swap3A_955 = arith.index_cast %swap3A_954 : i32 to index
    %swap3A_956 = arith.constant 0 : index
    %swap3A_957 = tpu.vector_load %arg13[%swap3A_955, %swap3A_956] {strides = array<i32>} : memref<640x32xf32, #tpu.memory_space<vmem>>, vector<16xf32>,
    tpu.vector_store %arg13[%swap3A_955, %swap3A_956], %broadcast_in_dim3A_25 {strides = array<i32>} : memref<640x32xf32, #tpu.memory_space<vmem>>, vector<16xf32>,
    %swap3A_958 = arith.constant 116 : i32
    %swap3A_959 = arith.index_cast %swap3A_958 : i32 to index
    %swap3A_960 = arith.constant 16 : index
    %swap3A_961 = tpu.vector_load %arg13[%swap3A_959, %swap3A_960] {strides = array<i32>} : memref<640x32xf32, #tpu.memory_space<vmem>>, vector<16xf32>,
    tpu.vector_store %arg13[%swap3A_959, %swap3A_960], %broadcast_in_dim3A_25 {strides = array<i32>} : memref<640x32xf32, #tpu.memory_space<vmem>>, vector<16xf32>,
    %swap3A_962 = arith.constant 117 : i32
    %swap3A_963 = arith.index_cast %swap3A_962 : i32 to index
    %swap3A_964 = arith.constant 0 : index
    %swap3A_965 = tpu.vector_load %arg13[%swap3A_963, %swap3A_964] {strides = array<i32>} : memref<640x32xf32, #tpu.memory_space<vmem>>, vector<16xf32>,
    tpu.vector_store %arg13[%swap3A_963, %swap3A_964], %broadcast_in_dim3A_25 {strides = array<i32>} : memref<640x32xf32, #tpu.memory_space<vmem>>, vector<16xf32>,
    %swap3A_966 = arith.constant 117 : i32
    %swap3A_967 = arith.index_cast %swap3A_966 : i32 to index
    %swap3A_968 = arith.constant 16 : index
    %swap3A_969 = tpu.vector_load %arg13[%swap3A_967, %swap3A_968] {strides = array<i32>} : memref<640x32xf32, #tpu.memory_space<vmem>>, vector<16xf32>,
    tpu.vector_store %arg13[%swap3A_967, %swap3A_968], %broadcast_in_dim3A_25 {strides = array<i32>} : memref<640x32xf32, #tpu.memory_space<vmem>>, vector<16xf32>,
    %swap3A_970 = arith.constant 118 : i32
    %swap3A_971 = arith.index_cast %swap3A_970 : i32 to index
    %swap3A_972 = arith.constant 0 : index
    %swap3A_973 = tpu.vector_load %arg13[%swap3A_971, %swap3A_972] {strides = array<i32>} : memref<640x32xf32, #tpu.memory_space<vmem>>, vector<16xf32>,
    tpu.vector_store %arg13[%swap3A_971, %swap3A_972], %broadcast_in_dim3A_25 {strides = array<i32>} : memref<640x32xf32, #tpu.memory_space<vmem>>, vector<16xf32>,
    %swap3A_974 = arith.constant 118 : i32
    %swap3A_975 = arith.index_cast %swap3A_974 : i32 to index
    %swap3A_976 = arith.constant 16 : index
    %swap3A_977 = tpu.vector_load %arg13[%swap3A_975, %swap3A_976] {strides = array<i32>} : memref<640x32xf32, #tpu.memory_space<vmem>>, vector<16xf32>,
    tpu.vector_store %arg13[%swap3A_975, %swap3A_976], %broadcast_in_dim3A_25 {strides = array<i32>} : memref<640x32xf32, #tpu.memory_space<vmem>>, vector<16xf32>,
    %swap3A_978 = arith.constant 119 : i32
    %swap3A_979 = arith.index_cast %swap3A_978 : i32 to index
    %swap3A_980 = arith.constant 0 : index
    %swap3A_981 = tpu.vector_load %arg13[%swap3A_979, %swap3A_980] {strides = array<i32>} : memref<640x32xf32, #tpu.memory_space<vmem>>, vector<16xf32>,
    tpu.vector_store %arg13[%swap3A_979, %swap3A_980], %broadcast_in_dim3A_25 {strides = array<i32>} : memref<640x32xf32, #tpu.memory_space<vmem>>, vector<16xf32>,
    %swap3A_982 = arith.constant 119 : i32
    %swap3A_983 = arith.index_cast %swap3A_982 : i32 to index
    %swap3A_984 = arith.constant 16 : index
    %swap3A_985 = tpu.vector_load %arg13[%swap3A_983, %swap3A_984] {strides = array<i32>} : memref<640x32xf32, #tpu.memory_space<vmem>>, vector<16xf32>,
    tpu.vector_store %arg13[%swap3A_983, %swap3A_984], %broadcast_in_dim3A_25 {strides = array<i32>} : memref<640x32xf32, #tpu.memory_space<vmem>>, vector<16xf32>,
    %swap3A_986 = arith.constant 120 : i32
    %swap3A_987 = arith.index_cast %swap3A_986 : i32 to index
    %swap3A_988 = arith.constant 0 : index
    %swap3A_989 = tpu.vector_load %arg13[%swap3A_987, %swap3A_988] {strides = array<i32>} : memref<640x32xf32, #tpu.memory_space<vmem>>, vector<16xf32>,
    tpu.vector_store %arg13[%swap3A_987, %swap3A_988], %broadcast_in_dim3A_25 {strides = array<i32>} : memref<640x32xf32, #tpu.memory_space<vmem>>, vector<16xf32>,
    %swap3A_990 = arith.constant 120 : i32
    %swap3A_991 = arith.index_cast %swap3A_990 : i32 to index
    %swap3A_992 = arith.constant 16 : index
    %swap3A_993 = tpu.vector_load %arg13[%swap3A_991, %swap3A_992] {strides = array<i32>} : memref<640x32xf32, #tpu.memory_space<vmem>>, vector<16xf32>,
    tpu.vector_store %arg13[%swap3A_991, %swap3A_992], %broadcast_in_dim3A_25 {strides = array<i32>} : memref<640x32xf32, #tpu.memory_space<vmem>>, vector<16xf32>,
    %swap3A_994 = arith.constant 121 : i32
    %swap3A_995 = arith.index_cast %swap3A_994 : i32 to index
    %swap3A_996 = arith.constant 0 : index
    %swap3A_997 = tpu.vector_load %arg13[%swap3A_995, %swap3A_996] {strides = array<i32>} : memref<640x32xf32, #tpu.memory_space<vmem>>, vector<16xf32>,
    tpu.vector_store %arg13[%swap3A_995, %swap3A_996], %broadcast_in_dim3A_25 {strides = array<i32>} : memref<640x32xf32, #tpu.memory_space<vmem>>, vector<16xf32>,
    %swap3A_998 = arith.constant 121 : i32
    %swap3A_999 = arith.index_cast %swap3A_998 : i32 to index
    %swap3A_1000 = arith.constant 16 : index
    %swap3A_1001 = tpu.vector_load %arg13[%swap3A_999, %swap3A_1000] {strides = array<i32>} : memref<640x32xf32, #tpu.memory_space<vmem>>, vector<16xf32>,
    tpu.vector_store %arg13[%swap3A_999, %swap3A_1000], %broadcast_in_dim3A_25 {strides = array<i32>} : memref<640x32xf32, #tpu.memory_space<vmem>>, vector<16xf32>,
    %swap3A_1002 = arith.constant 122 : i32
    %swap3A_1003 = arith.index_cast %swap3A_1002 : i32 to index
    %swap3A_1004 = arith.constant 0 : index
    %swap3A_1005 = tpu.vector_load %arg13[%swap3A_1003, %swap3A_1004] {strides = array<i32>} : memref<640x32xf32, #tpu.memory_space<vmem>>, vector<16xf32>,
    tpu.vector_store %arg13[%swap3A_1003, %swap3A_1004], %broadcast_in_dim3A_25 {strides = array<i32>} : memref<640x32xf32, #tpu.memory_space<vmem>>, vector<16xf32>,
    %swap3A_1006 = arith.constant 122 : i32
    %swap3A_1007 = arith.index_cast %swap3A_1006 : i32 to index
    %swap3A_1008 = arith.constant 16 : index
    %swap3A_1009 = tpu.vector_load %arg13[%swap3A_1007, %swap3A_1008] {strides = array<i32>} : memref<640x32xf32, #tpu.memory_space<vmem>>, vector<16xf32>,
    tpu.vector_store %arg13[%swap3A_1007, %swap3A_1008], %broadcast_in_dim3A_25 {strides = array<i32>} : memref<640x32xf32, #tpu.memory_space<vmem>>, vector<16xf32>,
    %swap3A_1010 = arith.constant 123 : i32
    %swap3A_1011 = arith.index_cast %swap3A_1010 : i32 to index
    %swap3A_1012 = arith.constant 0 : index
    %swap3A_1013 = tpu.vector_load %arg13[%swap3A_1011, %swap3A_1012] {strides = array<i32>} : memref<640x32xf32, #tpu.memory_space<vmem>>, vector<16xf32>,
    tpu.vector_store %arg13[%swap3A_1011, %swap3A_1012], %broadcast_in_dim3A_25 {strides = array<i32>} : memref<640x32xf32, #tpu.memory_space<vmem>>, vector<16xf32>,
    %swap3A_1014 = arith.constant 123 : i32
    %swap3A_1015 = arith.index_cast %swap3A_1014 : i32 to index
    %swap3A_1016 = arith.constant 16 : index
    %swap3A_1017 = tpu.vector_load %arg13[%swap3A_1015, %swap3A_1016] {strides = array<i32>} : memref<640x32xf32, #tpu.memory_space<vmem>>, vector<16xf32>,
    tpu.vector_store %arg13[%swap3A_1015, %swap3A_1016], %broadcast_in_dim3A_25 {strides = array<i32>} : memref<640x32xf32, #tpu.memory_space<vmem>>, vector<16xf32>,
    %swap3A_1018 = arith.constant 124 : i32
    %swap3A_1019 = arith.index_cast %swap3A_1018 : i32 to index
    %swap3A_1020 = arith.constant 0 : index
    %swap3A_1021 = tpu.vector_load %arg13[%swap3A_1019, %swap3A_1020] {strides = array<i32>} : memref<640x32xf32, #tpu.memory_space<vmem>>, vector<16xf32>,
    tpu.vector_store %arg13[%swap3A_1019, %swap3A_1020], %broadcast_in_dim3A_25 {strides = array<i32>} : memref<640x32xf32, #tpu.memory_space<vmem>>, vector<16xf32>,
    %swap3A_1022 = arith.constant 124 : i32
    %swap3A_1023 = arith.index_cast %swap3A_1022 : i32 to index
    %swap3A_1024 = arith.constant 16 : index
    %swap3A_1025 = tpu.vector_load %arg13[%swap3A_1023, %swap3A_1024] {strides = array<i32>} : memref<640x32xf32, #tpu.memory_space<vmem>>, vector<16xf32>,
    tpu.vector_store %arg13[%swap3A_1023, %swap3A_1024], %broadcast_in_dim3A_25 {strides = array<i32>} : memref<640x32xf32, #tpu.memory_space<vmem>>, vector<16xf32>,
    %swap3A_1026 = arith.constant 125 : i32
    %swap3A_1027 = arith.index_cast %swap3A_1026 : i32 to index
    %swap3A_1028 = arith.constant 0 : index
    %swap3A_1029 = tpu.vector_load %arg13[%swap3A_1027, %swap3A_1028] {strides = array<i32>} : memref<640x32xf32, #tpu.memory_space<vmem>>, vector<16xf32>,
    tpu.vector_store %arg13[%swap3A_1027, %swap3A_1028], %broadcast_in_dim3A_25 {strides = array<i32>} : memref<640x32xf32, #tpu.memory_space<vmem>>, vector<16xf32>,
    %swap3A_1030 = arith.constant 125 : i32
    %swap3A_1031 = arith.index_cast %swap3A_1030 : i32 to index
    %swap3A_1032 = arith.constant 16 : index
    %swap3A_1033 = tpu.vector_load %arg13[%swap3A_1031, %swap3A_1032] {strides = array<i32>} : memref<640x32xf32, #tpu.memory_space<vmem>>, vector<16xf32>,
    tpu.vector_store %arg13[%swap3A_1031, %swap3A_1032], %broadcast_in_dim3A_25 {strides = array<i32>} : memref<640x32xf32, #tpu.memory_space<vmem>>, vector<16xf32>,
    %swap3A_1034 = arith.constant 126 : i32
    %swap3A_1035 = arith.index_cast %swap3A_1034 : i32 to index
    %swap3A_1036 = arith.constant 0 : index
    %swap3A_1037 = tpu.vector_load %arg13[%swap3A_1035, %swap3A_1036] {strides = array<i32>} : memref<640x32xf32, #tpu.memory_space<vmem>>, vector<16xf32>,
    tpu.vector_store %arg13[%swap3A_1035, %swap3A_1036], %broadcast_in_dim3A_25 {strides = array<i32>} : memref<640x32xf32, #tpu.memory_space<vmem>>, vector<16xf32>,
    %swap3A_1038 = arith.constant 126 : i32
    %swap3A_1039 = arith.index_cast %swap3A_1038 : i32 to index
    %swap3A_1040 = arith.constant 16 : index
    %swap3A_1041 = tpu.vector_load %arg13[%swap3A_1039, %swap3A_1040] {strides = array<i32>} : memref<640x32xf32, #tpu.memory_space<vmem>>, vector<16xf32>,
    tpu.vector_store %arg13[%swap3A_1039, %swap3A_1040], %broadcast_in_dim3A_25 {strides = array<i32>} : memref<640x32xf32, #tpu.memory_space<vmem>>, vector<16xf32>,
    %swap3A_1042 = arith.constant 127 : i32
    %swap3A_1043 = arith.index_cast %swap3A_1042 : i32 to index
    %swap3A_1044 = arith.constant 0 : index
    %swap3A_1045 = tpu.vector_load %arg13[%swap3A_1043, %swap3A_1044] {strides = array<i32>} : memref<640x32xf32, #tpu.memory_space<vmem>>, vector<16xf32>,
    tpu.vector_store %arg13[%swap3A_1043, %swap3A_1044], %broadcast_in_dim3A_25 {strides = array<i32>} : memref<640x32xf32, #tpu.memory_space<vmem>>, vector<16xf32>,
    %swap3A_1046 = arith.constant 127 : i32
    %swap3A_1047 = arith.index_cast %swap3A_1046 : i32 to index
    %swap3A_1048 = arith.constant 16 : index
    %swap3A_1049 = tpu.vector_load %arg13[%swap3A_1047, %swap3A_1048] {strides = array<i32>} : memref<640x32xf32, #tpu.memory_space<vmem>>, vector<16xf32>,
    tpu.vector_store %arg13[%swap3A_1047, %swap3A_1048], %broadcast_in_dim3A_25 {strides = array<i32>} : memref<640x32xf32, #tpu.memory_space<vmem>>, vector<16xf32>,
    %mul3A_1050 = arith.constant 1024 : i32
    %mul3A_1051 = arith.muli %arg1, %mul3A_1050 : i32
    %add3A_1052 = arith.constant 0 : i32
    %add3A_1053 = arith.addi %mul3A_1051, %add3A_1052 : i32
    "tpu.region"() ({
      %run_scoped3A = tpu.sem_alloc : memref<!tpu.dma_semaphore, #tpu.memory_space<semaphore_mem>>
      %dma_start3A_1175 = arith.constant 0 : i32
      %dma_start3A_1176 = arith.constant 0 : i32
      %dma_start3A_1177 = tpu.memref_slice %arg13[%dma_start3A_1175, %dma_start3A_1176] : memref<640x32xf32, #tpu.memory_space<vmem>> -> memref<128x32xf32, #tpu.memory_space<vmem>>
      %dma_start3A_1178 = arith.constant 0 : i32
      %dma_start3A_1179 = tpu.memref_slice %arg6[%add3A_1053, %dma_start3A_1178] : memref<16384x32xf32, #tpu.memory_space<vmem_shared>> -> memref<128x32xf32, #tpu.memory_space<vmem_shared>>
      %dma_start3A_1180 = arith.constant 0 : i32
      %dma_start3A_1181 = tpu.memref_slice %arg6[%add3A_1053, %dma_start3A_1180] : memref<16384x32xf32, #tpu.memory_space<vmem_shared>> -> memref<128x32xf32, #tpu.memory_space<vmem_shared>>
      %dma_start3A_1182 = arith.constant 0 : i32
      %dma_start3A_1183 = arith.constant 0 : i32
      %dma_start3A_1184 = tpu.memref_slice %arg13[%dma_start3A_1182, %dma_start3A_1183] : memref<640x32xf32, #tpu.memory_space<vmem>> -> memref<128x32xf32, #tpu.memory_space<vmem>>
      tpu.enqueue_dma source(%dma_start3A_1184 : memref<128x32xf32, #tpu.memory_space<vmem>>) target(%dma_start3A_1181 : memref<128x32xf32, #tpu.memory_space<vmem_shared>>) target_semaphore(%run_scoped3A : memref<!tpu.dma_semaphore, #tpu.memory_space<semaphore_mem>>)
      %dma_wait3A_1185 = arith.constant 0 : i32
      %dma_wait3A_1186 = arith.constant 0 : i32
      %dma_wait3A_1187 = tpu.memref_slice %arg13[%dma_wait3A_1185, %dma_wait3A_1186] : memref<640x32xf32, #tpu.memory_space<vmem>> -> memref<128x32xf32, #tpu.memory_space<vmem>>
      %dma_wait3A_1188 = arith.constant 0 : i32
      %dma_wait3A_1189 = tpu.memref_slice %arg6[%add3A_1053, %dma_wait3A_1188] : memref<16384x32xf32, #tpu.memory_space<vmem_shared>> -> memref<128x32xf32, #tpu.memory_space<vmem_shared>>
      %dma_wait3A_1190 = arith.constant 0 : i32
      %dma_wait3A_1191 = tpu.memref_slice %arg6[%add3A_1053, %dma_wait3A_1190] : memref<16384x32xf32, #tpu.memory_space<vmem_shared>> -> memref<128x32xf32, #tpu.memory_space<vmem_shared>>
      %dma_wait3A_1192 = arith.constant 0 : i32
      %dma_wait3A_1193 = arith.constant 0 : i32
      %dma_wait3A_1194 = tpu.memref_slice %arg13[%dma_wait3A_1192, %dma_wait3A_1193] : memref<640x32xf32, #tpu.memory_space<vmem>> -> memref<128x32xf32, #tpu.memory_space<vmem>>
      tpu.wait_dma2 semaphore(%run_scoped3A : memref<!tpu.dma_semaphore, #tpu.memory_space<semaphore_mem>>) src(%dma_wait3A_1194 : memref<128x32xf32, #tpu.memory_space<vmem>>) dst(%dma_wait3A_1191 : memref<128x32xf32, #tpu.memory_space<vmem_shared>>)
      tpu.yield
    }) : () -> ()
    %mul3A_1054 = arith.constant 1024 : i32
    %mul3A_1055 = arith.muli %arg1, %mul3A_1054 : i32
    %add3A_1056 = arith.constant 128 : i32
    %add3A_1057 = arith.addi %mul3A_1055, %add3A_1056 : i32
    "tpu.region"() ({
      %run_scoped3A = tpu.sem_alloc : memref<!tpu.dma_semaphore, #tpu.memory_space<semaphore_mem>>
      %dma_start3A_1175 = arith.constant 0 : i32
      %dma_start3A_1176 = arith.constant 0 : i32
      %dma_start3A_1177 = tpu.memref_slice %arg13[%dma_start3A_1175, %dma_start3A_1176] : memref<640x32xf32, #tpu.memory_space<vmem>> -> memref<128x32xf32, #tpu.memory_space<vmem>>
      %dma_start3A_1178 = arith.constant 0 : i32
      %dma_start3A_1179 = tpu.memref_slice %arg6[%add3A_1057, %dma_start3A_1178] : memref<16384x32xf32, #tpu.memory_space<vmem_shared>> -> memref<128x32xf32, #tpu.memory_space<vmem_shared>>
      %dma_start3A_1180 = arith.constant 0 : i32
      %dma_start3A_1181 = tpu.memref_slice %arg6[%add3A_1057, %dma_start3A_1180] : memref<16384x32xf32, #tpu.memory_space<vmem_shared>> -> memref<128x32xf32, #tpu.memory_space<vmem_shared>>
      %dma_start3A_1182 = arith.constant 0 : i32
      %dma_start3A_1183 = arith.constant 0 : i32
      %dma_start3A_1184 = tpu.memref_slice %arg13[%dma_start3A_1182, %dma_start3A_1183] : memref<640x32xf32, #tpu.memory_space<vmem>> -> memref<128x32xf32, #tpu.memory_space<vmem>>
      tpu.enqueue_dma source(%dma_start3A_1184 : memref<128x32xf32, #tpu.memory_space<vmem>>) target(%dma_start3A_1181 : memref<128x32xf32, #tpu.memory_space<vmem_shared>>) target_semaphore(%run_scoped3A : memref<!tpu.dma_semaphore, #tpu.memory_space<semaphore_mem>>)
      %dma_wait3A_1185 = arith.constant 0 : i32
      %dma_wait3A_1186 = arith.constant 0 : i32
      %dma_wait3A_1187 = tpu.memref_slice %arg13[%dma_wait3A_1185, %dma_wait3A_1186] : memref<640x32xf32, #tpu.memory_space<vmem>> -> memref<128x32xf32, #tpu.memory_space<vmem>>
      %dma_wait3A_1188 = arith.constant 0 : i32
      %dma_wait3A_1189 = tpu.memref_slice %arg6[%add3A_1057, %dma_wait3A_1188] : memref<16384x32xf32, #tpu.memory_space<vmem_shared>> -> memref<128x32xf32, #tpu.memory_space<vmem_shared>>
      %dma_wait3A_1190 = arith.constant 0 : i32
      %dma_wait3A_1191 = tpu.memref_slice %arg6[%add3A_1057, %dma_wait3A_1190] : memref<16384x32xf32, #tpu.memory_space<vmem_shared>> -> memref<128x32xf32, #tpu.memory_space<vmem_shared>>
      %dma_wait3A_1192 = arith.constant 0 : i32
      %dma_wait3A_1193 = arith.constant 0 : i32
      %dma_wait3A_1194 = tpu.memref_slice %arg13[%dma_wait3A_1192, %dma_wait3A_1193] : memref<640x32xf32, #tpu.memory_space<vmem>> -> memref<128x32xf32, #tpu.memory_space<vmem>>
      tpu.wait_dma2 semaphore(%run_scoped3A : memref<!tpu.dma_semaphore, #tpu.memory_space<semaphore_mem>>) src(%dma_wait3A_1194 : memref<128x32xf32, #tpu.memory_space<vmem>>) dst(%dma_wait3A_1191 : memref<128x32xf32, #tpu.memory_space<vmem_shared>>)
      tpu.yield
    }) : () -> ()
    %mul3A_1058 = arith.constant 1024 : i32
    %mul3A_1059 = arith.muli %arg1, %mul3A_1058 : i32
    %add3A_1060 = arith.constant 256 : i32
    %add3A_1061 = arith.addi %mul3A_1059, %add3A_1060 : i32
    "tpu.region"() ({
      %run_scoped3A = tpu.sem_alloc : memref<!tpu.dma_semaphore, #tpu.memory_space<semaphore_mem>>
      %dma_start3A_1175 = arith.constant 0 : i32
      %dma_start3A_1176 = arith.constant 0 : i32
      %dma_start3A_1177 = tpu.memref_slice %arg13[%dma_start3A_1175, %dma_start3A_1176] : memref<640x32xf32, #tpu.memory_space<vmem>> -> memref<128x32xf32, #tpu.memory_space<vmem>>
      %dma_start3A_1178 = arith.constant 0 : i32
      %dma_start3A_1179 = tpu.memref_slice %arg6[%add3A_1061, %dma_start3A_1178] : memref<16384x32xf32, #tpu.memory_space<vmem_shared>> -> memref<128x32xf32, #tpu.memory_space<vmem_shared>>
      %dma_start3A_1180 = arith.constant 0 : i32
      %dma_start3A_1181 = tpu.memref_slice %arg6[%add3A_1061, %dma_start3A_1180] : memref<16384x32xf32, #tpu.memory_space<vmem_shared>> -> memref<128x32xf32, #tpu.memory_space<vmem_shared>>
      %dma_start3A_1182 = arith.constant 0 : i32
      %dma_start3A_1183 = arith.constant 0 : i32
      %dma_start3A_1184 = tpu.memref_slice %arg13[%dma_start3A_1182, %dma_start3A_1183] : memref<640x32xf32, #tpu.memory_space<vmem>> -> memref<128x32xf32, #tpu.memory_space<vmem>>
      tpu.enqueue_dma source(%dma_start3A_1184 : memref<128x32xf32, #tpu.memory_space<vmem>>) target(%dma_start3A_1181 : memref<128x32xf32, #tpu.memory_space<vmem_shared>>) target_semaphore(%run_scoped3A : memref<!tpu.dma_semaphore, #tpu.memory_space<semaphore_mem>>)
      %dma_wait3A_1185 = arith.constant 0 : i32
      %dma_wait3A_1186 = arith.constant 0 : i32
      %dma_wait3A_1187 = tpu.memref_slice %arg13[%dma_wait3A_1185, %dma_wait3A_1186] : memref<640x32xf32, #tpu.memory_space<vmem>> -> memref<128x32xf32, #tpu.memory_space<vmem>>
      %dma_wait3A_1188 = arith.constant 0 : i32
      %dma_wait3A_1189 = tpu.memref_slice %arg6[%add3A_1061, %dma_wait3A_1188] : memref<16384x32xf32, #tpu.memory_space<vmem_shared>> -> memref<128x32xf32, #tpu.memory_space<vmem_shared>>
      %dma_wait3A_1190 = arith.constant 0 : i32
      %dma_wait3A_1191 = tpu.memref_slice %arg6[%add3A_1061, %dma_wait3A_1190] : memref<16384x32xf32, #tpu.memory_space<vmem_shared>> -> memref<128x32xf32, #tpu.memory_space<vmem_shared>>
      %dma_wait3A_1192 = arith.constant 0 : i32
      %dma_wait3A_1193 = arith.constant 0 : i32
      %dma_wait3A_1194 = tpu.memref_slice %arg13[%dma_wait3A_1192, %dma_wait3A_1193] : memref<640x32xf32, #tpu.memory_space<vmem>> -> memref<128x32xf32, #tpu.memory_space<vmem>>
      tpu.wait_dma2 semaphore(%run_scoped3A : memref<!tpu.dma_semaphore, #tpu.memory_space<semaphore_mem>>) src(%dma_wait3A_1194 : memref<128x32xf32, #tpu.memory_space<vmem>>) dst(%dma_wait3A_1191 : memref<128x32xf32, #tpu.memory_space<vmem_shared>>)
      tpu.yield
    }) : () -> ()
    %mul3A_1062 = arith.constant 1024 : i32
    %mul3A_1063 = arith.muli %arg1, %mul3A_1062 : i32
    %add3A_1064 = arith.constant 384 : i32
    %add3A_1065 = arith.addi %mul3A_1063, %add3A_1064 : i32
    "tpu.region"() ({
      %run_scoped3A = tpu.sem_alloc : memref<!tpu.dma_semaphore, #tpu.memory_space<semaphore_mem>>
      %dma_start3A_1175 = arith.constant 0 : i32
      %dma_start3A_1176 = arith.constant 0 : i32
      %dma_start3A_1177 = tpu.memref_slice %arg13[%dma_start3A_1175, %dma_start3A_1176] : memref<640x32xf32, #tpu.memory_space<vmem>> -> memref<128x32xf32, #tpu.memory_space<vmem>>
      %dma_start3A_1178 = arith.constant 0 : i32
      %dma_start3A_1179 = tpu.memref_slice %arg6[%add3A_1065, %dma_start3A_1178] : memref<16384x32xf32, #tpu.memory_space<vmem_shared>> -> memref<128x32xf32, #tpu.memory_space<vmem_shared>>
      %dma_start3A_1180 = arith.constant 0 : i32
      %dma_start3A_1181 = tpu.memref_slice %arg6[%add3A_1065, %dma_start3A_1180] : memref<16384x32xf32, #tpu.memory_space<vmem_shared>> -> memref<128x32xf32, #tpu.memory_space<vmem_shared>>
      %dma_start3A_1182 = arith.constant 0 : i32
      %dma_start3A_1183 = arith.constant 0 : i32
      %dma_start3A_1184 = tpu.memref_slice %arg13[%dma_start3A_1182, %dma_start3A_1183] : memref<640x32xf32, #tpu.memory_space<vmem>> -> memref<128x32xf32, #tpu.memory_space<vmem>>
      tpu.enqueue_dma source(%dma_start3A_1184 : memref<128x32xf32, #tpu.memory_space<vmem>>) target(%dma_start3A_1181 : memref<128x32xf32, #tpu.memory_space<vmem_shared>>) target_semaphore(%run_scoped3A : memref<!tpu.dma_semaphore, #tpu.memory_space<semaphore_mem>>)
      %dma_wait3A_1185 = arith.constant 0 : i32
      %dma_wait3A_1186 = arith.constant 0 : i32
      %dma_wait3A_1187 = tpu.memref_slice %arg13[%dma_wait3A_1185, %dma_wait3A_1186] : memref<640x32xf32, #tpu.memory_space<vmem>> -> memref<128x32xf32, #tpu.memory_space<vmem>>
      %dma_wait3A_1188 = arith.constant 0 : i32
      %dma_wait3A_1189 = tpu.memref_slice %arg6[%add3A_1065, %dma_wait3A_1188] : memref<16384x32xf32, #tpu.memory_space<vmem_shared>> -> memref<128x32xf32, #tpu.memory_space<vmem_shared>>
      %dma_wait3A_1190 = arith.constant 0 : i32
      %dma_wait3A_1191 = tpu.memref_slice %arg6[%add3A_1065, %dma_wait3A_1190] : memref<16384x32xf32, #tpu.memory_space<vmem_shared>> -> memref<128x32xf32, #tpu.memory_space<vmem_shared>>
      %dma_wait3A_1192 = arith.constant 0 : i32
      %dma_wait3A_1193 = arith.constant 0 : i32
      %dma_wait3A_1194 = tpu.memref_slice %arg13[%dma_wait3A_1192, %dma_wait3A_1193] : memref<640x32xf32, #tpu.memory_space<vmem>> -> memref<128x32xf32, #tpu.memory_space<vmem>>
      tpu.wait_dma2 semaphore(%run_scoped3A : memref<!tpu.dma_semaphore, #tpu.memory_space<semaphore_mem>>) src(%dma_wait3A_1194 : memref<128x32xf32, #tpu.memory_space<vmem>>) dst(%dma_wait3A_1191 : memref<128x32xf32, #tpu.memory_space<vmem_shared>>)
      tpu.yield
    }) : () -> ()
    %mul3A_1066 = arith.constant 1024 : i32
    %mul3A_1067 = arith.muli %arg1, %mul3A_1066 : i32
    %add3A_1068 = arith.constant 512 : i32
    %add3A_1069 = arith.addi %mul3A_1067, %add3A_1068 : i32
    "tpu.region"() ({
      %run_scoped3A = tpu.sem_alloc : memref<!tpu.dma_semaphore, #tpu.memory_space<semaphore_mem>>
      %dma_start3A_1175 = arith.constant 0 : i32
      %dma_start3A_1176 = arith.constant 0 : i32
      %dma_start3A_1177 = tpu.memref_slice %arg13[%dma_start3A_1175, %dma_start3A_1176] : memref<640x32xf32, #tpu.memory_space<vmem>> -> memref<128x32xf32, #tpu.memory_space<vmem>>
      %dma_start3A_1178 = arith.constant 0 : i32
      %dma_start3A_1179 = tpu.memref_slice %arg6[%add3A_1069, %dma_start3A_1178] : memref<16384x32xf32, #tpu.memory_space<vmem_shared>> -> memref<128x32xf32, #tpu.memory_space<vmem_shared>>
      %dma_start3A_1180 = arith.constant 0 : i32
      %dma_start3A_1181 = tpu.memref_slice %arg6[%add3A_1069, %dma_start3A_1180] : memref<16384x32xf32, #tpu.memory_space<vmem_shared>> -> memref<128x32xf32, #tpu.memory_space<vmem_shared>>
      %dma_start3A_1182 = arith.constant 0 : i32
      %dma_start3A_1183 = arith.constant 0 : i32
      %dma_start3A_1184 = tpu.memref_slice %arg13[%dma_start3A_1182, %dma_start3A_1183] : memref<640x32xf32, #tpu.memory_space<vmem>> -> memref<128x32xf32, #tpu.memory_space<vmem>>
      tpu.enqueue_dma source(%dma_start3A_1184 : memref<128x32xf32, #tpu.memory_space<vmem>>) target(%dma_start3A_1181 : memref<128x32xf32, #tpu.memory_space<vmem_shared>>) target_semaphore(%run_scoped3A : memref<!tpu.dma_semaphore, #tpu.memory_space<semaphore_mem>>)
      %dma_wait3A_1185 = arith.constant 0 : i32
      %dma_wait3A_1186 = arith.constant 0 : i32
      %dma_wait3A_1187 = tpu.memref_slice %arg13[%dma_wait3A_1185, %dma_wait3A_1186] : memref<640x32xf32, #tpu.memory_space<vmem>> -> memref<128x32xf32, #tpu.memory_space<vmem>>
      %dma_wait3A_1188 = arith.constant 0 : i32
      %dma_wait3A_1189 = tpu.memref_slice %arg6[%add3A_1069, %dma_wait3A_1188] : memref<16384x32xf32, #tpu.memory_space<vmem_shared>> -> memref<128x32xf32, #tpu.memory_space<vmem_shared>>
      %dma_wait3A_1190 = arith.constant 0 : i32
      %dma_wait3A_1191 = tpu.memref_slice %arg6[%add3A_1069, %dma_wait3A_1190] : memref<16384x32xf32, #tpu.memory_space<vmem_shared>> -> memref<128x32xf32, #tpu.memory_space<vmem_shared>>
      %dma_wait3A_1192 = arith.constant 0 : i32
      %dma_wait3A_1193 = arith.constant 0 : i32
      %dma_wait3A_1194 = tpu.memref_slice %arg13[%dma_wait3A_1192, %dma_wait3A_1193] : memref<640x32xf32, #tpu.memory_space<vmem>> -> memref<128x32xf32, #tpu.memory_space<vmem>>
      tpu.wait_dma2 semaphore(%run_scoped3A : memref<!tpu.dma_semaphore, #tpu.memory_space<semaphore_mem>>) src(%dma_wait3A_1194 : memref<128x32xf32, #tpu.memory_space<vmem>>) dst(%dma_wait3A_1191 : memref<128x32xf32, #tpu.memory_space<vmem_shared>>)
      tpu.yield
    }) : () -> ()
    %mul3A_1070 = arith.constant 1024 : i32
    %mul3A_1071 = arith.muli %arg1, %mul3A_1070 : i32
    %add3A_1072 = arith.constant 640 : i32
    %add3A_1073 = arith.addi %mul3A_1071, %add3A_1072 : i32
    "tpu.region"() ({
      %run_scoped3A = tpu.sem_alloc : memref<!tpu.dma_semaphore, #tpu.memory_space<semaphore_mem>>
      %dma_start3A_1175 = arith.constant 0 : i32
      %dma_start3A_1176 = arith.constant 0 : i32
      %dma_start3A_1177 = tpu.memref_slice %arg13[%dma_start3A_1175, %dma_start3A_1176] : memref<640x32xf32, #tpu.memory_space<vmem>> -> memref<128x32xf32, #tpu.memory_space<vmem>>
      %dma_start3A_1178 = arith.constant 0 : i32
      %dma_start3A_1179 = tpu.memref_slice %arg6[%add3A_1073, %dma_start3A_1178] : memref<16384x32xf32, #tpu.memory_space<vmem_shared>> -> memref<128x32xf32, #tpu.memory_space<vmem_shared>>
      %dma_start3A_1180 = arith.constant 0 : i32
      %dma_start3A_1181 = tpu.memref_slice %arg6[%add3A_1073, %dma_start3A_1180] : memref<16384x32xf32, #tpu.memory_space<vmem_shared>> -> memref<128x32xf32, #tpu.memory_space<vmem_shared>>
      %dma_start3A_1182 = arith.constant 0 : i32
      %dma_start3A_1183 = arith.constant 0 : i32
      %dma_start3A_1184 = tpu.memref_slice %arg13[%dma_start3A_1182, %dma_start3A_1183] : memref<640x32xf32, #tpu.memory_space<vmem>> -> memref<128x32xf32, #tpu.memory_space<vmem>>
      tpu.enqueue_dma source(%dma_start3A_1184 : memref<128x32xf32, #tpu.memory_space<vmem>>) target(%dma_start3A_1181 : memref<128x32xf32, #tpu.memory_space<vmem_shared>>) target_semaphore(%run_scoped3A : memref<!tpu.dma_semaphore, #tpu.memory_space<semaphore_mem>>)
      %dma_wait3A_1185 = arith.constant 0 : i32
      %dma_wait3A_1186 = arith.constant 0 : i32
      %dma_wait3A_1187 = tpu.memref_slice %arg13[%dma_wait3A_1185, %dma_wait3A_1186] : memref<640x32xf32, #tpu.memory_space<vmem>> -> memref<128x32xf32, #tpu.memory_space<vmem>>
      %dma_wait3A_1188 = arith.constant 0 : i32
      %dma_wait3A_1189 = tpu.memref_slice %arg6[%add3A_1073, %dma_wait3A_1188] : memref<16384x32xf32, #tpu.memory_space<vmem_shared>> -> memref<128x32xf32, #tpu.memory_space<vmem_shared>>
      %dma_wait3A_1190 = arith.constant 0 : i32
      %dma_wait3A_1191 = tpu.memref_slice %arg6[%add3A_1073, %dma_wait3A_1190] : memref<16384x32xf32, #tpu.memory_space<vmem_shared>> -> memref<128x32xf32, #tpu.memory_space<vmem_shared>>
      %dma_wait3A_1192 = arith.constant 0 : i32
      %dma_wait3A_1193 = arith.constant 0 : i32
      %dma_wait3A_1194 = tpu.memref_slice %arg13[%dma_wait3A_1192, %dma_wait3A_1193] : memref<640x32xf32, #tpu.memory_space<vmem>> -> memref<128x32xf32, #tpu.memory_space<vmem>>
      tpu.wait_dma2 semaphore(%run_scoped3A : memref<!tpu.dma_semaphore, #tpu.memory_space<semaphore_mem>>) src(%dma_wait3A_1194 : memref<128x32xf32, #tpu.memory_space<vmem>>) dst(%dma_wait3A_1191 : memref<128x32xf32, #tpu.memory_space<vmem_shared>>)
      tpu.yield
    }) : () -> ()
    %mul3A_1074 = arith.constant 1024 : i32
    %mul3A_1075 = arith.muli %arg1, %mul3A_1074 : i32
    %add3A_1076 = arith.constant 768 : i32
    %add3A_1077 = arith.addi %mul3A_1075, %add3A_1076 : i32
    "tpu.region"() ({
      %run_scoped3A = tpu.sem_alloc : memref<!tpu.dma_semaphore, #tpu.memory_space<semaphore_mem>>
      %dma_start3A_1175 = arith.constant 0 : i32
      %dma_start3A_1176 = arith.constant 0 : i32
      %dma_start3A_1177 = tpu.memref_slice %arg13[%dma_start3A_1175, %dma_start3A_1176] : memref<640x32xf32, #tpu.memory_space<vmem>> -> memref<128x32xf32, #tpu.memory_space<vmem>>
      %dma_start3A_1178 = arith.constant 0 : i32
      %dma_start3A_1179 = tpu.memref_slice %arg6[%add3A_1077, %dma_start3A_1178] : memref<16384x32xf32, #tpu.memory_space<vmem_shared>> -> memref<128x32xf32, #tpu.memory_space<vmem_shared>>
      %dma_start3A_1180 = arith.constant 0 : i32
      %dma_start3A_1181 = tpu.memref_slice %arg6[%add3A_1077, %dma_start3A_1180] : memref<16384x32xf32, #tpu.memory_space<vmem_shared>> -> memref<128x32xf32, #tpu.memory_space<vmem_shared>>
      %dma_start3A_1182 = arith.constant 0 : i32
      %dma_start3A_1183 = arith.constant 0 : i32
      %dma_start3A_1184 = tpu.memref_slice %arg13[%dma_start3A_1182, %dma_start3A_1183] : memref<640x32xf32, #tpu.memory_space<vmem>> -> memref<128x32xf32, #tpu.memory_space<vmem>>
      tpu.enqueue_dma source(%dma_start3A_1184 : memref<128x32xf32, #tpu.memory_space<vmem>>) target(%dma_start3A_1181 : memref<128x32xf32, #tpu.memory_space<vmem_shared>>) target_semaphore(%run_scoped3A : memref<!tpu.dma_semaphore, #tpu.memory_space<semaphore_mem>>)
      %dma_wait3A_1185 = arith.constant 0 : i32
      %dma_wait3A_1186 = arith.constant 0 : i32
      %dma_wait3A_1187 = tpu.memref_slice %arg13[%dma_wait3A_1185, %dma_wait3A_1186] : memref<640x32xf32, #tpu.memory_space<vmem>> -> memref<128x32xf32, #tpu.memory_space<vmem>>
      %dma_wait3A_1188 = arith.constant 0 : i32
      %dma_wait3A_1189 = tpu.memref_slice %arg6[%add3A_1077, %dma_wait3A_1188] : memref<16384x32xf32, #tpu.memory_space<vmem_shared>> -> memref<128x32xf32, #tpu.memory_space<vmem_shared>>
      %dma_wait3A_1190 = arith.constant 0 : i32
      %dma_wait3A_1191 = tpu.memref_slice %arg6[%add3A_1077, %dma_wait3A_1190] : memref<16384x32xf32, #tpu.memory_space<vmem_shared>> -> memref<128x32xf32, #tpu.memory_space<vmem_shared>>
      %dma_wait3A_1192 = arith.constant 0 : i32
      %dma_wait3A_1193 = arith.constant 0 : i32
      %dma_wait3A_1194 = tpu.memref_slice %arg13[%dma_wait3A_1192, %dma_wait3A_1193] : memref<640x32xf32, #tpu.memory_space<vmem>> -> memref<128x32xf32, #tpu.memory_space<vmem>>
      tpu.wait_dma2 semaphore(%run_scoped3A : memref<!tpu.dma_semaphore, #tpu.memory_space<semaphore_mem>>) src(%dma_wait3A_1194 : memref<128x32xf32, #tpu.memory_space<vmem>>) dst(%dma_wait3A_1191 : memref<128x32xf32, #tpu.memory_space<vmem_shared>>)
      tpu.yield
    }) : () -> ()
    %mul3A_1078 = arith.constant 1024 : i32
    %mul3A_1079 = arith.muli %arg1, %mul3A_1078 : i32
    %add3A_1080 = arith.constant 896 : i32
    %add3A_1081 = arith.addi %mul3A_1079, %add3A_1080 : i32
    "tpu.region"() ({
      %run_scoped3A = tpu.sem_alloc : memref<!tpu.dma_semaphore, #tpu.memory_space<semaphore_mem>>
      %dma_start3A_1175 = arith.constant 0 : i32
      %dma_start3A_1176 = arith.constant 0 : i32
      %dma_start3A_1177 = tpu.memref_slice %arg13[%dma_start3A_1175, %dma_start3A_1176] : memref<640x32xf32, #tpu.memory_space<vmem>> -> memref<128x32xf32, #tpu.memory_space<vmem>>
      %dma_start3A_1178 = arith.constant 0 : i32
      %dma_start3A_1179 = tpu.memref_slice %arg6[%add3A_1081, %dma_start3A_1178] : memref<16384x32xf32, #tpu.memory_space<vmem_shared>> -> memref<128x32xf32, #tpu.memory_space<vmem_shared>>
      %dma_start3A_1180 = arith.constant 0 : i32
      %dma_start3A_1181 = tpu.memref_slice %arg6[%add3A_1081, %dma_start3A_1180] : memref<16384x32xf32, #tpu.memory_space<vmem_shared>> -> memref<128x32xf32, #tpu.memory_space<vmem_shared>>
      %dma_start3A_1182 = arith.constant 0 : i32
      %dma_start3A_1183 = arith.constant 0 : i32
      %dma_start3A_1184 = tpu.memref_slice %arg13[%dma_start3A_1182, %dma_start3A_1183] : memref<640x32xf32, #tpu.memory_space<vmem>> -> memref<128x32xf32, #tpu.memory_space<vmem>>
      tpu.enqueue_dma source(%dma_start3A_1184 : memref<128x32xf32, #tpu.memory_space<vmem>>) target(%dma_start3A_1181 : memref<128x32xf32, #tpu.memory_space<vmem_shared>>) target_semaphore(%run_scoped3A : memref<!tpu.dma_semaphore, #tpu.memory_space<semaphore_mem>>)
      %dma_wait3A_1185 = arith.constant 0 : i32
      %dma_wait3A_1186 = arith.constant 0 : i32
      %dma_wait3A_1187 = tpu.memref_slice %arg13[%dma_wait3A_1185, %dma_wait3A_1186] : memref<640x32xf32, #tpu.memory_space<vmem>> -> memref<128x32xf32, #tpu.memory_space<vmem>>
      %dma_wait3A_1188 = arith.constant 0 : i32
      %dma_wait3A_1189 = tpu.memref_slice %arg6[%add3A_1081, %dma_wait3A_1188] : memref<16384x32xf32, #tpu.memory_space<vmem_shared>> -> memref<128x32xf32, #tpu.memory_space<vmem_shared>>
      %dma_wait3A_1190 = arith.constant 0 : i32
      %dma_wait3A_1191 = tpu.memref_slice %arg6[%add3A_1081, %dma_wait3A_1190] : memref<16384x32xf32, #tpu.memory_space<vmem_shared>> -> memref<128x32xf32, #tpu.memory_space<vmem_shared>>
      %dma_wait3A_1192 = arith.constant 0 : i32
      %dma_wait3A_1193 = arith.constant 0 : i32
      %dma_wait3A_1194 = tpu.memref_slice %arg13[%dma_wait3A_1192, %dma_wait3A_1193] : memref<640x32xf32, #tpu.memory_space<vmem>> -> memref<128x32xf32, #tpu.memory_space<vmem>>
      tpu.wait_dma2 semaphore(%run_scoped3A : memref<!tpu.dma_semaphore, #tpu.memory_space<semaphore_mem>>) src(%dma_wait3A_1194 : memref<128x32xf32, #tpu.memory_space<vmem>>) dst(%dma_wait3A_1191 : memref<128x32xf32, #tpu.memory_space<vmem_shared>>)
      tpu.yield
    }) : () -> ()
    %barrier3A = arith.constant 0 : index
    tpu.barrier barrier_id(%barrier3A)
    %scan3A = arith.constant 0 : i32
    %scan3A_1082 = arith.constant 16384 : i32
    %scan3A_1083 = arith.constant 0 : i32
    %scan3A_1084 = arith.constant 15 : i32
    %scan3A_1085 = arith.addi %scan3A_1083, %scan3A_1084 : i32
    %scan3A_1086 = arith.constant 1 : i32
    %scan3A_1087:2 = scf.for %scan3A_1175 = %scan3A_1083 to %scan3A_1085 step %scan3A_1086 iter_args(%scan3A_1176 = %scan3A, %scan3A_1177 = %scan3A_1082) -> (i32, i32)  : i32 {
      %add3A_1178 = arith.addi %scan3A_1176, %scan3A_1177 : i32
      %jit3A_1179 = arith.constant 2 : i32
      %div3A = arith.divsi %add3A_1178, %jit3A_1179 : i32
      %sign3A = arith.constant 0 : i32
      %sign3A_1180 = arith.cmpi sgt, %add3A_1178, %sign3A : i32
      %sign3A_1181 = arith.extui %sign3A_1180 : i1 to i32
      %sign3A_1182 = arith.constant 0 : i32
      %sign3A_1183 = arith.cmpi slt, %add3A_1178, %sign3A_1182 : i32
      %sign3A_1184 = arith.extui %sign3A_1183 : i1 to i32
      %sign3A_1185 = arith.subi %sign3A_1181, %sign3A_1184 : i32
      %sign3A_1186 = arith.constant 0 : i32
      %sign3A_1187 = arith.cmpi sgt, %jit3A_1179, %sign3A_1186 : i32
      %sign3A_1188 = arith.extui %sign3A_1187 : i1 to i32
      %sign3A_1189 = arith.constant 0 : i32
      %sign3A_1190 = arith.cmpi slt, %jit3A_1179, %sign3A_1189 : i32
      %sign3A_1191 = arith.extui %sign3A_1190 : i1 to i32
      %sign3A_1192 = arith.subi %sign3A_1188, %sign3A_1191 : i32
      %ne3A = arith.cmpi ne, %sign3A_1185, %sign3A_1192 : i32
      %rem3A = arith.remsi %add3A_1178, %jit3A_1179 : i32
      %ne3A_1193 = arith.constant 0 : i32
      %ne3A_1194 = arith.cmpi ne, %rem3A, %ne3A_1193 : i32
      %and3A = arith.andi %ne3A, %ne3A_1194 : i1
      %sub3A_1195 = arith.constant 1 : i32
      %sub3A_1196 = arith.subi %div3A, %sub3A_1195 : i32
      %select_n3A_1197 = arith.select %and3A, %sub3A_1196, %div3A : i32
      %get3A_1198 = arith.index_cast %select_n3A_1197 : i32 to index
      %get3A_1199 = tpu.vector_load %arg12[%get3A_1198] {strides = array<i32>} : memref<16416xi32, #tpu.memory_space<vmem>>, vector<16xi32>,
      %slice3A = vector.extract_strided_slice %get3A_1199 {offsets = [0], sizes = [1], strides = [1]} : vector<16xi32> to vector<1xi32>
      %squeeze3A = vector.extract %slice3A[0] : i32 from vector<1xi32>
      %ge3A = arith.cmpi sge, %squeeze3A, %mul3A_2 : i32
      %add3A_1200 = arith.constant 1 : i32
      %add3A_1201 = arith.addi %select_n3A_1197, %add3A_1200 : i32
      %select_n3A_1202 = arith.select %ge3A, %scan3A_1176, %add3A_1201 : i32
      %select_n3A_1203 = arith.select %ge3A, %select_n3A_1197, %scan3A_1177 : i32
      scf.yield %select_n3A_1202, %select_n3A_1203 : i32, i32
    }
    %scan3A_1088 = arith.constant 15 : i32
    %sub3A = arith.constant 1 : i32
    %sub3A_1089 = arith.subi %scan3A_1087#0, %sub3A : i32
    %iota3A_1090 = tpu.iota {dimensions = array<i32: 0>} : vector<16xi32>
    %broadcast_in_dim3A_1091 = arith.constant -1 : i32
    %broadcast_in_dim3A_1092 = vector.broadcast %broadcast_in_dim3A_1091 : i32 to vector<16xi32>
    %add3A_1093 = arith.constant 0 : i32
    %add3A_1094 = arith.addi %mul3A_2, %add3A_1093 : i32
    %add3A_1095 = arith.constant 0 : i32
    %add3A_1096 = arith.addi %add3A_1094, %add3A_1095 : i32
    %dma_start3A = arith.constant 0 : i32
    %dma_start3A_1097 = arith.constant 0 : i32
    %dma_start3A_1098 = tpu.memref_slice %arg8[%dma_start3A, %dma_start3A_1097] : memref<5x128xi32, #tpu.memory_space<vmem>> -> memref<1x128xi32, #tpu.memory_space<vmem>>
    %dma_start3A_1099 = tpu.memref_squeeze %dma_start3A_1098 : memref<1x128xi32, #tpu.memory_space<vmem>> -> memref<128xi32, #tpu.memory_space<vmem>>
    %dma_start3A_1100 = tpu.memref_slice %arg2[%add3A_1096] : memref<819200xi32, #tpu.memory_space<hbm>> -> memref<128xi32, #tpu.memory_space<hbm>>
    %dma_start3A_1101 = arith.constant 0 : i32
    %dma_start3A_1102 = tpu.memref_slice %arg8[%dma_start3A, %dma_start3A_1101] : memref<5x128xi32, #tpu.memory_space<vmem>> -> memref<1x128xi32, #tpu.memory_space<vmem>>
    %dma_start3A_1103 = tpu.memref_squeeze %dma_start3A_1102 : memref<1x128xi32, #tpu.memory_space<vmem>> -> memref<128xi32, #tpu.memory_space<vmem>>
    %dma_start3A_1104 = tpu.memref_slice %arg2[%add3A_1096] : memref<819200xi32, #tpu.memory_space<hbm>> -> memref<128xi32, #tpu.memory_space<hbm>>
    tpu.enqueue_dma source(%dma_start3A_1104 : memref<128xi32, #tpu.memory_space<hbm>>) target(%dma_start3A_1103 : memref<128xi32, #tpu.memory_space<vmem>>) target_semaphore(%arg10 : memref<!tpu.dma_semaphore, #tpu.memory_space<semaphore_mem>>)
    %add3A_1105 = arith.constant 128 : i32
    %add3A_1106 = arith.addi %add3A_1094, %add3A_1105 : i32
    %dma_start3A_1107 = arith.constant 1 : i32
    %dma_start3A_1108 = arith.constant 0 : i32
    %dma_start3A_1109 = tpu.memref_slice %arg8[%dma_start3A_1107, %dma_start3A_1108] : memref<5x128xi32, #tpu.memory_space<vmem>> -> memref<1x128xi32, #tpu.memory_space<vmem>>
    %dma_start3A_1110 = tpu.memref_squeeze %dma_start3A_1109 : memref<1x128xi32, #tpu.memory_space<vmem>> -> memref<128xi32, #tpu.memory_space<vmem>>
    %dma_start3A_1111 = tpu.memref_slice %arg2[%add3A_1106] : memref<819200xi32, #tpu.memory_space<hbm>> -> memref<128xi32, #tpu.memory_space<hbm>>
    %dma_start3A_1112 = arith.constant 0 : i32
    %dma_start3A_1113 = tpu.memref_slice %arg8[%dma_start3A_1107, %dma_start3A_1112] : memref<5x128xi32, #tpu.memory_space<vmem>> -> memref<1x128xi32, #tpu.memory_space<vmem>>
    %dma_start3A_1114 = tpu.memref_squeeze %dma_start3A_1113 : memref<1x128xi32, #tpu.memory_space<vmem>> -> memref<128xi32, #tpu.memory_space<vmem>>
    %dma_start3A_1115 = tpu.memref_slice %arg2[%add3A_1106] : memref<819200xi32, #tpu.memory_space<hbm>> -> memref<128xi32, #tpu.memory_space<hbm>>
    tpu.enqueue_dma source(%dma_start3A_1115 : memref<128xi32, #tpu.memory_space<hbm>>) target(%dma_start3A_1114 : memref<128xi32, #tpu.memory_space<vmem>>) target_semaphore(%arg10 : memref<!tpu.dma_semaphore, #tpu.memory_space<semaphore_mem>>)
    %add3A_1116 = arith.constant 256 : i32
    %add3A_1117 = arith.addi %add3A_1094, %add3A_1116 : i32
    %dma_start3A_1118 = arith.constant 2 : i32
    %dma_start3A_1119 = arith.constant 0 : i32
    %dma_start3A_1120 = tpu.memref_slice %arg8[%dma_start3A_1118, %dma_start3A_1119] : memref<5x128xi32, #tpu.memory_space<vmem>> -> memref<1x128xi32, #tpu.memory_space<vmem>>
    %dma_start3A_1121 = tpu.memref_squeeze %dma_start3A_1120 : memref<1x128xi32, #tpu.memory_space<vmem>> -> memref<128xi32, #tpu.memory_space<vmem>>
    %dma_start3A_1122 = tpu.memref_slice %arg2[%add3A_1117] : memref<819200xi32, #tpu.memory_space<hbm>> -> memref<128xi32, #tpu.memory_space<hbm>>
    %dma_start3A_1123 = arith.constant 0 : i32
    %dma_start3A_1124 = tpu.memref_slice %arg8[%dma_start3A_1118, %dma_start3A_1123] : memref<5x128xi32, #tpu.memory_space<vmem>> -> memref<1x128xi32, #tpu.memory_space<vmem>>
    %dma_start3A_1125 = tpu.memref_squeeze %dma_start3A_1124 : memref<1x128xi32, #tpu.memory_space<vmem>> -> memref<128xi32, #tpu.memory_space<vmem>>
    %dma_start3A_1126 = tpu.memref_slice %arg2[%add3A_1117] : memref<819200xi32, #tpu.memory_space<hbm>> -> memref<128xi32, #tpu.memory_space<hbm>>
    tpu.enqueue_dma source(%dma_start3A_1126 : memref<128xi32, #tpu.memory_space<hbm>>) target(%dma_start3A_1125 : memref<128xi32, #tpu.memory_space<vmem>>) target_semaphore(%arg10 : memref<!tpu.dma_semaphore, #tpu.memory_space<semaphore_mem>>)
    %add3A_1127 = arith.constant 384 : i32
    %add3A_1128 = arith.addi %add3A_1094, %add3A_1127 : i32
    %dma_start3A_1129 = arith.constant 3 : i32
    %dma_start3A_1130 = arith.constant 0 : i32
    %dma_start3A_1131 = tpu.memref_slice %arg8[%dma_start3A_1129, %dma_start3A_1130] : memref<5x128xi32, #tpu.memory_space<vmem>> -> memref<1x128xi32, #tpu.memory_space<vmem>>
    %dma_start3A_1132 = tpu.memref_squeeze %dma_start3A_1131 : memref<1x128xi32, #tpu.memory_space<vmem>> -> memref<128xi32, #tpu.memory_space<vmem>>
    %dma_start3A_1133 = tpu.memref_slice %arg2[%add3A_1128] : memref<819200xi32, #tpu.memory_space<hbm>> -> memref<128xi32, #tpu.memory_space<hbm>>
    %dma_start3A_1134 = arith.constant 0 : i32
    %dma_start3A_1135 = tpu.memref_slice %arg8[%dma_start3A_1129, %dma_start3A_1134] : memref<5x128xi32, #tpu.memory_space<vmem>> -> memref<1x128xi32, #tpu.memory_space<vmem>>
    %dma_start3A_1136 = tpu.memref_squeeze %dma_start3A_1135 : memref<1x128xi32, #tpu.memory_space<vmem>> -> memref<128xi32, #tpu.memory_space<vmem>>
    %dma_start3A_1137 = tpu.memref_slice %arg2[%add3A_1128] : memref<819200xi32, #tpu.memory_space<hbm>> -> memref<128xi32, #tpu.memory_space<hbm>>
    tpu.enqueue_dma source(%dma_start3A_1137 : memref<128xi32, #tpu.memory_space<hbm>>) target(%dma_start3A_1136 : memref<128xi32, #tpu.memory_space<vmem>>) target_semaphore(%arg10 : memref<!tpu.dma_semaphore, #tpu.memory_space<semaphore_mem>>)
    %add3A_1138 = arith.constant 512 : i32
    %add3A_1139 = arith.addi %add3A_1094, %add3A_1138 : i32
    %dma_start3A_1140 = arith.constant 4 : i32
    %dma_start3A_1141 = arith.constant 0 : i32
    %dma_start3A_1142 = tpu.memref_slice %arg8[%dma_start3A_1140, %dma_start3A_1141] : memref<5x128xi32, #tpu.memory_space<vmem>> -> memref<1x128xi32, #tpu.memory_space<vmem>>
    %dma_start3A_1143 = tpu.memref_squeeze %dma_start3A_1142 : memref<1x128xi32, #tpu.memory_space<vmem>> -> memref<128xi32, #tpu.memory_space<vmem>>
    %dma_start3A_1144 = tpu.memref_slice %arg2[%add3A_1139] : memref<819200xi32, #tpu.memory_space<hbm>> -> memref<128xi32, #tpu.memory_space<hbm>>
    %dma_start3A_1145 = arith.constant 0 : i32
    %dma_start3A_1146 = tpu.memref_slice %arg8[%dma_start3A_1140, %dma_start3A_1145] : memref<5x128xi32, #tpu.memory_space<vmem>> -> memref<1x128xi32, #tpu.memory_space<vmem>>
    %dma_start3A_1147 = tpu.memref_squeeze %dma_start3A_1146 : memref<1x128xi32, #tpu.memory_space<vmem>> -> memref<128xi32, #tpu.memory_space<vmem>>
    %dma_start3A_1148 = tpu.memref_slice %arg2[%add3A_1139] : memref<819200xi32, #tpu.memory_space<hbm>> -> memref<128xi32, #tpu.memory_space<hbm>>
    tpu.enqueue_dma source(%dma_start3A_1148 : memref<128xi32, #tpu.memory_space<hbm>>) target(%dma_start3A_1147 : memref<128xi32, #tpu.memory_space<vmem>>) target_semaphore(%arg10 : memref<!tpu.dma_semaphore, #tpu.memory_space<semaphore_mem>>)
    %scan3A_1149 = arith.constant 0 : i32
    %scan3A_1150 = arith.constant 20 : i32
    %scan3A_1151 = arith.addi %scan3A_1149, %scan3A_1150 : i32
    %scan3A_1152 = arith.constant 1 : i32
    %scan3A_1153:2 = scf.for %scan3A_1175 = %scan3A_1149 to %scan3A_1151 step %scan3A_1152 iter_args(%scan3A_1176 = %scan3A_1087#0, %scan3A_1177 = %sub3A_1089) -> (i32, i32)  : i32 {
      %mul3A_1178 = arith.constant 2 : i32
      %mul3A_1179 = arith.muli %mul3A_1178, %scan3A_1175 : i32
      %add3A_1180 = arith.constant 0 : i32
      %add3A_1181 = arith.addi %mul3A_1179, %add3A_1180 : i32
      %ge3A = arith.constant 2 : i32
      %ge3A_1182 = arith.cmpi sge, %add3A_1181, %ge3A : i32
      %convert_element_type3A = arith.extui %ge3A_1182 : i1 to i32
      %cond3A = arith.constant 0 : i32
      %cond3A_1183 = arith.cmpi ne, %convert_element_type3A, %cond3A : i32
      scf.if %cond3A_1183 {
        %dma_wait3A_3344 = arith.constant 0 : i32
        %dma_wait3A_3345 = arith.constant 0 : i32
        %dma_wait3A_3346 = tpu.memref_slice %arg4[%dma_wait3A_3344, %dma_wait3A_3345] : memref<1000000x32xf32, #tpu.memory_space<hbm>> -> memref<640x32xf32, #tpu.memory_space<hbm>>
        %dma_wait3A_3347 = arith.constant 0 : i32
        %dma_wait3A_3348 = arith.constant 0 : i32
        %dma_wait3A_3349 = tpu.memref_slice %arg4[%dma_wait3A_3347, %dma_wait3A_3348] : memref<1000000x32xf32, #tpu.memory_space<hbm>> -> memref<640x32xf32, #tpu.memory_space<hbm>>
        tpu.wait_dma2 semaphore(%arg17 : memref<!tpu.dma_semaphore, #tpu.memory_space<semaphore_mem>>) src(%dma_wait3A_3349 : memref<640x32xf32, #tpu.memory_space<hbm>>) dst(%arg13 : memref<640x32xf32, #tpu.memory_space<vmem>>)
      } else {
      }
      %mul3A_1184 = arith.constant 640 : i32
      %mul3A_1185 = arith.muli %add3A_1181, %mul3A_1184 : i32
      %add3A_1186 = arith.addi %mul3A_2, %mul3A_1185 : i32
      %add3A_1187 = arith.constant 0 : i32
      %add3A_1188 = arith.addi %add3A_1186, %add3A_1187 : i32
      %dma_wait3A_1189 = arith.constant 0 : i32
      %dma_wait3A_1190 = arith.constant 0 : i32
      %dma_wait3A_1191 = tpu.memref_slice %arg8[%dma_wait3A_1189, %dma_wait3A_1190] : memref<5x128xi32, #tpu.memory_space<vmem>> -> memref<1x128xi32, #tpu.memory_space<vmem>>
      %dma_wait3A_1192 = tpu.memref_squeeze %dma_wait3A_1191 : memref<1x128xi32, #tpu.memory_space<vmem>> -> memref<128xi32, #tpu.memory_space<vmem>>
      %dma_wait3A_1193 = tpu.memref_slice %arg2[%add3A_1188] : memref<819200xi32, #tpu.memory_space<hbm>> -> memref<128xi32, #tpu.memory_space<hbm>>
      %dma_wait3A_1194 = arith.constant 0 : i32
      %dma_wait3A_1195 = tpu.memref_slice %arg8[%dma_wait3A_1189, %dma_wait3A_1194] : memref<5x128xi32, #tpu.memory_space<vmem>> -> memref<1x128xi32, #tpu.memory_space<vmem>>
      %dma_wait3A_1196 = tpu.memref_squeeze %dma_wait3A_1195 : memref<1x128xi32, #tpu.memory_space<vmem>> -> memref<128xi32, #tpu.memory_space<vmem>>
      %dma_wait3A_1197 = tpu.memref_slice %arg2[%add3A_1188] : memref<819200xi32, #tpu.memory_space<hbm>> -> memref<128xi32, #tpu.memory_space<hbm>>
      tpu.wait_dma2 semaphore(%arg10 : memref<!tpu.dma_semaphore, #tpu.memory_space<semaphore_mem>>) src(%dma_wait3A_1197 : memref<128xi32, #tpu.memory_space<hbm>>) dst(%dma_wait3A_1196 : memref<128xi32, #tpu.memory_space<vmem>>)
      %add3A_1198 = arith.constant 128 : i32
      %add3A_1199 = arith.addi %add3A_1186, %add3A_1198 : i32
      %dma_wait3A_1200 = arith.constant 1 : i32
      %dma_wait3A_1201 = arith.constant 0 : i32
      %dma_wait3A_1202 = tpu.memref_slice %arg8[%dma_wait3A_1200, %dma_wait3A_1201] : memref<5x128xi32, #tpu.memory_space<vmem>> -> memref<1x128xi32, #tpu.memory_space<vmem>>
      %dma_wait3A_1203 = tpu.memref_squeeze %dma_wait3A_1202 : memref<1x128xi32, #tpu.memory_space<vmem>> -> memref<128xi32, #tpu.memory_space<vmem>>
      %dma_wait3A_1204 = tpu.memref_slice %arg2[%add3A_1199] : memref<819200xi32, #tpu.memory_space<hbm>> -> memref<128xi32, #tpu.memory_space<hbm>>
      %dma_wait3A_1205 = arith.constant 0 : i32
      %dma_wait3A_1206 = tpu.memref_slice %arg8[%dma_wait3A_1200, %dma_wait3A_1205] : memref<5x128xi32, #tpu.memory_space<vmem>> -> memref<1x128xi32, #tpu.memory_space<vmem>>
      %dma_wait3A_1207 = tpu.memref_squeeze %dma_wait3A_1206 : memref<1x128xi32, #tpu.memory_space<vmem>> -> memref<128xi32, #tpu.memory_space<vmem>>
      %dma_wait3A_1208 = tpu.memref_slice %arg2[%add3A_1199] : memref<819200xi32, #tpu.memory_space<hbm>> -> memref<128xi32, #tpu.memory_space<hbm>>
      tpu.wait_dma2 semaphore(%arg10 : memref<!tpu.dma_semaphore, #tpu.memory_space<semaphore_mem>>) src(%dma_wait3A_1208 : memref<128xi32, #tpu.memory_space<hbm>>) dst(%dma_wait3A_1207 : memref<128xi32, #tpu.memory_space<vmem>>)
      %add3A_1209 = arith.constant 256 : i32
      %add3A_1210 = arith.addi %add3A_1186, %add3A_1209 : i32
      %dma_wait3A_1211 = arith.constant 2 : i32
      %dma_wait3A_1212 = arith.constant 0 : i32
      %dma_wait3A_1213 = tpu.memref_slice %arg8[%dma_wait3A_1211, %dma_wait3A_1212] : memref<5x128xi32, #tpu.memory_space<vmem>> -> memref<1x128xi32, #tpu.memory_space<vmem>>
      %dma_wait3A_1214 = tpu.memref_squeeze %dma_wait3A_1213 : memref<1x128xi32, #tpu.memory_space<vmem>> -> memref<128xi32, #tpu.memory_space<vmem>>
      %dma_wait3A_1215 = tpu.memref_slice %arg2[%add3A_1210] : memref<819200xi32, #tpu.memory_space<hbm>> -> memref<128xi32, #tpu.memory_space<hbm>>
      %dma_wait3A_1216 = arith.constant 0 : i32
      %dma_wait3A_1217 = tpu.memref_slice %arg8[%dma_wait3A_1211, %dma_wait3A_1216] : memref<5x128xi32, #tpu.memory_space<vmem>> -> memref<1x128xi32, #tpu.memory_space<vmem>>
      %dma_wait3A_1218 = tpu.memref_squeeze %dma_wait3A_1217 : memref<1x128xi32, #tpu.memory_space<vmem>> -> memref<128xi32, #tpu.memory_space<vmem>>
      %dma_wait3A_1219 = tpu.memref_slice %arg2[%add3A_1210] : memref<819200xi32, #tpu.memory_space<hbm>> -> memref<128xi32, #tpu.memory_space<hbm>>
      tpu.wait_dma2 semaphore(%arg10 : memref<!tpu.dma_semaphore, #tpu.memory_space<semaphore_mem>>) src(%dma_wait3A_1219 : memref<128xi32, #tpu.memory_space<hbm>>) dst(%dma_wait3A_1218 : memref<128xi32, #tpu.memory_space<vmem>>)
      %add3A_1220 = arith.constant 384 : i32
      %add3A_1221 = arith.addi %add3A_1186, %add3A_1220 : i32
      %dma_wait3A_1222 = arith.constant 3 : i32
      %dma_wait3A_1223 = arith.constant 0 : i32
      %dma_wait3A_1224 = tpu.memref_slice %arg8[%dma_wait3A_1222, %dma_wait3A_1223] : memref<5x128xi32, #tpu.memory_space<vmem>> -> memref<1x128xi32, #tpu.memory_space<vmem>>
      %dma_wait3A_1225 = tpu.memref_squeeze %dma_wait3A_1224 : memref<1x128xi32, #tpu.memory_space<vmem>> -> memref<128xi32, #tpu.memory_space<vmem>>
      %dma_wait3A_1226 = tpu.memref_slice %arg2[%add3A_1221] : memref<819200xi32, #tpu.memory_space<hbm>> -> memref<128xi32, #tpu.memory_space<hbm>>
      %dma_wait3A_1227 = arith.constant 0 : i32
      %dma_wait3A_1228 = tpu.memref_slice %arg8[%dma_wait3A_1222, %dma_wait3A_1227] : memref<5x128xi32, #tpu.memory_space<vmem>> -> memref<1x128xi32, #tpu.memory_space<vmem>>
      %dma_wait3A_1229 = tpu.memref_squeeze %dma_wait3A_1228 : memref<1x128xi32, #tpu.memory_space<vmem>> -> memref<128xi32, #tpu.memory_space<vmem>>
      %dma_wait3A_1230 = tpu.memref_slice %arg2[%add3A_1221] : memref<819200xi32, #tpu.memory_space<hbm>> -> memref<128xi32, #tpu.memory_space<hbm>>
      tpu.wait_dma2 semaphore(%arg10 : memref<!tpu.dma_semaphore, #tpu.memory_space<semaphore_mem>>) src(%dma_wait3A_1230 : memref<128xi32, #tpu.memory_space<hbm>>) dst(%dma_wait3A_1229 : memref<128xi32, #tpu.memory_space<vmem>>)
      %add3A_1231 = arith.constant 512 : i32
      %add3A_1232 = arith.addi %add3A_1186, %add3A_1231 : i32
      %dma_wait3A_1233 = arith.constant 4 : i32
      %dma_wait3A_1234 = arith.constant 0 : i32
      %dma_wait3A_1235 = tpu.memref_slice %arg8[%dma_wait3A_1233, %dma_wait3A_1234] : memref<5x128xi32, #tpu.memory_space<vmem>> -> memref<1x128xi32, #tpu.memory_space<vmem>>
      %dma_wait3A_1236 = tpu.memref_squeeze %dma_wait3A_1235 : memref<1x128xi32, #tpu.memory_space<vmem>> -> memref<128xi32, #tpu.memory_space<vmem>>
      %dma_wait3A_1237 = tpu.memref_slice %arg2[%add3A_1232] : memref<819200xi32, #tpu.memory_space<hbm>> -> memref<128xi32, #tpu.memory_space<hbm>>
      %dma_wait3A_1238 = arith.constant 0 : i32
      %dma_wait3A_1239 = tpu.memref_slice %arg8[%dma_wait3A_1233, %dma_wait3A_1238] : memref<5x128xi32, #tpu.memory_space<vmem>> -> memref<1x128xi32, #tpu.memory_space<vmem>>
      %dma_wait3A_1240 = tpu.memref_squeeze %dma_wait3A_1239 : memref<1x128xi32, #tpu.memory_space<vmem>> -> memref<128xi32, #tpu.memory_space<vmem>>
      %dma_wait3A_1241 = tpu.memref_slice %arg2[%add3A_1232] : memref<819200xi32, #tpu.memory_space<hbm>> -> memref<128xi32, #tpu.memory_space<hbm>>
      tpu.wait_dma2 semaphore(%arg10 : memref<!tpu.dma_semaphore, #tpu.memory_space<semaphore_mem>>) src(%dma_wait3A_1241 : memref<128xi32, #tpu.memory_space<hbm>>) dst(%dma_wait3A_1240 : memref<128xi32, #tpu.memory_space<vmem>>)
      %dma_start3A_1242 = arith.constant 0 : i32
      %dma_start3A_1243 = arith.constant 0 : i32
      %dma_start3A_1244 = arith.constant 0 : i32
      %dma_start3A_1245 = tpu.memref_slice %arg13[%dma_start3A_1243, %dma_start3A_1244] : memref<640x32xf32, #tpu.memory_space<vmem>> -> memref<128x32xf32, #tpu.memory_space<vmem>>
      %dma_start3A_1246 = arith.constant 0 : i32
      %dma_start3A_1247 = tpu.memref_slice %arg8[%dma_start3A_1242, %dma_start3A_1246] : memref<5x128xi32, #tpu.memory_space<vmem>> -> memref<1x128xi32, #tpu.memory_space<vmem>>
      %dma_start3A_1248 = tpu.memref_squeeze %dma_start3A_1247 : memref<1x128xi32, #tpu.memory_space<vmem>> -> memref<128xi32, #tpu.memory_space<vmem>>
      %dma_start3A_1249 = arith.constant 0 : i32
      %dma_start3A_1250 = arith.constant 0 : i32
      %dma_start3A_1251 = tpu.memref_slice %arg4[%dma_start3A_1249, %dma_start3A_1250] : memref<1000000x32xf32, #tpu.memory_space<hbm>> -> memref<1000000x32xf32, #tpu.memory_space<hbm>>
      tpu.enqueue_indirect_dma source(%dma_start3A_1251 : memref<1000000x32xf32, #tpu.memory_space<hbm>>) target(%dma_start3A_1245 : memref<128x32xf32, #tpu.memory_space<vmem>>) offsets(%dma_start3A_1248 : memref<128xi32, #tpu.memory_space<vmem>>) semaphore(%arg7 : memref<!tpu.dma_semaphore, #tpu.memory_space<semaphore_mem>>)
      %dma_start3A_1252 = arith.constant 1 : i32
      %dma_start3A_1253 = arith.constant 128 : i32
      %dma_start3A_1254 = arith.constant 0 : i32
      %dma_start3A_1255 = tpu.memref_slice %arg13[%dma_start3A_1253, %dma_start3A_1254] : memref<640x32xf32, #tpu.memory_space<vmem>> -> memref<128x32xf32, #tpu.memory_space<vmem>>
      %dma_start3A_1256 = arith.constant 0 : i32
      %dma_start3A_1257 = tpu.memref_slice %arg8[%dma_start3A_1252, %dma_start3A_1256] : memref<5x128xi32, #tpu.memory_space<vmem>> -> memref<1x128xi32, #tpu.memory_space<vmem>>
      %dma_start3A_1258 = tpu.memref_squeeze %dma_start3A_1257 : memref<1x128xi32, #tpu.memory_space<vmem>> -> memref<128xi32, #tpu.memory_space<vmem>>
      %dma_start3A_1259 = arith.constant 0 : i32
      %dma_start3A_1260 = arith.constant 0 : i32
      %dma_start3A_1261 = tpu.memref_slice %arg4[%dma_start3A_1259, %dma_start3A_1260] : memref<1000000x32xf32, #tpu.memory_space<hbm>> -> memref<1000000x32xf32, #tpu.memory_space<hbm>>
      tpu.enqueue_indirect_dma source(%dma_start3A_1261 : memref<1000000x32xf32, #tpu.memory_space<hbm>>) target(%dma_start3A_1255 : memref<128x32xf32, #tpu.memory_space<vmem>>) offsets(%dma_start3A_1258 : memref<128xi32, #tpu.memory_space<vmem>>) semaphore(%arg7 : memref<!tpu.dma_semaphore, #tpu.memory_space<semaphore_mem>>)
      %dma_start3A_1262 = arith.constant 2 : i32
      %dma_start3A_1263 = arith.constant 256 : i32
      %dma_start3A_1264 = arith.constant 0 : i32
      %dma_start3A_1265 = tpu.memref_slice %arg13[%dma_start3A_1263, %dma_start3A_1264] : memref<640x32xf32, #tpu.memory_space<vmem>> -> memref<128x32xf32, #tpu.memory_space<vmem>>
      %dma_start3A_1266 = arith.constant 0 : i32
      %dma_start3A_1267 = tpu.memref_slice %arg8[%dma_start3A_1262, %dma_start3A_1266] : memref<5x128xi32, #tpu.memory_space<vmem>> -> memref<1x128xi32, #tpu.memory_space<vmem>>
      %dma_start3A_1268 = tpu.memref_squeeze %dma_start3A_1267 : memref<1x128xi32, #tpu.memory_space<vmem>> -> memref<128xi32, #tpu.memory_space<vmem>>
      %dma_start3A_1269 = arith.constant 0 : i32
      %dma_start3A_1270 = arith.constant 0 : i32
      %dma_start3A_1271 = tpu.memref_slice %arg4[%dma_start3A_1269, %dma_start3A_1270] : memref<1000000x32xf32, #tpu.memory_space<hbm>> -> memref<1000000x32xf32, #tpu.memory_space<hbm>>
      tpu.enqueue_indirect_dma source(%dma_start3A_1271 : memref<1000000x32xf32, #tpu.memory_space<hbm>>) target(%dma_start3A_1265 : memref<128x32xf32, #tpu.memory_space<vmem>>) offsets(%dma_start3A_1268 : memref<128xi32, #tpu.memory_space<vmem>>) semaphore(%arg7 : memref<!tpu.dma_semaphore, #tpu.memory_space<semaphore_mem>>)
      %dma_start3A_1272 = arith.constant 3 : i32
      %dma_start3A_1273 = arith.constant 384 : i32
      %dma_start3A_1274 = arith.constant 0 : i32
      %dma_start3A_1275 = tpu.memref_slice %arg13[%dma_start3A_1273, %dma_start3A_1274] : memref<640x32xf32, #tpu.memory_space<vmem>> -> memref<128x32xf32, #tpu.memory_space<vmem>>
      %dma_start3A_1276 = arith.constant 0 : i32
      %dma_start3A_1277 = tpu.memref_slice %arg8[%dma_start3A_1272, %dma_start3A_1276] : memref<5x128xi32, #tpu.memory_space<vmem>> -> memref<1x128xi32, #tpu.memory_space<vmem>>
      %dma_start3A_1278 = tpu.memref_squeeze %dma_start3A_1277 : memref<1x128xi32, #tpu.memory_space<vmem>> -> memref<128xi32, #tpu.memory_space<vmem>>
      %dma_start3A_1279 = arith.constant 0 : i32
      %dma_start3A_1280 = arith.constant 0 : i32
      %dma_start3A_1281 = tpu.memref_slice %arg4[%dma_start3A_1279, %dma_start3A_1280] : memref<1000000x32xf32, #tpu.memory_space<hbm>> -> memref<1000000x32xf32, #tpu.memory_space<hbm>>
      tpu.enqueue_indirect_dma source(%dma_start3A_1281 : memref<1000000x32xf32, #tpu.memory_space<hbm>>) target(%dma_start3A_1275 : memref<128x32xf32, #tpu.memory_space<vmem>>) offsets(%dma_start3A_1278 : memref<128xi32, #tpu.memory_space<vmem>>) semaphore(%arg7 : memref<!tpu.dma_semaphore, #tpu.memory_space<semaphore_mem>>)
      %dma_start3A_1282 = arith.constant 4 : i32
      %dma_start3A_1283 = arith.constant 512 : i32
      %dma_start3A_1284 = arith.constant 0 : i32
      %dma_start3A_1285 = tpu.memref_slice %arg13[%dma_start3A_1283, %dma_start3A_1284] : memref<640x32xf32, #tpu.memory_space<vmem>> -> memref<128x32xf32, #tpu.memory_space<vmem>>
      %dma_start3A_1286 = arith.constant 0 : i32
      %dma_start3A_1287 = tpu.memref_slice %arg8[%dma_start3A_1282, %dma_start3A_1286] : memref<5x128xi32, #tpu.memory_space<vmem>> -> memref<1x128xi32, #tpu.memory_space<vmem>>
      %dma_start3A_1288 = tpu.memref_squeeze %dma_start3A_1287 : memref<1x128xi32, #tpu.memory_space<vmem>> -> memref<128xi32, #tpu.memory_space<vmem>>
      %dma_start3A_1289 = arith.constant 0 : i32
      %dma_start3A_1290 = arith.constant 0 : i32
      %dma_start3A_1291 = tpu.memref_slice %arg4[%dma_start3A_1289, %dma_start3A_1290] : memref<1000000x32xf32, #tpu.memory_space<hbm>> -> memref<1000000x32xf32, #tpu.memory_space<hbm>>
      tpu.enqueue_indirect_dma source(%dma_start3A_1291 : memref<1000000x32xf32, #tpu.memory_space<hbm>>) target(%dma_start3A_1285 : memref<128x32xf32, #tpu.memory_space<vmem>>) offsets(%dma_start3A_1288 : memref<128xi32, #tpu.memory_space<vmem>>) semaphore(%arg7 : memref<!tpu.dma_semaphore, #tpu.memory_space<semaphore_mem>>)
      %mul3A_1292 = arith.constant 640 : i32
      %mul3A_1293 = arith.muli %add3A_1181, %mul3A_1292 : i32
      %add3A_1294 = arith.addi %mul3A_2, %mul3A_1293 : i32
      %swap3A_1295 = arith.constant 0 : index
      %swap3A_1296 = tpu.vector_load %arg11[%swap3A_1295] {strides = array<i32>} : memref<640xi32, #tpu.memory_space<vmem>>, vector<16xi32>,
      tpu.vector_store %arg11[%swap3A_1295], %broadcast_in_dim3A_1092 {strides = array<i32>} : memref<640xi32, #tpu.memory_space<vmem>>, vector<16xi32>,
      %swap3A_1297 = arith.constant 16 : index
      %swap3A_1298 = tpu.vector_load %arg11[%swap3A_1297] {strides = array<i32>} : memref<640xi32, #tpu.memory_space<vmem>>, vector<16xi32>,
      tpu.vector_store %arg11[%swap3A_1297], %broadcast_in_dim3A_1092 {strides = array<i32>} : memref<640xi32, #tpu.memory_space<vmem>>, vector<16xi32>,
      %swap3A_1299 = arith.constant 32 : index
      %swap3A_1300 = tpu.vector_load %arg11[%swap3A_1299] {strides = array<i32>} : memref<640xi32, #tpu.memory_space<vmem>>, vector<16xi32>,
      tpu.vector_store %arg11[%swap3A_1299], %broadcast_in_dim3A_1092 {strides = array<i32>} : memref<640xi32, #tpu.memory_space<vmem>>, vector<16xi32>,
      %swap3A_1301 = arith.constant 48 : index
      %swap3A_1302 = tpu.vector_load %arg11[%swap3A_1301] {strides = array<i32>} : memref<640xi32, #tpu.memory_space<vmem>>, vector<16xi32>,
      tpu.vector_store %arg11[%swap3A_1301], %broadcast_in_dim3A_1092 {strides = array<i32>} : memref<640xi32, #tpu.memory_space<vmem>>, vector<16xi32>,
      %swap3A_1303 = arith.constant 64 : index
      %swap3A_1304 = tpu.vector_load %arg11[%swap3A_1303] {strides = array<i32>} : memref<640xi32, #tpu.memory_space<vmem>>, vector<16xi32>,
      tpu.vector_store %arg11[%swap3A_1303], %broadcast_in_dim3A_1092 {strides = array<i32>} : memref<640xi32, #tpu.memory_space<vmem>>, vector<16xi32>,
      %swap3A_1305 = arith.constant 80 : index
      %swap3A_1306 = tpu.vector_load %arg11[%swap3A_1305] {strides = array<i32>} : memref<640xi32, #tpu.memory_space<vmem>>, vector<16xi32>,
      tpu.vector_store %arg11[%swap3A_1305], %broadcast_in_dim3A_1092 {strides = array<i32>} : memref<640xi32, #tpu.memory_space<vmem>>, vector<16xi32>,
      %swap3A_1307 = arith.constant 96 : index
      %swap3A_1308 = tpu.vector_load %arg11[%swap3A_1307] {strides = array<i32>} : memref<640xi32, #tpu.memory_space<vmem>>, vector<16xi32>,
      tpu.vector_store %arg11[%swap3A_1307], %broadcast_in_dim3A_1092 {strides = array<i32>} : memref<640xi32, #tpu.memory_space<vmem>>, vector<16xi32>,
      %swap3A_1309 = arith.constant 112 : index
      %swap3A_1310 = tpu.vector_load %arg11[%swap3A_1309] {strides = array<i32>} : memref<640xi32, #tpu.memory_space<vmem>>, vector<16xi32>,
      tpu.vector_store %arg11[%swap3A_1309], %broadcast_in_dim3A_1092 {strides = array<i32>} : memref<640xi32, #tpu.memory_space<vmem>>, vector<16xi32>,
      %swap3A_1311 = arith.constant 128 : index
      %swap3A_1312 = tpu.vector_load %arg11[%swap3A_1311] {strides = array<i32>} : memref<640xi32, #tpu.memory_space<vmem>>, vector<16xi32>,
      tpu.vector_store %arg11[%swap3A_1311], %broadcast_in_dim3A_1092 {strides = array<i32>} : memref<640xi32, #tpu.memory_space<vmem>>, vector<16xi32>,
      %swap3A_1313 = arith.constant 144 : index
      %swap3A_1314 = tpu.vector_load %arg11[%swap3A_1313] {strides = array<i32>} : memref<640xi32, #tpu.memory_space<vmem>>, vector<16xi32>,
      tpu.vector_store %arg11[%swap3A_1313], %broadcast_in_dim3A_1092 {strides = array<i32>} : memref<640xi32, #tpu.memory_space<vmem>>, vector<16xi32>,
      %swap3A_1315 = arith.constant 160 : index
      %swap3A_1316 = tpu.vector_load %arg11[%swap3A_1315] {strides = array<i32>} : memref<640xi32, #tpu.memory_space<vmem>>, vector<16xi32>,
      tpu.vector_store %arg11[%swap3A_1315], %broadcast_in_dim3A_1092 {strides = array<i32>} : memref<640xi32, #tpu.memory_space<vmem>>, vector<16xi32>,
      %swap3A_1317 = arith.constant 176 : index
      %swap3A_1318 = tpu.vector_load %arg11[%swap3A_1317] {strides = array<i32>} : memref<640xi32, #tpu.memory_space<vmem>>, vector<16xi32>,
      tpu.vector_store %arg11[%swap3A_1317], %broadcast_in_dim3A_1092 {strides = array<i32>} : memref<640xi32, #tpu.memory_space<vmem>>, vector<16xi32>,
      %swap3A_1319 = arith.constant 192 : index
      %swap3A_1320 = tpu.vector_load %arg11[%swap3A_1319] {strides = array<i32>} : memref<640xi32, #tpu.memory_space<vmem>>, vector<16xi32>,
      tpu.vector_store %arg11[%swap3A_1319], %broadcast_in_dim3A_1092 {strides = array<i32>} : memref<640xi32, #tpu.memory_space<vmem>>, vector<16xi32>,
      %swap3A_1321 = arith.constant 208 : index
      %swap3A_1322 = tpu.vector_load %arg11[%swap3A_1321] {strides = array<i32>} : memref<640xi32, #tpu.memory_space<vmem>>, vector<16xi32>,
      tpu.vector_store %arg11[%swap3A_1321], %broadcast_in_dim3A_1092 {strides = array<i32>} : memref<640xi32, #tpu.memory_space<vmem>>, vector<16xi32>,
      %swap3A_1323 = arith.constant 224 : index
      %swap3A_1324 = tpu.vector_load %arg11[%swap3A_1323] {strides = array<i32>} : memref<640xi32, #tpu.memory_space<vmem>>, vector<16xi32>,
      tpu.vector_store %arg11[%swap3A_1323], %broadcast_in_dim3A_1092 {strides = array<i32>} : memref<640xi32, #tpu.memory_space<vmem>>, vector<16xi32>,
      %swap3A_1325 = arith.constant 240 : index
      %swap3A_1326 = tpu.vector_load %arg11[%swap3A_1325] {strides = array<i32>} : memref<640xi32, #tpu.memory_space<vmem>>, vector<16xi32>,
      tpu.vector_store %arg11[%swap3A_1325], %broadcast_in_dim3A_1092 {strides = array<i32>} : memref<640xi32, #tpu.memory_space<vmem>>, vector<16xi32>,
      %swap3A_1327 = arith.constant 256 : index
      %swap3A_1328 = tpu.vector_load %arg11[%swap3A_1327] {strides = array<i32>} : memref<640xi32, #tpu.memory_space<vmem>>, vector<16xi32>,
      tpu.vector_store %arg11[%swap3A_1327], %broadcast_in_dim3A_1092 {strides = array<i32>} : memref<640xi32, #tpu.memory_space<vmem>>, vector<16xi32>,
      %swap3A_1329 = arith.constant 272 : index
      %swap3A_1330 = tpu.vector_load %arg11[%swap3A_1329] {strides = array<i32>} : memref<640xi32, #tpu.memory_space<vmem>>, vector<16xi32>,
      tpu.vector_store %arg11[%swap3A_1329], %broadcast_in_dim3A_1092 {strides = array<i32>} : memref<640xi32, #tpu.memory_space<vmem>>, vector<16xi32>,
      %swap3A_1331 = arith.constant 288 : index
      %swap3A_1332 = tpu.vector_load %arg11[%swap3A_1331] {strides = array<i32>} : memref<640xi32, #tpu.memory_space<vmem>>, vector<16xi32>,
      tpu.vector_store %arg11[%swap3A_1331], %broadcast_in_dim3A_1092 {strides = array<i32>} : memref<640xi32, #tpu.memory_space<vmem>>, vector<16xi32>,
      %swap3A_1333 = arith.constant 304 : index
      %swap3A_1334 = tpu.vector_load %arg11[%swap3A_1333] {strides = array<i32>} : memref<640xi32, #tpu.memory_space<vmem>>, vector<16xi32>,
      tpu.vector_store %arg11[%swap3A_1333], %broadcast_in_dim3A_1092 {strides = array<i32>} : memref<640xi32, #tpu.memory_space<vmem>>, vector<16xi32>,
      %swap3A_1335 = arith.constant 320 : index
      %swap3A_1336 = tpu.vector_load %arg11[%swap3A_1335] {strides = array<i32>} : memref<640xi32, #tpu.memory_space<vmem>>, vector<16xi32>,
      tpu.vector_store %arg11[%swap3A_1335], %broadcast_in_dim3A_1092 {strides = array<i32>} : memref<640xi32, #tpu.memory_space<vmem>>, vector<16xi32>,
      %swap3A_1337 = arith.constant 336 : index
      %swap3A_1338 = tpu.vector_load %arg11[%swap3A_1337] {strides = array<i32>} : memref<640xi32, #tpu.memory_space<vmem>>, vector<16xi32>,
      tpu.vector_store %arg11[%swap3A_1337], %broadcast_in_dim3A_1092 {strides = array<i32>} : memref<640xi32, #tpu.memory_space<vmem>>, vector<16xi32>,
      %swap3A_1339 = arith.constant 352 : index
      %swap3A_1340 = tpu.vector_load %arg11[%swap3A_1339] {strides = array<i32>} : memref<640xi32, #tpu.memory_space<vmem>>, vector<16xi32>,
      tpu.vector_store %arg11[%swap3A_1339], %broadcast_in_dim3A_1092 {strides = array<i32>} : memref<640xi32, #tpu.memory_space<vmem>>, vector<16xi32>,
      %swap3A_1341 = arith.constant 368 : index
      %swap3A_1342 = tpu.vector_load %arg11[%swap3A_1341] {strides = array<i32>} : memref<640xi32, #tpu.memory_space<vmem>>, vector<16xi32>,
      tpu.vector_store %arg11[%swap3A_1341], %broadcast_in_dim3A_1092 {strides = array<i32>} : memref<640xi32, #tpu.memory_space<vmem>>, vector<16xi32>,
      %swap3A_1343 = arith.constant 384 : index
      %swap3A_1344 = tpu.vector_load %arg11[%swap3A_1343] {strides = array<i32>} : memref<640xi32, #tpu.memory_space<vmem>>, vector<16xi32>,
      tpu.vector_store %arg11[%swap3A_1343], %broadcast_in_dim3A_1092 {strides = array<i32>} : memref<640xi32, #tpu.memory_space<vmem>>, vector<16xi32>,
      %swap3A_1345 = arith.constant 400 : index
      %swap3A_1346 = tpu.vector_load %arg11[%swap3A_1345] {strides = array<i32>} : memref<640xi32, #tpu.memory_space<vmem>>, vector<16xi32>,
      tpu.vector_store %arg11[%swap3A_1345], %broadcast_in_dim3A_1092 {strides = array<i32>} : memref<640xi32, #tpu.memory_space<vmem>>, vector<16xi32>,
      %swap3A_1347 = arith.constant 416 : index
      %swap3A_1348 = tpu.vector_load %arg11[%swap3A_1347] {strides = array<i32>} : memref<640xi32, #tpu.memory_space<vmem>>, vector<16xi32>,
      tpu.vector_store %arg11[%swap3A_1347], %broadcast_in_dim3A_1092 {strides = array<i32>} : memref<640xi32, #tpu.memory_space<vmem>>, vector<16xi32>,
      %swap3A_1349 = arith.constant 432 : index
      %swap3A_1350 = tpu.vector_load %arg11[%swap3A_1349] {strides = array<i32>} : memref<640xi32, #tpu.memory_space<vmem>>, vector<16xi32>,
      tpu.vector_store %arg11[%swap3A_1349], %broadcast_in_dim3A_1092 {strides = array<i32>} : memref<640xi32, #tpu.memory_space<vmem>>, vector<16xi32>,
      %swap3A_1351 = arith.constant 448 : index
      %swap3A_1352 = tpu.vector_load %arg11[%swap3A_1351] {strides = array<i32>} : memref<640xi32, #tpu.memory_space<vmem>>, vector<16xi32>,
      tpu.vector_store %arg11[%swap3A_1351], %broadcast_in_dim3A_1092 {strides = array<i32>} : memref<640xi32, #tpu.memory_space<vmem>>, vector<16xi32>,
      %swap3A_1353 = arith.constant 464 : index
      %swap3A_1354 = tpu.vector_load %arg11[%swap3A_1353] {strides = array<i32>} : memref<640xi32, #tpu.memory_space<vmem>>, vector<16xi32>,
      tpu.vector_store %arg11[%swap3A_1353], %broadcast_in_dim3A_1092 {strides = array<i32>} : memref<640xi32, #tpu.memory_space<vmem>>, vector<16xi32>,
      %swap3A_1355 = arith.constant 480 : index
      %swap3A_1356 = tpu.vector_load %arg11[%swap3A_1355] {strides = array<i32>} : memref<640xi32, #tpu.memory_space<vmem>>, vector<16xi32>,
      tpu.vector_store %arg11[%swap3A_1355], %broadcast_in_dim3A_1092 {strides = array<i32>} : memref<640xi32, #tpu.memory_space<vmem>>, vector<16xi32>,
      %swap3A_1357 = arith.constant 496 : index
      %swap3A_1358 = tpu.vector_load %arg11[%swap3A_1357] {strides = array<i32>} : memref<640xi32, #tpu.memory_space<vmem>>, vector<16xi32>,
      tpu.vector_store %arg11[%swap3A_1357], %broadcast_in_dim3A_1092 {strides = array<i32>} : memref<640xi32, #tpu.memory_space<vmem>>, vector<16xi32>,
      %swap3A_1359 = arith.constant 512 : index
      %swap3A_1360 = tpu.vector_load %arg11[%swap3A_1359] {strides = array<i32>} : memref<640xi32, #tpu.memory_space<vmem>>, vector<16xi32>,
      tpu.vector_store %arg11[%swap3A_1359], %broadcast_in_dim3A_1092 {strides = array<i32>} : memref<640xi32, #tpu.memory_space<vmem>>, vector<16xi32>,
      %swap3A_1361 = arith.constant 528 : index
      %swap3A_1362 = tpu.vector_load %arg11[%swap3A_1361] {strides = array<i32>} : memref<640xi32, #tpu.memory_space<vmem>>, vector<16xi32>,
      tpu.vector_store %arg11[%swap3A_1361], %broadcast_in_dim3A_1092 {strides = array<i32>} : memref<640xi32, #tpu.memory_space<vmem>>, vector<16xi32>,
      %swap3A_1363 = arith.constant 544 : index
      %swap3A_1364 = tpu.vector_load %arg11[%swap3A_1363] {strides = array<i32>} : memref<640xi32, #tpu.memory_space<vmem>>, vector<16xi32>,
      tpu.vector_store %arg11[%swap3A_1363], %broadcast_in_dim3A_1092 {strides = array<i32>} : memref<640xi32, #tpu.memory_space<vmem>>, vector<16xi32>,
      %swap3A_1365 = arith.constant 560 : index
      %swap3A_1366 = tpu.vector_load %arg11[%swap3A_1365] {strides = array<i32>} : memref<640xi32, #tpu.memory_space<vmem>>, vector<16xi32>,
      tpu.vector_store %arg11[%swap3A_1365], %broadcast_in_dim3A_1092 {strides = array<i32>} : memref<640xi32, #tpu.memory_space<vmem>>, vector<16xi32>,
      %swap3A_1367 = arith.constant 576 : index
      %swap3A_1368 = tpu.vector_load %arg11[%swap3A_1367] {strides = array<i32>} : memref<640xi32, #tpu.memory_space<vmem>>, vector<16xi32>,
      tpu.vector_store %arg11[%swap3A_1367], %broadcast_in_dim3A_1092 {strides = array<i32>} : memref<640xi32, #tpu.memory_space<vmem>>, vector<16xi32>,
      %swap3A_1369 = arith.constant 592 : index
      %swap3A_1370 = tpu.vector_load %arg11[%swap3A_1369] {strides = array<i32>} : memref<640xi32, #tpu.memory_space<vmem>>, vector<16xi32>,
      tpu.vector_store %arg11[%swap3A_1369], %broadcast_in_dim3A_1092 {strides = array<i32>} : memref<640xi32, #tpu.memory_space<vmem>>, vector<16xi32>,
      %swap3A_1371 = arith.constant 608 : index
      %swap3A_1372 = tpu.vector_load %arg11[%swap3A_1371] {strides = array<i32>} : memref<640xi32, #tpu.memory_space<vmem>>, vector<16xi32>,
      tpu.vector_store %arg11[%swap3A_1371], %broadcast_in_dim3A_1092 {strides = array<i32>} : memref<640xi32, #tpu.memory_space<vmem>>, vector<16xi32>,
      %swap3A_1373 = arith.constant 624 : index
      %swap3A_1374 = tpu.vector_load %arg11[%swap3A_1373] {strides = array<i32>} : memref<640xi32, #tpu.memory_space<vmem>>, vector<16xi32>,
      tpu.vector_store %arg11[%swap3A_1373], %broadcast_in_dim3A_1092 {strides = array<i32>} : memref<640xi32, #tpu.memory_space<vmem>>, vector<16xi32>,
      %add3A_1375 = arith.constant 640 : i32
      %add3A_1376 = arith.addi %add3A_1294, %add3A_1375 : i32
      %scan3A_1377 = arith.constant 0 : i32
      %scan3A_1378 = arith.constant 16384 : i32
      %scan3A_1379 = arith.constant 0 : i32
      %scan3A_1380 = arith.constant 15 : i32
      %scan3A_1381 = arith.addi %scan3A_1379, %scan3A_1380 : i32
      %scan3A_1382 = arith.constant 1 : i32
      %scan3A_1383:2 = scf.for %scan3A_3344 = %scan3A_1379 to %scan3A_1381 step %scan3A_1382 iter_args(%scan3A_3345 = %scan3A_1377, %scan3A_3346 = %scan3A_1378) -> (i32, i32)  : i32 {
        %add3A_3347 = arith.addi %scan3A_3345, %scan3A_3346 : i32
        %jit3A_3348 = arith.constant 2 : i32
        %div3A_3349 = arith.divsi %add3A_3347, %jit3A_3348 : i32
        %sign3A_3350 = arith.constant 0 : i32
        %sign3A_3351 = arith.cmpi sgt, %add3A_3347, %sign3A_3350 : i32
        %sign3A_3352 = arith.extui %sign3A_3351 : i1 to i32
        %sign3A_3353 = arith.constant 0 : i32
        %sign3A_3354 = arith.cmpi slt, %add3A_3347, %sign3A_3353 : i32
        %sign3A_3355 = arith.extui %sign3A_3354 : i1 to i32
        %sign3A_3356 = arith.subi %sign3A_3352, %sign3A_3355 : i32
        %sign3A_3357 = arith.constant 0 : i32
        %sign3A_3358 = arith.cmpi sgt, %jit3A_3348, %sign3A_3357 : i32
        %sign3A_3359 = arith.extui %sign3A_3358 : i1 to i32
        %sign3A_3360 = arith.constant 0 : i32
        %sign3A_3361 = arith.cmpi slt, %jit3A_3348, %sign3A_3360 : i32
        %sign3A_3362 = arith.extui %sign3A_3361 : i1 to i32
        %sign3A_3363 = arith.subi %sign3A_3359, %sign3A_3362 : i32
        %ne3A_3364 = arith.cmpi ne, %sign3A_3356, %sign3A_3363 : i32
        %rem3A_3365 = arith.remsi %add3A_3347, %jit3A_3348 : i32
        %ne3A_3366 = arith.constant 0 : i32
        %ne3A_3367 = arith.cmpi ne, %rem3A_3365, %ne3A_3366 : i32
        %and3A_3368 = arith.andi %ne3A_3364, %ne3A_3367 : i1
        %sub3A_3369 = arith.constant 1 : i32
        %sub3A_3370 = arith.subi %div3A_3349, %sub3A_3369 : i32
        %select_n3A_3371 = arith.select %and3A_3368, %sub3A_3370, %div3A_3349 : i32
        %get3A_3372 = arith.index_cast %select_n3A_3371 : i32 to index
        %get3A_3373 = tpu.vector_load %arg12[%get3A_3372] {strides = array<i32>} : memref<16416xi32, #tpu.memory_space<vmem>>, vector<16xi32>,
        %slice3A_3374 = vector.extract_strided_slice %get3A_3373 {offsets = [0], sizes = [1], strides = [1]} : vector<16xi32> to vector<1xi32>
        %squeeze3A_3375 = vector.extract %slice3A_3374[0] : i32 from vector<1xi32>
        %ge3A_3376 = arith.cmpi sge, %squeeze3A_3375, %add3A_1376 : i32
        %add3A_3377 = arith.constant 1 : i32
        %add3A_3378 = arith.addi %select_n3A_3371, %add3A_3377 : i32
        %select_n3A_3379 = arith.select %ge3A_3376, %scan3A_3345, %add3A_3378 : i32
        %select_n3A_3380 = arith.select %ge3A_3376, %select_n3A_3371, %scan3A_3346 : i32
        scf.yield %select_n3A_3379, %select_n3A_3380 : i32, i32
      }
      %scan3A_1384 = arith.constant 15 : i32
      %jit3A_1385 = arith.constant 16 : i32
      %div3A = arith.divsi %scan3A_1176, %jit3A_1385 : i32
      %sign3A = arith.constant 0 : i32
      %sign3A_1386 = arith.cmpi sgt, %scan3A_1176, %sign3A : i32
      %sign3A_1387 = arith.extui %sign3A_1386 : i1 to i32
      %sign3A_1388 = arith.constant 0 : i32
      %sign3A_1389 = arith.cmpi slt, %scan3A_1176, %sign3A_1388 : i32
      %sign3A_1390 = arith.extui %sign3A_1389 : i1 to i32
      %sign3A_1391 = arith.subi %sign3A_1387, %sign3A_1390 : i32
      %sign3A_1392 = arith.constant 0 : i32
      %sign3A_1393 = arith.cmpi sgt, %jit3A_1385, %sign3A_1392 : i32
      %sign3A_1394 = arith.extui %sign3A_1393 : i1 to i32
      %sign3A_1395 = arith.constant 0 : i32
      %sign3A_1396 = arith.cmpi slt, %jit3A_1385, %sign3A_1395 : i32
      %sign3A_1397 = arith.extui %sign3A_1396 : i1 to i32
      %sign3A_1398 = arith.subi %sign3A_1394, %sign3A_1397 : i32
      %ne3A = arith.cmpi ne, %sign3A_1391, %sign3A_1398 : i32
      %rem3A = arith.remsi %scan3A_1176, %jit3A_1385 : i32
      %ne3A_1399 = arith.constant 0 : i32
      %ne3A_1400 = arith.cmpi ne, %rem3A, %ne3A_1399 : i32
      %and3A = arith.andi %ne3A, %ne3A_1400 : i1
      %sub3A_1401 = arith.constant 1 : i32
      %sub3A_1402 = arith.subi %div3A, %sub3A_1401 : i32
      %select_n3A_1403 = arith.select %and3A, %sub3A_1402, %div3A : i32
      %mul3A_1404 = arith.constant 16 : i32
      %mul3A_1405 = arith.muli %select_n3A_1403, %mul3A_1404 : i32
      %gt3A = arith.cmpi sgt, %scan3A_1383#0, %scan3A_1176 : i32
      %sub3A_1406 = arith.constant 1 : i32
      %sub3A_1407 = arith.subi %scan3A_1383#0, %sub3A_1406 : i32
      %jit3A_1408 = arith.constant 16 : i32
      %div3A_1409 = arith.divsi %sub3A_1407, %jit3A_1408 : i32
      %sign3A_1410 = arith.constant 0 : i32
      %sign3A_1411 = arith.cmpi sgt, %sub3A_1407, %sign3A_1410 : i32
      %sign3A_1412 = arith.extui %sign3A_1411 : i1 to i32
      %sign3A_1413 = arith.constant 0 : i32
      %sign3A_1414 = arith.cmpi slt, %sub3A_1407, %sign3A_1413 : i32
      %sign3A_1415 = arith.extui %sign3A_1414 : i1 to i32
      %sign3A_1416 = arith.subi %sign3A_1412, %sign3A_1415 : i32
      %sign3A_1417 = arith.constant 0 : i32
      %sign3A_1418 = arith.cmpi sgt, %jit3A_1408, %sign3A_1417 : i32
      %sign3A_1419 = arith.extui %sign3A_1418 : i1 to i32
      %sign3A_1420 = arith.constant 0 : i32
      %sign3A_1421 = arith.cmpi slt, %jit3A_1408, %sign3A_1420 : i32
      %sign3A_1422 = arith.extui %sign3A_1421 : i1 to i32
      %sign3A_1423 = arith.subi %sign3A_1419, %sign3A_1422 : i32
      %ne3A_1424 = arith.cmpi ne, %sign3A_1416, %sign3A_1423 : i32
      %rem3A_1425 = arith.remsi %sub3A_1407, %jit3A_1408 : i32
      %ne3A_1426 = arith.constant 0 : i32
      %ne3A_1427 = arith.cmpi ne, %rem3A_1425, %ne3A_1426 : i32
      %and3A_1428 = arith.andi %ne3A_1424, %ne3A_1427 : i1
      %sub3A_1429 = arith.constant 1 : i32
      %sub3A_1430 = arith.subi %div3A_1409, %sub3A_1429 : i32
      %select_n3A_1431 = arith.select %and3A_1428, %sub3A_1430, %div3A_1409 : i32
      %jit3A_1432 = arith.constant 16 : i32
      %div3A_1433 = arith.divsi %scan3A_1176, %jit3A_1432 : i32
      %sign3A_1434 = arith.constant 0 : i32
      %sign3A_1435 = arith.cmpi sgt, %scan3A_1176, %sign3A_1434 : i32
      %sign3A_1436 = arith.extui %sign3A_1435 : i1 to i32
      %sign3A_1437 = arith.constant 0 : i32
      %sign3A_1438 = arith.cmpi slt, %scan3A_1176, %sign3A_1437 : i32
      %sign3A_1439 = arith.extui %sign3A_1438 : i1 to i32
      %sign3A_1440 = arith.subi %sign3A_1436, %sign3A_1439 : i32
      %sign3A_1441 = arith.constant 0 : i32
      %sign3A_1442 = arith.cmpi sgt, %jit3A_1432, %sign3A_1441 : i32
      %sign3A_1443 = arith.extui %sign3A_1442 : i1 to i32
      %sign3A_1444 = arith.constant 0 : i32
      %sign3A_1445 = arith.cmpi slt, %jit3A_1432, %sign3A_1444 : i32
      %sign3A_1446 = arith.extui %sign3A_1445 : i1 to i32
      %sign3A_1447 = arith.subi %sign3A_1443, %sign3A_1446 : i32
      %ne3A_1448 = arith.cmpi ne, %sign3A_1440, %sign3A_1447 : i32
      %rem3A_1449 = arith.remsi %scan3A_1176, %jit3A_1432 : i32
      %ne3A_1450 = arith.constant 0 : i32
      %ne3A_1451 = arith.cmpi ne, %rem3A_1449, %ne3A_1450 : i32
      %and3A_1452 = arith.andi %ne3A_1448, %ne3A_1451 : i1
      %sub3A_1453 = arith.constant 1 : i32
      %sub3A_1454 = arith.subi %div3A_1433, %sub3A_1453 : i32
      %select_n3A_1455 = arith.select %and3A_1452, %sub3A_1454, %div3A_1433 : i32
      %sub3A_1456 = arith.subi %select_n3A_1431, %select_n3A_1455 : i32
      %add3A_1457 = arith.constant 1 : i32
      %add3A_1458 = arith.addi %sub3A_1456, %add3A_1457 : i32
      %jit3A_1459 = arith.constant 0 : i32
      %select_n3A_1460 = arith.select %gt3A, %add3A_1458, %jit3A_1459 : i32
      %while3A = arith.constant 0 : i32
      %while3A_1461 = arith.constant 0 : i32
      %while3A_1462 = arith.subi %select_n3A_1460, %while3A : i32
      %while3A_1463 = arith.addi %while3A, %while3A_1462 : i32
      %while3A_1464 = arith.constant 1 : i32
      %while3A_1465 = arith.divsi %while3A_1462, %while3A_1464 : i32
      %while3A_1466 = arith.muli %while3A_1465, %while3A_1464 : i32
      %while3A_1467 = arith.addi %while3A, %while3A_1466 : i32
      %while3A_1468 = arith.constant 1 : i32
      %while3A_1469 = scf.for %while3A_3344 = %while3A to %while3A_1467 step %while3A_1468 iter_args(%while3A_3345 = %while3A_1461) -> (i32)  : i32 {
        %mul3A_3346 = arith.constant 16 : i32
        %mul3A_3347 = arith.muli %while3A_3344, %mul3A_3346 : i32
        %add3A_3348 = arith.addi %mul3A_1405, %mul3A_3347 : i32
        %get3A_3349 = arith.index_cast %add3A_3348 : i32 to index
        %get3A_3350 = tpu.vector_load %arg12[%get3A_3349] {strides = array<i32>} : memref<16416xi32, #tpu.memory_space<vmem>>, vector<16xi32>,
        %add3A_3351 = arith.constant 1 : i32
        %add3A_3352 = arith.addi %add3A_3348, %add3A_3351 : i32
        %get3A_3353 = arith.index_cast %add3A_3352 : i32 to index
        %get3A_3354 = tpu.vector_load %arg12[%get3A_3353] {strides = array<i32>} : memref<16416xi32, #tpu.memory_space<vmem>>, vector<16xi32>,
        %ge3A_3355 = vector.broadcast %add3A_1294 : i32 to vector<16xi32>
        %ge3A_3356 = arith.cmpi sge, %get3A_3350, %ge3A_3355 : vector<16xi32>
        %add3A_3357 = arith.constant 640 : i32
        %add3A_3358 = arith.addi %add3A_1294, %add3A_3357 : i32
        %lt3A_3359 = vector.broadcast %add3A_3358 : i32 to vector<16xi32>
        %lt3A_3360 = arith.cmpi slt, %get3A_3350, %lt3A_3359 : vector<16xi32>
        %and3A_3361 = arith.andi %ge3A_3356, %lt3A_3360 : vector<16xi1>
        %ne3A_3362 = arith.cmpi ne, %get3A_3350, %get3A_3354 : vector<16xi32>
        %add3A_3363 = vector.broadcast %add3A_3348 : i32 to vector<16xi32>
        %add3A_3364 = arith.addi %add3A_3363, %iota3A_1090 : vector<16xi32>
        %sub3A_3365 = vector.broadcast %add3A_1294 : i32 to vector<16xi32>
        %sub3A_3366 = arith.subi %get3A_3350, %sub3A_3365 : vector<16xi32>
        %and3A_3367 = arith.andi %ne3A_3362, %and3A_3361 : vector<16xi1>
        tpu.vector_store_idx %arg11[%sub3A_3366], %add3A_3364 masked %and3A_3367 : memref<640xi32, #tpu.memory_space<vmem>>[vector<16xi32>], vector<16xi32>, vector<16xi1>
        %while3A_3368 = arith.constant 0 : i32
        scf.yield %while3A_3368 : i32
      }
      %while3A_1470 = arith.constant 1 : i32
      %while3A_1471 = scf.for %while3A_3344 = %while3A_1467 to %while3A_1463 step %while3A_1470 iter_args(%while3A_3345 = %while3A_1469) -> (i32)  : i32 {
        %mul3A_3346 = arith.constant 16 : i32
        %mul3A_3347 = arith.muli %while3A_3344, %mul3A_3346 : i32
        %add3A_3348 = arith.addi %mul3A_1405, %mul3A_3347 : i32
        %get3A_3349 = arith.index_cast %add3A_3348 : i32 to index
        %get3A_3350 = tpu.vector_load %arg12[%get3A_3349] {strides = array<i32>} : memref<16416xi32, #tpu.memory_space<vmem>>, vector<16xi32>,
        %add3A_3351 = arith.constant 1 : i32
        %add3A_3352 = arith.addi %add3A_3348, %add3A_3351 : i32
        %get3A_3353 = arith.index_cast %add3A_3352 : i32 to index
        %get3A_3354 = tpu.vector_load %arg12[%get3A_3353] {strides = array<i32>} : memref<16416xi32, #tpu.memory_space<vmem>>, vector<16xi32>,
        %ge3A_3355 = vector.broadcast %add3A_1294 : i32 to vector<16xi32>
        %ge3A_3356 = arith.cmpi sge, %get3A_3350, %ge3A_3355 : vector<16xi32>
        %add3A_3357 = arith.constant 640 : i32
        %add3A_3358 = arith.addi %add3A_1294, %add3A_3357 : i32
        %lt3A_3359 = vector.broadcast %add3A_3358 : i32 to vector<16xi32>
        %lt3A_3360 = arith.cmpi slt, %get3A_3350, %lt3A_3359 : vector<16xi32>
        %and3A_3361 = arith.andi %ge3A_3356, %lt3A_3360 : vector<16xi1>
        %ne3A_3362 = arith.cmpi ne, %get3A_3350, %get3A_3354 : vector<16xi32>
        %add3A_3363 = vector.broadcast %add3A_3348 : i32 to vector<16xi32>
        %add3A_3364 = arith.addi %add3A_3363, %iota3A_1090 : vector<16xi32>
        %sub3A_3365 = vector.broadcast %add3A_1294 : i32 to vector<16xi32>
        %sub3A_3366 = arith.subi %get3A_3350, %sub3A_3365 : vector<16xi32>
        %and3A_3367 = arith.andi %ne3A_3362, %and3A_3361 : vector<16xi1>
        tpu.vector_store_idx %arg11[%sub3A_3366], %add3A_3364 masked %and3A_3367 : memref<640xi32, #tpu.memory_space<vmem>>[vector<16xi32>], vector<16xi32>, vector<16xi1>
        %while3A_3368 = arith.constant 0 : i32
        scf.yield %while3A_3368 : i32
      }
      %get3A_1472 = arith.constant 0 : index
      %get3A_1473 = tpu.vector_load %arg11[%get3A_1472] {strides = array<i32>} : memref<640xi32, #tpu.memory_space<vmem>>, vector<16xi32>,
      %broadcast_in_dim3A_1474 = arith.constant true
      %broadcast_in_dim3A_1475 = vector.broadcast %broadcast_in_dim3A_1474 : i1 to vector<16xi1>
      %masked_cummax3A = arith.constant -2147483648 : i32
      %masked_cummax3A_1476 = vector.broadcast %masked_cummax3A : i32 to vector<16xi32>
      %masked_cummax3A_1477 = arith.xori %get3A_1473, %masked_cummax3A_1476 : vector<16xi32>
      %masked_cummax3A_1478 = tpu.scan <max>, %masked_cummax3A_1477 masked %broadcast_in_dim3A_1475 : vector<16xi32>, vector<16xi1> -> vector<16xi32>
      %masked_cummax3A_1479 = arith.xori %masked_cummax3A_1478, %masked_cummax3A_1476 : vector<16xi32>
      %max3A = vector.broadcast %scan3A_1177 : i32 to vector<16xi32>
      %max3A_1480 = arith.maxsi %masked_cummax3A_1479, %max3A : vector<16xi32>
      %swap3A_1481 = arith.constant 0 : i32
      %swap3A_1482 = arith.index_cast %swap3A_1481 : i32 to index
      %swap3A_1483 = arith.constant 0 : index
      %swap3A_1484 = tpu.vector_load %arg15[%swap3A_1482, %swap3A_1483] {strides = array<i32>} : memref<5x128xi32, #tpu.memory_space<vmem>>, vector<16xi32>,
      tpu.vector_store %arg15[%swap3A_1482, %swap3A_1483], %max3A_1480 {strides = array<i32>} : memref<5x128xi32, #tpu.memory_space<vmem>>, vector<16xi32>,
      %slice3A = vector.extract_strided_slice %max3A_1480 {offsets = [15], sizes = [1], strides = [1]} : vector<16xi32> to vector<1xi32>
      %squeeze3A = vector.extract %slice3A[0] : i32 from vector<1xi32>
      %get3A_1485 = arith.constant 16 : index
      %get3A_1486 = tpu.vector_load %arg11[%get3A_1485] {strides = array<i32>} : memref<640xi32, #tpu.memory_space<vmem>>, vector<16xi32>,
      %broadcast_in_dim3A_1487 = arith.constant true
      %broadcast_in_dim3A_1488 = vector.broadcast %broadcast_in_dim3A_1487 : i1 to vector<16xi1>
      %masked_cummax3A_1489 = arith.constant -2147483648 : i32
      %masked_cummax3A_1490 = vector.broadcast %masked_cummax3A_1489 : i32 to vector<16xi32>
      %masked_cummax3A_1491 = arith.xori %get3A_1486, %masked_cummax3A_1490 : vector<16xi32>
      %masked_cummax3A_1492 = tpu.scan <max>, %masked_cummax3A_1491 masked %broadcast_in_dim3A_1488 : vector<16xi32>, vector<16xi1> -> vector<16xi32>
      %masked_cummax3A_1493 = arith.xori %masked_cummax3A_1492, %masked_cummax3A_1490 : vector<16xi32>
      %max3A_1494 = vector.broadcast %squeeze3A : i32 to vector<16xi32>
      %max3A_1495 = arith.maxsi %masked_cummax3A_1493, %max3A_1494 : vector<16xi32>
      %swap3A_1496 = arith.constant 0 : i32
      %swap3A_1497 = arith.index_cast %swap3A_1496 : i32 to index
      %swap3A_1498 = arith.constant 16 : index
      %swap3A_1499 = tpu.vector_load %arg15[%swap3A_1497, %swap3A_1498] {strides = array<i32>} : memref<5x128xi32, #tpu.memory_space<vmem>>, vector<16xi32>,
      tpu.vector_store %arg15[%swap3A_1497, %swap3A_1498], %max3A_1495 {strides = array<i32>} : memref<5x128xi32, #tpu.memory_space<vmem>>, vector<16xi32>,
      %slice3A_1500 = vector.extract_strided_slice %max3A_1495 {offsets = [15], sizes = [1], strides = [1]} : vector<16xi32> to vector<1xi32>
      %squeeze3A_1501 = vector.extract %slice3A_1500[0] : i32 from vector<1xi32>
      %get3A_1502 = arith.constant 32 : index
      %get3A_1503 = tpu.vector_load %arg11[%get3A_1502] {strides = array<i32>} : memref<640xi32, #tpu.memory_space<vmem>>, vector<16xi32>,
      %broadcast_in_dim3A_1504 = arith.constant true
      %broadcast_in_dim3A_1505 = vector.broadcast %broadcast_in_dim3A_1504 : i1 to vector<16xi1>
      %masked_cummax3A_1506 = arith.constant -2147483648 : i32
      %masked_cummax3A_1507 = vector.broadcast %masked_cummax3A_1506 : i32 to vector<16xi32>
      %masked_cummax3A_1508 = arith.xori %get3A_1503, %masked_cummax3A_1507 : vector<16xi32>
      %masked_cummax3A_1509 = tpu.scan <max>, %masked_cummax3A_1508 masked %broadcast_in_dim3A_1505 : vector<16xi32>, vector<16xi1> -> vector<16xi32>
      %masked_cummax3A_1510 = arith.xori %masked_cummax3A_1509, %masked_cummax3A_1507 : vector<16xi32>
      %max3A_1511 = vector.broadcast %squeeze3A_1501 : i32 to vector<16xi32>
      %max3A_1512 = arith.maxsi %masked_cummax3A_1510, %max3A_1511 : vector<16xi32>
      %swap3A_1513 = arith.constant 0 : i32
      %swap3A_1514 = arith.index_cast %swap3A_1513 : i32 to index
      %swap3A_1515 = arith.constant 32 : index
      %swap3A_1516 = tpu.vector_load %arg15[%swap3A_1514, %swap3A_1515] {strides = array<i32>} : memref<5x128xi32, #tpu.memory_space<vmem>>, vector<16xi32>,
      tpu.vector_store %arg15[%swap3A_1514, %swap3A_1515], %max3A_1512 {strides = array<i32>} : memref<5x128xi32, #tpu.memory_space<vmem>>, vector<16xi32>,
      %slice3A_1517 = vector.extract_strided_slice %max3A_1512 {offsets = [15], sizes = [1], strides = [1]} : vector<16xi32> to vector<1xi32>
      %squeeze3A_1518 = vector.extract %slice3A_1517[0] : i32 from vector<1xi32>
      %get3A_1519 = arith.constant 48 : index
      %get3A_1520 = tpu.vector_load %arg11[%get3A_1519] {strides = array<i32>} : memref<640xi32, #tpu.memory_space<vmem>>, vector<16xi32>,
      %broadcast_in_dim3A_1521 = arith.constant true
      %broadcast_in_dim3A_1522 = vector.broadcast %broadcast_in_dim3A_1521 : i1 to vector<16xi1>
      %masked_cummax3A_1523 = arith.constant -2147483648 : i32
      %masked_cummax3A_1524 = vector.broadcast %masked_cummax3A_1523 : i32 to vector<16xi32>
      %masked_cummax3A_1525 = arith.xori %get3A_1520, %masked_cummax3A_1524 : vector<16xi32>
      %masked_cummax3A_1526 = tpu.scan <max>, %masked_cummax3A_1525 masked %broadcast_in_dim3A_1522 : vector<16xi32>, vector<16xi1> -> vector<16xi32>
      %masked_cummax3A_1527 = arith.xori %masked_cummax3A_1526, %masked_cummax3A_1524 : vector<16xi32>
      %max3A_1528 = vector.broadcast %squeeze3A_1518 : i32 to vector<16xi32>
      %max3A_1529 = arith.maxsi %masked_cummax3A_1527, %max3A_1528 : vector<16xi32>
      %swap3A_1530 = arith.constant 0 : i32
      %swap3A_1531 = arith.index_cast %swap3A_1530 : i32 to index
      %swap3A_1532 = arith.constant 48 : index
      %swap3A_1533 = tpu.vector_load %arg15[%swap3A_1531, %swap3A_1532] {strides = array<i32>} : memref<5x128xi32, #tpu.memory_space<vmem>>, vector<16xi32>,
      tpu.vector_store %arg15[%swap3A_1531, %swap3A_1532], %max3A_1529 {strides = array<i32>} : memref<5x128xi32, #tpu.memory_space<vmem>>, vector<16xi32>,
      %slice3A_1534 = vector.extract_strided_slice %max3A_1529 {offsets = [15], sizes = [1], strides = [1]} : vector<16xi32> to vector<1xi32>
      %squeeze3A_1535 = vector.extract %slice3A_1534[0] : i32 from vector<1xi32>
      %get3A_1536 = arith.constant 64 : index
      %get3A_1537 = tpu.vector_load %arg11[%get3A_1536] {strides = array<i32>} : memref<640xi32, #tpu.memory_space<vmem>>, vector<16xi32>,
      %broadcast_in_dim3A_1538 = arith.constant true
      %broadcast_in_dim3A_1539 = vector.broadcast %broadcast_in_dim3A_1538 : i1 to vector<16xi1>
      %masked_cummax3A_1540 = arith.constant -2147483648 : i32
      %masked_cummax3A_1541 = vector.broadcast %masked_cummax3A_1540 : i32 to vector<16xi32>
      %masked_cummax3A_1542 = arith.xori %get3A_1537, %masked_cummax3A_1541 : vector<16xi32>
      %masked_cummax3A_1543 = tpu.scan <max>, %masked_cummax3A_1542 masked %broadcast_in_dim3A_1539 : vector<16xi32>, vector<16xi1> -> vector<16xi32>
      %masked_cummax3A_1544 = arith.xori %masked_cummax3A_1543, %masked_cummax3A_1541 : vector<16xi32>
      %max3A_1545 = vector.broadcast %squeeze3A_1535 : i32 to vector<16xi32>
      %max3A_1546 = arith.maxsi %masked_cummax3A_1544, %max3A_1545 : vector<16xi32>
      %swap3A_1547 = arith.constant 0 : i32
      %swap3A_1548 = arith.index_cast %swap3A_1547 : i32 to index
      %swap3A_1549 = arith.constant 64 : index
      %swap3A_1550 = tpu.vector_load %arg15[%swap3A_1548, %swap3A_1549] {strides = array<i32>} : memref<5x128xi32, #tpu.memory_space<vmem>>, vector<16xi32>,
      tpu.vector_store %arg15[%swap3A_1548, %swap3A_1549], %max3A_1546 {strides = array<i32>} : memref<5x128xi32, #tpu.memory_space<vmem>>, vector<16xi32>,
      %slice3A_1551 = vector.extract_strided_slice %max3A_1546 {offsets = [15], sizes = [1], strides = [1]} : vector<16xi32> to vector<1xi32>
      %squeeze3A_1552 = vector.extract %slice3A_1551[0] : i32 from vector<1xi32>
      %get3A_1553 = arith.constant 80 : index
      %get3A_1554 = tpu.vector_load %arg11[%get3A_1553] {strides = array<i32>} : memref<640xi32, #tpu.memory_space<vmem>>, vector<16xi32>,
      %broadcast_in_dim3A_1555 = arith.constant true
      %broadcast_in_dim3A_1556 = vector.broadcast %broadcast_in_dim3A_1555 : i1 to vector<16xi1>
      %masked_cummax3A_1557 = arith.constant -2147483648 : i32
      %masked_cummax3A_1558 = vector.broadcast %masked_cummax3A_1557 : i32 to vector<16xi32>
      %masked_cummax3A_1559 = arith.xori %get3A_1554, %masked_cummax3A_1558 : vector<16xi32>
      %masked_cummax3A_1560 = tpu.scan <max>, %masked_cummax3A_1559 masked %broadcast_in_dim3A_1556 : vector<16xi32>, vector<16xi1> -> vector<16xi32>
      %masked_cummax3A_1561 = arith.xori %masked_cummax3A_1560, %masked_cummax3A_1558 : vector<16xi32>
      %max3A_1562 = vector.broadcast %squeeze3A_1552 : i32 to vector<16xi32>
      %max3A_1563 = arith.maxsi %masked_cummax3A_1561, %max3A_1562 : vector<16xi32>
      %swap3A_1564 = arith.constant 0 : i32
      %swap3A_1565 = arith.index_cast %swap3A_1564 : i32 to index
      %swap3A_1566 = arith.constant 80 : index
      %swap3A_1567 = tpu.vector_load %arg15[%swap3A_1565, %swap3A_1566] {strides = array<i32>} : memref<5x128xi32, #tpu.memory_space<vmem>>, vector<16xi32>,
      tpu.vector_store %arg15[%swap3A_1565, %swap3A_1566], %max3A_1563 {strides = array<i32>} : memref<5x128xi32, #tpu.memory_space<vmem>>, vector<16xi32>,
      %slice3A_1568 = vector.extract_strided_slice %max3A_1563 {offsets = [15], sizes = [1], strides = [1]} : vector<16xi32> to vector<1xi32>
      %squeeze3A_1569 = vector.extract %slice3A_1568[0] : i32 from vector<1xi32>
      %get3A_1570 = arith.constant 96 : index
      %get3A_1571 = tpu.vector_load %arg11[%get3A_1570] {strides = array<i32>} : memref<640xi32, #tpu.memory_space<vmem>>, vector<16xi32>,
      %broadcast_in_dim3A_1572 = arith.constant true
      %broadcast_in_dim3A_1573 = vector.broadcast %broadcast_in_dim3A_1572 : i1 to vector<16xi1>
      %masked_cummax3A_1574 = arith.constant -2147483648 : i32
      %masked_cummax3A_1575 = vector.broadcast %masked_cummax3A_1574 : i32 to vector<16xi32>
      %masked_cummax3A_1576 = arith.xori %get3A_1571, %masked_cummax3A_1575 : vector<16xi32>
      %masked_cummax3A_1577 = tpu.scan <max>, %masked_cummax3A_1576 masked %broadcast_in_dim3A_1573 : vector<16xi32>, vector<16xi1> -> vector<16xi32>
      %masked_cummax3A_1578 = arith.xori %masked_cummax3A_1577, %masked_cummax3A_1575 : vector<16xi32>
      %max3A_1579 = vector.broadcast %squeeze3A_1569 : i32 to vector<16xi32>
      %max3A_1580 = arith.maxsi %masked_cummax3A_1578, %max3A_1579 : vector<16xi32>
      %swap3A_1581 = arith.constant 0 : i32
      %swap3A_1582 = arith.index_cast %swap3A_1581 : i32 to index
      %swap3A_1583 = arith.constant 96 : index
      %swap3A_1584 = tpu.vector_load %arg15[%swap3A_1582, %swap3A_1583] {strides = array<i32>} : memref<5x128xi32, #tpu.memory_space<vmem>>, vector<16xi32>,
      tpu.vector_store %arg15[%swap3A_1582, %swap3A_1583], %max3A_1580 {strides = array<i32>} : memref<5x128xi32, #tpu.memory_space<vmem>>, vector<16xi32>,
      %slice3A_1585 = vector.extract_strided_slice %max3A_1580 {offsets = [15], sizes = [1], strides = [1]} : vector<16xi32> to vector<1xi32>
      %squeeze3A_1586 = vector.extract %slice3A_1585[0] : i32 from vector<1xi32>
      %get3A_1587 = arith.constant 112 : index
      %get3A_1588 = tpu.vector_load %arg11[%get3A_1587] {strides = array<i32>} : memref<640xi32, #tpu.memory_space<vmem>>, vector<16xi32>,
      %broadcast_in_dim3A_1589 = arith.constant true
      %broadcast_in_dim3A_1590 = vector.broadcast %broadcast_in_dim3A_1589 : i1 to vector<16xi1>
      %masked_cummax3A_1591 = arith.constant -2147483648 : i32
      %masked_cummax3A_1592 = vector.broadcast %masked_cummax3A_1591 : i32 to vector<16xi32>
      %masked_cummax3A_1593 = arith.xori %get3A_1588, %masked_cummax3A_1592 : vector<16xi32>
      %masked_cummax3A_1594 = tpu.scan <max>, %masked_cummax3A_1593 masked %broadcast_in_dim3A_1590 : vector<16xi32>, vector<16xi1> -> vector<16xi32>
      %masked_cummax3A_1595 = arith.xori %masked_cummax3A_1594, %masked_cummax3A_1592 : vector<16xi32>
      %max3A_1596 = vector.broadcast %squeeze3A_1586 : i32 to vector<16xi32>
      %max3A_1597 = arith.maxsi %masked_cummax3A_1595, %max3A_1596 : vector<16xi32>
      %swap3A_1598 = arith.constant 0 : i32
      %swap3A_1599 = arith.index_cast %swap3A_1598 : i32 to index
      %swap3A_1600 = arith.constant 112 : index
      %swap3A_1601 = tpu.vector_load %arg15[%swap3A_1599, %swap3A_1600] {strides = array<i32>} : memref<5x128xi32, #tpu.memory_space<vmem>>, vector<16xi32>,
      tpu.vector_store %arg15[%swap3A_1599, %swap3A_1600], %max3A_1597 {strides = array<i32>} : memref<5x128xi32, #tpu.memory_space<vmem>>, vector<16xi32>,
      %slice3A_1602 = vector.extract_strided_slice %max3A_1597 {offsets = [15], sizes = [1], strides = [1]} : vector<16xi32> to vector<1xi32>
      %squeeze3A_1603 = vector.extract %slice3A_1602[0] : i32 from vector<1xi32>
      %get3A_1604 = arith.constant 128 : index
      %get3A_1605 = tpu.vector_load %arg11[%get3A_1604] {strides = array<i32>} : memref<640xi32, #tpu.memory_space<vmem>>, vector<16xi32>,
      %broadcast_in_dim3A_1606 = arith.constant true
      %broadcast_in_dim3A_1607 = vector.broadcast %broadcast_in_dim3A_1606 : i1 to vector<16xi1>
      %masked_cummax3A_1608 = arith.constant -2147483648 : i32
      %masked_cummax3A_1609 = vector.broadcast %masked_cummax3A_1608 : i32 to vector<16xi32>
      %masked_cummax3A_1610 = arith.xori %get3A_1605, %masked_cummax3A_1609 : vector<16xi32>
      %masked_cummax3A_1611 = tpu.scan <max>, %masked_cummax3A_1610 masked %broadcast_in_dim3A_1607 : vector<16xi32>, vector<16xi1> -> vector<16xi32>
      %masked_cummax3A_1612 = arith.xori %masked_cummax3A_1611, %masked_cummax3A_1609 : vector<16xi32>
      %max3A_1613 = vector.broadcast %squeeze3A_1603 : i32 to vector<16xi32>
      %max3A_1614 = arith.maxsi %masked_cummax3A_1612, %max3A_1613 : vector<16xi32>
      %swap3A_1615 = arith.constant 1 : i32
      %swap3A_1616 = arith.index_cast %swap3A_1615 : i32 to index
      %swap3A_1617 = arith.constant 0 : index
      %swap3A_1618 = tpu.vector_load %arg15[%swap3A_1616, %swap3A_1617] {strides = array<i32>} : memref<5x128xi32, #tpu.memory_space<vmem>>, vector<16xi32>,
      tpu.vector_store %arg15[%swap3A_1616, %swap3A_1617], %max3A_1614 {strides = array<i32>} : memref<5x128xi32, #tpu.memory_space<vmem>>, vector<16xi32>,
      %slice3A_1619 = vector.extract_strided_slice %max3A_1614 {offsets = [15], sizes = [1], strides = [1]} : vector<16xi32> to vector<1xi32>
      %squeeze3A_1620 = vector.extract %slice3A_1619[0] : i32 from vector<1xi32>
      %get3A_1621 = arith.constant 144 : index
      %get3A_1622 = tpu.vector_load %arg11[%get3A_1621] {strides = array<i32>} : memref<640xi32, #tpu.memory_space<vmem>>, vector<16xi32>,
      %broadcast_in_dim3A_1623 = arith.constant true
      %broadcast_in_dim3A_1624 = vector.broadcast %broadcast_in_dim3A_1623 : i1 to vector<16xi1>
      %masked_cummax3A_1625 = arith.constant -2147483648 : i32
      %masked_cummax3A_1626 = vector.broadcast %masked_cummax3A_1625 : i32 to vector<16xi32>
      %masked_cummax3A_1627 = arith.xori %get3A_1622, %masked_cummax3A_1626 : vector<16xi32>
      %masked_cummax3A_1628 = tpu.scan <max>, %masked_cummax3A_1627 masked %broadcast_in_dim3A_1624 : vector<16xi32>, vector<16xi1> -> vector<16xi32>
      %masked_cummax3A_1629 = arith.xori %masked_cummax3A_1628, %masked_cummax3A_1626 : vector<16xi32>
      %max3A_1630 = vector.broadcast %squeeze3A_1620 : i32 to vector<16xi32>
      %max3A_1631 = arith.maxsi %masked_cummax3A_1629, %max3A_1630 : vector<16xi32>
      %swap3A_1632 = arith.constant 1 : i32
      %swap3A_1633 = arith.index_cast %swap3A_1632 : i32 to index
      %swap3A_1634 = arith.constant 16 : index
      %swap3A_1635 = tpu.vector_load %arg15[%swap3A_1633, %swap3A_1634] {strides = array<i32>} : memref<5x128xi32, #tpu.memory_space<vmem>>, vector<16xi32>,
      tpu.vector_store %arg15[%swap3A_1633, %swap3A_1634], %max3A_1631 {strides = array<i32>} : memref<5x128xi32, #tpu.memory_space<vmem>>, vector<16xi32>,
      %slice3A_1636 = vector.extract_strided_slice %max3A_1631 {offsets = [15], sizes = [1], strides = [1]} : vector<16xi32> to vector<1xi32>
      %squeeze3A_1637 = vector.extract %slice3A_1636[0] : i32 from vector<1xi32>
      %get3A_1638 = arith.constant 160 : index
      %get3A_1639 = tpu.vector_load %arg11[%get3A_1638] {strides = array<i32>} : memref<640xi32, #tpu.memory_space<vmem>>, vector<16xi32>,
      %broadcast_in_dim3A_1640 = arith.constant true
      %broadcast_in_dim3A_1641 = vector.broadcast %broadcast_in_dim3A_1640 : i1 to vector<16xi1>
      %masked_cummax3A_1642 = arith.constant -2147483648 : i32
      %masked_cummax3A_1643 = vector.broadcast %masked_cummax3A_1642 : i32 to vector<16xi32>
      %masked_cummax3A_1644 = arith.xori %get3A_1639, %masked_cummax3A_1643 : vector<16xi32>
      %masked_cummax3A_1645 = tpu.scan <max>, %masked_cummax3A_1644 masked %broadcast_in_dim3A_1641 : vector<16xi32>, vector<16xi1> -> vector<16xi32>
      %masked_cummax3A_1646 = arith.xori %masked_cummax3A_1645, %masked_cummax3A_1643 : vector<16xi32>
      %max3A_1647 = vector.broadcast %squeeze3A_1637 : i32 to vector<16xi32>
      %max3A_1648 = arith.maxsi %masked_cummax3A_1646, %max3A_1647 : vector<16xi32>
      %swap3A_1649 = arith.constant 1 : i32
      %swap3A_1650 = arith.index_cast %swap3A_1649 : i32 to index
      %swap3A_1651 = arith.constant 32 : index
      %swap3A_1652 = tpu.vector_load %arg15[%swap3A_1650, %swap3A_1651] {strides = array<i32>} : memref<5x128xi32, #tpu.memory_space<vmem>>, vector<16xi32>,
      tpu.vector_store %arg15[%swap3A_1650, %swap3A_1651], %max3A_1648 {strides = array<i32>} : memref<5x128xi32, #tpu.memory_space<vmem>>, vector<16xi32>,
      %slice3A_1653 = vector.extract_strided_slice %max3A_1648 {offsets = [15], sizes = [1], strides = [1]} : vector<16xi32> to vector<1xi32>
      %squeeze3A_1654 = vector.extract %slice3A_1653[0] : i32 from vector<1xi32>
      %get3A_1655 = arith.constant 176 : index
      %get3A_1656 = tpu.vector_load %arg11[%get3A_1655] {strides = array<i32>} : memref<640xi32, #tpu.memory_space<vmem>>, vector<16xi32>,
      %broadcast_in_dim3A_1657 = arith.constant true
      %broadcast_in_dim3A_1658 = vector.broadcast %broadcast_in_dim3A_1657 : i1 to vector<16xi1>
      %masked_cummax3A_1659 = arith.constant -2147483648 : i32
      %masked_cummax3A_1660 = vector.broadcast %masked_cummax3A_1659 : i32 to vector<16xi32>
      %masked_cummax3A_1661 = arith.xori %get3A_1656, %masked_cummax3A_1660 : vector<16xi32>
      %masked_cummax3A_1662 = tpu.scan <max>, %masked_cummax3A_1661 masked %broadcast_in_dim3A_1658 : vector<16xi32>, vector<16xi1> -> vector<16xi32>
      %masked_cummax3A_1663 = arith.xori %masked_cummax3A_1662, %masked_cummax3A_1660 : vector<16xi32>
      %max3A_1664 = vector.broadcast %squeeze3A_1654 : i32 to vector<16xi32>
      %max3A_1665 = arith.maxsi %masked_cummax3A_1663, %max3A_1664 : vector<16xi32>
      %swap3A_1666 = arith.constant 1 : i32
      %swap3A_1667 = arith.index_cast %swap3A_1666 : i32 to index
      %swap3A_1668 = arith.constant 48 : index
      %swap3A_1669 = tpu.vector_load %arg15[%swap3A_1667, %swap3A_1668] {strides = array<i32>} : memref<5x128xi32, #tpu.memory_space<vmem>>, vector<16xi32>,
      tpu.vector_store %arg15[%swap3A_1667, %swap3A_1668], %max3A_1665 {strides = array<i32>} : memref<5x128xi32, #tpu.memory_space<vmem>>, vector<16xi32>,
      %slice3A_1670 = vector.extract_strided_slice %max3A_1665 {offsets = [15], sizes = [1], strides = [1]} : vector<16xi32> to vector<1xi32>
      %squeeze3A_1671 = vector.extract %slice3A_1670[0] : i32 from vector<1xi32>
      %get3A_1672 = arith.constant 192 : index
      %get3A_1673 = tpu.vector_load %arg11[%get3A_1672] {strides = array<i32>} : memref<640xi32, #tpu.memory_space<vmem>>, vector<16xi32>,
      %broadcast_in_dim3A_1674 = arith.constant true
      %broadcast_in_dim3A_1675 = vector.broadcast %broadcast_in_dim3A_1674 : i1 to vector<16xi1>
      %masked_cummax3A_1676 = arith.constant -2147483648 : i32
      %masked_cummax3A_1677 = vector.broadcast %masked_cummax3A_1676 : i32 to vector<16xi32>
      %masked_cummax3A_1678 = arith.xori %get3A_1673, %masked_cummax3A_1677 : vector<16xi32>
      %masked_cummax3A_1679 = tpu.scan <max>, %masked_cummax3A_1678 masked %broadcast_in_dim3A_1675 : vector<16xi32>, vector<16xi1> -> vector<16xi32>
      %masked_cummax3A_1680 = arith.xori %masked_cummax3A_1679, %masked_cummax3A_1677 : vector<16xi32>
      %max3A_1681 = vector.broadcast %squeeze3A_1671 : i32 to vector<16xi32>
      %max3A_1682 = arith.maxsi %masked_cummax3A_1680, %max3A_1681 : vector<16xi32>
      %swap3A_1683 = arith.constant 1 : i32
      %swap3A_1684 = arith.index_cast %swap3A_1683 : i32 to index
      %swap3A_1685 = arith.constant 64 : index
      %swap3A_1686 = tpu.vector_load %arg15[%swap3A_1684, %swap3A_1685] {strides = array<i32>} : memref<5x128xi32, #tpu.memory_space<vmem>>, vector<16xi32>,
      tpu.vector_store %arg15[%swap3A_1684, %swap3A_1685], %max3A_1682 {strides = array<i32>} : memref<5x128xi32, #tpu.memory_space<vmem>>, vector<16xi32>,
      %slice3A_1687 = vector.extract_strided_slice %max3A_1682 {offsets = [15], sizes = [1], strides = [1]} : vector<16xi32> to vector<1xi32>
      %squeeze3A_1688 = vector.extract %slice3A_1687[0] : i32 from vector<1xi32>
      %get3A_1689 = arith.constant 208 : index
      %get3A_1690 = tpu.vector_load %arg11[%get3A_1689] {strides = array<i32>} : memref<640xi32, #tpu.memory_space<vmem>>, vector<16xi32>,
      %broadcast_in_dim3A_1691 = arith.constant true
      %broadcast_in_dim3A_1692 = vector.broadcast %broadcast_in_dim3A_1691 : i1 to vector<16xi1>
      %masked_cummax3A_1693 = arith.constant -2147483648 : i32
      %masked_cummax3A_1694 = vector.broadcast %masked_cummax3A_1693 : i32 to vector<16xi32>
      %masked_cummax3A_1695 = arith.xori %get3A_1690, %masked_cummax3A_1694 : vector<16xi32>
      %masked_cummax3A_1696 = tpu.scan <max>, %masked_cummax3A_1695 masked %broadcast_in_dim3A_1692 : vector<16xi32>, vector<16xi1> -> vector<16xi32>
      %masked_cummax3A_1697 = arith.xori %masked_cummax3A_1696, %masked_cummax3A_1694 : vector<16xi32>
      %max3A_1698 = vector.broadcast %squeeze3A_1688 : i32 to vector<16xi32>
      %max3A_1699 = arith.maxsi %masked_cummax3A_1697, %max3A_1698 : vector<16xi32>
      %swap3A_1700 = arith.constant 1 : i32
      %swap3A_1701 = arith.index_cast %swap3A_1700 : i32 to index
      %swap3A_1702 = arith.constant 80 : index
      %swap3A_1703 = tpu.vector_load %arg15[%swap3A_1701, %swap3A_1702] {strides = array<i32>} : memref<5x128xi32, #tpu.memory_space<vmem>>, vector<16xi32>,
      tpu.vector_store %arg15[%swap3A_1701, %swap3A_1702], %max3A_1699 {strides = array<i32>} : memref<5x128xi32, #tpu.memory_space<vmem>>, vector<16xi32>,
      %slice3A_1704 = vector.extract_strided_slice %max3A_1699 {offsets = [15], sizes = [1], strides = [1]} : vector<16xi32> to vector<1xi32>
      %squeeze3A_1705 = vector.extract %slice3A_1704[0] : i32 from vector<1xi32>
      %get3A_1706 = arith.constant 224 : index
      %get3A_1707 = tpu.vector_load %arg11[%get3A_1706] {strides = array<i32>} : memref<640xi32, #tpu.memory_space<vmem>>, vector<16xi32>,
      %broadcast_in_dim3A_1708 = arith.constant true
      %broadcast_in_dim3A_1709 = vector.broadcast %broadcast_in_dim3A_1708 : i1 to vector<16xi1>
      %masked_cummax3A_1710 = arith.constant -2147483648 : i32
      %masked_cummax3A_1711 = vector.broadcast %masked_cummax3A_1710 : i32 to vector<16xi32>
      %masked_cummax3A_1712 = arith.xori %get3A_1707, %masked_cummax3A_1711 : vector<16xi32>
      %masked_cummax3A_1713 = tpu.scan <max>, %masked_cummax3A_1712 masked %broadcast_in_dim3A_1709 : vector<16xi32>, vector<16xi1> -> vector<16xi32>
      %masked_cummax3A_1714 = arith.xori %masked_cummax3A_1713, %masked_cummax3A_1711 : vector<16xi32>
      %max3A_1715 = vector.broadcast %squeeze3A_1705 : i32 to vector<16xi32>
      %max3A_1716 = arith.maxsi %masked_cummax3A_1714, %max3A_1715 : vector<16xi32>
      %swap3A_1717 = arith.constant 1 : i32
      %swap3A_1718 = arith.index_cast %swap3A_1717 : i32 to index
      %swap3A_1719 = arith.constant 96 : index
      %swap3A_1720 = tpu.vector_load %arg15[%swap3A_1718, %swap3A_1719] {strides = array<i32>} : memref<5x128xi32, #tpu.memory_space<vmem>>, vector<16xi32>,
      tpu.vector_store %arg15[%swap3A_1718, %swap3A_1719], %max3A_1716 {strides = array<i32>} : memref<5x128xi32, #tpu.memory_space<vmem>>, vector<16xi32>,
      %slice3A_1721 = vector.extract_strided_slice %max3A_1716 {offsets = [15], sizes = [1], strides = [1]} : vector<16xi32> to vector<1xi32>
      %squeeze3A_1722 = vector.extract %slice3A_1721[0] : i32 from vector<1xi32>
      %get3A_1723 = arith.constant 240 : index
      %get3A_1724 = tpu.vector_load %arg11[%get3A_1723] {strides = array<i32>} : memref<640xi32, #tpu.memory_space<vmem>>, vector<16xi32>,
      %broadcast_in_dim3A_1725 = arith.constant true
      %broadcast_in_dim3A_1726 = vector.broadcast %broadcast_in_dim3A_1725 : i1 to vector<16xi1>
      %masked_cummax3A_1727 = arith.constant -2147483648 : i32
      %masked_cummax3A_1728 = vector.broadcast %masked_cummax3A_1727 : i32 to vector<16xi32>
      %masked_cummax3A_1729 = arith.xori %get3A_1724, %masked_cummax3A_1728 : vector<16xi32>
      %masked_cummax3A_1730 = tpu.scan <max>, %masked_cummax3A_1729 masked %broadcast_in_dim3A_1726 : vector<16xi32>, vector<16xi1> -> vector<16xi32>
      %masked_cummax3A_1731 = arith.xori %masked_cummax3A_1730, %masked_cummax3A_1728 : vector<16xi32>
      %max3A_1732 = vector.broadcast %squeeze3A_1722 : i32 to vector<16xi32>
      %max3A_1733 = arith.maxsi %masked_cummax3A_1731, %max3A_1732 : vector<16xi32>
      %swap3A_1734 = arith.constant 1 : i32
      %swap3A_1735 = arith.index_cast %swap3A_1734 : i32 to index
      %swap3A_1736 = arith.constant 112 : index
      %swap3A_1737 = tpu.vector_load %arg15[%swap3A_1735, %swap3A_1736] {strides = array<i32>} : memref<5x128xi32, #tpu.memory_space<vmem>>, vector<16xi32>,
      tpu.vector_store %arg15[%swap3A_1735, %swap3A_1736], %max3A_1733 {strides = array<i32>} : memref<5x128xi32, #tpu.memory_space<vmem>>, vector<16xi32>,
      %slice3A_1738 = vector.extract_strided_slice %max3A_1733 {offsets = [15], sizes = [1], strides = [1]} : vector<16xi32> to vector<1xi32>
      %squeeze3A_1739 = vector.extract %slice3A_1738[0] : i32 from vector<1xi32>
      %get3A_1740 = arith.constant 256 : index
      %get3A_1741 = tpu.vector_load %arg11[%get3A_1740] {strides = array<i32>} : memref<640xi32, #tpu.memory_space<vmem>>, vector<16xi32>,
      %broadcast_in_dim3A_1742 = arith.constant true
      %broadcast_in_dim3A_1743 = vector.broadcast %broadcast_in_dim3A_1742 : i1 to vector<16xi1>
      %masked_cummax3A_1744 = arith.constant -2147483648 : i32
      %masked_cummax3A_1745 = vector.broadcast %masked_cummax3A_1744 : i32 to vector<16xi32>
      %masked_cummax3A_1746 = arith.xori %get3A_1741, %masked_cummax3A_1745 : vector<16xi32>
      %masked_cummax3A_1747 = tpu.scan <max>, %masked_cummax3A_1746 masked %broadcast_in_dim3A_1743 : vector<16xi32>, vector<16xi1> -> vector<16xi32>
      %masked_cummax3A_1748 = arith.xori %masked_cummax3A_1747, %masked_cummax3A_1745 : vector<16xi32>
      %max3A_1749 = vector.broadcast %squeeze3A_1739 : i32 to vector<16xi32>
      %max3A_1750 = arith.maxsi %masked_cummax3A_1748, %max3A_1749 : vector<16xi32>
      %swap3A_1751 = arith.constant 2 : i32
      %swap3A_1752 = arith.index_cast %swap3A_1751 : i32 to index
      %swap3A_1753 = arith.constant 0 : index
      %swap3A_1754 = tpu.vector_load %arg15[%swap3A_1752, %swap3A_1753] {strides = array<i32>} : memref<5x128xi32, #tpu.memory_space<vmem>>, vector<16xi32>,
      tpu.vector_store %arg15[%swap3A_1752, %swap3A_1753], %max3A_1750 {strides = array<i32>} : memref<5x128xi32, #tpu.memory_space<vmem>>, vector<16xi32>,
      %slice3A_1755 = vector.extract_strided_slice %max3A_1750 {offsets = [15], sizes = [1], strides = [1]} : vector<16xi32> to vector<1xi32>
      %squeeze3A_1756 = vector.extract %slice3A_1755[0] : i32 from vector<1xi32>
      %get3A_1757 = arith.constant 272 : index
      %get3A_1758 = tpu.vector_load %arg11[%get3A_1757] {strides = array<i32>} : memref<640xi32, #tpu.memory_space<vmem>>, vector<16xi32>,
      %broadcast_in_dim3A_1759 = arith.constant true
      %broadcast_in_dim3A_1760 = vector.broadcast %broadcast_in_dim3A_1759 : i1 to vector<16xi1>
      %masked_cummax3A_1761 = arith.constant -2147483648 : i32
      %masked_cummax3A_1762 = vector.broadcast %masked_cummax3A_1761 : i32 to vector<16xi32>
      %masked_cummax3A_1763 = arith.xori %get3A_1758, %masked_cummax3A_1762 : vector<16xi32>
      %masked_cummax3A_1764 = tpu.scan <max>, %masked_cummax3A_1763 masked %broadcast_in_dim3A_1760 : vector<16xi32>, vector<16xi1> -> vector<16xi32>
      %masked_cummax3A_1765 = arith.xori %masked_cummax3A_1764, %masked_cummax3A_1762 : vector<16xi32>
      %max3A_1766 = vector.broadcast %squeeze3A_1756 : i32 to vector<16xi32>
      %max3A_1767 = arith.maxsi %masked_cummax3A_1765, %max3A_1766 : vector<16xi32>
      %swap3A_1768 = arith.constant 2 : i32
      %swap3A_1769 = arith.index_cast %swap3A_1768 : i32 to index
      %swap3A_1770 = arith.constant 16 : index
      %swap3A_1771 = tpu.vector_load %arg15[%swap3A_1769, %swap3A_1770] {strides = array<i32>} : memref<5x128xi32, #tpu.memory_space<vmem>>, vector<16xi32>,
      tpu.vector_store %arg15[%swap3A_1769, %swap3A_1770], %max3A_1767 {strides = array<i32>} : memref<5x128xi32, #tpu.memory_space<vmem>>, vector<16xi32>,
      %slice3A_1772 = vector.extract_strided_slice %max3A_1767 {offsets = [15], sizes = [1], strides = [1]} : vector<16xi32> to vector<1xi32>
      %squeeze3A_1773 = vector.extract %slice3A_1772[0] : i32 from vector<1xi32>
      %get3A_1774 = arith.constant 288 : index
      %get3A_1775 = tpu.vector_load %arg11[%get3A_1774] {strides = array<i32>} : memref<640xi32, #tpu.memory_space<vmem>>, vector<16xi32>,
      %broadcast_in_dim3A_1776 = arith.constant true
      %broadcast_in_dim3A_1777 = vector.broadcast %broadcast_in_dim3A_1776 : i1 to vector<16xi1>
      %masked_cummax3A_1778 = arith.constant -2147483648 : i32
      %masked_cummax3A_1779 = vector.broadcast %masked_cummax3A_1778 : i32 to vector<16xi32>
      %masked_cummax3A_1780 = arith.xori %get3A_1775, %masked_cummax3A_1779 : vector<16xi32>
      %masked_cummax3A_1781 = tpu.scan <max>, %masked_cummax3A_1780 masked %broadcast_in_dim3A_1777 : vector<16xi32>, vector<16xi1> -> vector<16xi32>
      %masked_cummax3A_1782 = arith.xori %masked_cummax3A_1781, %masked_cummax3A_1779 : vector<16xi32>
      %max3A_1783 = vector.broadcast %squeeze3A_1773 : i32 to vector<16xi32>
      %max3A_1784 = arith.maxsi %masked_cummax3A_1782, %max3A_1783 : vector<16xi32>
      %swap3A_1785 = arith.constant 2 : i32
      %swap3A_1786 = arith.index_cast %swap3A_1785 : i32 to index
      %swap3A_1787 = arith.constant 32 : index
      %swap3A_1788 = tpu.vector_load %arg15[%swap3A_1786, %swap3A_1787] {strides = array<i32>} : memref<5x128xi32, #tpu.memory_space<vmem>>, vector<16xi32>,
      tpu.vector_store %arg15[%swap3A_1786, %swap3A_1787], %max3A_1784 {strides = array<i32>} : memref<5x128xi32, #tpu.memory_space<vmem>>, vector<16xi32>,
      %slice3A_1789 = vector.extract_strided_slice %max3A_1784 {offsets = [15], sizes = [1], strides = [1]} : vector<16xi32> to vector<1xi32>
      %squeeze3A_1790 = vector.extract %slice3A_1789[0] : i32 from vector<1xi32>
      %get3A_1791 = arith.constant 304 : index
      %get3A_1792 = tpu.vector_load %arg11[%get3A_1791] {strides = array<i32>} : memref<640xi32, #tpu.memory_space<vmem>>, vector<16xi32>,
      %broadcast_in_dim3A_1793 = arith.constant true
      %broadcast_in_dim3A_1794 = vector.broadcast %broadcast_in_dim3A_1793 : i1 to vector<16xi1>
      %masked_cummax3A_1795 = arith.constant -2147483648 : i32
      %masked_cummax3A_1796 = vector.broadcast %masked_cummax3A_1795 : i32 to vector<16xi32>
      %masked_cummax3A_1797 = arith.xori %get3A_1792, %masked_cummax3A_1796 : vector<16xi32>
      %masked_cummax3A_1798 = tpu.scan <max>, %masked_cummax3A_1797 masked %broadcast_in_dim3A_1794 : vector<16xi32>, vector<16xi1> -> vector<16xi32>
      %masked_cummax3A_1799 = arith.xori %masked_cummax3A_1798, %masked_cummax3A_1796 : vector<16xi32>
      %max3A_1800 = vector.broadcast %squeeze3A_1790 : i32 to vector<16xi32>
      %max3A_1801 = arith.maxsi %masked_cummax3A_1799, %max3A_1800 : vector<16xi32>
      %swap3A_1802 = arith.constant 2 : i32
      %swap3A_1803 = arith.index_cast %swap3A_1802 : i32 to index
      %swap3A_1804 = arith.constant 48 : index
      %swap3A_1805 = tpu.vector_load %arg15[%swap3A_1803, %swap3A_1804] {strides = array<i32>} : memref<5x128xi32, #tpu.memory_space<vmem>>, vector<16xi32>,
      tpu.vector_store %arg15[%swap3A_1803, %swap3A_1804], %max3A_1801 {strides = array<i32>} : memref<5x128xi32, #tpu.memory_space<vmem>>, vector<16xi32>,
      %slice3A_1806 = vector.extract_strided_slice %max3A_1801 {offsets = [15], sizes = [1], strides = [1]} : vector<16xi32> to vector<1xi32>
      %squeeze3A_1807 = vector.extract %slice3A_1806[0] : i32 from vector<1xi32>
      %get3A_1808 = arith.constant 320 : index
      %get3A_1809 = tpu.vector_load %arg11[%get3A_1808] {strides = array<i32>} : memref<640xi32, #tpu.memory_space<vmem>>, vector<16xi32>,
      %broadcast_in_dim3A_1810 = arith.constant true
      %broadcast_in_dim3A_1811 = vector.broadcast %broadcast_in_dim3A_1810 : i1 to vector<16xi1>
      %masked_cummax3A_1812 = arith.constant -2147483648 : i32
      %masked_cummax3A_1813 = vector.broadcast %masked_cummax3A_1812 : i32 to vector<16xi32>
      %masked_cummax3A_1814 = arith.xori %get3A_1809, %masked_cummax3A_1813 : vector<16xi32>
      %masked_cummax3A_1815 = tpu.scan <max>, %masked_cummax3A_1814 masked %broadcast_in_dim3A_1811 : vector<16xi32>, vector<16xi1> -> vector<16xi32>
      %masked_cummax3A_1816 = arith.xori %masked_cummax3A_1815, %masked_cummax3A_1813 : vector<16xi32>
      %max3A_1817 = vector.broadcast %squeeze3A_1807 : i32 to vector<16xi32>
      %max3A_1818 = arith.maxsi %masked_cummax3A_1816, %max3A_1817 : vector<16xi32>
      %swap3A_1819 = arith.constant 2 : i32
      %swap3A_1820 = arith.index_cast %swap3A_1819 : i32 to index
      %swap3A_1821 = arith.constant 64 : index
      %swap3A_1822 = tpu.vector_load %arg15[%swap3A_1820, %swap3A_1821] {strides = array<i32>} : memref<5x128xi32, #tpu.memory_space<vmem>>, vector<16xi32>,
      tpu.vector_store %arg15[%swap3A_1820, %swap3A_1821], %max3A_1818 {strides = array<i32>} : memref<5x128xi32, #tpu.memory_space<vmem>>, vector<16xi32>,
      %slice3A_1823 = vector.extract_strided_slice %max3A_1818 {offsets = [15], sizes = [1], strides = [1]} : vector<16xi32> to vector<1xi32>
      %squeeze3A_1824 = vector.extract %slice3A_1823[0] : i32 from vector<1xi32>
      %get3A_1825 = arith.constant 336 : index
      %get3A_1826 = tpu.vector_load %arg11[%get3A_1825] {strides = array<i32>} : memref<640xi32, #tpu.memory_space<vmem>>, vector<16xi32>,
      %broadcast_in_dim3A_1827 = arith.constant true
      %broadcast_in_dim3A_1828 = vector.broadcast %broadcast_in_dim3A_1827 : i1 to vector<16xi1>
      %masked_cummax3A_1829 = arith.constant -2147483648 : i32
      %masked_cummax3A_1830 = vector.broadcast %masked_cummax3A_1829 : i32 to vector<16xi32>
      %masked_cummax3A_1831 = arith.xori %get3A_1826, %masked_cummax3A_1830 : vector<16xi32>
      %masked_cummax3A_1832 = tpu.scan <max>, %masked_cummax3A_1831 masked %broadcast_in_dim3A_1828 : vector<16xi32>, vector<16xi1> -> vector<16xi32>
      %masked_cummax3A_1833 = arith.xori %masked_cummax3A_1832, %masked_cummax3A_1830 : vector<16xi32>
      %max3A_1834 = vector.broadcast %squeeze3A_1824 : i32 to vector<16xi32>
      %max3A_1835 = arith.maxsi %masked_cummax3A_1833, %max3A_1834 : vector<16xi32>
      %swap3A_1836 = arith.constant 2 : i32
      %swap3A_1837 = arith.index_cast %swap3A_1836 : i32 to index
      %swap3A_1838 = arith.constant 80 : index
      %swap3A_1839 = tpu.vector_load %arg15[%swap3A_1837, %swap3A_1838] {strides = array<i32>} : memref<5x128xi32, #tpu.memory_space<vmem>>, vector<16xi32>,
      tpu.vector_store %arg15[%swap3A_1837, %swap3A_1838], %max3A_1835 {strides = array<i32>} : memref<5x128xi32, #tpu.memory_space<vmem>>, vector<16xi32>,
      %slice3A_1840 = vector.extract_strided_slice %max3A_1835 {offsets = [15], sizes = [1], strides = [1]} : vector<16xi32> to vector<1xi32>
      %squeeze3A_1841 = vector.extract %slice3A_1840[0] : i32 from vector<1xi32>
      %get3A_1842 = arith.constant 352 : index
      %get3A_1843 = tpu.vector_load %arg11[%get3A_1842] {strides = array<i32>} : memref<640xi32, #tpu.memory_space<vmem>>, vector<16xi32>,
      %broadcast_in_dim3A_1844 = arith.constant true
      %broadcast_in_dim3A_1845 = vector.broadcast %broadcast_in_dim3A_1844 : i1 to vector<16xi1>
      %masked_cummax3A_1846 = arith.constant -2147483648 : i32
      %masked_cummax3A_1847 = vector.broadcast %masked_cummax3A_1846 : i32 to vector<16xi32>
      %masked_cummax3A_1848 = arith.xori %get3A_1843, %masked_cummax3A_1847 : vector<16xi32>
      %masked_cummax3A_1849 = tpu.scan <max>, %masked_cummax3A_1848 masked %broadcast_in_dim3A_1845 : vector<16xi32>, vector<16xi1> -> vector<16xi32>
      %masked_cummax3A_1850 = arith.xori %masked_cummax3A_1849, %masked_cummax3A_1847 : vector<16xi32>
      %max3A_1851 = vector.broadcast %squeeze3A_1841 : i32 to vector<16xi32>
      %max3A_1852 = arith.maxsi %masked_cummax3A_1850, %max3A_1851 : vector<16xi32>
      %swap3A_1853 = arith.constant 2 : i32
      %swap3A_1854 = arith.index_cast %swap3A_1853 : i32 to index
      %swap3A_1855 = arith.constant 96 : index
      %swap3A_1856 = tpu.vector_load %arg15[%swap3A_1854, %swap3A_1855] {strides = array<i32>} : memref<5x128xi32, #tpu.memory_space<vmem>>, vector<16xi32>,
      tpu.vector_store %arg15[%swap3A_1854, %swap3A_1855], %max3A_1852 {strides = array<i32>} : memref<5x128xi32, #tpu.memory_space<vmem>>, vector<16xi32>,
      %slice3A_1857 = vector.extract_strided_slice %max3A_1852 {offsets = [15], sizes = [1], strides = [1]} : vector<16xi32> to vector<1xi32>
      %squeeze3A_1858 = vector.extract %slice3A_1857[0] : i32 from vector<1xi32>
      %get3A_1859 = arith.constant 368 : index
      %get3A_1860 = tpu.vector_load %arg11[%get3A_1859] {strides = array<i32>} : memref<640xi32, #tpu.memory_space<vmem>>, vector<16xi32>,
      %broadcast_in_dim3A_1861 = arith.constant true
      %broadcast_in_dim3A_1862 = vector.broadcast %broadcast_in_dim3A_1861 : i1 to vector<16xi1>
      %masked_cummax3A_1863 = arith.constant -2147483648 : i32
      %masked_cummax3A_1864 = vector.broadcast %masked_cummax3A_1863 : i32 to vector<16xi32>
      %masked_cummax3A_1865 = arith.xori %get3A_1860, %masked_cummax3A_1864 : vector<16xi32>
      %masked_cummax3A_1866 = tpu.scan <max>, %masked_cummax3A_1865 masked %broadcast_in_dim3A_1862 : vector<16xi32>, vector<16xi1> -> vector<16xi32>
      %masked_cummax3A_1867 = arith.xori %masked_cummax3A_1866, %masked_cummax3A_1864 : vector<16xi32>
      %max3A_1868 = vector.broadcast %squeeze3A_1858 : i32 to vector<16xi32>
      %max3A_1869 = arith.maxsi %masked_cummax3A_1867, %max3A_1868 : vector<16xi32>
      %swap3A_1870 = arith.constant 2 : i32
      %swap3A_1871 = arith.index_cast %swap3A_1870 : i32 to index
      %swap3A_1872 = arith.constant 112 : index
      %swap3A_1873 = tpu.vector_load %arg15[%swap3A_1871, %swap3A_1872] {strides = array<i32>} : memref<5x128xi32, #tpu.memory_space<vmem>>, vector<16xi32>,
      tpu.vector_store %arg15[%swap3A_1871, %swap3A_1872], %max3A_1869 {strides = array<i32>} : memref<5x128xi32, #tpu.memory_space<vmem>>, vector<16xi32>,
      %slice3A_1874 = vector.extract_strided_slice %max3A_1869 {offsets = [15], sizes = [1], strides = [1]} : vector<16xi32> to vector<1xi32>
      %squeeze3A_1875 = vector.extract %slice3A_1874[0] : i32 from vector<1xi32>
      %get3A_1876 = arith.constant 384 : index
      %get3A_1877 = tpu.vector_load %arg11[%get3A_1876] {strides = array<i32>} : memref<640xi32, #tpu.memory_space<vmem>>, vector<16xi32>,
      %broadcast_in_dim3A_1878 = arith.constant true
      %broadcast_in_dim3A_1879 = vector.broadcast %broadcast_in_dim3A_1878 : i1 to vector<16xi1>
      %masked_cummax3A_1880 = arith.constant -2147483648 : i32
      %masked_cummax3A_1881 = vector.broadcast %masked_cummax3A_1880 : i32 to vector<16xi32>
      %masked_cummax3A_1882 = arith.xori %get3A_1877, %masked_cummax3A_1881 : vector<16xi32>
      %masked_cummax3A_1883 = tpu.scan <max>, %masked_cummax3A_1882 masked %broadcast_in_dim3A_1879 : vector<16xi32>, vector<16xi1> -> vector<16xi32>
      %masked_cummax3A_1884 = arith.xori %masked_cummax3A_1883, %masked_cummax3A_1881 : vector<16xi32>
      %max3A_1885 = vector.broadcast %squeeze3A_1875 : i32 to vector<16xi32>
      %max3A_1886 = arith.maxsi %masked_cummax3A_1884, %max3A_1885 : vector<16xi32>
      %swap3A_1887 = arith.constant 3 : i32
      %swap3A_1888 = arith.index_cast %swap3A_1887 : i32 to index
      %swap3A_1889 = arith.constant 0 : index
      %swap3A_1890 = tpu.vector_load %arg15[%swap3A_1888, %swap3A_1889] {strides = array<i32>} : memref<5x128xi32, #tpu.memory_space<vmem>>, vector<16xi32>,
      tpu.vector_store %arg15[%swap3A_1888, %swap3A_1889], %max3A_1886 {strides = array<i32>} : memref<5x128xi32, #tpu.memory_space<vmem>>, vector<16xi32>,
      %slice3A_1891 = vector.extract_strided_slice %max3A_1886 {offsets = [15], sizes = [1], strides = [1]} : vector<16xi32> to vector<1xi32>
      %squeeze3A_1892 = vector.extract %slice3A_1891[0] : i32 from vector<1xi32>
      %get3A_1893 = arith.constant 400 : index
      %get3A_1894 = tpu.vector_load %arg11[%get3A_1893] {strides = array<i32>} : memref<640xi32, #tpu.memory_space<vmem>>, vector<16xi32>,
      %broadcast_in_dim3A_1895 = arith.constant true
      %broadcast_in_dim3A_1896 = vector.broadcast %broadcast_in_dim3A_1895 : i1 to vector<16xi1>
      %masked_cummax3A_1897 = arith.constant -2147483648 : i32
      %masked_cummax3A_1898 = vector.broadcast %masked_cummax3A_1897 : i32 to vector<16xi32>
      %masked_cummax3A_1899 = arith.xori %get3A_1894, %masked_cummax3A_1898 : vector<16xi32>
      %masked_cummax3A_1900 = tpu.scan <max>, %masked_cummax3A_1899 masked %broadcast_in_dim3A_1896 : vector<16xi32>, vector<16xi1> -> vector<16xi32>
      %masked_cummax3A_1901 = arith.xori %masked_cummax3A_1900, %masked_cummax3A_1898 : vector<16xi32>
      %max3A_1902 = vector.broadcast %squeeze3A_1892 : i32 to vector<16xi32>
      %max3A_1903 = arith.maxsi %masked_cummax3A_1901, %max3A_1902 : vector<16xi32>
      %swap3A_1904 = arith.constant 3 : i32
      %swap3A_1905 = arith.index_cast %swap3A_1904 : i32 to index
      %swap3A_1906 = arith.constant 16 : index
      %swap3A_1907 = tpu.vector_load %arg15[%swap3A_1905, %swap3A_1906] {strides = array<i32>} : memref<5x128xi32, #tpu.memory_space<vmem>>, vector<16xi32>,
      tpu.vector_store %arg15[%swap3A_1905, %swap3A_1906], %max3A_1903 {strides = array<i32>} : memref<5x128xi32, #tpu.memory_space<vmem>>, vector<16xi32>,
      %slice3A_1908 = vector.extract_strided_slice %max3A_1903 {offsets = [15], sizes = [1], strides = [1]} : vector<16xi32> to vector<1xi32>
      %squeeze3A_1909 = vector.extract %slice3A_1908[0] : i32 from vector<1xi32>
      %get3A_1910 = arith.constant 416 : index
      %get3A_1911 = tpu.vector_load %arg11[%get3A_1910] {strides = array<i32>} : memref<640xi32, #tpu.memory_space<vmem>>, vector<16xi32>,
      %broadcast_in_dim3A_1912 = arith.constant true
      %broadcast_in_dim3A_1913 = vector.broadcast %broadcast_in_dim3A_1912 : i1 to vector<16xi1>
      %masked_cummax3A_1914 = arith.constant -2147483648 : i32
      %masked_cummax3A_1915 = vector.broadcast %masked_cummax3A_1914 : i32 to vector<16xi32>
      %masked_cummax3A_1916 = arith.xori %get3A_1911, %masked_cummax3A_1915 : vector<16xi32>
      %masked_cummax3A_1917 = tpu.scan <max>, %masked_cummax3A_1916 masked %broadcast_in_dim3A_1913 : vector<16xi32>, vector<16xi1> -> vector<16xi32>
      %masked_cummax3A_1918 = arith.xori %masked_cummax3A_1917, %masked_cummax3A_1915 : vector<16xi32>
      %max3A_1919 = vector.broadcast %squeeze3A_1909 : i32 to vector<16xi32>
      %max3A_1920 = arith.maxsi %masked_cummax3A_1918, %max3A_1919 : vector<16xi32>
      %swap3A_1921 = arith.constant 3 : i32
      %swap3A_1922 = arith.index_cast %swap3A_1921 : i32 to index
      %swap3A_1923 = arith.constant 32 : index
      %swap3A_1924 = tpu.vector_load %arg15[%swap3A_1922, %swap3A_1923] {strides = array<i32>} : memref<5x128xi32, #tpu.memory_space<vmem>>, vector<16xi32>,
      tpu.vector_store %arg15[%swap3A_1922, %swap3A_1923], %max3A_1920 {strides = array<i32>} : memref<5x128xi32, #tpu.memory_space<vmem>>, vector<16xi32>,
      %slice3A_1925 = vector.extract_strided_slice %max3A_1920 {offsets = [15], sizes = [1], strides = [1]} : vector<16xi32> to vector<1xi32>
      %squeeze3A_1926 = vector.extract %slice3A_1925[0] : i32 from vector<1xi32>
      %get3A_1927 = arith.constant 432 : index
      %get3A_1928 = tpu.vector_load %arg11[%get3A_1927] {strides = array<i32>} : memref<640xi32, #tpu.memory_space<vmem>>, vector<16xi32>,
      %broadcast_in_dim3A_1929 = arith.constant true
      %broadcast_in_dim3A_1930 = vector.broadcast %broadcast_in_dim3A_1929 : i1 to vector<16xi1>
      %masked_cummax3A_1931 = arith.constant -2147483648 : i32
      %masked_cummax3A_1932 = vector.broadcast %masked_cummax3A_1931 : i32 to vector<16xi32>
      %masked_cummax3A_1933 = arith.xori %get3A_1928, %masked_cummax3A_1932 : vector<16xi32>
      %masked_cummax3A_1934 = tpu.scan <max>, %masked_cummax3A_1933 masked %broadcast_in_dim3A_1930 : vector<16xi32>, vector<16xi1> -> vector<16xi32>
      %masked_cummax3A_1935 = arith.xori %masked_cummax3A_1934, %masked_cummax3A_1932 : vector<16xi32>
      %max3A_1936 = vector.broadcast %squeeze3A_1926 : i32 to vector<16xi32>
      %max3A_1937 = arith.maxsi %masked_cummax3A_1935, %max3A_1936 : vector<16xi32>
      %swap3A_1938 = arith.constant 3 : i32
      %swap3A_1939 = arith.index_cast %swap3A_1938 : i32 to index
      %swap3A_1940 = arith.constant 48 : index
      %swap3A_1941 = tpu.vector_load %arg15[%swap3A_1939, %swap3A_1940] {strides = array<i32>} : memref<5x128xi32, #tpu.memory_space<vmem>>, vector<16xi32>,
      tpu.vector_store %arg15[%swap3A_1939, %swap3A_1940], %max3A_1937 {strides = array<i32>} : memref<5x128xi32, #tpu.memory_space<vmem>>, vector<16xi32>,
      %slice3A_1942 = vector.extract_strided_slice %max3A_1937 {offsets = [15], sizes = [1], strides = [1]} : vector<16xi32> to vector<1xi32>
      %squeeze3A_1943 = vector.extract %slice3A_1942[0] : i32 from vector<1xi32>
      %get3A_1944 = arith.constant 448 : index
      %get3A_1945 = tpu.vector_load %arg11[%get3A_1944] {strides = array<i32>} : memref<640xi32, #tpu.memory_space<vmem>>, vector<16xi32>,
      %broadcast_in_dim3A_1946 = arith.constant true
      %broadcast_in_dim3A_1947 = vector.broadcast %broadcast_in_dim3A_1946 : i1 to vector<16xi1>
      %masked_cummax3A_1948 = arith.constant -2147483648 : i32
      %masked_cummax3A_1949 = vector.broadcast %masked_cummax3A_1948 : i32 to vector<16xi32>
      %masked_cummax3A_1950 = arith.xori %get3A_1945, %masked_cummax3A_1949 : vector<16xi32>
      %masked_cummax3A_1951 = tpu.scan <max>, %masked_cummax3A_1950 masked %broadcast_in_dim3A_1947 : vector<16xi32>, vector<16xi1> -> vector<16xi32>
      %masked_cummax3A_1952 = arith.xori %masked_cummax3A_1951, %masked_cummax3A_1949 : vector<16xi32>
      %max3A_1953 = vector.broadcast %squeeze3A_1943 : i32 to vector<16xi32>
      %max3A_1954 = arith.maxsi %masked_cummax3A_1952, %max3A_1953 : vector<16xi32>
      %swap3A_1955 = arith.constant 3 : i32
      %swap3A_1956 = arith.index_cast %swap3A_1955 : i32 to index
      %swap3A_1957 = arith.constant 64 : index
      %swap3A_1958 = tpu.vector_load %arg15[%swap3A_1956, %swap3A_1957] {strides = array<i32>} : memref<5x128xi32, #tpu.memory_space<vmem>>, vector<16xi32>,
      tpu.vector_store %arg15[%swap3A_1956, %swap3A_1957], %max3A_1954 {strides = array<i32>} : memref<5x128xi32, #tpu.memory_space<vmem>>, vector<16xi32>,
      %slice3A_1959 = vector.extract_strided_slice %max3A_1954 {offsets = [15], sizes = [1], strides = [1]} : vector<16xi32> to vector<1xi32>
      %squeeze3A_1960 = vector.extract %slice3A_1959[0] : i32 from vector<1xi32>
      %get3A_1961 = arith.constant 464 : index
      %get3A_1962 = tpu.vector_load %arg11[%get3A_1961] {strides = array<i32>} : memref<640xi32, #tpu.memory_space<vmem>>, vector<16xi32>,
      %broadcast_in_dim3A_1963 = arith.constant true
      %broadcast_in_dim3A_1964 = vector.broadcast %broadcast_in_dim3A_1963 : i1 to vector<16xi1>
      %masked_cummax3A_1965 = arith.constant -2147483648 : i32
      %masked_cummax3A_1966 = vector.broadcast %masked_cummax3A_1965 : i32 to vector<16xi32>
      %masked_cummax3A_1967 = arith.xori %get3A_1962, %masked_cummax3A_1966 : vector<16xi32>
      %masked_cummax3A_1968 = tpu.scan <max>, %masked_cummax3A_1967 masked %broadcast_in_dim3A_1964 : vector<16xi32>, vector<16xi1> -> vector<16xi32>
      %masked_cummax3A_1969 = arith.xori %masked_cummax3A_1968, %masked_cummax3A_1966 : vector<16xi32>
      %max3A_1970 = vector.broadcast %squeeze3A_1960 : i32 to vector<16xi32>
      %max3A_1971 = arith.maxsi %masked_cummax3A_1969, %max3A_1970 : vector<16xi32>
      %swap3A_1972 = arith.constant 3 : i32
      %swap3A_1973 = arith.index_cast %swap3A_1972 : i32 to index
      %swap3A_1974 = arith.constant 80 : index
      %swap3A_1975 = tpu.vector_load %arg15[%swap3A_1973, %swap3A_1974] {strides = array<i32>} : memref<5x128xi32, #tpu.memory_space<vmem>>, vector<16xi32>,
      tpu.vector_store %arg15[%swap3A_1973, %swap3A_1974], %max3A_1971 {strides = array<i32>} : memref<5x128xi32, #tpu.memory_space<vmem>>, vector<16xi32>,
      %slice3A_1976 = vector.extract_strided_slice %max3A_1971 {offsets = [15], sizes = [1], strides = [1]} : vector<16xi32> to vector<1xi32>
      %squeeze3A_1977 = vector.extract %slice3A_1976[0] : i32 from vector<1xi32>
      %get3A_1978 = arith.constant 480 : index
      %get3A_1979 = tpu.vector_load %arg11[%get3A_1978] {strides = array<i32>} : memref<640xi32, #tpu.memory_space<vmem>>, vector<16xi32>,
      %broadcast_in_dim3A_1980 = arith.constant true
      %broadcast_in_dim3A_1981 = vector.broadcast %broadcast_in_dim3A_1980 : i1 to vector<16xi1>
      %masked_cummax3A_1982 = arith.constant -2147483648 : i32
      %masked_cummax3A_1983 = vector.broadcast %masked_cummax3A_1982 : i32 to vector<16xi32>
      %masked_cummax3A_1984 = arith.xori %get3A_1979, %masked_cummax3A_1983 : vector<16xi32>
      %masked_cummax3A_1985 = tpu.scan <max>, %masked_cummax3A_1984 masked %broadcast_in_dim3A_1981 : vector<16xi32>, vector<16xi1> -> vector<16xi32>
      %masked_cummax3A_1986 = arith.xori %masked_cummax3A_1985, %masked_cummax3A_1983 : vector<16xi32>
      %max3A_1987 = vector.broadcast %squeeze3A_1977 : i32 to vector<16xi32>
      %max3A_1988 = arith.maxsi %masked_cummax3A_1986, %max3A_1987 : vector<16xi32>
      %swap3A_1989 = arith.constant 3 : i32
      %swap3A_1990 = arith.index_cast %swap3A_1989 : i32 to index
      %swap3A_1991 = arith.constant 96 : index
      %swap3A_1992 = tpu.vector_load %arg15[%swap3A_1990, %swap3A_1991] {strides = array<i32>} : memref<5x128xi32, #tpu.memory_space<vmem>>, vector<16xi32>,
      tpu.vector_store %arg15[%swap3A_1990, %swap3A_1991], %max3A_1988 {strides = array<i32>} : memref<5x128xi32, #tpu.memory_space<vmem>>, vector<16xi32>,
      %slice3A_1993 = vector.extract_strided_slice %max3A_1988 {offsets = [15], sizes = [1], strides = [1]} : vector<16xi32> to vector<1xi32>
      %squeeze3A_1994 = vector.extract %slice3A_1993[0] : i32 from vector<1xi32>
      %get3A_1995 = arith.constant 496 : index
      %get3A_1996 = tpu.vector_load %arg11[%get3A_1995] {strides = array<i32>} : memref<640xi32, #tpu.memory_space<vmem>>, vector<16xi32>,
      %broadcast_in_dim3A_1997 = arith.constant true
      %broadcast_in_dim3A_1998 = vector.broadcast %broadcast_in_dim3A_1997 : i1 to vector<16xi1>
      %masked_cummax3A_1999 = arith.constant -2147483648 : i32
      %masked_cummax3A_2000 = vector.broadcast %masked_cummax3A_1999 : i32 to vector<16xi32>
      %masked_cummax3A_2001 = arith.xori %get3A_1996, %masked_cummax3A_2000 : vector<16xi32>
      %masked_cummax3A_2002 = tpu.scan <max>, %masked_cummax3A_2001 masked %broadcast_in_dim3A_1998 : vector<16xi32>, vector<16xi1> -> vector<16xi32>
      %masked_cummax3A_2003 = arith.xori %masked_cummax3A_2002, %masked_cummax3A_2000 : vector<16xi32>
      %max3A_2004 = vector.broadcast %squeeze3A_1994 : i32 to vector<16xi32>
      %max3A_2005 = arith.maxsi %masked_cummax3A_2003, %max3A_2004 : vector<16xi32>
      %swap3A_2006 = arith.constant 3 : i32
      %swap3A_2007 = arith.index_cast %swap3A_2006 : i32 to index
      %swap3A_2008 = arith.constant 112 : index
      %swap3A_2009 = tpu.vector_load %arg15[%swap3A_2007, %swap3A_2008] {strides = array<i32>} : memref<5x128xi32, #tpu.memory_space<vmem>>, vector<16xi32>,
      tpu.vector_store %arg15[%swap3A_2007, %swap3A_2008], %max3A_2005 {strides = array<i32>} : memref<5x128xi32, #tpu.memory_space<vmem>>, vector<16xi32>,
      %slice3A_2010 = vector.extract_strided_slice %max3A_2005 {offsets = [15], sizes = [1], strides = [1]} : vector<16xi32> to vector<1xi32>
      %squeeze3A_2011 = vector.extract %slice3A_2010[0] : i32 from vector<1xi32>
      %get3A_2012 = arith.constant 512 : index
      %get3A_2013 = tpu.vector_load %arg11[%get3A_2012] {strides = array<i32>} : memref<640xi32, #tpu.memory_space<vmem>>, vector<16xi32>,
      %broadcast_in_dim3A_2014 = arith.constant true
      %broadcast_in_dim3A_2015 = vector.broadcast %broadcast_in_dim3A_2014 : i1 to vector<16xi1>
      %masked_cummax3A_2016 = arith.constant -2147483648 : i32
      %masked_cummax3A_2017 = vector.broadcast %masked_cummax3A_2016 : i32 to vector<16xi32>
      %masked_cummax3A_2018 = arith.xori %get3A_2013, %masked_cummax3A_2017 : vector<16xi32>
      %masked_cummax3A_2019 = tpu.scan <max>, %masked_cummax3A_2018 masked %broadcast_in_dim3A_2015 : vector<16xi32>, vector<16xi1> -> vector<16xi32>
      %masked_cummax3A_2020 = arith.xori %masked_cummax3A_2019, %masked_cummax3A_2017 : vector<16xi32>
      %max3A_2021 = vector.broadcast %squeeze3A_2011 : i32 to vector<16xi32>
      %max3A_2022 = arith.maxsi %masked_cummax3A_2020, %max3A_2021 : vector<16xi32>
      %swap3A_2023 = arith.constant 4 : i32
      %swap3A_2024 = arith.index_cast %swap3A_2023 : i32 to index
      %swap3A_2025 = arith.constant 0 : index
      %swap3A_2026 = tpu.vector_load %arg15[%swap3A_2024, %swap3A_2025] {strides = array<i32>} : memref<5x128xi32, #tpu.memory_space<vmem>>, vector<16xi32>,
      tpu.vector_store %arg15[%swap3A_2024, %swap3A_2025], %max3A_2022 {strides = array<i32>} : memref<5x128xi32, #tpu.memory_space<vmem>>, vector<16xi32>,
      %slice3A_2027 = vector.extract_strided_slice %max3A_2022 {offsets = [15], sizes = [1], strides = [1]} : vector<16xi32> to vector<1xi32>
      %squeeze3A_2028 = vector.extract %slice3A_2027[0] : i32 from vector<1xi32>
      %get3A_2029 = arith.constant 528 : index
      %get3A_2030 = tpu.vector_load %arg11[%get3A_2029] {strides = array<i32>} : memref<640xi32, #tpu.memory_space<vmem>>, vector<16xi32>,
      %broadcast_in_dim3A_2031 = arith.constant true
      %broadcast_in_dim3A_2032 = vector.broadcast %broadcast_in_dim3A_2031 : i1 to vector<16xi1>
      %masked_cummax3A_2033 = arith.constant -2147483648 : i32
      %masked_cummax3A_2034 = vector.broadcast %masked_cummax3A_2033 : i32 to vector<16xi32>
      %masked_cummax3A_2035 = arith.xori %get3A_2030, %masked_cummax3A_2034 : vector<16xi32>
      %masked_cummax3A_2036 = tpu.scan <max>, %masked_cummax3A_2035 masked %broadcast_in_dim3A_2032 : vector<16xi32>, vector<16xi1> -> vector<16xi32>
      %masked_cummax3A_2037 = arith.xori %masked_cummax3A_2036, %masked_cummax3A_2034 : vector<16xi32>
      %max3A_2038 = vector.broadcast %squeeze3A_2028 : i32 to vector<16xi32>
      %max3A_2039 = arith.maxsi %masked_cummax3A_2037, %max3A_2038 : vector<16xi32>
      %swap3A_2040 = arith.constant 4 : i32
      %swap3A_2041 = arith.index_cast %swap3A_2040 : i32 to index
      %swap3A_2042 = arith.constant 16 : index
      %swap3A_2043 = tpu.vector_load %arg15[%swap3A_2041, %swap3A_2042] {strides = array<i32>} : memref<5x128xi32, #tpu.memory_space<vmem>>, vector<16xi32>,
      tpu.vector_store %arg15[%swap3A_2041, %swap3A_2042], %max3A_2039 {strides = array<i32>} : memref<5x128xi32, #tpu.memory_space<vmem>>, vector<16xi32>,
      %slice3A_2044 = vector.extract_strided_slice %max3A_2039 {offsets = [15], sizes = [1], strides = [1]} : vector<16xi32> to vector<1xi32>
      %squeeze3A_2045 = vector.extract %slice3A_2044[0] : i32 from vector<1xi32>
      %get3A_2046 = arith.constant 544 : index
      %get3A_2047 = tpu.vector_load %arg11[%get3A_2046] {strides = array<i32>} : memref<640xi32, #tpu.memory_space<vmem>>, vector<16xi32>,
      %broadcast_in_dim3A_2048 = arith.constant true
      %broadcast_in_dim3A_2049 = vector.broadcast %broadcast_in_dim3A_2048 : i1 to vector<16xi1>
      %masked_cummax3A_2050 = arith.constant -2147483648 : i32
      %masked_cummax3A_2051 = vector.broadcast %masked_cummax3A_2050 : i32 to vector<16xi32>
      %masked_cummax3A_2052 = arith.xori %get3A_2047, %masked_cummax3A_2051 : vector<16xi32>
      %masked_cummax3A_2053 = tpu.scan <max>, %masked_cummax3A_2052 masked %broadcast_in_dim3A_2049 : vector<16xi32>, vector<16xi1> -> vector<16xi32>
      %masked_cummax3A_2054 = arith.xori %masked_cummax3A_2053, %masked_cummax3A_2051 : vector<16xi32>
      %max3A_2055 = vector.broadcast %squeeze3A_2045 : i32 to vector<16xi32>
      %max3A_2056 = arith.maxsi %masked_cummax3A_2054, %max3A_2055 : vector<16xi32>
      %swap3A_2057 = arith.constant 4 : i32
      %swap3A_2058 = arith.index_cast %swap3A_2057 : i32 to index
      %swap3A_2059 = arith.constant 32 : index
      %swap3A_2060 = tpu.vector_load %arg15[%swap3A_2058, %swap3A_2059] {strides = array<i32>} : memref<5x128xi32, #tpu.memory_space<vmem>>, vector<16xi32>,
      tpu.vector_store %arg15[%swap3A_2058, %swap3A_2059], %max3A_2056 {strides = array<i32>} : memref<5x128xi32, #tpu.memory_space<vmem>>, vector<16xi32>,
      %slice3A_2061 = vector.extract_strided_slice %max3A_2056 {offsets = [15], sizes = [1], strides = [1]} : vector<16xi32> to vector<1xi32>
      %squeeze3A_2062 = vector.extract %slice3A_2061[0] : i32 from vector<1xi32>
      %get3A_2063 = arith.constant 560 : index
      %get3A_2064 = tpu.vector_load %arg11[%get3A_2063] {strides = array<i32>} : memref<640xi32, #tpu.memory_space<vmem>>, vector<16xi32>,
      %broadcast_in_dim3A_2065 = arith.constant true
      %broadcast_in_dim3A_2066 = vector.broadcast %broadcast_in_dim3A_2065 : i1 to vector<16xi1>
      %masked_cummax3A_2067 = arith.constant -2147483648 : i32
      %masked_cummax3A_2068 = vector.broadcast %masked_cummax3A_2067 : i32 to vector<16xi32>
      %masked_cummax3A_2069 = arith.xori %get3A_2064, %masked_cummax3A_2068 : vector<16xi32>
      %masked_cummax3A_2070 = tpu.scan <max>, %masked_cummax3A_2069 masked %broadcast_in_dim3A_2066 : vector<16xi32>, vector<16xi1> -> vector<16xi32>
      %masked_cummax3A_2071 = arith.xori %masked_cummax3A_2070, %masked_cummax3A_2068 : vector<16xi32>
      %max3A_2072 = vector.broadcast %squeeze3A_2062 : i32 to vector<16xi32>
      %max3A_2073 = arith.maxsi %masked_cummax3A_2071, %max3A_2072 : vector<16xi32>
      %swap3A_2074 = arith.constant 4 : i32
      %swap3A_2075 = arith.index_cast %swap3A_2074 : i32 to index
      %swap3A_2076 = arith.constant 48 : index
      %swap3A_2077 = tpu.vector_load %arg15[%swap3A_2075, %swap3A_2076] {strides = array<i32>} : memref<5x128xi32, #tpu.memory_space<vmem>>, vector<16xi32>,
      tpu.vector_store %arg15[%swap3A_2075, %swap3A_2076], %max3A_2073 {strides = array<i32>} : memref<5x128xi32, #tpu.memory_space<vmem>>, vector<16xi32>,
      %slice3A_2078 = vector.extract_strided_slice %max3A_2073 {offsets = [15], sizes = [1], strides = [1]} : vector<16xi32> to vector<1xi32>
      %squeeze3A_2079 = vector.extract %slice3A_2078[0] : i32 from vector<1xi32>
      %get3A_2080 = arith.constant 576 : index
      %get3A_2081 = tpu.vector_load %arg11[%get3A_2080] {strides = array<i32>} : memref<640xi32, #tpu.memory_space<vmem>>, vector<16xi32>,
      %broadcast_in_dim3A_2082 = arith.constant true
      %broadcast_in_dim3A_2083 = vector.broadcast %broadcast_in_dim3A_2082 : i1 to vector<16xi1>
      %masked_cummax3A_2084 = arith.constant -2147483648 : i32
      %masked_cummax3A_2085 = vector.broadcast %masked_cummax3A_2084 : i32 to vector<16xi32>
      %masked_cummax3A_2086 = arith.xori %get3A_2081, %masked_cummax3A_2085 : vector<16xi32>
      %masked_cummax3A_2087 = tpu.scan <max>, %masked_cummax3A_2086 masked %broadcast_in_dim3A_2083 : vector<16xi32>, vector<16xi1> -> vector<16xi32>
      %masked_cummax3A_2088 = arith.xori %masked_cummax3A_2087, %masked_cummax3A_2085 : vector<16xi32>
      %max3A_2089 = vector.broadcast %squeeze3A_2079 : i32 to vector<16xi32>
      %max3A_2090 = arith.maxsi %masked_cummax3A_2088, %max3A_2089 : vector<16xi32>
      %swap3A_2091 = arith.constant 4 : i32
      %swap3A_2092 = arith.index_cast %swap3A_2091 : i32 to index
      %swap3A_2093 = arith.constant 64 : index
      %swap3A_2094 = tpu.vector_load %arg15[%swap3A_2092, %swap3A_2093] {strides = array<i32>} : memref<5x128xi32, #tpu.memory_space<vmem>>, vector<16xi32>,
      tpu.vector_store %arg15[%swap3A_2092, %swap3A_2093], %max3A_2090 {strides = array<i32>} : memref<5x128xi32, #tpu.memory_space<vmem>>, vector<16xi32>,
      %slice3A_2095 = vector.extract_strided_slice %max3A_2090 {offsets = [15], sizes = [1], strides = [1]} : vector<16xi32> to vector<1xi32>
      %squeeze3A_2096 = vector.extract %slice3A_2095[0] : i32 from vector<1xi32>
      %get3A_2097 = arith.constant 592 : index
      %get3A_2098 = tpu.vector_load %arg11[%get3A_2097] {strides = array<i32>} : memref<640xi32, #tpu.memory_space<vmem>>, vector<16xi32>,
      %broadcast_in_dim3A_2099 = arith.constant true
      %broadcast_in_dim3A_2100 = vector.broadcast %broadcast_in_dim3A_2099 : i1 to vector<16xi1>
      %masked_cummax3A_2101 = arith.constant -2147483648 : i32
      %masked_cummax3A_2102 = vector.broadcast %masked_cummax3A_2101 : i32 to vector<16xi32>
      %masked_cummax3A_2103 = arith.xori %get3A_2098, %masked_cummax3A_2102 : vector<16xi32>
      %masked_cummax3A_2104 = tpu.scan <max>, %masked_cummax3A_2103 masked %broadcast_in_dim3A_2100 : vector<16xi32>, vector<16xi1> -> vector<16xi32>
      %masked_cummax3A_2105 = arith.xori %masked_cummax3A_2104, %masked_cummax3A_2102 : vector<16xi32>
      %max3A_2106 = vector.broadcast %squeeze3A_2096 : i32 to vector<16xi32>
      %max3A_2107 = arith.maxsi %masked_cummax3A_2105, %max3A_2106 : vector<16xi32>
      %swap3A_2108 = arith.constant 4 : i32
      %swap3A_2109 = arith.index_cast %swap3A_2108 : i32 to index
      %swap3A_2110 = arith.constant 80 : index
      %swap3A_2111 = tpu.vector_load %arg15[%swap3A_2109, %swap3A_2110] {strides = array<i32>} : memref<5x128xi32, #tpu.memory_space<vmem>>, vector<16xi32>,
      tpu.vector_store %arg15[%swap3A_2109, %swap3A_2110], %max3A_2107 {strides = array<i32>} : memref<5x128xi32, #tpu.memory_space<vmem>>, vector<16xi32>,
      %slice3A_2112 = vector.extract_strided_slice %max3A_2107 {offsets = [15], sizes = [1], strides = [1]} : vector<16xi32> to vector<1xi32>
      %squeeze3A_2113 = vector.extract %slice3A_2112[0] : i32 from vector<1xi32>
      %get3A_2114 = arith.constant 608 : index
      %get3A_2115 = tpu.vector_load %arg11[%get3A_2114] {strides = array<i32>} : memref<640xi32, #tpu.memory_space<vmem>>, vector<16xi32>,
      %broadcast_in_dim3A_2116 = arith.constant true
      %broadcast_in_dim3A_2117 = vector.broadcast %broadcast_in_dim3A_2116 : i1 to vector<16xi1>
      %masked_cummax3A_2118 = arith.constant -2147483648 : i32
      %masked_cummax3A_2119 = vector.broadcast %masked_cummax3A_2118 : i32 to vector<16xi32>
      %masked_cummax3A_2120 = arith.xori %get3A_2115, %masked_cummax3A_2119 : vector<16xi32>
      %masked_cummax3A_2121 = tpu.scan <max>, %masked_cummax3A_2120 masked %broadcast_in_dim3A_2117 : vector<16xi32>, vector<16xi1> -> vector<16xi32>
      %masked_cummax3A_2122 = arith.xori %masked_cummax3A_2121, %masked_cummax3A_2119 : vector<16xi32>
      %max3A_2123 = vector.broadcast %squeeze3A_2113 : i32 to vector<16xi32>
      %max3A_2124 = arith.maxsi %masked_cummax3A_2122, %max3A_2123 : vector<16xi32>
      %swap3A_2125 = arith.constant 4 : i32
      %swap3A_2126 = arith.index_cast %swap3A_2125 : i32 to index
      %swap3A_2127 = arith.constant 96 : index
      %swap3A_2128 = tpu.vector_load %arg15[%swap3A_2126, %swap3A_2127] {strides = array<i32>} : memref<5x128xi32, #tpu.memory_space<vmem>>, vector<16xi32>,
      tpu.vector_store %arg15[%swap3A_2126, %swap3A_2127], %max3A_2124 {strides = array<i32>} : memref<5x128xi32, #tpu.memory_space<vmem>>, vector<16xi32>,
      %slice3A_2129 = vector.extract_strided_slice %max3A_2124 {offsets = [15], sizes = [1], strides = [1]} : vector<16xi32> to vector<1xi32>
      %squeeze3A_2130 = vector.extract %slice3A_2129[0] : i32 from vector<1xi32>
      %get3A_2131 = arith.constant 624 : index
      %get3A_2132 = tpu.vector_load %arg11[%get3A_2131] {strides = array<i32>} : memref<640xi32, #tpu.memory_space<vmem>>, vector<16xi32>,
      %broadcast_in_dim3A_2133 = arith.constant true
      %broadcast_in_dim3A_2134 = vector.broadcast %broadcast_in_dim3A_2133 : i1 to vector<16xi1>
      %masked_cummax3A_2135 = arith.constant -2147483648 : i32
      %masked_cummax3A_2136 = vector.broadcast %masked_cummax3A_2135 : i32 to vector<16xi32>
      %masked_cummax3A_2137 = arith.xori %get3A_2132, %masked_cummax3A_2136 : vector<16xi32>
      %masked_cummax3A_2138 = tpu.scan <max>, %masked_cummax3A_2137 masked %broadcast_in_dim3A_2134 : vector<16xi32>, vector<16xi1> -> vector<16xi32>
      %masked_cummax3A_2139 = arith.xori %masked_cummax3A_2138, %masked_cummax3A_2136 : vector<16xi32>
      %max3A_2140 = vector.broadcast %squeeze3A_2130 : i32 to vector<16xi32>
      %max3A_2141 = arith.maxsi %masked_cummax3A_2139, %max3A_2140 : vector<16xi32>
      %swap3A_2142 = arith.constant 4 : i32
      %swap3A_2143 = arith.index_cast %swap3A_2142 : i32 to index
      %swap3A_2144 = arith.constant 112 : index
      %swap3A_2145 = tpu.vector_load %arg15[%swap3A_2143, %swap3A_2144] {strides = array<i32>} : memref<5x128xi32, #tpu.memory_space<vmem>>, vector<16xi32>,
      tpu.vector_store %arg15[%swap3A_2143, %swap3A_2144], %max3A_2141 {strides = array<i32>} : memref<5x128xi32, #tpu.memory_space<vmem>>, vector<16xi32>,
      %slice3A_2146 = vector.extract_strided_slice %max3A_2141 {offsets = [15], sizes = [1], strides = [1]} : vector<16xi32> to vector<1xi32>
      %squeeze3A_2147 = vector.extract %slice3A_2146[0] : i32 from vector<1xi32>
      %add3A_2148 = arith.constant 1 : i32
      %add3A_2149 = arith.addi %add3A_1181, %add3A_2148 : i32
      %lt3A_2150 = arith.constant 40 : i32
      %lt3A_2151 = arith.cmpi slt, %add3A_2149, %lt3A_2150 : i32
      %convert_element_type3A_2152 = arith.extui %lt3A_2151 : i1 to i32
      %cond3A_2153 = arith.constant 0 : i32
      %cond3A_2154 = arith.cmpi ne, %convert_element_type3A_2152, %cond3A_2153 : i32
      scf.if %cond3A_2154 {
        %add3A_3344 = arith.constant 1 : i32
        %add3A_3345 = arith.addi %add3A_1181, %add3A_3344 : i32
        %mul3A_3346 = arith.constant 640 : i32
        %mul3A_3347 = arith.muli %add3A_3345, %mul3A_3346 : i32
        %add3A_3348 = arith.addi %mul3A_2, %mul3A_3347 : i32
        %add3A_3349 = arith.constant 0 : i32
        %add3A_3350 = arith.addi %add3A_3348, %add3A_3349 : i32
        %dma_start3A_3351 = arith.constant 0 : i32
        %dma_start3A_3352 = arith.constant 0 : i32
        %dma_start3A_3353 = tpu.memref_slice %arg9[%dma_start3A_3351, %dma_start3A_3352] : memref<5x128xi32, #tpu.memory_space<vmem>> -> memref<1x128xi32, #tpu.memory_space<vmem>>
        %dma_start3A_3354 = tpu.memref_squeeze %dma_start3A_3353 : memref<1x128xi32, #tpu.memory_space<vmem>> -> memref<128xi32, #tpu.memory_space<vmem>>
        %dma_start3A_3355 = tpu.memref_slice %arg2[%add3A_3350] : memref<819200xi32, #tpu.memory_space<hbm>> -> memref<128xi32, #tpu.memory_space<hbm>>
        %dma_start3A_3356 = arith.constant 0 : i32
        %dma_start3A_3357 = tpu.memref_slice %arg9[%dma_start3A_3351, %dma_start3A_3356] : memref<5x128xi32, #tpu.memory_space<vmem>> -> memref<1x128xi32, #tpu.memory_space<vmem>>
        %dma_start3A_3358 = tpu.memref_squeeze %dma_start3A_3357 : memref<1x128xi32, #tpu.memory_space<vmem>> -> memref<128xi32, #tpu.memory_space<vmem>>
        %dma_start3A_3359 = tpu.memref_slice %arg2[%add3A_3350] : memref<819200xi32, #tpu.memory_space<hbm>> -> memref<128xi32, #tpu.memory_space<hbm>>
        tpu.enqueue_dma source(%dma_start3A_3359 : memref<128xi32, #tpu.memory_space<hbm>>) target(%dma_start3A_3358 : memref<128xi32, #tpu.memory_space<vmem>>) target_semaphore(%arg10 : memref<!tpu.dma_semaphore, #tpu.memory_space<semaphore_mem>>)
        %add3A_3360 = arith.constant 128 : i32
        %add3A_3361 = arith.addi %add3A_3348, %add3A_3360 : i32
        %dma_start3A_3362 = arith.constant 1 : i32
        %dma_start3A_3363 = arith.constant 0 : i32
        %dma_start3A_3364 = tpu.memref_slice %arg9[%dma_start3A_3362, %dma_start3A_3363] : memref<5x128xi32, #tpu.memory_space<vmem>> -> memref<1x128xi32, #tpu.memory_space<vmem>>
        %dma_start3A_3365 = tpu.memref_squeeze %dma_start3A_3364 : memref<1x128xi32, #tpu.memory_space<vmem>> -> memref<128xi32, #tpu.memory_space<vmem>>
        %dma_start3A_3366 = tpu.memref_slice %arg2[%add3A_3361] : memref<819200xi32, #tpu.memory_space<hbm>> -> memref<128xi32, #tpu.memory_space<hbm>>
        %dma_start3A_3367 = arith.constant 0 : i32
        %dma_start3A_3368 = tpu.memref_slice %arg9[%dma_start3A_3362, %dma_start3A_3367] : memref<5x128xi32, #tpu.memory_space<vmem>> -> memref<1x128xi32, #tpu.memory_space<vmem>>
        %dma_start3A_3369 = tpu.memref_squeeze %dma_start3A_3368 : memref<1x128xi32, #tpu.memory_space<vmem>> -> memref<128xi32, #tpu.memory_space<vmem>>
        %dma_start3A_3370 = tpu.memref_slice %arg2[%add3A_3361] : memref<819200xi32, #tpu.memory_space<hbm>> -> memref<128xi32, #tpu.memory_space<hbm>>
        tpu.enqueue_dma source(%dma_start3A_3370 : memref<128xi32, #tpu.memory_space<hbm>>) target(%dma_start3A_3369 : memref<128xi32, #tpu.memory_space<vmem>>) target_semaphore(%arg10 : memref<!tpu.dma_semaphore, #tpu.memory_space<semaphore_mem>>)
        %add3A_3371 = arith.constant 256 : i32
        %add3A_3372 = arith.addi %add3A_3348, %add3A_3371 : i32
        %dma_start3A_3373 = arith.constant 2 : i32
        %dma_start3A_3374 = arith.constant 0 : i32
        %dma_start3A_3375 = tpu.memref_slice %arg9[%dma_start3A_3373, %dma_start3A_3374] : memref<5x128xi32, #tpu.memory_space<vmem>> -> memref<1x128xi32, #tpu.memory_space<vmem>>
        %dma_start3A_3376 = tpu.memref_squeeze %dma_start3A_3375 : memref<1x128xi32, #tpu.memory_space<vmem>> -> memref<128xi32, #tpu.memory_space<vmem>>
        %dma_start3A_3377 = tpu.memref_slice %arg2[%add3A_3372] : memref<819200xi32, #tpu.memory_space<hbm>> -> memref<128xi32, #tpu.memory_space<hbm>>
        %dma_start3A_3378 = arith.constant 0 : i32
        %dma_start3A_3379 = tpu.memref_slice %arg9[%dma_start3A_3373, %dma_start3A_3378] : memref<5x128xi32, #tpu.memory_space<vmem>> -> memref<1x128xi32, #tpu.memory_space<vmem>>
        %dma_start3A_3380 = tpu.memref_squeeze %dma_start3A_3379 : memref<1x128xi32, #tpu.memory_space<vmem>> -> memref<128xi32, #tpu.memory_space<vmem>>
        %dma_start3A_3381 = tpu.memref_slice %arg2[%add3A_3372] : memref<819200xi32, #tpu.memory_space<hbm>> -> memref<128xi32, #tpu.memory_space<hbm>>
        tpu.enqueue_dma source(%dma_start3A_3381 : memref<128xi32, #tpu.memory_space<hbm>>) target(%dma_start3A_3380 : memref<128xi32, #tpu.memory_space<vmem>>) target_semaphore(%arg10 : memref<!tpu.dma_semaphore, #tpu.memory_space<semaphore_mem>>)
        %add3A_3382 = arith.constant 384 : i32
        %add3A_3383 = arith.addi %add3A_3348, %add3A_3382 : i32
        %dma_start3A_3384 = arith.constant 3 : i32
        %dma_start3A_3385 = arith.constant 0 : i32
        %dma_start3A_3386 = tpu.memref_slice %arg9[%dma_start3A_3384, %dma_start3A_3385] : memref<5x128xi32, #tpu.memory_space<vmem>> -> memref<1x128xi32, #tpu.memory_space<vmem>>
        %dma_start3A_3387 = tpu.memref_squeeze %dma_start3A_3386 : memref<1x128xi32, #tpu.memory_space<vmem>> -> memref<128xi32, #tpu.memory_space<vmem>>
        %dma_start3A_3388 = tpu.memref_slice %arg2[%add3A_3383] : memref<819200xi32, #tpu.memory_space<hbm>> -> memref<128xi32, #tpu.memory_space<hbm>>
        %dma_start3A_3389 = arith.constant 0 : i32
        %dma_start3A_3390 = tpu.memref_slice %arg9[%dma_start3A_3384, %dma_start3A_3389] : memref<5x128xi32, #tpu.memory_space<vmem>> -> memref<1x128xi32, #tpu.memory_space<vmem>>
        %dma_start3A_3391 = tpu.memref_squeeze %dma_start3A_3390 : memref<1x128xi32, #tpu.memory_space<vmem>> -> memref<128xi32, #tpu.memory_space<vmem>>
        %dma_start3A_3392 = tpu.memref_slice %arg2[%add3A_3383] : memref<819200xi32, #tpu.memory_space<hbm>> -> memref<128xi32, #tpu.memory_space<hbm>>
        tpu.enqueue_dma source(%dma_start3A_3392 : memref<128xi32, #tpu.memory_space<hbm>>) target(%dma_start3A_3391 : memref<128xi32, #tpu.memory_space<vmem>>) target_semaphore(%arg10 : memref<!tpu.dma_semaphore, #tpu.memory_space<semaphore_mem>>)
        %add3A_3393 = arith.constant 512 : i32
        %add3A_3394 = arith.addi %add3A_3348, %add3A_3393 : i32
        %dma_start3A_3395 = arith.constant 4 : i32
        %dma_start3A_3396 = arith.constant 0 : i32
        %dma_start3A_3397 = tpu.memref_slice %arg9[%dma_start3A_3395, %dma_start3A_3396] : memref<5x128xi32, #tpu.memory_space<vmem>> -> memref<1x128xi32, #tpu.memory_space<vmem>>
        %dma_start3A_3398 = tpu.memref_squeeze %dma_start3A_3397 : memref<1x128xi32, #tpu.memory_space<vmem>> -> memref<128xi32, #tpu.memory_space<vmem>>
        %dma_start3A_3399 = tpu.memref_slice %arg2[%add3A_3394] : memref<819200xi32, #tpu.memory_space<hbm>> -> memref<128xi32, #tpu.memory_space<hbm>>
        %dma_start3A_3400 = arith.constant 0 : i32
        %dma_start3A_3401 = tpu.memref_slice %arg9[%dma_start3A_3395, %dma_start3A_3400] : memref<5x128xi32, #tpu.memory_space<vmem>> -> memref<1x128xi32, #tpu.memory_space<vmem>>
        %dma_start3A_3402 = tpu.memref_squeeze %dma_start3A_3401 : memref<1x128xi32, #tpu.memory_space<vmem>> -> memref<128xi32, #tpu.memory_space<vmem>>
        %dma_start3A_3403 = tpu.memref_slice %arg2[%add3A_3394] : memref<819200xi32, #tpu.memory_space<hbm>> -> memref<128xi32, #tpu.memory_space<hbm>>
        tpu.enqueue_dma source(%dma_start3A_3403 : memref<128xi32, #tpu.memory_space<hbm>>) target(%dma_start3A_3402 : memref<128xi32, #tpu.memory_space<vmem>>) target_semaphore(%arg10 : memref<!tpu.dma_semaphore, #tpu.memory_space<semaphore_mem>>)
      } else {
      }
      %dma_wait3A_2155 = arith.constant 0 : i32
      %dma_wait3A_2156 = arith.constant 0 : i32
      %dma_wait3A_2157 = arith.constant 0 : i32
      %dma_wait3A_2158 = tpu.memref_slice %arg13[%dma_wait3A_2156, %dma_wait3A_2157] : memref<640x32xf32, #tpu.memory_space<vmem>> -> memref<128x32xf32, #tpu.memory_space<vmem>>
      %dma_wait3A_2159 = arith.constant 0 : i32
      %dma_wait3A_2160 = tpu.memref_slice %arg8[%dma_wait3A_2155, %dma_wait3A_2159] : memref<5x128xi32, #tpu.memory_space<vmem>> -> memref<1x128xi32, #tpu.memory_space<vmem>>
      %dma_wait3A_2161 = tpu.memref_squeeze %dma_wait3A_2160 : memref<1x128xi32, #tpu.memory_space<vmem>> -> memref<128xi32, #tpu.memory_space<vmem>>
      %dma_wait3A_2162 = arith.constant 0 : i32
      %dma_wait3A_2163 = arith.constant 0 : i32
      %dma_wait3A_2164 = tpu.memref_slice %arg4[%dma_wait3A_2162, %dma_wait3A_2163] : memref<1000000x32xf32, #tpu.memory_space<hbm>> -> memref<1000000x32xf32, #tpu.memory_space<hbm>>
      tpu.wait_indirect_dma semaphore(%arg7 : memref<!tpu.dma_semaphore, #tpu.memory_space<semaphore_mem>>) src(%dma_wait3A_2164 : memref<1000000x32xf32, #tpu.memory_space<hbm>>) dst(%dma_wait3A_2158 : memref<128x32xf32, #tpu.memory_space<vmem>>)
      %dma_wait3A_2165 = arith.constant 1 : i32
      %dma_wait3A_2166 = arith.constant 128 : i32
      %dma_wait3A_2167 = arith.constant 0 : i32
      %dma_wait3A_2168 = tpu.memref_slice %arg13[%dma_wait3A_2166, %dma_wait3A_2167] : memref<640x32xf32, #tpu.memory_space<vmem>> -> memref<128x32xf32, #tpu.memory_space<vmem>>
      %dma_wait3A_2169 = arith.constant 0 : i32
      %dma_wait3A_2170 = tpu.memref_slice %arg8[%dma_wait3A_2165, %dma_wait3A_2169] : memref<5x128xi32, #tpu.memory_space<vmem>> -> memref<1x128xi32, #tpu.memory_space<vmem>>
      %dma_wait3A_2171 = tpu.memref_squeeze %dma_wait3A_2170 : memref<1x128xi32, #tpu.memory_space<vmem>> -> memref<128xi32, #tpu.memory_space<vmem>>
      %dma_wait3A_2172 = arith.constant 0 : i32
      %dma_wait3A_2173 = arith.constant 0 : i32
      %dma_wait3A_2174 = tpu.memref_slice %arg4[%dma_wait3A_2172, %dma_wait3A_2173] : memref<1000000x32xf32, #tpu.memory_space<hbm>> -> memref<1000000x32xf32, #tpu.memory_space<hbm>>
      tpu.wait_indirect_dma semaphore(%arg7 : memref<!tpu.dma_semaphore, #tpu.memory_space<semaphore_mem>>) src(%dma_wait3A_2174 : memref<1000000x32xf32, #tpu.memory_space<hbm>>) dst(%dma_wait3A_2168 : memref<128x32xf32, #tpu.memory_space<vmem>>)
      %dma_wait3A_2175 = arith.constant 2 : i32
      %dma_wait3A_2176 = arith.constant 256 : i32
      %dma_wait3A_2177 = arith.constant 0 : i32
      %dma_wait3A_2178 = tpu.memref_slice %arg13[%dma_wait3A_2176, %dma_wait3A_2177] : memref<640x32xf32, #tpu.memory_space<vmem>> -> memref<128x32xf32, #tpu.memory_space<vmem>>
      %dma_wait3A_2179 = arith.constant 0 : i32
      %dma_wait3A_2180 = tpu.memref_slice %arg8[%dma_wait3A_2175, %dma_wait3A_2179] : memref<5x128xi32, #tpu.memory_space<vmem>> -> memref<1x128xi32, #tpu.memory_space<vmem>>
      %dma_wait3A_2181 = tpu.memref_squeeze %dma_wait3A_2180 : memref<1x128xi32, #tpu.memory_space<vmem>> -> memref<128xi32, #tpu.memory_space<vmem>>
      %dma_wait3A_2182 = arith.constant 0 : i32
      %dma_wait3A_2183 = arith.constant 0 : i32
      %dma_wait3A_2184 = tpu.memref_slice %arg4[%dma_wait3A_2182, %dma_wait3A_2183] : memref<1000000x32xf32, #tpu.memory_space<hbm>> -> memref<1000000x32xf32, #tpu.memory_space<hbm>>
      tpu.wait_indirect_dma semaphore(%arg7 : memref<!tpu.dma_semaphore, #tpu.memory_space<semaphore_mem>>) src(%dma_wait3A_2184 : memref<1000000x32xf32, #tpu.memory_space<hbm>>) dst(%dma_wait3A_2178 : memref<128x32xf32, #tpu.memory_space<vmem>>)
      %dma_wait3A_2185 = arith.constant 3 : i32
      %dma_wait3A_2186 = arith.constant 384 : i32
      %dma_wait3A_2187 = arith.constant 0 : i32
      %dma_wait3A_2188 = tpu.memref_slice %arg13[%dma_wait3A_2186, %dma_wait3A_2187] : memref<640x32xf32, #tpu.memory_space<vmem>> -> memref<128x32xf32, #tpu.memory_space<vmem>>
      %dma_wait3A_2189 = arith.constant 0 : i32
      %dma_wait3A_2190 = tpu.memref_slice %arg8[%dma_wait3A_2185, %dma_wait3A_2189] : memref<5x128xi32, #tpu.memory_space<vmem>> -> memref<1x128xi32, #tpu.memory_space<vmem>>
      %dma_wait3A_2191 = tpu.memref_squeeze %dma_wait3A_2190 : memref<1x128xi32, #tpu.memory_space<vmem>> -> memref<128xi32, #tpu.memory_space<vmem>>
      %dma_wait3A_2192 = arith.constant 0 : i32
      %dma_wait3A_2193 = arith.constant 0 : i32
      %dma_wait3A_2194 = tpu.memref_slice %arg4[%dma_wait3A_2192, %dma_wait3A_2193] : memref<1000000x32xf32, #tpu.memory_space<hbm>> -> memref<1000000x32xf32, #tpu.memory_space<hbm>>
      tpu.wait_indirect_dma semaphore(%arg7 : memref<!tpu.dma_semaphore, #tpu.memory_space<semaphore_mem>>) src(%dma_wait3A_2194 : memref<1000000x32xf32, #tpu.memory_space<hbm>>) dst(%dma_wait3A_2188 : memref<128x32xf32, #tpu.memory_space<vmem>>)
      %dma_wait3A_2195 = arith.constant 4 : i32
      %dma_wait3A_2196 = arith.constant 512 : i32
      %dma_wait3A_2197 = arith.constant 0 : i32
      %dma_wait3A_2198 = tpu.memref_slice %arg13[%dma_wait3A_2196, %dma_wait3A_2197] : memref<640x32xf32, #tpu.memory_space<vmem>> -> memref<128x32xf32, #tpu.memory_space<vmem>>
      %dma_wait3A_2199 = arith.constant 0 : i32
      %dma_wait3A_2200 = tpu.memref_slice %arg8[%dma_wait3A_2195, %dma_wait3A_2199] : memref<5x128xi32, #tpu.memory_space<vmem>> -> memref<1x128xi32, #tpu.memory_space<vmem>>
      %dma_wait3A_2201 = tpu.memref_squeeze %dma_wait3A_2200 : memref<1x128xi32, #tpu.memory_space<vmem>> -> memref<128xi32, #tpu.memory_space<vmem>>
      %dma_wait3A_2202 = arith.constant 0 : i32
      %dma_wait3A_2203 = arith.constant 0 : i32
      %dma_wait3A_2204 = tpu.memref_slice %arg4[%dma_wait3A_2202, %dma_wait3A_2203] : memref<1000000x32xf32, #tpu.memory_space<hbm>> -> memref<1000000x32xf32, #tpu.memory_space<hbm>>
      tpu.wait_indirect_dma semaphore(%arg7 : memref<!tpu.dma_semaphore, #tpu.memory_space<semaphore_mem>>) src(%dma_wait3A_2204 : memref<1000000x32xf32, #tpu.memory_space<hbm>>) dst(%dma_wait3A_2198 : memref<128x32xf32, #tpu.memory_space<vmem>>)
      %dma_start3A_2205 = arith.constant 0 : i32
      %dma_start3A_2206 = arith.constant 0 : i32
      %dma_start3A_2207 = arith.constant 0 : i32
      %dma_start3A_2208 = tpu.memref_slice %arg13[%dma_start3A_2206, %dma_start3A_2207] : memref<640x32xf32, #tpu.memory_space<vmem>> -> memref<128x32xf32, #tpu.memory_space<vmem>>
      %dma_start3A_2209 = arith.constant 0 : i32
      %dma_start3A_2210 = tpu.memref_slice %arg15[%dma_start3A_2205, %dma_start3A_2209] : memref<5x128xi32, #tpu.memory_space<vmem>> -> memref<1x128xi32, #tpu.memory_space<vmem>>
      %dma_start3A_2211 = tpu.memref_squeeze %dma_start3A_2210 : memref<1x128xi32, #tpu.memory_space<vmem>> -> memref<128xi32, #tpu.memory_space<vmem>>
      %dma_start3A_2212 = arith.constant 0 : i32
      %dma_start3A_2213 = arith.constant 0 : i32
      %dma_start3A_2214 = tpu.memref_slice %arg6[%dma_start3A_2212, %dma_start3A_2213] : memref<16384x32xf32, #tpu.memory_space<vmem_shared>> -> memref<16384x32xf32, #tpu.memory_space<vmem_shared>>
      tpu.enqueue_indirect_dma source(%dma_start3A_2208 : memref<128x32xf32, #tpu.memory_space<vmem>>) target(%dma_start3A_2214 : memref<16384x32xf32, #tpu.memory_space<vmem_shared>>) offsets(%dma_start3A_2211 : memref<128xi32, #tpu.memory_space<vmem>>) semaphore(%arg17 : memref<!tpu.dma_semaphore, #tpu.memory_space<semaphore_mem>>) {add = true}
      %dma_start3A_2215 = arith.constant 1 : i32
      %dma_start3A_2216 = arith.constant 128 : i32
      %dma_start3A_2217 = arith.constant 0 : i32
      %dma_start3A_2218 = tpu.memref_slice %arg13[%dma_start3A_2216, %dma_start3A_2217] : memref<640x32xf32, #tpu.memory_space<vmem>> -> memref<128x32xf32, #tpu.memory_space<vmem>>
      %dma_start3A_2219 = arith.constant 0 : i32
      %dma_start3A_2220 = tpu.memref_slice %arg15[%dma_start3A_2215, %dma_start3A_2219] : memref<5x128xi32, #tpu.memory_space<vmem>> -> memref<1x128xi32, #tpu.memory_space<vmem>>
      %dma_start3A_2221 = tpu.memref_squeeze %dma_start3A_2220 : memref<1x128xi32, #tpu.memory_space<vmem>> -> memref<128xi32, #tpu.memory_space<vmem>>
      %dma_start3A_2222 = arith.constant 0 : i32
      %dma_start3A_2223 = arith.constant 0 : i32
      %dma_start3A_2224 = tpu.memref_slice %arg6[%dma_start3A_2222, %dma_start3A_2223] : memref<16384x32xf32, #tpu.memory_space<vmem_shared>> -> memref<16384x32xf32, #tpu.memory_space<vmem_shared>>
      tpu.enqueue_indirect_dma source(%dma_start3A_2218 : memref<128x32xf32, #tpu.memory_space<vmem>>) target(%dma_start3A_2224 : memref<16384x32xf32, #tpu.memory_space<vmem_shared>>) offsets(%dma_start3A_2221 : memref<128xi32, #tpu.memory_space<vmem>>) semaphore(%arg17 : memref<!tpu.dma_semaphore, #tpu.memory_space<semaphore_mem>>) {add = true}
      %dma_start3A_2225 = arith.constant 2 : i32
      %dma_start3A_2226 = arith.constant 256 : i32
      %dma_start3A_2227 = arith.constant 0 : i32
      %dma_start3A_2228 = tpu.memref_slice %arg13[%dma_start3A_2226, %dma_start3A_2227] : memref<640x32xf32, #tpu.memory_space<vmem>> -> memref<128x32xf32, #tpu.memory_space<vmem>>
      %dma_start3A_2229 = arith.constant 0 : i32
      %dma_start3A_2230 = tpu.memref_slice %arg15[%dma_start3A_2225, %dma_start3A_2229] : memref<5x128xi32, #tpu.memory_space<vmem>> -> memref<1x128xi32, #tpu.memory_space<vmem>>
      %dma_start3A_2231 = tpu.memref_squeeze %dma_start3A_2230 : memref<1x128xi32, #tpu.memory_space<vmem>> -> memref<128xi32, #tpu.memory_space<vmem>>
      %dma_start3A_2232 = arith.constant 0 : i32
      %dma_start3A_2233 = arith.constant 0 : i32
      %dma_start3A_2234 = tpu.memref_slice %arg6[%dma_start3A_2232, %dma_start3A_2233] : memref<16384x32xf32, #tpu.memory_space<vmem_shared>> -> memref<16384x32xf32, #tpu.memory_space<vmem_shared>>
      tpu.enqueue_indirect_dma source(%dma_start3A_2228 : memref<128x32xf32, #tpu.memory_space<vmem>>) target(%dma_start3A_2234 : memref<16384x32xf32, #tpu.memory_space<vmem_shared>>) offsets(%dma_start3A_2231 : memref<128xi32, #tpu.memory_space<vmem>>) semaphore(%arg17 : memref<!tpu.dma_semaphore, #tpu.memory_space<semaphore_mem>>) {add = true}
      %dma_start3A_2235 = arith.constant 3 : i32
      %dma_start3A_2236 = arith.constant 384 : i32
      %dma_start3A_2237 = arith.constant 0 : i32
      %dma_start3A_2238 = tpu.memref_slice %arg13[%dma_start3A_2236, %dma_start3A_2237] : memref<640x32xf32, #tpu.memory_space<vmem>> -> memref<128x32xf32, #tpu.memory_space<vmem>>
      %dma_start3A_2239 = arith.constant 0 : i32
      %dma_start3A_2240 = tpu.memref_slice %arg15[%dma_start3A_2235, %dma_start3A_2239] : memref<5x128xi32, #tpu.memory_space<vmem>> -> memref<1x128xi32, #tpu.memory_space<vmem>>
      %dma_start3A_2241 = tpu.memref_squeeze %dma_start3A_2240 : memref<1x128xi32, #tpu.memory_space<vmem>> -> memref<128xi32, #tpu.memory_space<vmem>>
      %dma_start3A_2242 = arith.constant 0 : i32
      %dma_start3A_2243 = arith.constant 0 : i32
      %dma_start3A_2244 = tpu.memref_slice %arg6[%dma_start3A_2242, %dma_start3A_2243] : memref<16384x32xf32, #tpu.memory_space<vmem_shared>> -> memref<16384x32xf32, #tpu.memory_space<vmem_shared>>
      tpu.enqueue_indirect_dma source(%dma_start3A_2238 : memref<128x32xf32, #tpu.memory_space<vmem>>) target(%dma_start3A_2244 : memref<16384x32xf32, #tpu.memory_space<vmem_shared>>) offsets(%dma_start3A_2241 : memref<128xi32, #tpu.memory_space<vmem>>) semaphore(%arg17 : memref<!tpu.dma_semaphore, #tpu.memory_space<semaphore_mem>>) {add = true}
      %dma_start3A_2245 = arith.constant 4 : i32
      %dma_start3A_2246 = arith.constant 512 : i32
      %dma_start3A_2247 = arith.constant 0 : i32
      %dma_start3A_2248 = tpu.memref_slice %arg13[%dma_start3A_2246, %dma_start3A_2247] : memref<640x32xf32, #tpu.memory_space<vmem>> -> memref<128x32xf32, #tpu.memory_space<vmem>>
      %dma_start3A_2249 = arith.constant 0 : i32
      %dma_start3A_2250 = tpu.memref_slice %arg15[%dma_start3A_2245, %dma_start3A_2249] : memref<5x128xi32, #tpu.memory_space<vmem>> -> memref<1x128xi32, #tpu.memory_space<vmem>>
      %dma_start3A_2251 = tpu.memref_squeeze %dma_start3A_2250 : memref<1x128xi32, #tpu.memory_space<vmem>> -> memref<128xi32, #tpu.memory_space<vmem>>
      %dma_start3A_2252 = arith.constant 0 : i32
      %dma_start3A_2253 = arith.constant 0 : i32
      %dma_start3A_2254 = tpu.memref_slice %arg6[%dma_start3A_2252, %dma_start3A_2253] : memref<16384x32xf32, #tpu.memory_space<vmem_shared>> -> memref<16384x32xf32, #tpu.memory_space<vmem_shared>>
      tpu.enqueue_indirect_dma source(%dma_start3A_2248 : memref<128x32xf32, #tpu.memory_space<vmem>>) target(%dma_start3A_2254 : memref<16384x32xf32, #tpu.memory_space<vmem_shared>>) offsets(%dma_start3A_2251 : memref<128xi32, #tpu.memory_space<vmem>>) semaphore(%arg17 : memref<!tpu.dma_semaphore, #tpu.memory_space<semaphore_mem>>) {add = true}
      %add3A_2255 = arith.constant 1 : i32
      %add3A_2256 = arith.addi %mul3A_1179, %add3A_2255 : i32
      %ge3A_2257 = arith.constant 2 : i32
      %ge3A_2258 = arith.cmpi sge, %add3A_2256, %ge3A_2257 : i32
      %convert_element_type3A_2259 = arith.extui %ge3A_2258 : i1 to i32
      %cond3A_2260 = arith.constant 0 : i32
      %cond3A_2261 = arith.cmpi ne, %convert_element_type3A_2259, %cond3A_2260 : i32
      scf.if %cond3A_2261 {
        %dma_wait3A_3344 = arith.constant 0 : i32
        %dma_wait3A_3345 = arith.constant 0 : i32
        %dma_wait3A_3346 = tpu.memref_slice %arg4[%dma_wait3A_3344, %dma_wait3A_3345] : memref<1000000x32xf32, #tpu.memory_space<hbm>> -> memref<640x32xf32, #tpu.memory_space<hbm>>
        %dma_wait3A_3347 = arith.constant 0 : i32
        %dma_wait3A_3348 = arith.constant 0 : i32
        %dma_wait3A_3349 = tpu.memref_slice %arg4[%dma_wait3A_3347, %dma_wait3A_3348] : memref<1000000x32xf32, #tpu.memory_space<hbm>> -> memref<640x32xf32, #tpu.memory_space<hbm>>
        tpu.wait_dma2 semaphore(%arg18 : memref<!tpu.dma_semaphore, #tpu.memory_space<semaphore_mem>>) src(%dma_wait3A_3349 : memref<640x32xf32, #tpu.memory_space<hbm>>) dst(%arg14 : memref<640x32xf32, #tpu.memory_space<vmem>>)
      } else {
      }
      %mul3A_2262 = arith.constant 640 : i32
      %mul3A_2263 = arith.muli %add3A_2256, %mul3A_2262 : i32
      %add3A_2264 = arith.addi %mul3A_2, %mul3A_2263 : i32
      %add3A_2265 = arith.constant 0 : i32
      %add3A_2266 = arith.addi %add3A_2264, %add3A_2265 : i32
      %dma_wait3A_2267 = arith.constant 0 : i32
      %dma_wait3A_2268 = arith.constant 0 : i32
      %dma_wait3A_2269 = tpu.memref_slice %arg9[%dma_wait3A_2267, %dma_wait3A_2268] : memref<5x128xi32, #tpu.memory_space<vmem>> -> memref<1x128xi32, #tpu.memory_space<vmem>>
      %dma_wait3A_2270 = tpu.memref_squeeze %dma_wait3A_2269 : memref<1x128xi32, #tpu.memory_space<vmem>> -> memref<128xi32, #tpu.memory_space<vmem>>
      %dma_wait3A_2271 = tpu.memref_slice %arg2[%add3A_2266] : memref<819200xi32, #tpu.memory_space<hbm>> -> memref<128xi32, #tpu.memory_space<hbm>>
      %dma_wait3A_2272 = arith.constant 0 : i32
      %dma_wait3A_2273 = tpu.memref_slice %arg9[%dma_wait3A_2267, %dma_wait3A_2272] : memref<5x128xi32, #tpu.memory_space<vmem>> -> memref<1x128xi32, #tpu.memory_space<vmem>>
      %dma_wait3A_2274 = tpu.memref_squeeze %dma_wait3A_2273 : memref<1x128xi32, #tpu.memory_space<vmem>> -> memref<128xi32, #tpu.memory_space<vmem>>
      %dma_wait3A_2275 = tpu.memref_slice %arg2[%add3A_2266] : memref<819200xi32, #tpu.memory_space<hbm>> -> memref<128xi32, #tpu.memory_space<hbm>>
      tpu.wait_dma2 semaphore(%arg10 : memref<!tpu.dma_semaphore, #tpu.memory_space<semaphore_mem>>) src(%dma_wait3A_2275 : memref<128xi32, #tpu.memory_space<hbm>>) dst(%dma_wait3A_2274 : memref<128xi32, #tpu.memory_space<vmem>>)
      %add3A_2276 = arith.constant 128 : i32
      %add3A_2277 = arith.addi %add3A_2264, %add3A_2276 : i32
      %dma_wait3A_2278 = arith.constant 1 : i32
      %dma_wait3A_2279 = arith.constant 0 : i32
      %dma_wait3A_2280 = tpu.memref_slice %arg9[%dma_wait3A_2278, %dma_wait3A_2279] : memref<5x128xi32, #tpu.memory_space<vmem>> -> memref<1x128xi32, #tpu.memory_space<vmem>>
      %dma_wait3A_2281 = tpu.memref_squeeze %dma_wait3A_2280 : memref<1x128xi32, #tpu.memory_space<vmem>> -> memref<128xi32, #tpu.memory_space<vmem>>
      %dma_wait3A_2282 = tpu.memref_slice %arg2[%add3A_2277] : memref<819200xi32, #tpu.memory_space<hbm>> -> memref<128xi32, #tpu.memory_space<hbm>>
      %dma_wait3A_2283 = arith.constant 0 : i32
      %dma_wait3A_2284 = tpu.memref_slice %arg9[%dma_wait3A_2278, %dma_wait3A_2283] : memref<5x128xi32, #tpu.memory_space<vmem>> -> memref<1x128xi32, #tpu.memory_space<vmem>>
      %dma_wait3A_2285 = tpu.memref_squeeze %dma_wait3A_2284 : memref<1x128xi32, #tpu.memory_space<vmem>> -> memref<128xi32, #tpu.memory_space<vmem>>
      %dma_wait3A_2286 = tpu.memref_slice %arg2[%add3A_2277] : memref<819200xi32, #tpu.memory_space<hbm>> -> memref<128xi32, #tpu.memory_space<hbm>>
      tpu.wait_dma2 semaphore(%arg10 : memref<!tpu.dma_semaphore, #tpu.memory_space<semaphore_mem>>) src(%dma_wait3A_2286 : memref<128xi32, #tpu.memory_space<hbm>>) dst(%dma_wait3A_2285 : memref<128xi32, #tpu.memory_space<vmem>>)
      %add3A_2287 = arith.constant 256 : i32
      %add3A_2288 = arith.addi %add3A_2264, %add3A_2287 : i32
      %dma_wait3A_2289 = arith.constant 2 : i32
      %dma_wait3A_2290 = arith.constant 0 : i32
      %dma_wait3A_2291 = tpu.memref_slice %arg9[%dma_wait3A_2289, %dma_wait3A_2290] : memref<5x128xi32, #tpu.memory_space<vmem>> -> memref<1x128xi32, #tpu.memory_space<vmem>>
      %dma_wait3A_2292 = tpu.memref_squeeze %dma_wait3A_2291 : memref<1x128xi32, #tpu.memory_space<vmem>> -> memref<128xi32, #tpu.memory_space<vmem>>
      %dma_wait3A_2293 = tpu.memref_slice %arg2[%add3A_2288] : memref<819200xi32, #tpu.memory_space<hbm>> -> memref<128xi32, #tpu.memory_space<hbm>>
      %dma_wait3A_2294 = arith.constant 0 : i32
      %dma_wait3A_2295 = tpu.memref_slice %arg9[%dma_wait3A_2289, %dma_wait3A_2294] : memref<5x128xi32, #tpu.memory_space<vmem>> -> memref<1x128xi32, #tpu.memory_space<vmem>>
      %dma_wait3A_2296 = tpu.memref_squeeze %dma_wait3A_2295 : memref<1x128xi32, #tpu.memory_space<vmem>> -> memref<128xi32, #tpu.memory_space<vmem>>
      %dma_wait3A_2297 = tpu.memref_slice %arg2[%add3A_2288] : memref<819200xi32, #tpu.memory_space<hbm>> -> memref<128xi32, #tpu.memory_space<hbm>>
      tpu.wait_dma2 semaphore(%arg10 : memref<!tpu.dma_semaphore, #tpu.memory_space<semaphore_mem>>) src(%dma_wait3A_2297 : memref<128xi32, #tpu.memory_space<hbm>>) dst(%dma_wait3A_2296 : memref<128xi32, #tpu.memory_space<vmem>>)
      %add3A_2298 = arith.constant 384 : i32
      %add3A_2299 = arith.addi %add3A_2264, %add3A_2298 : i32
      %dma_wait3A_2300 = arith.constant 3 : i32
      %dma_wait3A_2301 = arith.constant 0 : i32
      %dma_wait3A_2302 = tpu.memref_slice %arg9[%dma_wait3A_2300, %dma_wait3A_2301] : memref<5x128xi32, #tpu.memory_space<vmem>> -> memref<1x128xi32, #tpu.memory_space<vmem>>
      %dma_wait3A_2303 = tpu.memref_squeeze %dma_wait3A_2302 : memref<1x128xi32, #tpu.memory_space<vmem>> -> memref<128xi32, #tpu.memory_space<vmem>>
      %dma_wait3A_2304 = tpu.memref_slice %arg2[%add3A_2299] : memref<819200xi32, #tpu.memory_space<hbm>> -> memref<128xi32, #tpu.memory_space<hbm>>
      %dma_wait3A_2305 = arith.constant 0 : i32
      %dma_wait3A_2306 = tpu.memref_slice %arg9[%dma_wait3A_2300, %dma_wait3A_2305] : memref<5x128xi32, #tpu.memory_space<vmem>> -> memref<1x128xi32, #tpu.memory_space<vmem>>
      %dma_wait3A_2307 = tpu.memref_squeeze %dma_wait3A_2306 : memref<1x128xi32, #tpu.memory_space<vmem>> -> memref<128xi32, #tpu.memory_space<vmem>>
      %dma_wait3A_2308 = tpu.memref_slice %arg2[%add3A_2299] : memref<819200xi32, #tpu.memory_space<hbm>> -> memref<128xi32, #tpu.memory_space<hbm>>
      tpu.wait_dma2 semaphore(%arg10 : memref<!tpu.dma_semaphore, #tpu.memory_space<semaphore_mem>>) src(%dma_wait3A_2308 : memref<128xi32, #tpu.memory_space<hbm>>) dst(%dma_wait3A_2307 : memref<128xi32, #tpu.memory_space<vmem>>)
      %add3A_2309 = arith.constant 512 : i32
      %add3A_2310 = arith.addi %add3A_2264, %add3A_2309 : i32
      %dma_wait3A_2311 = arith.constant 4 : i32
      %dma_wait3A_2312 = arith.constant 0 : i32
      %dma_wait3A_2313 = tpu.memref_slice %arg9[%dma_wait3A_2311, %dma_wait3A_2312] : memref<5x128xi32, #tpu.memory_space<vmem>> -> memref<1x128xi32, #tpu.memory_space<vmem>>
      %dma_wait3A_2314 = tpu.memref_squeeze %dma_wait3A_2313 : memref<1x128xi32, #tpu.memory_space<vmem>> -> memref<128xi32, #tpu.memory_space<vmem>>
      %dma_wait3A_2315 = tpu.memref_slice %arg2[%add3A_2310] : memref<819200xi32, #tpu.memory_space<hbm>> -> memref<128xi32, #tpu.memory_space<hbm>>
      %dma_wait3A_2316 = arith.constant 0 : i32
      %dma_wait3A_2317 = tpu.memref_slice %arg9[%dma_wait3A_2311, %dma_wait3A_2316] : memref<5x128xi32, #tpu.memory_space<vmem>> -> memref<1x128xi32, #tpu.memory_space<vmem>>
      %dma_wait3A_2318 = tpu.memref_squeeze %dma_wait3A_2317 : memref<1x128xi32, #tpu.memory_space<vmem>> -> memref<128xi32, #tpu.memory_space<vmem>>
      %dma_wait3A_2319 = tpu.memref_slice %arg2[%add3A_2310] : memref<819200xi32, #tpu.memory_space<hbm>> -> memref<128xi32, #tpu.memory_space<hbm>>
      tpu.wait_dma2 semaphore(%arg10 : memref<!tpu.dma_semaphore, #tpu.memory_space<semaphore_mem>>) src(%dma_wait3A_2319 : memref<128xi32, #tpu.memory_space<hbm>>) dst(%dma_wait3A_2318 : memref<128xi32, #tpu.memory_space<vmem>>)
      %dma_start3A_2320 = arith.constant 0 : i32
      %dma_start3A_2321 = arith.constant 0 : i32
      %dma_start3A_2322 = arith.constant 0 : i32
      %dma_start3A_2323 = tpu.memref_slice %arg14[%dma_start3A_2321, %dma_start3A_2322] : memref<640x32xf32, #tpu.memory_space<vmem>> -> memref<128x32xf32, #tpu.memory_space<vmem>>
      %dma_start3A_2324 = arith.constant 0 : i32
      %dma_start3A_2325 = tpu.memref_slice %arg9[%dma_start3A_2320, %dma_start3A_2324] : memref<5x128xi32, #tpu.memory_space<vmem>> -> memref<1x128xi32, #tpu.memory_space<vmem>>
      %dma_start3A_2326 = tpu.memref_squeeze %dma_start3A_2325 : memref<1x128xi32, #tpu.memory_space<vmem>> -> memref<128xi32, #tpu.memory_space<vmem>>
      %dma_start3A_2327 = arith.constant 0 : i32
      %dma_start3A_2328 = arith.constant 0 : i32
      %dma_start3A_2329 = tpu.memref_slice %arg4[%dma_start3A_2327, %dma_start3A_2328] : memref<1000000x32xf32, #tpu.memory_space<hbm>> -> memref<1000000x32xf32, #tpu.memory_space<hbm>>
      tpu.enqueue_indirect_dma source(%dma_start3A_2329 : memref<1000000x32xf32, #tpu.memory_space<hbm>>) target(%dma_start3A_2323 : memref<128x32xf32, #tpu.memory_space<vmem>>) offsets(%dma_start3A_2326 : memref<128xi32, #tpu.memory_space<vmem>>) semaphore(%arg7 : memref<!tpu.dma_semaphore, #tpu.memory_space<semaphore_mem>>)
      %dma_start3A_2330 = arith.constant 1 : i32
      %dma_start3A_2331 = arith.constant 128 : i32
      %dma_start3A_2332 = arith.constant 0 : i32
      %dma_start3A_2333 = tpu.memref_slice %arg14[%dma_start3A_2331, %dma_start3A_2332] : memref<640x32xf32, #tpu.memory_space<vmem>> -> memref<128x32xf32, #tpu.memory_space<vmem>>
      %dma_start3A_2334 = arith.constant 0 : i32
      %dma_start3A_2335 = tpu.memref_slice %arg9[%dma_start3A_2330, %dma_start3A_2334] : memref<5x128xi32, #tpu.memory_space<vmem>> -> memref<1x128xi32, #tpu.memory_space<vmem>>
      %dma_start3A_2336 = tpu.memref_squeeze %dma_start3A_2335 : memref<1x128xi32, #tpu.memory_space<vmem>> -> memref<128xi32, #tpu.memory_space<vmem>>
      %dma_start3A_2337 = arith.constant 0 : i32
      %dma_start3A_2338 = arith.constant 0 : i32
      %dma_start3A_2339 = tpu.memref_slice %arg4[%dma_start3A_2337, %dma_start3A_2338] : memref<1000000x32xf32, #tpu.memory_space<hbm>> -> memref<1000000x32xf32, #tpu.memory_space<hbm>>
      tpu.enqueue_indirect_dma source(%dma_start3A_2339 : memref<1000000x32xf32, #tpu.memory_space<hbm>>) target(%dma_start3A_2333 : memref<128x32xf32, #tpu.memory_space<vmem>>) offsets(%dma_start3A_2336 : memref<128xi32, #tpu.memory_space<vmem>>) semaphore(%arg7 : memref<!tpu.dma_semaphore, #tpu.memory_space<semaphore_mem>>)
      %dma_start3A_2340 = arith.constant 2 : i32
      %dma_start3A_2341 = arith.constant 256 : i32
      %dma_start3A_2342 = arith.constant 0 : i32
      %dma_start3A_2343 = tpu.memref_slice %arg14[%dma_start3A_2341, %dma_start3A_2342] : memref<640x32xf32, #tpu.memory_space<vmem>> -> memref<128x32xf32, #tpu.memory_space<vmem>>
      %dma_start3A_2344 = arith.constant 0 : i32
      %dma_start3A_2345 = tpu.memref_slice %arg9[%dma_start3A_2340, %dma_start3A_2344] : memref<5x128xi32, #tpu.memory_space<vmem>> -> memref<1x128xi32, #tpu.memory_space<vmem>>
      %dma_start3A_2346 = tpu.memref_squeeze %dma_start3A_2345 : memref<1x128xi32, #tpu.memory_space<vmem>> -> memref<128xi32, #tpu.memory_space<vmem>>
      %dma_start3A_2347 = arith.constant 0 : i32
      %dma_start3A_2348 = arith.constant 0 : i32
      %dma_start3A_2349 = tpu.memref_slice %arg4[%dma_start3A_2347, %dma_start3A_2348] : memref<1000000x32xf32, #tpu.memory_space<hbm>> -> memref<1000000x32xf32, #tpu.memory_space<hbm>>
      tpu.enqueue_indirect_dma source(%dma_start3A_2349 : memref<1000000x32xf32, #tpu.memory_space<hbm>>) target(%dma_start3A_2343 : memref<128x32xf32, #tpu.memory_space<vmem>>) offsets(%dma_start3A_2346 : memref<128xi32, #tpu.memory_space<vmem>>) semaphore(%arg7 : memref<!tpu.dma_semaphore, #tpu.memory_space<semaphore_mem>>)
      %dma_start3A_2350 = arith.constant 3 : i32
      %dma_start3A_2351 = arith.constant 384 : i32
      %dma_start3A_2352 = arith.constant 0 : i32
      %dma_start3A_2353 = tpu.memref_slice %arg14[%dma_start3A_2351, %dma_start3A_2352] : memref<640x32xf32, #tpu.memory_space<vmem>> -> memref<128x32xf32, #tpu.memory_space<vmem>>
      %dma_start3A_2354 = arith.constant 0 : i32
      %dma_start3A_2355 = tpu.memref_slice %arg9[%dma_start3A_2350, %dma_start3A_2354] : memref<5x128xi32, #tpu.memory_space<vmem>> -> memref<1x128xi32, #tpu.memory_space<vmem>>
      %dma_start3A_2356 = tpu.memref_squeeze %dma_start3A_2355 : memref<1x128xi32, #tpu.memory_space<vmem>> -> memref<128xi32, #tpu.memory_space<vmem>>
      %dma_start3A_2357 = arith.constant 0 : i32
      %dma_start3A_2358 = arith.constant 0 : i32
      %dma_start3A_2359 = tpu.memref_slice %arg4[%dma_start3A_2357, %dma_start3A_2358] : memref<1000000x32xf32, #tpu.memory_space<hbm>> -> memref<1000000x32xf32, #tpu.memory_space<hbm>>
      tpu.enqueue_indirect_dma source(%dma_start3A_2359 : memref<1000000x32xf32, #tpu.memory_space<hbm>>) target(%dma_start3A_2353 : memref<128x32xf32, #tpu.memory_space<vmem>>) offsets(%dma_start3A_2356 : memref<128xi32, #tpu.memory_space<vmem>>) semaphore(%arg7 : memref<!tpu.dma_semaphore, #tpu.memory_space<semaphore_mem>>)
      %dma_start3A_2360 = arith.constant 4 : i32
      %dma_start3A_2361 = arith.constant 512 : i32
      %dma_start3A_2362 = arith.constant 0 : i32
      %dma_start3A_2363 = tpu.memref_slice %arg14[%dma_start3A_2361, %dma_start3A_2362] : memref<640x32xf32, #tpu.memory_space<vmem>> -> memref<128x32xf32, #tpu.memory_space<vmem>>
      %dma_start3A_2364 = arith.constant 0 : i32
      %dma_start3A_2365 = tpu.memref_slice %arg9[%dma_start3A_2360, %dma_start3A_2364] : memref<5x128xi32, #tpu.memory_space<vmem>> -> memref<1x128xi32, #tpu.memory_space<vmem>>
      %dma_start3A_2366 = tpu.memref_squeeze %dma_start3A_2365 : memref<1x128xi32, #tpu.memory_space<vmem>> -> memref<128xi32, #tpu.memory_space<vmem>>
      %dma_start3A_2367 = arith.constant 0 : i32
      %dma_start3A_2368 = arith.constant 0 : i32
      %dma_start3A_2369 = tpu.memref_slice %arg4[%dma_start3A_2367, %dma_start3A_2368] : memref<1000000x32xf32, #tpu.memory_space<hbm>> -> memref<1000000x32xf32, #tpu.memory_space<hbm>>
      tpu.enqueue_indirect_dma source(%dma_start3A_2369 : memref<1000000x32xf32, #tpu.memory_space<hbm>>) target(%dma_start3A_2363 : memref<128x32xf32, #tpu.memory_space<vmem>>) offsets(%dma_start3A_2366 : memref<128xi32, #tpu.memory_space<vmem>>) semaphore(%arg7 : memref<!tpu.dma_semaphore, #tpu.memory_space<semaphore_mem>>)
      %mul3A_2370 = arith.constant 640 : i32
      %mul3A_2371 = arith.muli %add3A_2256, %mul3A_2370 : i32
      %add3A_2372 = arith.addi %mul3A_2, %mul3A_2371 : i32
      %swap3A_2373 = arith.constant 0 : index
      %swap3A_2374 = tpu.vector_load %arg11[%swap3A_2373] {strides = array<i32>} : memref<640xi32, #tpu.memory_space<vmem>>, vector<16xi32>,
      tpu.vector_store %arg11[%swap3A_2373], %broadcast_in_dim3A_1092 {strides = array<i32>} : memref<640xi32, #tpu.memory_space<vmem>>, vector<16xi32>,
      %swap3A_2375 = arith.constant 16 : index
      %swap3A_2376 = tpu.vector_load %arg11[%swap3A_2375] {strides = array<i32>} : memref<640xi32, #tpu.memory_space<vmem>>, vector<16xi32>,
      tpu.vector_store %arg11[%swap3A_2375], %broadcast_in_dim3A_1092 {strides = array<i32>} : memref<640xi32, #tpu.memory_space<vmem>>, vector<16xi32>,
      %swap3A_2377 = arith.constant 32 : index
      %swap3A_2378 = tpu.vector_load %arg11[%swap3A_2377] {strides = array<i32>} : memref<640xi32, #tpu.memory_space<vmem>>, vector<16xi32>,
      tpu.vector_store %arg11[%swap3A_2377], %broadcast_in_dim3A_1092 {strides = array<i32>} : memref<640xi32, #tpu.memory_space<vmem>>, vector<16xi32>,
      %swap3A_2379 = arith.constant 48 : index
      %swap3A_2380 = tpu.vector_load %arg11[%swap3A_2379] {strides = array<i32>} : memref<640xi32, #tpu.memory_space<vmem>>, vector<16xi32>,
      tpu.vector_store %arg11[%swap3A_2379], %broadcast_in_dim3A_1092 {strides = array<i32>} : memref<640xi32, #tpu.memory_space<vmem>>, vector<16xi32>,
      %swap3A_2381 = arith.constant 64 : index
      %swap3A_2382 = tpu.vector_load %arg11[%swap3A_2381] {strides = array<i32>} : memref<640xi32, #tpu.memory_space<vmem>>, vector<16xi32>,
      tpu.vector_store %arg11[%swap3A_2381], %broadcast_in_dim3A_1092 {strides = array<i32>} : memref<640xi32, #tpu.memory_space<vmem>>, vector<16xi32>,
      %swap3A_2383 = arith.constant 80 : index
      %swap3A_2384 = tpu.vector_load %arg11[%swap3A_2383] {strides = array<i32>} : memref<640xi32, #tpu.memory_space<vmem>>, vector<16xi32>,
      tpu.vector_store %arg11[%swap3A_2383], %broadcast_in_dim3A_1092 {strides = array<i32>} : memref<640xi32, #tpu.memory_space<vmem>>, vector<16xi32>,
      %swap3A_2385 = arith.constant 96 : index
      %swap3A_2386 = tpu.vector_load %arg11[%swap3A_2385] {strides = array<i32>} : memref<640xi32, #tpu.memory_space<vmem>>, vector<16xi32>,
      tpu.vector_store %arg11[%swap3A_2385], %broadcast_in_dim3A_1092 {strides = array<i32>} : memref<640xi32, #tpu.memory_space<vmem>>, vector<16xi32>,
      %swap3A_2387 = arith.constant 112 : index
      %swap3A_2388 = tpu.vector_load %arg11[%swap3A_2387] {strides = array<i32>} : memref<640xi32, #tpu.memory_space<vmem>>, vector<16xi32>,
      tpu.vector_store %arg11[%swap3A_2387], %broadcast_in_dim3A_1092 {strides = array<i32>} : memref<640xi32, #tpu.memory_space<vmem>>, vector<16xi32>,
      %swap3A_2389 = arith.constant 128 : index
      %swap3A_2390 = tpu.vector_load %arg11[%swap3A_2389] {strides = array<i32>} : memref<640xi32, #tpu.memory_space<vmem>>, vector<16xi32>,
      tpu.vector_store %arg11[%swap3A_2389], %broadcast_in_dim3A_1092 {strides = array<i32>} : memref<640xi32, #tpu.memory_space<vmem>>, vector<16xi32>,
      %swap3A_2391 = arith.constant 144 : index
      %swap3A_2392 = tpu.vector_load %arg11[%swap3A_2391] {strides = array<i32>} : memref<640xi32, #tpu.memory_space<vmem>>, vector<16xi32>,
      tpu.vector_store %arg11[%swap3A_2391], %broadcast_in_dim3A_1092 {strides = array<i32>} : memref<640xi32, #tpu.memory_space<vmem>>, vector<16xi32>,
      %swap3A_2393 = arith.constant 160 : index
      %swap3A_2394 = tpu.vector_load %arg11[%swap3A_2393] {strides = array<i32>} : memref<640xi32, #tpu.memory_space<vmem>>, vector<16xi32>,
      tpu.vector_store %arg11[%swap3A_2393], %broadcast_in_dim3A_1092 {strides = array<i32>} : memref<640xi32, #tpu.memory_space<vmem>>, vector<16xi32>,
      %swap3A_2395 = arith.constant 176 : index
      %swap3A_2396 = tpu.vector_load %arg11[%swap3A_2395] {strides = array<i32>} : memref<640xi32, #tpu.memory_space<vmem>>, vector<16xi32>,
      tpu.vector_store %arg11[%swap3A_2395], %broadcast_in_dim3A_1092 {strides = array<i32>} : memref<640xi32, #tpu.memory_space<vmem>>, vector<16xi32>,
      %swap3A_2397 = arith.constant 192 : index
      %swap3A_2398 = tpu.vector_load %arg11[%swap3A_2397] {strides = array<i32>} : memref<640xi32, #tpu.memory_space<vmem>>, vector<16xi32>,
      tpu.vector_store %arg11[%swap3A_2397], %broadcast_in_dim3A_1092 {strides = array<i32>} : memref<640xi32, #tpu.memory_space<vmem>>, vector<16xi32>,
      %swap3A_2399 = arith.constant 208 : index
      %swap3A_2400 = tpu.vector_load %arg11[%swap3A_2399] {strides = array<i32>} : memref<640xi32, #tpu.memory_space<vmem>>, vector<16xi32>,
      tpu.vector_store %arg11[%swap3A_2399], %broadcast_in_dim3A_1092 {strides = array<i32>} : memref<640xi32, #tpu.memory_space<vmem>>, vector<16xi32>,
      %swap3A_2401 = arith.constant 224 : index
      %swap3A_2402 = tpu.vector_load %arg11[%swap3A_2401] {strides = array<i32>} : memref<640xi32, #tpu.memory_space<vmem>>, vector<16xi32>,
      tpu.vector_store %arg11[%swap3A_2401], %broadcast_in_dim3A_1092 {strides = array<i32>} : memref<640xi32, #tpu.memory_space<vmem>>, vector<16xi32>,
      %swap3A_2403 = arith.constant 240 : index
      %swap3A_2404 = tpu.vector_load %arg11[%swap3A_2403] {strides = array<i32>} : memref<640xi32, #tpu.memory_space<vmem>>, vector<16xi32>,
      tpu.vector_store %arg11[%swap3A_2403], %broadcast_in_dim3A_1092 {strides = array<i32>} : memref<640xi32, #tpu.memory_space<vmem>>, vector<16xi32>,
      %swap3A_2405 = arith.constant 256 : index
      %swap3A_2406 = tpu.vector_load %arg11[%swap3A_2405] {strides = array<i32>} : memref<640xi32, #tpu.memory_space<vmem>>, vector<16xi32>,
      tpu.vector_store %arg11[%swap3A_2405], %broadcast_in_dim3A_1092 {strides = array<i32>} : memref<640xi32, #tpu.memory_space<vmem>>, vector<16xi32>,
      %swap3A_2407 = arith.constant 272 : index
      %swap3A_2408 = tpu.vector_load %arg11[%swap3A_2407] {strides = array<i32>} : memref<640xi32, #tpu.memory_space<vmem>>, vector<16xi32>,
      tpu.vector_store %arg11[%swap3A_2407], %broadcast_in_dim3A_1092 {strides = array<i32>} : memref<640xi32, #tpu.memory_space<vmem>>, vector<16xi32>,
      %swap3A_2409 = arith.constant 288 : index
      %swap3A_2410 = tpu.vector_load %arg11[%swap3A_2409] {strides = array<i32>} : memref<640xi32, #tpu.memory_space<vmem>>, vector<16xi32>,
      tpu.vector_store %arg11[%swap3A_2409], %broadcast_in_dim3A_1092 {strides = array<i32>} : memref<640xi32, #tpu.memory_space<vmem>>, vector<16xi32>,
      %swap3A_2411 = arith.constant 304 : index
      %swap3A_2412 = tpu.vector_load %arg11[%swap3A_2411] {strides = array<i32>} : memref<640xi32, #tpu.memory_space<vmem>>, vector<16xi32>,
      tpu.vector_store %arg11[%swap3A_2411], %broadcast_in_dim3A_1092 {strides = array<i32>} : memref<640xi32, #tpu.memory_space<vmem>>, vector<16xi32>,
      %swap3A_2413 = arith.constant 320 : index
      %swap3A_2414 = tpu.vector_load %arg11[%swap3A_2413] {strides = array<i32>} : memref<640xi32, #tpu.memory_space<vmem>>, vector<16xi32>,
      tpu.vector_store %arg11[%swap3A_2413], %broadcast_in_dim3A_1092 {strides = array<i32>} : memref<640xi32, #tpu.memory_space<vmem>>, vector<16xi32>,
      %swap3A_2415 = arith.constant 336 : index
      %swap3A_2416 = tpu.vector_load %arg11[%swap3A_2415] {strides = array<i32>} : memref<640xi32, #tpu.memory_space<vmem>>, vector<16xi32>,
      tpu.vector_store %arg11[%swap3A_2415], %broadcast_in_dim3A_1092 {strides = array<i32>} : memref<640xi32, #tpu.memory_space<vmem>>, vector<16xi32>,
      %swap3A_2417 = arith.constant 352 : index
      %swap3A_2418 = tpu.vector_load %arg11[%swap3A_2417] {strides = array<i32>} : memref<640xi32, #tpu.memory_space<vmem>>, vector<16xi32>,
      tpu.vector_store %arg11[%swap3A_2417], %broadcast_in_dim3A_1092 {strides = array<i32>} : memref<640xi32, #tpu.memory_space<vmem>>, vector<16xi32>,
      %swap3A_2419 = arith.constant 368 : index
      %swap3A_2420 = tpu.vector_load %arg11[%swap3A_2419] {strides = array<i32>} : memref<640xi32, #tpu.memory_space<vmem>>, vector<16xi32>,
      tpu.vector_store %arg11[%swap3A_2419], %broadcast_in_dim3A_1092 {strides = array<i32>} : memref<640xi32, #tpu.memory_space<vmem>>, vector<16xi32>,
      %swap3A_2421 = arith.constant 384 : index
      %swap3A_2422 = tpu.vector_load %arg11[%swap3A_2421] {strides = array<i32>} : memref<640xi32, #tpu.memory_space<vmem>>, vector<16xi32>,
      tpu.vector_store %arg11[%swap3A_2421], %broadcast_in_dim3A_1092 {strides = array<i32>} : memref<640xi32, #tpu.memory_space<vmem>>, vector<16xi32>,
      %swap3A_2423 = arith.constant 400 : index
      %swap3A_2424 = tpu.vector_load %arg11[%swap3A_2423] {strides = array<i32>} : memref<640xi32, #tpu.memory_space<vmem>>, vector<16xi32>,
      tpu.vector_store %arg11[%swap3A_2423], %broadcast_in_dim3A_1092 {strides = array<i32>} : memref<640xi32, #tpu.memory_space<vmem>>, vector<16xi32>,
      %swap3A_2425 = arith.constant 416 : index
      %swap3A_2426 = tpu.vector_load %arg11[%swap3A_2425] {strides = array<i32>} : memref<640xi32, #tpu.memory_space<vmem>>, vector<16xi32>,
      tpu.vector_store %arg11[%swap3A_2425], %broadcast_in_dim3A_1092 {strides = array<i32>} : memref<640xi32, #tpu.memory_space<vmem>>, vector<16xi32>,
      %swap3A_2427 = arith.constant 432 : index
      %swap3A_2428 = tpu.vector_load %arg11[%swap3A_2427] {strides = array<i32>} : memref<640xi32, #tpu.memory_space<vmem>>, vector<16xi32>,
      tpu.vector_store %arg11[%swap3A_2427], %broadcast_in_dim3A_1092 {strides = array<i32>} : memref<640xi32, #tpu.memory_space<vmem>>, vector<16xi32>,
      %swap3A_2429 = arith.constant 448 : index
      %swap3A_2430 = tpu.vector_load %arg11[%swap3A_2429] {strides = array<i32>} : memref<640xi32, #tpu.memory_space<vmem>>, vector<16xi32>,
      tpu.vector_store %arg11[%swap3A_2429], %broadcast_in_dim3A_1092 {strides = array<i32>} : memref<640xi32, #tpu.memory_space<vmem>>, vector<16xi32>,
      %swap3A_2431 = arith.constant 464 : index
      %swap3A_2432 = tpu.vector_load %arg11[%swap3A_2431] {strides = array<i32>} : memref<640xi32, #tpu.memory_space<vmem>>, vector<16xi32>,
      tpu.vector_store %arg11[%swap3A_2431], %broadcast_in_dim3A_1092 {strides = array<i32>} : memref<640xi32, #tpu.memory_space<vmem>>, vector<16xi32>,
      %swap3A_2433 = arith.constant 480 : index
      %swap3A_2434 = tpu.vector_load %arg11[%swap3A_2433] {strides = array<i32>} : memref<640xi32, #tpu.memory_space<vmem>>, vector<16xi32>,
      tpu.vector_store %arg11[%swap3A_2433], %broadcast_in_dim3A_1092 {strides = array<i32>} : memref<640xi32, #tpu.memory_space<vmem>>, vector<16xi32>,
      %swap3A_2435 = arith.constant 496 : index
      %swap3A_2436 = tpu.vector_load %arg11[%swap3A_2435] {strides = array<i32>} : memref<640xi32, #tpu.memory_space<vmem>>, vector<16xi32>,
      tpu.vector_store %arg11[%swap3A_2435], %broadcast_in_dim3A_1092 {strides = array<i32>} : memref<640xi32, #tpu.memory_space<vmem>>, vector<16xi32>,
      %swap3A_2437 = arith.constant 512 : index
      %swap3A_2438 = tpu.vector_load %arg11[%swap3A_2437] {strides = array<i32>} : memref<640xi32, #tpu.memory_space<vmem>>, vector<16xi32>,
      tpu.vector_store %arg11[%swap3A_2437], %broadcast_in_dim3A_1092 {strides = array<i32>} : memref<640xi32, #tpu.memory_space<vmem>>, vector<16xi32>,
      %swap3A_2439 = arith.constant 528 : index
      %swap3A_2440 = tpu.vector_load %arg11[%swap3A_2439] {strides = array<i32>} : memref<640xi32, #tpu.memory_space<vmem>>, vector<16xi32>,
      tpu.vector_store %arg11[%swap3A_2439], %broadcast_in_dim3A_1092 {strides = array<i32>} : memref<640xi32, #tpu.memory_space<vmem>>, vector<16xi32>,
      %swap3A_2441 = arith.constant 544 : index
      %swap3A_2442 = tpu.vector_load %arg11[%swap3A_2441] {strides = array<i32>} : memref<640xi32, #tpu.memory_space<vmem>>, vector<16xi32>,
      tpu.vector_store %arg11[%swap3A_2441], %broadcast_in_dim3A_1092 {strides = array<i32>} : memref<640xi32, #tpu.memory_space<vmem>>, vector<16xi32>,
      %swap3A_2443 = arith.constant 560 : index
      %swap3A_2444 = tpu.vector_load %arg11[%swap3A_2443] {strides = array<i32>} : memref<640xi32, #tpu.memory_space<vmem>>, vector<16xi32>,
      tpu.vector_store %arg11[%swap3A_2443], %broadcast_in_dim3A_1092 {strides = array<i32>} : memref<640xi32, #tpu.memory_space<vmem>>, vector<16xi32>,
      %swap3A_2445 = arith.constant 576 : index
      %swap3A_2446 = tpu.vector_load %arg11[%swap3A_2445] {strides = array<i32>} : memref<640xi32, #tpu.memory_space<vmem>>, vector<16xi32>,
      tpu.vector_store %arg11[%swap3A_2445], %broadcast_in_dim3A_1092 {strides = array<i32>} : memref<640xi32, #tpu.memory_space<vmem>>, vector<16xi32>,
      %swap3A_2447 = arith.constant 592 : index
      %swap3A_2448 = tpu.vector_load %arg11[%swap3A_2447] {strides = array<i32>} : memref<640xi32, #tpu.memory_space<vmem>>, vector<16xi32>,
      tpu.vector_store %arg11[%swap3A_2447], %broadcast_in_dim3A_1092 {strides = array<i32>} : memref<640xi32, #tpu.memory_space<vmem>>, vector<16xi32>,
      %swap3A_2449 = arith.constant 608 : index
      %swap3A_2450 = tpu.vector_load %arg11[%swap3A_2449] {strides = array<i32>} : memref<640xi32, #tpu.memory_space<vmem>>, vector<16xi32>,
      tpu.vector_store %arg11[%swap3A_2449], %broadcast_in_dim3A_1092 {strides = array<i32>} : memref<640xi32, #tpu.memory_space<vmem>>, vector<16xi32>,
      %swap3A_2451 = arith.constant 624 : index
      %swap3A_2452 = tpu.vector_load %arg11[%swap3A_2451] {strides = array<i32>} : memref<640xi32, #tpu.memory_space<vmem>>, vector<16xi32>,
      tpu.vector_store %arg11[%swap3A_2451], %broadcast_in_dim3A_1092 {strides = array<i32>} : memref<640xi32, #tpu.memory_space<vmem>>, vector<16xi32>,
      %add3A_2453 = arith.constant 640 : i32
      %add3A_2454 = arith.addi %add3A_2372, %add3A_2453 : i32
      %scan3A_2455 = arith.constant 0 : i32
      %scan3A_2456 = arith.constant 16384 : i32
      %scan3A_2457 = arith.constant 0 : i32
      %scan3A_2458 = arith.constant 15 : i32
      %scan3A_2459 = arith.addi %scan3A_2457, %scan3A_2458 : i32
      %scan3A_2460 = arith.constant 1 : i32
      %scan3A_2461:2 = scf.for %scan3A_3344 = %scan3A_2457 to %scan3A_2459 step %scan3A_2460 iter_args(%scan3A_3345 = %scan3A_2455, %scan3A_3346 = %scan3A_2456) -> (i32, i32)  : i32 {
        %add3A_3347 = arith.addi %scan3A_3345, %scan3A_3346 : i32
        %jit3A_3348 = arith.constant 2 : i32
        %div3A_3349 = arith.divsi %add3A_3347, %jit3A_3348 : i32
        %sign3A_3350 = arith.constant 0 : i32
        %sign3A_3351 = arith.cmpi sgt, %add3A_3347, %sign3A_3350 : i32
        %sign3A_3352 = arith.extui %sign3A_3351 : i1 to i32
        %sign3A_3353 = arith.constant 0 : i32
        %sign3A_3354 = arith.cmpi slt, %add3A_3347, %sign3A_3353 : i32
        %sign3A_3355 = arith.extui %sign3A_3354 : i1 to i32
        %sign3A_3356 = arith.subi %sign3A_3352, %sign3A_3355 : i32
        %sign3A_3357 = arith.constant 0 : i32
        %sign3A_3358 = arith.cmpi sgt, %jit3A_3348, %sign3A_3357 : i32
        %sign3A_3359 = arith.extui %sign3A_3358 : i1 to i32
        %sign3A_3360 = arith.constant 0 : i32
        %sign3A_3361 = arith.cmpi slt, %jit3A_3348, %sign3A_3360 : i32
        %sign3A_3362 = arith.extui %sign3A_3361 : i1 to i32
        %sign3A_3363 = arith.subi %sign3A_3359, %sign3A_3362 : i32
        %ne3A_3364 = arith.cmpi ne, %sign3A_3356, %sign3A_3363 : i32
        %rem3A_3365 = arith.remsi %add3A_3347, %jit3A_3348 : i32
        %ne3A_3366 = arith.constant 0 : i32
        %ne3A_3367 = arith.cmpi ne, %rem3A_3365, %ne3A_3366 : i32
        %and3A_3368 = arith.andi %ne3A_3364, %ne3A_3367 : i1
        %sub3A_3369 = arith.constant 1 : i32
        %sub3A_3370 = arith.subi %div3A_3349, %sub3A_3369 : i32
        %select_n3A_3371 = arith.select %and3A_3368, %sub3A_3370, %div3A_3349 : i32
        %get3A_3372 = arith.index_cast %select_n3A_3371 : i32 to index
        %get3A_3373 = tpu.vector_load %arg12[%get3A_3372] {strides = array<i32>} : memref<16416xi32, #tpu.memory_space<vmem>>, vector<16xi32>,
        %slice3A_3374 = vector.extract_strided_slice %get3A_3373 {offsets = [0], sizes = [1], strides = [1]} : vector<16xi32> to vector<1xi32>
        %squeeze3A_3375 = vector.extract %slice3A_3374[0] : i32 from vector<1xi32>
        %ge3A_3376 = arith.cmpi sge, %squeeze3A_3375, %add3A_2454 : i32
        %add3A_3377 = arith.constant 1 : i32
        %add3A_3378 = arith.addi %select_n3A_3371, %add3A_3377 : i32
        %select_n3A_3379 = arith.select %ge3A_3376, %scan3A_3345, %add3A_3378 : i32
        %select_n3A_3380 = arith.select %ge3A_3376, %select_n3A_3371, %scan3A_3346 : i32
        scf.yield %select_n3A_3379, %select_n3A_3380 : i32, i32
      }
      %scan3A_2462 = arith.constant 15 : i32
      %jit3A_2463 = arith.constant 16 : i32
      %div3A_2464 = arith.divsi %scan3A_1383#0, %jit3A_2463 : i32
      %sign3A_2465 = arith.constant 0 : i32
      %sign3A_2466 = arith.cmpi sgt, %scan3A_1383#0, %sign3A_2465 : i32
      %sign3A_2467 = arith.extui %sign3A_2466 : i1 to i32
      %sign3A_2468 = arith.constant 0 : i32
      %sign3A_2469 = arith.cmpi slt, %scan3A_1383#0, %sign3A_2468 : i32
      %sign3A_2470 = arith.extui %sign3A_2469 : i1 to i32
      %sign3A_2471 = arith.subi %sign3A_2467, %sign3A_2470 : i32
      %sign3A_2472 = arith.constant 0 : i32
      %sign3A_2473 = arith.cmpi sgt, %jit3A_2463, %sign3A_2472 : i32
      %sign3A_2474 = arith.extui %sign3A_2473 : i1 to i32
      %sign3A_2475 = arith.constant 0 : i32
      %sign3A_2476 = arith.cmpi slt, %jit3A_2463, %sign3A_2475 : i32
      %sign3A_2477 = arith.extui %sign3A_2476 : i1 to i32
      %sign3A_2478 = arith.subi %sign3A_2474, %sign3A_2477 : i32
      %ne3A_2479 = arith.cmpi ne, %sign3A_2471, %sign3A_2478 : i32
      %rem3A_2480 = arith.remsi %scan3A_1383#0, %jit3A_2463 : i32
      %ne3A_2481 = arith.constant 0 : i32
      %ne3A_2482 = arith.cmpi ne, %rem3A_2480, %ne3A_2481 : i32
      %and3A_2483 = arith.andi %ne3A_2479, %ne3A_2482 : i1
      %sub3A_2484 = arith.constant 1 : i32
      %sub3A_2485 = arith.subi %div3A_2464, %sub3A_2484 : i32
      %select_n3A_2486 = arith.select %and3A_2483, %sub3A_2485, %div3A_2464 : i32
      %mul3A_2487 = arith.constant 16 : i32
      %mul3A_2488 = arith.muli %select_n3A_2486, %mul3A_2487 : i32
      %gt3A_2489 = arith.cmpi sgt, %scan3A_2461#0, %scan3A_1383#0 : i32
      %sub3A_2490 = arith.constant 1 : i32
      %sub3A_2491 = arith.subi %scan3A_2461#0, %sub3A_2490 : i32
      %jit3A_2492 = arith.constant 16 : i32
      %div3A_2493 = arith.divsi %sub3A_2491, %jit3A_2492 : i32
      %sign3A_2494 = arith.constant 0 : i32
      %sign3A_2495 = arith.cmpi sgt, %sub3A_2491, %sign3A_2494 : i32
      %sign3A_2496 = arith.extui %sign3A_2495 : i1 to i32
      %sign3A_2497 = arith.constant 0 : i32
      %sign3A_2498 = arith.cmpi slt, %sub3A_2491, %sign3A_2497 : i32
      %sign3A_2499 = arith.extui %sign3A_2498 : i1 to i32
      %sign3A_2500 = arith.subi %sign3A_2496, %sign3A_2499 : i32
      %sign3A_2501 = arith.constant 0 : i32
      %sign3A_2502 = arith.cmpi sgt, %jit3A_2492, %sign3A_2501 : i32
      %sign3A_2503 = arith.extui %sign3A_2502 : i1 to i32
      %sign3A_2504 = arith.constant 0 : i32
      %sign3A_2505 = arith.cmpi slt, %jit3A_2492, %sign3A_2504 : i32
      %sign3A_2506 = arith.extui %sign3A_2505 : i1 to i32
      %sign3A_2507 = arith.subi %sign3A_2503, %sign3A_2506 : i32
      %ne3A_2508 = arith.cmpi ne, %sign3A_2500, %sign3A_2507 : i32
      %rem3A_2509 = arith.remsi %sub3A_2491, %jit3A_2492 : i32
      %ne3A_2510 = arith.constant 0 : i32
      %ne3A_2511 = arith.cmpi ne, %rem3A_2509, %ne3A_2510 : i32
      %and3A_2512 = arith.andi %ne3A_2508, %ne3A_2511 : i1
      %sub3A_2513 = arith.constant 1 : i32
      %sub3A_2514 = arith.subi %div3A_2493, %sub3A_2513 : i32
      %select_n3A_2515 = arith.select %and3A_2512, %sub3A_2514, %div3A_2493 : i32
      %jit3A_2516 = arith.constant 16 : i32
      %div3A_2517 = arith.divsi %scan3A_1383#0, %jit3A_2516 : i32
      %sign3A_2518 = arith.constant 0 : i32
      %sign3A_2519 = arith.cmpi sgt, %scan3A_1383#0, %sign3A_2518 : i32
      %sign3A_2520 = arith.extui %sign3A_2519 : i1 to i32
      %sign3A_2521 = arith.constant 0 : i32
      %sign3A_2522 = arith.cmpi slt, %scan3A_1383#0, %sign3A_2521 : i32
      %sign3A_2523 = arith.extui %sign3A_2522 : i1 to i32
      %sign3A_2524 = arith.subi %sign3A_2520, %sign3A_2523 : i32
      %sign3A_2525 = arith.constant 0 : i32
      %sign3A_2526 = arith.cmpi sgt, %jit3A_2516, %sign3A_2525 : i32
      %sign3A_2527 = arith.extui %sign3A_2526 : i1 to i32
      %sign3A_2528 = arith.constant 0 : i32
      %sign3A_2529 = arith.cmpi slt, %jit3A_2516, %sign3A_2528 : i32
      %sign3A_2530 = arith.extui %sign3A_2529 : i1 to i32
      %sign3A_2531 = arith.subi %sign3A_2527, %sign3A_2530 : i32
      %ne3A_2532 = arith.cmpi ne, %sign3A_2524, %sign3A_2531 : i32
      %rem3A_2533 = arith.remsi %scan3A_1383#0, %jit3A_2516 : i32
      %ne3A_2534 = arith.constant 0 : i32
      %ne3A_2535 = arith.cmpi ne, %rem3A_2533, %ne3A_2534 : i32
      %and3A_2536 = arith.andi %ne3A_2532, %ne3A_2535 : i1
      %sub3A_2537 = arith.constant 1 : i32
      %sub3A_2538 = arith.subi %div3A_2517, %sub3A_2537 : i32
      %select_n3A_2539 = arith.select %and3A_2536, %sub3A_2538, %div3A_2517 : i32
      %sub3A_2540 = arith.subi %select_n3A_2515, %select_n3A_2539 : i32
      %add3A_2541 = arith.constant 1 : i32
      %add3A_2542 = arith.addi %sub3A_2540, %add3A_2541 : i32
      %jit3A_2543 = arith.constant 0 : i32
      %select_n3A_2544 = arith.select %gt3A_2489, %add3A_2542, %jit3A_2543 : i32
      %while3A_2545 = arith.constant 0 : i32
      %while3A_2546 = arith.constant 0 : i32
      %while3A_2547 = arith.subi %select_n3A_2544, %while3A_2545 : i32
      %while3A_2548 = arith.addi %while3A_2545, %while3A_2547 : i32
      %while3A_2549 = arith.constant 1 : i32
      %while3A_2550 = arith.divsi %while3A_2547, %while3A_2549 : i32
      %while3A_2551 = arith.muli %while3A_2550, %while3A_2549 : i32
      %while3A_2552 = arith.addi %while3A_2545, %while3A_2551 : i32
      %while3A_2553 = arith.constant 1 : i32
      %while3A_2554 = scf.for %while3A_3344 = %while3A_2545 to %while3A_2552 step %while3A_2553 iter_args(%while3A_3345 = %while3A_2546) -> (i32)  : i32 {
        %mul3A_3346 = arith.constant 16 : i32
        %mul3A_3347 = arith.muli %while3A_3344, %mul3A_3346 : i32
        %add3A_3348 = arith.addi %mul3A_2488, %mul3A_3347 : i32
        %get3A_3349 = arith.index_cast %add3A_3348 : i32 to index
        %get3A_3350 = tpu.vector_load %arg12[%get3A_3349] {strides = array<i32>} : memref<16416xi32, #tpu.memory_space<vmem>>, vector<16xi32>,
        %add3A_3351 = arith.constant 1 : i32
        %add3A_3352 = arith.addi %add3A_3348, %add3A_3351 : i32
        %get3A_3353 = arith.index_cast %add3A_3352 : i32 to index
        %get3A_3354 = tpu.vector_load %arg12[%get3A_3353] {strides = array<i32>} : memref<16416xi32, #tpu.memory_space<vmem>>, vector<16xi32>,
        %ge3A_3355 = vector.broadcast %add3A_2372 : i32 to vector<16xi32>
        %ge3A_3356 = arith.cmpi sge, %get3A_3350, %ge3A_3355 : vector<16xi32>
        %add3A_3357 = arith.constant 640 : i32
        %add3A_3358 = arith.addi %add3A_2372, %add3A_3357 : i32
        %lt3A_3359 = vector.broadcast %add3A_3358 : i32 to vector<16xi32>
        %lt3A_3360 = arith.cmpi slt, %get3A_3350, %lt3A_3359 : vector<16xi32>
        %and3A_3361 = arith.andi %ge3A_3356, %lt3A_3360 : vector<16xi1>
        %ne3A_3362 = arith.cmpi ne, %get3A_3350, %get3A_3354 : vector<16xi32>
        %add3A_3363 = vector.broadcast %add3A_3348 : i32 to vector<16xi32>
        %add3A_3364 = arith.addi %add3A_3363, %iota3A_1090 : vector<16xi32>
        %sub3A_3365 = vector.broadcast %add3A_2372 : i32 to vector<16xi32>
        %sub3A_3366 = arith.subi %get3A_3350, %sub3A_3365 : vector<16xi32>
        %and3A_3367 = arith.andi %ne3A_3362, %and3A_3361 : vector<16xi1>
        tpu.vector_store_idx %arg11[%sub3A_3366], %add3A_3364 masked %and3A_3367 : memref<640xi32, #tpu.memory_space<vmem>>[vector<16xi32>], vector<16xi32>, vector<16xi1>
        %while3A_3368 = arith.constant 0 : i32
        scf.yield %while3A_3368 : i32
      }
      %while3A_2555 = arith.constant 1 : i32
      %while3A_2556 = scf.for %while3A_3344 = %while3A_2552 to %while3A_2548 step %while3A_2555 iter_args(%while3A_3345 = %while3A_2554) -> (i32)  : i32 {
        %mul3A_3346 = arith.constant 16 : i32
        %mul3A_3347 = arith.muli %while3A_3344, %mul3A_3346 : i32
        %add3A_3348 = arith.addi %mul3A_2488, %mul3A_3347 : i32
        %get3A_3349 = arith.index_cast %add3A_3348 : i32 to index
        %get3A_3350 = tpu.vector_load %arg12[%get3A_3349] {strides = array<i32>} : memref<16416xi32, #tpu.memory_space<vmem>>, vector<16xi32>,
        %add3A_3351 = arith.constant 1 : i32
        %add3A_3352 = arith.addi %add3A_3348, %add3A_3351 : i32
        %get3A_3353 = arith.index_cast %add3A_3352 : i32 to index
        %get3A_3354 = tpu.vector_load %arg12[%get3A_3353] {strides = array<i32>} : memref<16416xi32, #tpu.memory_space<vmem>>, vector<16xi32>,
        %ge3A_3355 = vector.broadcast %add3A_2372 : i32 to vector<16xi32>
        %ge3A_3356 = arith.cmpi sge, %get3A_3350, %ge3A_3355 : vector<16xi32>
        %add3A_3357 = arith.constant 640 : i32
        %add3A_3358 = arith.addi %add3A_2372, %add3A_3357 : i32
        %lt3A_3359 = vector.broadcast %add3A_3358 : i32 to vector<16xi32>
        %lt3A_3360 = arith.cmpi slt, %get3A_3350, %lt3A_3359 : vector<16xi32>
        %and3A_3361 = arith.andi %ge3A_3356, %lt3A_3360 : vector<16xi1>
        %ne3A_3362 = arith.cmpi ne, %get3A_3350, %get3A_3354 : vector<16xi32>
        %add3A_3363 = vector.broadcast %add3A_3348 : i32 to vector<16xi32>
        %add3A_3364 = arith.addi %add3A_3363, %iota3A_1090 : vector<16xi32>
        %sub3A_3365 = vector.broadcast %add3A_2372 : i32 to vector<16xi32>
        %sub3A_3366 = arith.subi %get3A_3350, %sub3A_3365 : vector<16xi32>
        %and3A_3367 = arith.andi %ne3A_3362, %and3A_3361 : vector<16xi1>
        tpu.vector_store_idx %arg11[%sub3A_3366], %add3A_3364 masked %and3A_3367 : memref<640xi32, #tpu.memory_space<vmem>>[vector<16xi32>], vector<16xi32>, vector<16xi1>
        %while3A_3368 = arith.constant 0 : i32
        scf.yield %while3A_3368 : i32
      }
      %get3A_2557 = arith.constant 0 : index
      %get3A_2558 = tpu.vector_load %arg11[%get3A_2557] {strides = array<i32>} : memref<640xi32, #tpu.memory_space<vmem>>, vector<16xi32>,
      %broadcast_in_dim3A_2559 = arith.constant true
      %broadcast_in_dim3A_2560 = vector.broadcast %broadcast_in_dim3A_2559 : i1 to vector<16xi1>
      %masked_cummax3A_2561 = arith.constant -2147483648 : i32
      %masked_cummax3A_2562 = vector.broadcast %masked_cummax3A_2561 : i32 to vector<16xi32>
      %masked_cummax3A_2563 = arith.xori %get3A_2558, %masked_cummax3A_2562 : vector<16xi32>
      %masked_cummax3A_2564 = tpu.scan <max>, %masked_cummax3A_2563 masked %broadcast_in_dim3A_2560 : vector<16xi32>, vector<16xi1> -> vector<16xi32>
      %masked_cummax3A_2565 = arith.xori %masked_cummax3A_2564, %masked_cummax3A_2562 : vector<16xi32>
      %max3A_2566 = vector.broadcast %squeeze3A_2147 : i32 to vector<16xi32>
      %max3A_2567 = arith.maxsi %masked_cummax3A_2565, %max3A_2566 : vector<16xi32>
      %swap3A_2568 = arith.constant 0 : i32
      %swap3A_2569 = arith.index_cast %swap3A_2568 : i32 to index
      %swap3A_2570 = arith.constant 0 : index
      %swap3A_2571 = tpu.vector_load %arg16[%swap3A_2569, %swap3A_2570] {strides = array<i32>} : memref<5x128xi32, #tpu.memory_space<vmem>>, vector<16xi32>,
      tpu.vector_store %arg16[%swap3A_2569, %swap3A_2570], %max3A_2567 {strides = array<i32>} : memref<5x128xi32, #tpu.memory_space<vmem>>, vector<16xi32>,
      %slice3A_2572 = vector.extract_strided_slice %max3A_2567 {offsets = [15], sizes = [1], strides = [1]} : vector<16xi32> to vector<1xi32>
      %squeeze3A_2573 = vector.extract %slice3A_2572[0] : i32 from vector<1xi32>
      %get3A_2574 = arith.constant 16 : index
      %get3A_2575 = tpu.vector_load %arg11[%get3A_2574] {strides = array<i32>} : memref<640xi32, #tpu.memory_space<vmem>>, vector<16xi32>,
      %broadcast_in_dim3A_2576 = arith.constant true
      %broadcast_in_dim3A_2577 = vector.broadcast %broadcast_in_dim3A_2576 : i1 to vector<16xi1>
      %masked_cummax3A_2578 = arith.constant -2147483648 : i32
      %masked_cummax3A_2579 = vector.broadcast %masked_cummax3A_2578 : i32 to vector<16xi32>
      %masked_cummax3A_2580 = arith.xori %get3A_2575, %masked_cummax3A_2579 : vector<16xi32>
      %masked_cummax3A_2581 = tpu.scan <max>, %masked_cummax3A_2580 masked %broadcast_in_dim3A_2577 : vector<16xi32>, vector<16xi1> -> vector<16xi32>
      %masked_cummax3A_2582 = arith.xori %masked_cummax3A_2581, %masked_cummax3A_2579 : vector<16xi32>
      %max3A_2583 = vector.broadcast %squeeze3A_2573 : i32 to vector<16xi32>
      %max3A_2584 = arith.maxsi %masked_cummax3A_2582, %max3A_2583 : vector<16xi32>
      %swap3A_2585 = arith.constant 0 : i32
      %swap3A_2586 = arith.index_cast %swap3A_2585 : i32 to index
      %swap3A_2587 = arith.constant 16 : index
      %swap3A_2588 = tpu.vector_load %arg16[%swap3A_2586, %swap3A_2587] {strides = array<i32>} : memref<5x128xi32, #tpu.memory_space<vmem>>, vector<16xi32>,
      tpu.vector_store %arg16[%swap3A_2586, %swap3A_2587], %max3A_2584 {strides = array<i32>} : memref<5x128xi32, #tpu.memory_space<vmem>>, vector<16xi32>,
      %slice3A_2589 = vector.extract_strided_slice %max3A_2584 {offsets = [15], sizes = [1], strides = [1]} : vector<16xi32> to vector<1xi32>
      %squeeze3A_2590 = vector.extract %slice3A_2589[0] : i32 from vector<1xi32>
      %get3A_2591 = arith.constant 32 : index
      %get3A_2592 = tpu.vector_load %arg11[%get3A_2591] {strides = array<i32>} : memref<640xi32, #tpu.memory_space<vmem>>, vector<16xi32>,
      %broadcast_in_dim3A_2593 = arith.constant true
      %broadcast_in_dim3A_2594 = vector.broadcast %broadcast_in_dim3A_2593 : i1 to vector<16xi1>
      %masked_cummax3A_2595 = arith.constant -2147483648 : i32
      %masked_cummax3A_2596 = vector.broadcast %masked_cummax3A_2595 : i32 to vector<16xi32>
      %masked_cummax3A_2597 = arith.xori %get3A_2592, %masked_cummax3A_2596 : vector<16xi32>
      %masked_cummax3A_2598 = tpu.scan <max>, %masked_cummax3A_2597 masked %broadcast_in_dim3A_2594 : vector<16xi32>, vector<16xi1> -> vector<16xi32>
      %masked_cummax3A_2599 = arith.xori %masked_cummax3A_2598, %masked_cummax3A_2596 : vector<16xi32>
      %max3A_2600 = vector.broadcast %squeeze3A_2590 : i32 to vector<16xi32>
      %max3A_2601 = arith.maxsi %masked_cummax3A_2599, %max3A_2600 : vector<16xi32>
      %swap3A_2602 = arith.constant 0 : i32
      %swap3A_2603 = arith.index_cast %swap3A_2602 : i32 to index
      %swap3A_2604 = arith.constant 32 : index
      %swap3A_2605 = tpu.vector_load %arg16[%swap3A_2603, %swap3A_2604] {strides = array<i32>} : memref<5x128xi32, #tpu.memory_space<vmem>>, vector<16xi32>,
      tpu.vector_store %arg16[%swap3A_2603, %swap3A_2604], %max3A_2601 {strides = array<i32>} : memref<5x128xi32, #tpu.memory_space<vmem>>, vector<16xi32>,
      %slice3A_2606 = vector.extract_strided_slice %max3A_2601 {offsets = [15], sizes = [1], strides = [1]} : vector<16xi32> to vector<1xi32>
      %squeeze3A_2607 = vector.extract %slice3A_2606[0] : i32 from vector<1xi32>
      %get3A_2608 = arith.constant 48 : index
      %get3A_2609 = tpu.vector_load %arg11[%get3A_2608] {strides = array<i32>} : memref<640xi32, #tpu.memory_space<vmem>>, vector<16xi32>,
      %broadcast_in_dim3A_2610 = arith.constant true
      %broadcast_in_dim3A_2611 = vector.broadcast %broadcast_in_dim3A_2610 : i1 to vector<16xi1>
      %masked_cummax3A_2612 = arith.constant -2147483648 : i32
      %masked_cummax3A_2613 = vector.broadcast %masked_cummax3A_2612 : i32 to vector<16xi32>
      %masked_cummax3A_2614 = arith.xori %get3A_2609, %masked_cummax3A_2613 : vector<16xi32>
      %masked_cummax3A_2615 = tpu.scan <max>, %masked_cummax3A_2614 masked %broadcast_in_dim3A_2611 : vector<16xi32>, vector<16xi1> -> vector<16xi32>
      %masked_cummax3A_2616 = arith.xori %masked_cummax3A_2615, %masked_cummax3A_2613 : vector<16xi32>
      %max3A_2617 = vector.broadcast %squeeze3A_2607 : i32 to vector<16xi32>
      %max3A_2618 = arith.maxsi %masked_cummax3A_2616, %max3A_2617 : vector<16xi32>
      %swap3A_2619 = arith.constant 0 : i32
      %swap3A_2620 = arith.index_cast %swap3A_2619 : i32 to index
      %swap3A_2621 = arith.constant 48 : index
      %swap3A_2622 = tpu.vector_load %arg16[%swap3A_2620, %swap3A_2621] {strides = array<i32>} : memref<5x128xi32, #tpu.memory_space<vmem>>, vector<16xi32>,
      tpu.vector_store %arg16[%swap3A_2620, %swap3A_2621], %max3A_2618 {strides = array<i32>} : memref<5x128xi32, #tpu.memory_space<vmem>>, vector<16xi32>,
      %slice3A_2623 = vector.extract_strided_slice %max3A_2618 {offsets = [15], sizes = [1], strides = [1]} : vector<16xi32> to vector<1xi32>
      %squeeze3A_2624 = vector.extract %slice3A_2623[0] : i32 from vector<1xi32>
      %get3A_2625 = arith.constant 64 : index
      %get3A_2626 = tpu.vector_load %arg11[%get3A_2625] {strides = array<i32>} : memref<640xi32, #tpu.memory_space<vmem>>, vector<16xi32>,
      %broadcast_in_dim3A_2627 = arith.constant true
      %broadcast_in_dim3A_2628 = vector.broadcast %broadcast_in_dim3A_2627 : i1 to vector<16xi1>
      %masked_cummax3A_2629 = arith.constant -2147483648 : i32
      %masked_cummax3A_2630 = vector.broadcast %masked_cummax3A_2629 : i32 to vector<16xi32>
      %masked_cummax3A_2631 = arith.xori %get3A_2626, %masked_cummax3A_2630 : vector<16xi32>
      %masked_cummax3A_2632 = tpu.scan <max>, %masked_cummax3A_2631 masked %broadcast_in_dim3A_2628 : vector<16xi32>, vector<16xi1> -> vector<16xi32>
      %masked_cummax3A_2633 = arith.xori %masked_cummax3A_2632, %masked_cummax3A_2630 : vector<16xi32>
      %max3A_2634 = vector.broadcast %squeeze3A_2624 : i32 to vector<16xi32>
      %max3A_2635 = arith.maxsi %masked_cummax3A_2633, %max3A_2634 : vector<16xi32>
      %swap3A_2636 = arith.constant 0 : i32
      %swap3A_2637 = arith.index_cast %swap3A_2636 : i32 to index
      %swap3A_2638 = arith.constant 64 : index
      %swap3A_2639 = tpu.vector_load %arg16[%swap3A_2637, %swap3A_2638] {strides = array<i32>} : memref<5x128xi32, #tpu.memory_space<vmem>>, vector<16xi32>,
      tpu.vector_store %arg16[%swap3A_2637, %swap3A_2638], %max3A_2635 {strides = array<i32>} : memref<5x128xi32, #tpu.memory_space<vmem>>, vector<16xi32>,
      %slice3A_2640 = vector.extract_strided_slice %max3A_2635 {offsets = [15], sizes = [1], strides = [1]} : vector<16xi32> to vector<1xi32>
      %squeeze3A_2641 = vector.extract %slice3A_2640[0] : i32 from vector<1xi32>
      %get3A_2642 = arith.constant 80 : index
      %get3A_2643 = tpu.vector_load %arg11[%get3A_2642] {strides = array<i32>} : memref<640xi32, #tpu.memory_space<vmem>>, vector<16xi32>,
      %broadcast_in_dim3A_2644 = arith.constant true
      %broadcast_in_dim3A_2645 = vector.broadcast %broadcast_in_dim3A_2644 : i1 to vector<16xi1>
      %masked_cummax3A_2646 = arith.constant -2147483648 : i32
      %masked_cummax3A_2647 = vector.broadcast %masked_cummax3A_2646 : i32 to vector<16xi32>
      %masked_cummax3A_2648 = arith.xori %get3A_2643, %masked_cummax3A_2647 : vector<16xi32>
      %masked_cummax3A_2649 = tpu.scan <max>, %masked_cummax3A_2648 masked %broadcast_in_dim3A_2645 : vector<16xi32>, vector<16xi1> -> vector<16xi32>
      %masked_cummax3A_2650 = arith.xori %masked_cummax3A_2649, %masked_cummax3A_2647 : vector<16xi32>
      %max3A_2651 = vector.broadcast %squeeze3A_2641 : i32 to vector<16xi32>
      %max3A_2652 = arith.maxsi %masked_cummax3A_2650, %max3A_2651 : vector<16xi32>
      %swap3A_2653 = arith.constant 0 : i32
      %swap3A_2654 = arith.index_cast %swap3A_2653 : i32 to index
      %swap3A_2655 = arith.constant 80 : index
      %swap3A_2656 = tpu.vector_load %arg16[%swap3A_2654, %swap3A_2655] {strides = array<i32>} : memref<5x128xi32, #tpu.memory_space<vmem>>, vector<16xi32>,
      tpu.vector_store %arg16[%swap3A_2654, %swap3A_2655], %max3A_2652 {strides = array<i32>} : memref<5x128xi32, #tpu.memory_space<vmem>>, vector<16xi32>,
      %slice3A_2657 = vector.extract_strided_slice %max3A_2652 {offsets = [15], sizes = [1], strides = [1]} : vector<16xi32> to vector<1xi32>
      %squeeze3A_2658 = vector.extract %slice3A_2657[0] : i32 from vector<1xi32>
      %get3A_2659 = arith.constant 96 : index
      %get3A_2660 = tpu.vector_load %arg11[%get3A_2659] {strides = array<i32>} : memref<640xi32, #tpu.memory_space<vmem>>, vector<16xi32>,
      %broadcast_in_dim3A_2661 = arith.constant true
      %broadcast_in_dim3A_2662 = vector.broadcast %broadcast_in_dim3A_2661 : i1 to vector<16xi1>
      %masked_cummax3A_2663 = arith.constant -2147483648 : i32
      %masked_cummax3A_2664 = vector.broadcast %masked_cummax3A_2663 : i32 to vector<16xi32>
      %masked_cummax3A_2665 = arith.xori %get3A_2660, %masked_cummax3A_2664 : vector<16xi32>
      %masked_cummax3A_2666 = tpu.scan <max>, %masked_cummax3A_2665 masked %broadcast_in_dim3A_2662 : vector<16xi32>, vector<16xi1> -> vector<16xi32>
      %masked_cummax3A_2667 = arith.xori %masked_cummax3A_2666, %masked_cummax3A_2664 : vector<16xi32>
      %max3A_2668 = vector.broadcast %squeeze3A_2658 : i32 to vector<16xi32>
      %max3A_2669 = arith.maxsi %masked_cummax3A_2667, %max3A_2668 : vector<16xi32>
      %swap3A_2670 = arith.constant 0 : i32
      %swap3A_2671 = arith.index_cast %swap3A_2670 : i32 to index
      %swap3A_2672 = arith.constant 96 : index
      %swap3A_2673 = tpu.vector_load %arg16[%swap3A_2671, %swap3A_2672] {strides = array<i32>} : memref<5x128xi32, #tpu.memory_space<vmem>>, vector<16xi32>,
      tpu.vector_store %arg16[%swap3A_2671, %swap3A_2672], %max3A_2669 {strides = array<i32>} : memref<5x128xi32, #tpu.memory_space<vmem>>, vector<16xi32>,
      %slice3A_2674 = vector.extract_strided_slice %max3A_2669 {offsets = [15], sizes = [1], strides = [1]} : vector<16xi32> to vector<1xi32>
      %squeeze3A_2675 = vector.extract %slice3A_2674[0] : i32 from vector<1xi32>
      %get3A_2676 = arith.constant 112 : index
      %get3A_2677 = tpu.vector_load %arg11[%get3A_2676] {strides = array<i32>} : memref<640xi32, #tpu.memory_space<vmem>>, vector<16xi32>,
      %broadcast_in_dim3A_2678 = arith.constant true
      %broadcast_in_dim3A_2679 = vector.broadcast %broadcast_in_dim3A_2678 : i1 to vector<16xi1>
      %masked_cummax3A_2680 = arith.constant -2147483648 : i32
      %masked_cummax3A_2681 = vector.broadcast %masked_cummax3A_2680 : i32 to vector<16xi32>
      %masked_cummax3A_2682 = arith.xori %get3A_2677, %masked_cummax3A_2681 : vector<16xi32>
      %masked_cummax3A_2683 = tpu.scan <max>, %masked_cummax3A_2682 masked %broadcast_in_dim3A_2679 : vector<16xi32>, vector<16xi1> -> vector<16xi32>
      %masked_cummax3A_2684 = arith.xori %masked_cummax3A_2683, %masked_cummax3A_2681 : vector<16xi32>
      %max3A_2685 = vector.broadcast %squeeze3A_2675 : i32 to vector<16xi32>
      %max3A_2686 = arith.maxsi %masked_cummax3A_2684, %max3A_2685 : vector<16xi32>
      %swap3A_2687 = arith.constant 0 : i32
      %swap3A_2688 = arith.index_cast %swap3A_2687 : i32 to index
      %swap3A_2689 = arith.constant 112 : index
      %swap3A_2690 = tpu.vector_load %arg16[%swap3A_2688, %swap3A_2689] {strides = array<i32>} : memref<5x128xi32, #tpu.memory_space<vmem>>, vector<16xi32>,
      tpu.vector_store %arg16[%swap3A_2688, %swap3A_2689], %max3A_2686 {strides = array<i32>} : memref<5x128xi32, #tpu.memory_space<vmem>>, vector<16xi32>,
      %slice3A_2691 = vector.extract_strided_slice %max3A_2686 {offsets = [15], sizes = [1], strides = [1]} : vector<16xi32> to vector<1xi32>
      %squeeze3A_2692 = vector.extract %slice3A_2691[0] : i32 from vector<1xi32>
      %get3A_2693 = arith.constant 128 : index
      %get3A_2694 = tpu.vector_load %arg11[%get3A_2693] {strides = array<i32>} : memref<640xi32, #tpu.memory_space<vmem>>, vector<16xi32>,
      %broadcast_in_dim3A_2695 = arith.constant true
      %broadcast_in_dim3A_2696 = vector.broadcast %broadcast_in_dim3A_2695 : i1 to vector<16xi1>
      %masked_cummax3A_2697 = arith.constant -2147483648 : i32
      %masked_cummax3A_2698 = vector.broadcast %masked_cummax3A_2697 : i32 to vector<16xi32>
      %masked_cummax3A_2699 = arith.xori %get3A_2694, %masked_cummax3A_2698 : vector<16xi32>
      %masked_cummax3A_2700 = tpu.scan <max>, %masked_cummax3A_2699 masked %broadcast_in_dim3A_2696 : vector<16xi32>, vector<16xi1> -> vector<16xi32>
      %masked_cummax3A_2701 = arith.xori %masked_cummax3A_2700, %masked_cummax3A_2698 : vector<16xi32>
      %max3A_2702 = vector.broadcast %squeeze3A_2692 : i32 to vector<16xi32>
      %max3A_2703 = arith.maxsi %masked_cummax3A_2701, %max3A_2702 : vector<16xi32>
      %swap3A_2704 = arith.constant 1 : i32
      %swap3A_2705 = arith.index_cast %swap3A_2704 : i32 to index
      %swap3A_2706 = arith.constant 0 : index
      %swap3A_2707 = tpu.vector_load %arg16[%swap3A_2705, %swap3A_2706] {strides = array<i32>} : memref<5x128xi32, #tpu.memory_space<vmem>>, vector<16xi32>,
      tpu.vector_store %arg16[%swap3A_2705, %swap3A_2706], %max3A_2703 {strides = array<i32>} : memref<5x128xi32, #tpu.memory_space<vmem>>, vector<16xi32>,
      %slice3A_2708 = vector.extract_strided_slice %max3A_2703 {offsets = [15], sizes = [1], strides = [1]} : vector<16xi32> to vector<1xi32>
      %squeeze3A_2709 = vector.extract %slice3A_2708[0] : i32 from vector<1xi32>
      %get3A_2710 = arith.constant 144 : index
      %get3A_2711 = tpu.vector_load %arg11[%get3A_2710] {strides = array<i32>} : memref<640xi32, #tpu.memory_space<vmem>>, vector<16xi32>,
      %broadcast_in_dim3A_2712 = arith.constant true
      %broadcast_in_dim3A_2713 = vector.broadcast %broadcast_in_dim3A_2712 : i1 to vector<16xi1>
      %masked_cummax3A_2714 = arith.constant -2147483648 : i32
      %masked_cummax3A_2715 = vector.broadcast %masked_cummax3A_2714 : i32 to vector<16xi32>
      %masked_cummax3A_2716 = arith.xori %get3A_2711, %masked_cummax3A_2715 : vector<16xi32>
      %masked_cummax3A_2717 = tpu.scan <max>, %masked_cummax3A_2716 masked %broadcast_in_dim3A_2713 : vector<16xi32>, vector<16xi1> -> vector<16xi32>
      %masked_cummax3A_2718 = arith.xori %masked_cummax3A_2717, %masked_cummax3A_2715 : vector<16xi32>
      %max3A_2719 = vector.broadcast %squeeze3A_2709 : i32 to vector<16xi32>
      %max3A_2720 = arith.maxsi %masked_cummax3A_2718, %max3A_2719 : vector<16xi32>
      %swap3A_2721 = arith.constant 1 : i32
      %swap3A_2722 = arith.index_cast %swap3A_2721 : i32 to index
      %swap3A_2723 = arith.constant 16 : index
      %swap3A_2724 = tpu.vector_load %arg16[%swap3A_2722, %swap3A_2723] {strides = array<i32>} : memref<5x128xi32, #tpu.memory_space<vmem>>, vector<16xi32>,
      tpu.vector_store %arg16[%swap3A_2722, %swap3A_2723], %max3A_2720 {strides = array<i32>} : memref<5x128xi32, #tpu.memory_space<vmem>>, vector<16xi32>,
      %slice3A_2725 = vector.extract_strided_slice %max3A_2720 {offsets = [15], sizes = [1], strides = [1]} : vector<16xi32> to vector<1xi32>
      %squeeze3A_2726 = vector.extract %slice3A_2725[0] : i32 from vector<1xi32>
      %get3A_2727 = arith.constant 160 : index
      %get3A_2728 = tpu.vector_load %arg11[%get3A_2727] {strides = array<i32>} : memref<640xi32, #tpu.memory_space<vmem>>, vector<16xi32>,
      %broadcast_in_dim3A_2729 = arith.constant true
      %broadcast_in_dim3A_2730 = vector.broadcast %broadcast_in_dim3A_2729 : i1 to vector<16xi1>
      %masked_cummax3A_2731 = arith.constant -2147483648 : i32
      %masked_cummax3A_2732 = vector.broadcast %masked_cummax3A_2731 : i32 to vector<16xi32>
      %masked_cummax3A_2733 = arith.xori %get3A_2728, %masked_cummax3A_2732 : vector<16xi32>
      %masked_cummax3A_2734 = tpu.scan <max>, %masked_cummax3A_2733 masked %broadcast_in_dim3A_2730 : vector<16xi32>, vector<16xi1> -> vector<16xi32>
      %masked_cummax3A_2735 = arith.xori %masked_cummax3A_2734, %masked_cummax3A_2732 : vector<16xi32>
      %max3A_2736 = vector.broadcast %squeeze3A_2726 : i32 to vector<16xi32>
      %max3A_2737 = arith.maxsi %masked_cummax3A_2735, %max3A_2736 : vector<16xi32>
      %swap3A_2738 = arith.constant 1 : i32
      %swap3A_2739 = arith.index_cast %swap3A_2738 : i32 to index
      %swap3A_2740 = arith.constant 32 : index
      %swap3A_2741 = tpu.vector_load %arg16[%swap3A_2739, %swap3A_2740] {strides = array<i32>} : memref<5x128xi32, #tpu.memory_space<vmem>>, vector<16xi32>,
      tpu.vector_store %arg16[%swap3A_2739, %swap3A_2740], %max3A_2737 {strides = array<i32>} : memref<5x128xi32, #tpu.memory_space<vmem>>, vector<16xi32>,
      %slice3A_2742 = vector.extract_strided_slice %max3A_2737 {offsets = [15], sizes = [1], strides = [1]} : vector<16xi32> to vector<1xi32>
      %squeeze3A_2743 = vector.extract %slice3A_2742[0] : i32 from vector<1xi32>
      %get3A_2744 = arith.constant 176 : index
      %get3A_2745 = tpu.vector_load %arg11[%get3A_2744] {strides = array<i32>} : memref<640xi32, #tpu.memory_space<vmem>>, vector<16xi32>,
      %broadcast_in_dim3A_2746 = arith.constant true
      %broadcast_in_dim3A_2747 = vector.broadcast %broadcast_in_dim3A_2746 : i1 to vector<16xi1>
      %masked_cummax3A_2748 = arith.constant -2147483648 : i32
      %masked_cummax3A_2749 = vector.broadcast %masked_cummax3A_2748 : i32 to vector<16xi32>
      %masked_cummax3A_2750 = arith.xori %get3A_2745, %masked_cummax3A_2749 : vector<16xi32>
      %masked_cummax3A_2751 = tpu.scan <max>, %masked_cummax3A_2750 masked %broadcast_in_dim3A_2747 : vector<16xi32>, vector<16xi1> -> vector<16xi32>
      %masked_cummax3A_2752 = arith.xori %masked_cummax3A_2751, %masked_cummax3A_2749 : vector<16xi32>
      %max3A_2753 = vector.broadcast %squeeze3A_2743 : i32 to vector<16xi32>
      %max3A_2754 = arith.maxsi %masked_cummax3A_2752, %max3A_2753 : vector<16xi32>
      %swap3A_2755 = arith.constant 1 : i32
      %swap3A_2756 = arith.index_cast %swap3A_2755 : i32 to index
      %swap3A_2757 = arith.constant 48 : index
      %swap3A_2758 = tpu.vector_load %arg16[%swap3A_2756, %swap3A_2757] {strides = array<i32>} : memref<5x128xi32, #tpu.memory_space<vmem>>, vector<16xi32>,
      tpu.vector_store %arg16[%swap3A_2756, %swap3A_2757], %max3A_2754 {strides = array<i32>} : memref<5x128xi32, #tpu.memory_space<vmem>>, vector<16xi32>,
      %slice3A_2759 = vector.extract_strided_slice %max3A_2754 {offsets = [15], sizes = [1], strides = [1]} : vector<16xi32> to vector<1xi32>
      %squeeze3A_2760 = vector.extract %slice3A_2759[0] : i32 from vector<1xi32>
      %get3A_2761 = arith.constant 192 : index
      %get3A_2762 = tpu.vector_load %arg11[%get3A_2761] {strides = array<i32>} : memref<640xi32, #tpu.memory_space<vmem>>, vector<16xi32>,
      %broadcast_in_dim3A_2763 = arith.constant true
      %broadcast_in_dim3A_2764 = vector.broadcast %broadcast_in_dim3A_2763 : i1 to vector<16xi1>
      %masked_cummax3A_2765 = arith.constant -2147483648 : i32
      %masked_cummax3A_2766 = vector.broadcast %masked_cummax3A_2765 : i32 to vector<16xi32>
      %masked_cummax3A_2767 = arith.xori %get3A_2762, %masked_cummax3A_2766 : vector<16xi32>
      %masked_cummax3A_2768 = tpu.scan <max>, %masked_cummax3A_2767 masked %broadcast_in_dim3A_2764 : vector<16xi32>, vector<16xi1> -> vector<16xi32>
      %masked_cummax3A_2769 = arith.xori %masked_cummax3A_2768, %masked_cummax3A_2766 : vector<16xi32>
      %max3A_2770 = vector.broadcast %squeeze3A_2760 : i32 to vector<16xi32>
      %max3A_2771 = arith.maxsi %masked_cummax3A_2769, %max3A_2770 : vector<16xi32>
      %swap3A_2772 = arith.constant 1 : i32
      %swap3A_2773 = arith.index_cast %swap3A_2772 : i32 to index
      %swap3A_2774 = arith.constant 64 : index
      %swap3A_2775 = tpu.vector_load %arg16[%swap3A_2773, %swap3A_2774] {strides = array<i32>} : memref<5x128xi32, #tpu.memory_space<vmem>>, vector<16xi32>,
      tpu.vector_store %arg16[%swap3A_2773, %swap3A_2774], %max3A_2771 {strides = array<i32>} : memref<5x128xi32, #tpu.memory_space<vmem>>, vector<16xi32>,
      %slice3A_2776 = vector.extract_strided_slice %max3A_2771 {offsets = [15], sizes = [1], strides = [1]} : vector<16xi32> to vector<1xi32>
      %squeeze3A_2777 = vector.extract %slice3A_2776[0] : i32 from vector<1xi32>
      %get3A_2778 = arith.constant 208 : index
      %get3A_2779 = tpu.vector_load %arg11[%get3A_2778] {strides = array<i32>} : memref<640xi32, #tpu.memory_space<vmem>>, vector<16xi32>,
      %broadcast_in_dim3A_2780 = arith.constant true
      %broadcast_in_dim3A_2781 = vector.broadcast %broadcast_in_dim3A_2780 : i1 to vector<16xi1>
      %masked_cummax3A_2782 = arith.constant -2147483648 : i32
      %masked_cummax3A_2783 = vector.broadcast %masked_cummax3A_2782 : i32 to vector<16xi32>
      %masked_cummax3A_2784 = arith.xori %get3A_2779, %masked_cummax3A_2783 : vector<16xi32>
      %masked_cummax3A_2785 = tpu.scan <max>, %masked_cummax3A_2784 masked %broadcast_in_dim3A_2781 : vector<16xi32>, vector<16xi1> -> vector<16xi32>
      %masked_cummax3A_2786 = arith.xori %masked_cummax3A_2785, %masked_cummax3A_2783 : vector<16xi32>
      %max3A_2787 = vector.broadcast %squeeze3A_2777 : i32 to vector<16xi32>
      %max3A_2788 = arith.maxsi %masked_cummax3A_2786, %max3A_2787 : vector<16xi32>
      %swap3A_2789 = arith.constant 1 : i32
      %swap3A_2790 = arith.index_cast %swap3A_2789 : i32 to index
      %swap3A_2791 = arith.constant 80 : index
      %swap3A_2792 = tpu.vector_load %arg16[%swap3A_2790, %swap3A_2791] {strides = array<i32>} : memref<5x128xi32, #tpu.memory_space<vmem>>, vector<16xi32>,
      tpu.vector_store %arg16[%swap3A_2790, %swap3A_2791], %max3A_2788 {strides = array<i32>} : memref<5x128xi32, #tpu.memory_space<vmem>>, vector<16xi32>,
      %slice3A_2793 = vector.extract_strided_slice %max3A_2788 {offsets = [15], sizes = [1], strides = [1]} : vector<16xi32> to vector<1xi32>
      %squeeze3A_2794 = vector.extract %slice3A_2793[0] : i32 from vector<1xi32>
      %get3A_2795 = arith.constant 224 : index
      %get3A_2796 = tpu.vector_load %arg11[%get3A_2795] {strides = array<i32>} : memref<640xi32, #tpu.memory_space<vmem>>, vector<16xi32>,
      %broadcast_in_dim3A_2797 = arith.constant true
      %broadcast_in_dim3A_2798 = vector.broadcast %broadcast_in_dim3A_2797 : i1 to vector<16xi1>
      %masked_cummax3A_2799 = arith.constant -2147483648 : i32
      %masked_cummax3A_2800 = vector.broadcast %masked_cummax3A_2799 : i32 to vector<16xi32>
      %masked_cummax3A_2801 = arith.xori %get3A_2796, %masked_cummax3A_2800 : vector<16xi32>
      %masked_cummax3A_2802 = tpu.scan <max>, %masked_cummax3A_2801 masked %broadcast_in_dim3A_2798 : vector<16xi32>, vector<16xi1> -> vector<16xi32>
      %masked_cummax3A_2803 = arith.xori %masked_cummax3A_2802, %masked_cummax3A_2800 : vector<16xi32>
      %max3A_2804 = vector.broadcast %squeeze3A_2794 : i32 to vector<16xi32>
      %max3A_2805 = arith.maxsi %masked_cummax3A_2803, %max3A_2804 : vector<16xi32>
      %swap3A_2806 = arith.constant 1 : i32
      %swap3A_2807 = arith.index_cast %swap3A_2806 : i32 to index
      %swap3A_2808 = arith.constant 96 : index
      %swap3A_2809 = tpu.vector_load %arg16[%swap3A_2807, %swap3A_2808] {strides = array<i32>} : memref<5x128xi32, #tpu.memory_space<vmem>>, vector<16xi32>,
      tpu.vector_store %arg16[%swap3A_2807, %swap3A_2808], %max3A_2805 {strides = array<i32>} : memref<5x128xi32, #tpu.memory_space<vmem>>, vector<16xi32>,
      %slice3A_2810 = vector.extract_strided_slice %max3A_2805 {offsets = [15], sizes = [1], strides = [1]} : vector<16xi32> to vector<1xi32>
      %squeeze3A_2811 = vector.extract %slice3A_2810[0] : i32 from vector<1xi32>
      %get3A_2812 = arith.constant 240 : index
      %get3A_2813 = tpu.vector_load %arg11[%get3A_2812] {strides = array<i32>} : memref<640xi32, #tpu.memory_space<vmem>>, vector<16xi32>,
      %broadcast_in_dim3A_2814 = arith.constant true
      %broadcast_in_dim3A_2815 = vector.broadcast %broadcast_in_dim3A_2814 : i1 to vector<16xi1>
      %masked_cummax3A_2816 = arith.constant -2147483648 : i32
      %masked_cummax3A_2817 = vector.broadcast %masked_cummax3A_2816 : i32 to vector<16xi32>
      %masked_cummax3A_2818 = arith.xori %get3A_2813, %masked_cummax3A_2817 : vector<16xi32>
      %masked_cummax3A_2819 = tpu.scan <max>, %masked_cummax3A_2818 masked %broadcast_in_dim3A_2815 : vector<16xi32>, vector<16xi1> -> vector<16xi32>
      %masked_cummax3A_2820 = arith.xori %masked_cummax3A_2819, %masked_cummax3A_2817 : vector<16xi32>
      %max3A_2821 = vector.broadcast %squeeze3A_2811 : i32 to vector<16xi32>
      %max3A_2822 = arith.maxsi %masked_cummax3A_2820, %max3A_2821 : vector<16xi32>
      %swap3A_2823 = arith.constant 1 : i32
      %swap3A_2824 = arith.index_cast %swap3A_2823 : i32 to index
      %swap3A_2825 = arith.constant 112 : index
      %swap3A_2826 = tpu.vector_load %arg16[%swap3A_2824, %swap3A_2825] {strides = array<i32>} : memref<5x128xi32, #tpu.memory_space<vmem>>, vector<16xi32>,
      tpu.vector_store %arg16[%swap3A_2824, %swap3A_2825], %max3A_2822 {strides = array<i32>} : memref<5x128xi32, #tpu.memory_space<vmem>>, vector<16xi32>,
      %slice3A_2827 = vector.extract_strided_slice %max3A_2822 {offsets = [15], sizes = [1], strides = [1]} : vector<16xi32> to vector<1xi32>
      %squeeze3A_2828 = vector.extract %slice3A_2827[0] : i32 from vector<1xi32>
      %get3A_2829 = arith.constant 256 : index
      %get3A_2830 = tpu.vector_load %arg11[%get3A_2829] {strides = array<i32>} : memref<640xi32, #tpu.memory_space<vmem>>, vector<16xi32>,
      %broadcast_in_dim3A_2831 = arith.constant true
      %broadcast_in_dim3A_2832 = vector.broadcast %broadcast_in_dim3A_2831 : i1 to vector<16xi1>
      %masked_cummax3A_2833 = arith.constant -2147483648 : i32
      %masked_cummax3A_2834 = vector.broadcast %masked_cummax3A_2833 : i32 to vector<16xi32>
      %masked_cummax3A_2835 = arith.xori %get3A_2830, %masked_cummax3A_2834 : vector<16xi32>
      %masked_cummax3A_2836 = tpu.scan <max>, %masked_cummax3A_2835 masked %broadcast_in_dim3A_2832 : vector<16xi32>, vector<16xi1> -> vector<16xi32>
      %masked_cummax3A_2837 = arith.xori %masked_cummax3A_2836, %masked_cummax3A_2834 : vector<16xi32>
      %max3A_2838 = vector.broadcast %squeeze3A_2828 : i32 to vector<16xi32>
      %max3A_2839 = arith.maxsi %masked_cummax3A_2837, %max3A_2838 : vector<16xi32>
      %swap3A_2840 = arith.constant 2 : i32
      %swap3A_2841 = arith.index_cast %swap3A_2840 : i32 to index
      %swap3A_2842 = arith.constant 0 : index
      %swap3A_2843 = tpu.vector_load %arg16[%swap3A_2841, %swap3A_2842] {strides = array<i32>} : memref<5x128xi32, #tpu.memory_space<vmem>>, vector<16xi32>,
      tpu.vector_store %arg16[%swap3A_2841, %swap3A_2842], %max3A_2839 {strides = array<i32>} : memref<5x128xi32, #tpu.memory_space<vmem>>, vector<16xi32>,
      %slice3A_2844 = vector.extract_strided_slice %max3A_2839 {offsets = [15], sizes = [1], strides = [1]} : vector<16xi32> to vector<1xi32>
      %squeeze3A_2845 = vector.extract %slice3A_2844[0] : i32 from vector<1xi32>
      %get3A_2846 = arith.constant 272 : index
      %get3A_2847 = tpu.vector_load %arg11[%get3A_2846] {strides = array<i32>} : memref<640xi32, #tpu.memory_space<vmem>>, vector<16xi32>,
      %broadcast_in_dim3A_2848 = arith.constant true
      %broadcast_in_dim3A_2849 = vector.broadcast %broadcast_in_dim3A_2848 : i1 to vector<16xi1>
      %masked_cummax3A_2850 = arith.constant -2147483648 : i32
      %masked_cummax3A_2851 = vector.broadcast %masked_cummax3A_2850 : i32 to vector<16xi32>
      %masked_cummax3A_2852 = arith.xori %get3A_2847, %masked_cummax3A_2851 : vector<16xi32>
      %masked_cummax3A_2853 = tpu.scan <max>, %masked_cummax3A_2852 masked %broadcast_in_dim3A_2849 : vector<16xi32>, vector<16xi1> -> vector<16xi32>
      %masked_cummax3A_2854 = arith.xori %masked_cummax3A_2853, %masked_cummax3A_2851 : vector<16xi32>
      %max3A_2855 = vector.broadcast %squeeze3A_2845 : i32 to vector<16xi32>
      %max3A_2856 = arith.maxsi %masked_cummax3A_2854, %max3A_2855 : vector<16xi32>
      %swap3A_2857 = arith.constant 2 : i32
      %swap3A_2858 = arith.index_cast %swap3A_2857 : i32 to index
      %swap3A_2859 = arith.constant 16 : index
      %swap3A_2860 = tpu.vector_load %arg16[%swap3A_2858, %swap3A_2859] {strides = array<i32>} : memref<5x128xi32, #tpu.memory_space<vmem>>, vector<16xi32>,
      tpu.vector_store %arg16[%swap3A_2858, %swap3A_2859], %max3A_2856 {strides = array<i32>} : memref<5x128xi32, #tpu.memory_space<vmem>>, vector<16xi32>,
      %slice3A_2861 = vector.extract_strided_slice %max3A_2856 {offsets = [15], sizes = [1], strides = [1]} : vector<16xi32> to vector<1xi32>
      %squeeze3A_2862 = vector.extract %slice3A_2861[0] : i32 from vector<1xi32>
      %get3A_2863 = arith.constant 288 : index
      %get3A_2864 = tpu.vector_load %arg11[%get3A_2863] {strides = array<i32>} : memref<640xi32, #tpu.memory_space<vmem>>, vector<16xi32>,
      %broadcast_in_dim3A_2865 = arith.constant true
      %broadcast_in_dim3A_2866 = vector.broadcast %broadcast_in_dim3A_2865 : i1 to vector<16xi1>
      %masked_cummax3A_2867 = arith.constant -2147483648 : i32
      %masked_cummax3A_2868 = vector.broadcast %masked_cummax3A_2867 : i32 to vector<16xi32>
      %masked_cummax3A_2869 = arith.xori %get3A_2864, %masked_cummax3A_2868 : vector<16xi32>
      %masked_cummax3A_2870 = tpu.scan <max>, %masked_cummax3A_2869 masked %broadcast_in_dim3A_2866 : vector<16xi32>, vector<16xi1> -> vector<16xi32>
      %masked_cummax3A_2871 = arith.xori %masked_cummax3A_2870, %masked_cummax3A_2868 : vector<16xi32>
      %max3A_2872 = vector.broadcast %squeeze3A_2862 : i32 to vector<16xi32>
      %max3A_2873 = arith.maxsi %masked_cummax3A_2871, %max3A_2872 : vector<16xi32>
      %swap3A_2874 = arith.constant 2 : i32
      %swap3A_2875 = arith.index_cast %swap3A_2874 : i32 to index
      %swap3A_2876 = arith.constant 32 : index
      %swap3A_2877 = tpu.vector_load %arg16[%swap3A_2875, %swap3A_2876] {strides = array<i32>} : memref<5x128xi32, #tpu.memory_space<vmem>>, vector<16xi32>,
      tpu.vector_store %arg16[%swap3A_2875, %swap3A_2876], %max3A_2873 {strides = array<i32>} : memref<5x128xi32, #tpu.memory_space<vmem>>, vector<16xi32>,
      %slice3A_2878 = vector.extract_strided_slice %max3A_2873 {offsets = [15], sizes = [1], strides = [1]} : vector<16xi32> to vector<1xi32>
      %squeeze3A_2879 = vector.extract %slice3A_2878[0] : i32 from vector<1xi32>
      %get3A_2880 = arith.constant 304 : index
      %get3A_2881 = tpu.vector_load %arg11[%get3A_2880] {strides = array<i32>} : memref<640xi32, #tpu.memory_space<vmem>>, vector<16xi32>,
      %broadcast_in_dim3A_2882 = arith.constant true
      %broadcast_in_dim3A_2883 = vector.broadcast %broadcast_in_dim3A_2882 : i1 to vector<16xi1>
      %masked_cummax3A_2884 = arith.constant -2147483648 : i32
      %masked_cummax3A_2885 = vector.broadcast %masked_cummax3A_2884 : i32 to vector<16xi32>
      %masked_cummax3A_2886 = arith.xori %get3A_2881, %masked_cummax3A_2885 : vector<16xi32>
      %masked_cummax3A_2887 = tpu.scan <max>, %masked_cummax3A_2886 masked %broadcast_in_dim3A_2883 : vector<16xi32>, vector<16xi1> -> vector<16xi32>
      %masked_cummax3A_2888 = arith.xori %masked_cummax3A_2887, %masked_cummax3A_2885 : vector<16xi32>
      %max3A_2889 = vector.broadcast %squeeze3A_2879 : i32 to vector<16xi32>
      %max3A_2890 = arith.maxsi %masked_cummax3A_2888, %max3A_2889 : vector<16xi32>
      %swap3A_2891 = arith.constant 2 : i32
      %swap3A_2892 = arith.index_cast %swap3A_2891 : i32 to index
      %swap3A_2893 = arith.constant 48 : index
      %swap3A_2894 = tpu.vector_load %arg16[%swap3A_2892, %swap3A_2893] {strides = array<i32>} : memref<5x128xi32, #tpu.memory_space<vmem>>, vector<16xi32>,
      tpu.vector_store %arg16[%swap3A_2892, %swap3A_2893], %max3A_2890 {strides = array<i32>} : memref<5x128xi32, #tpu.memory_space<vmem>>, vector<16xi32>,
      %slice3A_2895 = vector.extract_strided_slice %max3A_2890 {offsets = [15], sizes = [1], strides = [1]} : vector<16xi32> to vector<1xi32>
      %squeeze3A_2896 = vector.extract %slice3A_2895[0] : i32 from vector<1xi32>
      %get3A_2897 = arith.constant 320 : index
      %get3A_2898 = tpu.vector_load %arg11[%get3A_2897] {strides = array<i32>} : memref<640xi32, #tpu.memory_space<vmem>>, vector<16xi32>,
      %broadcast_in_dim3A_2899 = arith.constant true
      %broadcast_in_dim3A_2900 = vector.broadcast %broadcast_in_dim3A_2899 : i1 to vector<16xi1>
      %masked_cummax3A_2901 = arith.constant -2147483648 : i32
      %masked_cummax3A_2902 = vector.broadcast %masked_cummax3A_2901 : i32 to vector<16xi32>
      %masked_cummax3A_2903 = arith.xori %get3A_2898, %masked_cummax3A_2902 : vector<16xi32>
      %masked_cummax3A_2904 = tpu.scan <max>, %masked_cummax3A_2903 masked %broadcast_in_dim3A_2900 : vector<16xi32>, vector<16xi1> -> vector<16xi32>
      %masked_cummax3A_2905 = arith.xori %masked_cummax3A_2904, %masked_cummax3A_2902 : vector<16xi32>
      %max3A_2906 = vector.broadcast %squeeze3A_2896 : i32 to vector<16xi32>
      %max3A_2907 = arith.maxsi %masked_cummax3A_2905, %max3A_2906 : vector<16xi32>
      %swap3A_2908 = arith.constant 2 : i32
      %swap3A_2909 = arith.index_cast %swap3A_2908 : i32 to index
      %swap3A_2910 = arith.constant 64 : index
      %swap3A_2911 = tpu.vector_load %arg16[%swap3A_2909, %swap3A_2910] {strides = array<i32>} : memref<5x128xi32, #tpu.memory_space<vmem>>, vector<16xi32>,
      tpu.vector_store %arg16[%swap3A_2909, %swap3A_2910], %max3A_2907 {strides = array<i32>} : memref<5x128xi32, #tpu.memory_space<vmem>>, vector<16xi32>,
      %slice3A_2912 = vector.extract_strided_slice %max3A_2907 {offsets = [15], sizes = [1], strides = [1]} : vector<16xi32> to vector<1xi32>
      %squeeze3A_2913 = vector.extract %slice3A_2912[0] : i32 from vector<1xi32>
      %get3A_2914 = arith.constant 336 : index
      %get3A_2915 = tpu.vector_load %arg11[%get3A_2914] {strides = array<i32>} : memref<640xi32, #tpu.memory_space<vmem>>, vector<16xi32>,
      %broadcast_in_dim3A_2916 = arith.constant true
      %broadcast_in_dim3A_2917 = vector.broadcast %broadcast_in_dim3A_2916 : i1 to vector<16xi1>
      %masked_cummax3A_2918 = arith.constant -2147483648 : i32
      %masked_cummax3A_2919 = vector.broadcast %masked_cummax3A_2918 : i32 to vector<16xi32>
      %masked_cummax3A_2920 = arith.xori %get3A_2915, %masked_cummax3A_2919 : vector<16xi32>
      %masked_cummax3A_2921 = tpu.scan <max>, %masked_cummax3A_2920 masked %broadcast_in_dim3A_2917 : vector<16xi32>, vector<16xi1> -> vector<16xi32>
      %masked_cummax3A_2922 = arith.xori %masked_cummax3A_2921, %masked_cummax3A_2919 : vector<16xi32>
      %max3A_2923 = vector.broadcast %squeeze3A_2913 : i32 to vector<16xi32>
      %max3A_2924 = arith.maxsi %masked_cummax3A_2922, %max3A_2923 : vector<16xi32>
      %swap3A_2925 = arith.constant 2 : i32
      %swap3A_2926 = arith.index_cast %swap3A_2925 : i32 to index
      %swap3A_2927 = arith.constant 80 : index
      %swap3A_2928 = tpu.vector_load %arg16[%swap3A_2926, %swap3A_2927] {strides = array<i32>} : memref<5x128xi32, #tpu.memory_space<vmem>>, vector<16xi32>,
      tpu.vector_store %arg16[%swap3A_2926, %swap3A_2927], %max3A_2924 {strides = array<i32>} : memref<5x128xi32, #tpu.memory_space<vmem>>, vector<16xi32>,
      %slice3A_2929 = vector.extract_strided_slice %max3A_2924 {offsets = [15], sizes = [1], strides = [1]} : vector<16xi32> to vector<1xi32>
      %squeeze3A_2930 = vector.extract %slice3A_2929[0] : i32 from vector<1xi32>
      %get3A_2931 = arith.constant 352 : index
      %get3A_2932 = tpu.vector_load %arg11[%get3A_2931] {strides = array<i32>} : memref<640xi32, #tpu.memory_space<vmem>>, vector<16xi32>,
      %broadcast_in_dim3A_2933 = arith.constant true
      %broadcast_in_dim3A_2934 = vector.broadcast %broadcast_in_dim3A_2933 : i1 to vector<16xi1>
      %masked_cummax3A_2935 = arith.constant -2147483648 : i32
      %masked_cummax3A_2936 = vector.broadcast %masked_cummax3A_2935 : i32 to vector<16xi32>
      %masked_cummax3A_2937 = arith.xori %get3A_2932, %masked_cummax3A_2936 : vector<16xi32>
      %masked_cummax3A_2938 = tpu.scan <max>, %masked_cummax3A_2937 masked %broadcast_in_dim3A_2934 : vector<16xi32>, vector<16xi1> -> vector<16xi32>
      %masked_cummax3A_2939 = arith.xori %masked_cummax3A_2938, %masked_cummax3A_2936 : vector<16xi32>
      %max3A_2940 = vector.broadcast %squeeze3A_2930 : i32 to vector<16xi32>
      %max3A_2941 = arith.maxsi %masked_cummax3A_2939, %max3A_2940 : vector<16xi32>
      %swap3A_2942 = arith.constant 2 : i32
      %swap3A_2943 = arith.index_cast %swap3A_2942 : i32 to index
      %swap3A_2944 = arith.constant 96 : index
      %swap3A_2945 = tpu.vector_load %arg16[%swap3A_2943, %swap3A_2944] {strides = array<i32>} : memref<5x128xi32, #tpu.memory_space<vmem>>, vector<16xi32>,
      tpu.vector_store %arg16[%swap3A_2943, %swap3A_2944], %max3A_2941 {strides = array<i32>} : memref<5x128xi32, #tpu.memory_space<vmem>>, vector<16xi32>,
      %slice3A_2946 = vector.extract_strided_slice %max3A_2941 {offsets = [15], sizes = [1], strides = [1]} : vector<16xi32> to vector<1xi32>
      %squeeze3A_2947 = vector.extract %slice3A_2946[0] : i32 from vector<1xi32>
      %get3A_2948 = arith.constant 368 : index
      %get3A_2949 = tpu.vector_load %arg11[%get3A_2948] {strides = array<i32>} : memref<640xi32, #tpu.memory_space<vmem>>, vector<16xi32>,
      %broadcast_in_dim3A_2950 = arith.constant true
      %broadcast_in_dim3A_2951 = vector.broadcast %broadcast_in_dim3A_2950 : i1 to vector<16xi1>
      %masked_cummax3A_2952 = arith.constant -2147483648 : i32
      %masked_cummax3A_2953 = vector.broadcast %masked_cummax3A_2952 : i32 to vector<16xi32>
      %masked_cummax3A_2954 = arith.xori %get3A_2949, %masked_cummax3A_2953 : vector<16xi32>
      %masked_cummax3A_2955 = tpu.scan <max>, %masked_cummax3A_2954 masked %broadcast_in_dim3A_2951 : vector<16xi32>, vector<16xi1> -> vector<16xi32>
      %masked_cummax3A_2956 = arith.xori %masked_cummax3A_2955, %masked_cummax3A_2953 : vector<16xi32>
      %max3A_2957 = vector.broadcast %squeeze3A_2947 : i32 to vector<16xi32>
      %max3A_2958 = arith.maxsi %masked_cummax3A_2956, %max3A_2957 : vector<16xi32>
      %swap3A_2959 = arith.constant 2 : i32
      %swap3A_2960 = arith.index_cast %swap3A_2959 : i32 to index
      %swap3A_2961 = arith.constant 112 : index
      %swap3A_2962 = tpu.vector_load %arg16[%swap3A_2960, %swap3A_2961] {strides = array<i32>} : memref<5x128xi32, #tpu.memory_space<vmem>>, vector<16xi32>,
      tpu.vector_store %arg16[%swap3A_2960, %swap3A_2961], %max3A_2958 {strides = array<i32>} : memref<5x128xi32, #tpu.memory_space<vmem>>, vector<16xi32>,
      %slice3A_2963 = vector.extract_strided_slice %max3A_2958 {offsets = [15], sizes = [1], strides = [1]} : vector<16xi32> to vector<1xi32>
      %squeeze3A_2964 = vector.extract %slice3A_2963[0] : i32 from vector<1xi32>
      %get3A_2965 = arith.constant 384 : index
      %get3A_2966 = tpu.vector_load %arg11[%get3A_2965] {strides = array<i32>} : memref<640xi32, #tpu.memory_space<vmem>>, vector<16xi32>,
      %broadcast_in_dim3A_2967 = arith.constant true
      %broadcast_in_dim3A_2968 = vector.broadcast %broadcast_in_dim3A_2967 : i1 to vector<16xi1>
      %masked_cummax3A_2969 = arith.constant -2147483648 : i32
      %masked_cummax3A_2970 = vector.broadcast %masked_cummax3A_2969 : i32 to vector<16xi32>
      %masked_cummax3A_2971 = arith.xori %get3A_2966, %masked_cummax3A_2970 : vector<16xi32>
      %masked_cummax3A_2972 = tpu.scan <max>, %masked_cummax3A_2971 masked %broadcast_in_dim3A_2968 : vector<16xi32>, vector<16xi1> -> vector<16xi32>
      %masked_cummax3A_2973 = arith.xori %masked_cummax3A_2972, %masked_cummax3A_2970 : vector<16xi32>
      %max3A_2974 = vector.broadcast %squeeze3A_2964 : i32 to vector<16xi32>
      %max3A_2975 = arith.maxsi %masked_cummax3A_2973, %max3A_2974 : vector<16xi32>
      %swap3A_2976 = arith.constant 3 : i32
      %swap3A_2977 = arith.index_cast %swap3A_2976 : i32 to index
      %swap3A_2978 = arith.constant 0 : index
      %swap3A_2979 = tpu.vector_load %arg16[%swap3A_2977, %swap3A_2978] {strides = array<i32>} : memref<5x128xi32, #tpu.memory_space<vmem>>, vector<16xi32>,
      tpu.vector_store %arg16[%swap3A_2977, %swap3A_2978], %max3A_2975 {strides = array<i32>} : memref<5x128xi32, #tpu.memory_space<vmem>>, vector<16xi32>,
      %slice3A_2980 = vector.extract_strided_slice %max3A_2975 {offsets = [15], sizes = [1], strides = [1]} : vector<16xi32> to vector<1xi32>
      %squeeze3A_2981 = vector.extract %slice3A_2980[0] : i32 from vector<1xi32>
      %get3A_2982 = arith.constant 400 : index
      %get3A_2983 = tpu.vector_load %arg11[%get3A_2982] {strides = array<i32>} : memref<640xi32, #tpu.memory_space<vmem>>, vector<16xi32>,
      %broadcast_in_dim3A_2984 = arith.constant true
      %broadcast_in_dim3A_2985 = vector.broadcast %broadcast_in_dim3A_2984 : i1 to vector<16xi1>
      %masked_cummax3A_2986 = arith.constant -2147483648 : i32
      %masked_cummax3A_2987 = vector.broadcast %masked_cummax3A_2986 : i32 to vector<16xi32>
      %masked_cummax3A_2988 = arith.xori %get3A_2983, %masked_cummax3A_2987 : vector<16xi32>
      %masked_cummax3A_2989 = tpu.scan <max>, %masked_cummax3A_2988 masked %broadcast_in_dim3A_2985 : vector<16xi32>, vector<16xi1> -> vector<16xi32>
      %masked_cummax3A_2990 = arith.xori %masked_cummax3A_2989, %masked_cummax3A_2987 : vector<16xi32>
      %max3A_2991 = vector.broadcast %squeeze3A_2981 : i32 to vector<16xi32>
      %max3A_2992 = arith.maxsi %masked_cummax3A_2990, %max3A_2991 : vector<16xi32>
      %swap3A_2993 = arith.constant 3 : i32
      %swap3A_2994 = arith.index_cast %swap3A_2993 : i32 to index
      %swap3A_2995 = arith.constant 16 : index
      %swap3A_2996 = tpu.vector_load %arg16[%swap3A_2994, %swap3A_2995] {strides = array<i32>} : memref<5x128xi32, #tpu.memory_space<vmem>>, vector<16xi32>,
      tpu.vector_store %arg16[%swap3A_2994, %swap3A_2995], %max3A_2992 {strides = array<i32>} : memref<5x128xi32, #tpu.memory_space<vmem>>, vector<16xi32>,
      %slice3A_2997 = vector.extract_strided_slice %max3A_2992 {offsets = [15], sizes = [1], strides = [1]} : vector<16xi32> to vector<1xi32>
      %squeeze3A_2998 = vector.extract %slice3A_2997[0] : i32 from vector<1xi32>
      %get3A_2999 = arith.constant 416 : index
      %get3A_3000 = tpu.vector_load %arg11[%get3A_2999] {strides = array<i32>} : memref<640xi32, #tpu.memory_space<vmem>>, vector<16xi32>,
      %broadcast_in_dim3A_3001 = arith.constant true
      %broadcast_in_dim3A_3002 = vector.broadcast %broadcast_in_dim3A_3001 : i1 to vector<16xi1>
      %masked_cummax3A_3003 = arith.constant -2147483648 : i32
      %masked_cummax3A_3004 = vector.broadcast %masked_cummax3A_3003 : i32 to vector<16xi32>
      %masked_cummax3A_3005 = arith.xori %get3A_3000, %masked_cummax3A_3004 : vector<16xi32>
      %masked_cummax3A_3006 = tpu.scan <max>, %masked_cummax3A_3005 masked %broadcast_in_dim3A_3002 : vector<16xi32>, vector<16xi1> -> vector<16xi32>
      %masked_cummax3A_3007 = arith.xori %masked_cummax3A_3006, %masked_cummax3A_3004 : vector<16xi32>
      %max3A_3008 = vector.broadcast %squeeze3A_2998 : i32 to vector<16xi32>
      %max3A_3009 = arith.maxsi %masked_cummax3A_3007, %max3A_3008 : vector<16xi32>
      %swap3A_3010 = arith.constant 3 : i32
      %swap3A_3011 = arith.index_cast %swap3A_3010 : i32 to index
      %swap3A_3012 = arith.constant 32 : index
      %swap3A_3013 = tpu.vector_load %arg16[%swap3A_3011, %swap3A_3012] {strides = array<i32>} : memref<5x128xi32, #tpu.memory_space<vmem>>, vector<16xi32>,
      tpu.vector_store %arg16[%swap3A_3011, %swap3A_3012], %max3A_3009 {strides = array<i32>} : memref<5x128xi32, #tpu.memory_space<vmem>>, vector<16xi32>,
      %slice3A_3014 = vector.extract_strided_slice %max3A_3009 {offsets = [15], sizes = [1], strides = [1]} : vector<16xi32> to vector<1xi32>
      %squeeze3A_3015 = vector.extract %slice3A_3014[0] : i32 from vector<1xi32>
      %get3A_3016 = arith.constant 432 : index
      %get3A_3017 = tpu.vector_load %arg11[%get3A_3016] {strides = array<i32>} : memref<640xi32, #tpu.memory_space<vmem>>, vector<16xi32>,
      %broadcast_in_dim3A_3018 = arith.constant true
      %broadcast_in_dim3A_3019 = vector.broadcast %broadcast_in_dim3A_3018 : i1 to vector<16xi1>
      %masked_cummax3A_3020 = arith.constant -2147483648 : i32
      %masked_cummax3A_3021 = vector.broadcast %masked_cummax3A_3020 : i32 to vector<16xi32>
      %masked_cummax3A_3022 = arith.xori %get3A_3017, %masked_cummax3A_3021 : vector<16xi32>
      %masked_cummax3A_3023 = tpu.scan <max>, %masked_cummax3A_3022 masked %broadcast_in_dim3A_3019 : vector<16xi32>, vector<16xi1> -> vector<16xi32>
      %masked_cummax3A_3024 = arith.xori %masked_cummax3A_3023, %masked_cummax3A_3021 : vector<16xi32>
      %max3A_3025 = vector.broadcast %squeeze3A_3015 : i32 to vector<16xi32>
      %max3A_3026 = arith.maxsi %masked_cummax3A_3024, %max3A_3025 : vector<16xi32>
      %swap3A_3027 = arith.constant 3 : i32
      %swap3A_3028 = arith.index_cast %swap3A_3027 : i32 to index
      %swap3A_3029 = arith.constant 48 : index
      %swap3A_3030 = tpu.vector_load %arg16[%swap3A_3028, %swap3A_3029] {strides = array<i32>} : memref<5x128xi32, #tpu.memory_space<vmem>>, vector<16xi32>,
      tpu.vector_store %arg16[%swap3A_3028, %swap3A_3029], %max3A_3026 {strides = array<i32>} : memref<5x128xi32, #tpu.memory_space<vmem>>, vector<16xi32>,
      %slice3A_3031 = vector.extract_strided_slice %max3A_3026 {offsets = [15], sizes = [1], strides = [1]} : vector<16xi32> to vector<1xi32>
      %squeeze3A_3032 = vector.extract %slice3A_3031[0] : i32 from vector<1xi32>
      %get3A_3033 = arith.constant 448 : index
      %get3A_3034 = tpu.vector_load %arg11[%get3A_3033] {strides = array<i32>} : memref<640xi32, #tpu.memory_space<vmem>>, vector<16xi32>,
      %broadcast_in_dim3A_3035 = arith.constant true
      %broadcast_in_dim3A_3036 = vector.broadcast %broadcast_in_dim3A_3035 : i1 to vector<16xi1>
      %masked_cummax3A_3037 = arith.constant -2147483648 : i32
      %masked_cummax3A_3038 = vector.broadcast %masked_cummax3A_3037 : i32 to vector<16xi32>
      %masked_cummax3A_3039 = arith.xori %get3A_3034, %masked_cummax3A_3038 : vector<16xi32>
      %masked_cummax3A_3040 = tpu.scan <max>, %masked_cummax3A_3039 masked %broadcast_in_dim3A_3036 : vector<16xi32>, vector<16xi1> -> vector<16xi32>
      %masked_cummax3A_3041 = arith.xori %masked_cummax3A_3040, %masked_cummax3A_3038 : vector<16xi32>
      %max3A_3042 = vector.broadcast %squeeze3A_3032 : i32 to vector<16xi32>
      %max3A_3043 = arith.maxsi %masked_cummax3A_3041, %max3A_3042 : vector<16xi32>
      %swap3A_3044 = arith.constant 3 : i32
      %swap3A_3045 = arith.index_cast %swap3A_3044 : i32 to index
      %swap3A_3046 = arith.constant 64 : index
      %swap3A_3047 = tpu.vector_load %arg16[%swap3A_3045, %swap3A_3046] {strides = array<i32>} : memref<5x128xi32, #tpu.memory_space<vmem>>, vector<16xi32>,
      tpu.vector_store %arg16[%swap3A_3045, %swap3A_3046], %max3A_3043 {strides = array<i32>} : memref<5x128xi32, #tpu.memory_space<vmem>>, vector<16xi32>,
      %slice3A_3048 = vector.extract_strided_slice %max3A_3043 {offsets = [15], sizes = [1], strides = [1]} : vector<16xi32> to vector<1xi32>
      %squeeze3A_3049 = vector.extract %slice3A_3048[0] : i32 from vector<1xi32>
      %get3A_3050 = arith.constant 464 : index
      %get3A_3051 = tpu.vector_load %arg11[%get3A_3050] {strides = array<i32>} : memref<640xi32, #tpu.memory_space<vmem>>, vector<16xi32>,
      %broadcast_in_dim3A_3052 = arith.constant true
      %broadcast_in_dim3A_3053 = vector.broadcast %broadcast_in_dim3A_3052 : i1 to vector<16xi1>
      %masked_cummax3A_3054 = arith.constant -2147483648 : i32
      %masked_cummax3A_3055 = vector.broadcast %masked_cummax3A_3054 : i32 to vector<16xi32>
      %masked_cummax3A_3056 = arith.xori %get3A_3051, %masked_cummax3A_3055 : vector<16xi32>
      %masked_cummax3A_3057 = tpu.scan <max>, %masked_cummax3A_3056 masked %broadcast_in_dim3A_3053 : vector<16xi32>, vector<16xi1> -> vector<16xi32>
      %masked_cummax3A_3058 = arith.xori %masked_cummax3A_3057, %masked_cummax3A_3055 : vector<16xi32>
      %max3A_3059 = vector.broadcast %squeeze3A_3049 : i32 to vector<16xi32>
      %max3A_3060 = arith.maxsi %masked_cummax3A_3058, %max3A_3059 : vector<16xi32>
      %swap3A_3061 = arith.constant 3 : i32
      %swap3A_3062 = arith.index_cast %swap3A_3061 : i32 to index
      %swap3A_3063 = arith.constant 80 : index
      %swap3A_3064 = tpu.vector_load %arg16[%swap3A_3062, %swap3A_3063] {strides = array<i32>} : memref<5x128xi32, #tpu.memory_space<vmem>>, vector<16xi32>,
      tpu.vector_store %arg16[%swap3A_3062, %swap3A_3063], %max3A_3060 {strides = array<i32>} : memref<5x128xi32, #tpu.memory_space<vmem>>, vector<16xi32>,
      %slice3A_3065 = vector.extract_strided_slice %max3A_3060 {offsets = [15], sizes = [1], strides = [1]} : vector<16xi32> to vector<1xi32>
      %squeeze3A_3066 = vector.extract %slice3A_3065[0] : i32 from vector<1xi32>
      %get3A_3067 = arith.constant 480 : index
      %get3A_3068 = tpu.vector_load %arg11[%get3A_3067] {strides = array<i32>} : memref<640xi32, #tpu.memory_space<vmem>>, vector<16xi32>,
      %broadcast_in_dim3A_3069 = arith.constant true
      %broadcast_in_dim3A_3070 = vector.broadcast %broadcast_in_dim3A_3069 : i1 to vector<16xi1>
      %masked_cummax3A_3071 = arith.constant -2147483648 : i32
      %masked_cummax3A_3072 = vector.broadcast %masked_cummax3A_3071 : i32 to vector<16xi32>
      %masked_cummax3A_3073 = arith.xori %get3A_3068, %masked_cummax3A_3072 : vector<16xi32>
      %masked_cummax3A_3074 = tpu.scan <max>, %masked_cummax3A_3073 masked %broadcast_in_dim3A_3070 : vector<16xi32>, vector<16xi1> -> vector<16xi32>
      %masked_cummax3A_3075 = arith.xori %masked_cummax3A_3074, %masked_cummax3A_3072 : vector<16xi32>
      %max3A_3076 = vector.broadcast %squeeze3A_3066 : i32 to vector<16xi32>
      %max3A_3077 = arith.maxsi %masked_cummax3A_3075, %max3A_3076 : vector<16xi32>
      %swap3A_3078 = arith.constant 3 : i32
      %swap3A_3079 = arith.index_cast %swap3A_3078 : i32 to index
      %swap3A_3080 = arith.constant 96 : index
      %swap3A_3081 = tpu.vector_load %arg16[%swap3A_3079, %swap3A_3080] {strides = array<i32>} : memref<5x128xi32, #tpu.memory_space<vmem>>, vector<16xi32>,
      tpu.vector_store %arg16[%swap3A_3079, %swap3A_3080], %max3A_3077 {strides = array<i32>} : memref<5x128xi32, #tpu.memory_space<vmem>>, vector<16xi32>,
      %slice3A_3082 = vector.extract_strided_slice %max3A_3077 {offsets = [15], sizes = [1], strides = [1]} : vector<16xi32> to vector<1xi32>
      %squeeze3A_3083 = vector.extract %slice3A_3082[0] : i32 from vector<1xi32>
      %get3A_3084 = arith.constant 496 : index
      %get3A_3085 = tpu.vector_load %arg11[%get3A_3084] {strides = array<i32>} : memref<640xi32, #tpu.memory_space<vmem>>, vector<16xi32>,
      %broadcast_in_dim3A_3086 = arith.constant true
      %broadcast_in_dim3A_3087 = vector.broadcast %broadcast_in_dim3A_3086 : i1 to vector<16xi1>
      %masked_cummax3A_3088 = arith.constant -2147483648 : i32
      %masked_cummax3A_3089 = vector.broadcast %masked_cummax3A_3088 : i32 to vector<16xi32>
      %masked_cummax3A_3090 = arith.xori %get3A_3085, %masked_cummax3A_3089 : vector<16xi32>
      %masked_cummax3A_3091 = tpu.scan <max>, %masked_cummax3A_3090 masked %broadcast_in_dim3A_3087 : vector<16xi32>, vector<16xi1> -> vector<16xi32>
      %masked_cummax3A_3092 = arith.xori %masked_cummax3A_3091, %masked_cummax3A_3089 : vector<16xi32>
      %max3A_3093 = vector.broadcast %squeeze3A_3083 : i32 to vector<16xi32>
      %max3A_3094 = arith.maxsi %masked_cummax3A_3092, %max3A_3093 : vector<16xi32>
      %swap3A_3095 = arith.constant 3 : i32
      %swap3A_3096 = arith.index_cast %swap3A_3095 : i32 to index
      %swap3A_3097 = arith.constant 112 : index
      %swap3A_3098 = tpu.vector_load %arg16[%swap3A_3096, %swap3A_3097] {strides = array<i32>} : memref<5x128xi32, #tpu.memory_space<vmem>>, vector<16xi32>,
      tpu.vector_store %arg16[%swap3A_3096, %swap3A_3097], %max3A_3094 {strides = array<i32>} : memref<5x128xi32, #tpu.memory_space<vmem>>, vector<16xi32>,
      %slice3A_3099 = vector.extract_strided_slice %max3A_3094 {offsets = [15], sizes = [1], strides = [1]} : vector<16xi32> to vector<1xi32>
      %squeeze3A_3100 = vector.extract %slice3A_3099[0] : i32 from vector<1xi32>
      %get3A_3101 = arith.constant 512 : index
      %get3A_3102 = tpu.vector_load %arg11[%get3A_3101] {strides = array<i32>} : memref<640xi32, #tpu.memory_space<vmem>>, vector<16xi32>,
      %broadcast_in_dim3A_3103 = arith.constant true
      %broadcast_in_dim3A_3104 = vector.broadcast %broadcast_in_dim3A_3103 : i1 to vector<16xi1>
      %masked_cummax3A_3105 = arith.constant -2147483648 : i32
      %masked_cummax3A_3106 = vector.broadcast %masked_cummax3A_3105 : i32 to vector<16xi32>
      %masked_cummax3A_3107 = arith.xori %get3A_3102, %masked_cummax3A_3106 : vector<16xi32>
      %masked_cummax3A_3108 = tpu.scan <max>, %masked_cummax3A_3107 masked %broadcast_in_dim3A_3104 : vector<16xi32>, vector<16xi1> -> vector<16xi32>
      %masked_cummax3A_3109 = arith.xori %masked_cummax3A_3108, %masked_cummax3A_3106 : vector<16xi32>
      %max3A_3110 = vector.broadcast %squeeze3A_3100 : i32 to vector<16xi32>
      %max3A_3111 = arith.maxsi %masked_cummax3A_3109, %max3A_3110 : vector<16xi32>
      %swap3A_3112 = arith.constant 4 : i32
      %swap3A_3113 = arith.index_cast %swap3A_3112 : i32 to index
      %swap3A_3114 = arith.constant 0 : index
      %swap3A_3115 = tpu.vector_load %arg16[%swap3A_3113, %swap3A_3114] {strides = array<i32>} : memref<5x128xi32, #tpu.memory_space<vmem>>, vector<16xi32>,
      tpu.vector_store %arg16[%swap3A_3113, %swap3A_3114], %max3A_3111 {strides = array<i32>} : memref<5x128xi32, #tpu.memory_space<vmem>>, vector<16xi32>,
      %slice3A_3116 = vector.extract_strided_slice %max3A_3111 {offsets = [15], sizes = [1], strides = [1]} : vector<16xi32> to vector<1xi32>
      %squeeze3A_3117 = vector.extract %slice3A_3116[0] : i32 from vector<1xi32>
      %get3A_3118 = arith.constant 528 : index
      %get3A_3119 = tpu.vector_load %arg11[%get3A_3118] {strides = array<i32>} : memref<640xi32, #tpu.memory_space<vmem>>, vector<16xi32>,
      %broadcast_in_dim3A_3120 = arith.constant true
      %broadcast_in_dim3A_3121 = vector.broadcast %broadcast_in_dim3A_3120 : i1 to vector<16xi1>
      %masked_cummax3A_3122 = arith.constant -2147483648 : i32
      %masked_cummax3A_3123 = vector.broadcast %masked_cummax3A_3122 : i32 to vector<16xi32>
      %masked_cummax3A_3124 = arith.xori %get3A_3119, %masked_cummax3A_3123 : vector<16xi32>
      %masked_cummax3A_3125 = tpu.scan <max>, %masked_cummax3A_3124 masked %broadcast_in_dim3A_3121 : vector<16xi32>, vector<16xi1> -> vector<16xi32>
      %masked_cummax3A_3126 = arith.xori %masked_cummax3A_3125, %masked_cummax3A_3123 : vector<16xi32>
      %max3A_3127 = vector.broadcast %squeeze3A_3117 : i32 to vector<16xi32>
      %max3A_3128 = arith.maxsi %masked_cummax3A_3126, %max3A_3127 : vector<16xi32>
      %swap3A_3129 = arith.constant 4 : i32
      %swap3A_3130 = arith.index_cast %swap3A_3129 : i32 to index
      %swap3A_3131 = arith.constant 16 : index
      %swap3A_3132 = tpu.vector_load %arg16[%swap3A_3130, %swap3A_3131] {strides = array<i32>} : memref<5x128xi32, #tpu.memory_space<vmem>>, vector<16xi32>,
      tpu.vector_store %arg16[%swap3A_3130, %swap3A_3131], %max3A_3128 {strides = array<i32>} : memref<5x128xi32, #tpu.memory_space<vmem>>, vector<16xi32>,
      %slice3A_3133 = vector.extract_strided_slice %max3A_3128 {offsets = [15], sizes = [1], strides = [1]} : vector<16xi32> to vector<1xi32>
      %squeeze3A_3134 = vector.extract %slice3A_3133[0] : i32 from vector<1xi32>
      %get3A_3135 = arith.constant 544 : index
      %get3A_3136 = tpu.vector_load %arg11[%get3A_3135] {strides = array<i32>} : memref<640xi32, #tpu.memory_space<vmem>>, vector<16xi32>,
      %broadcast_in_dim3A_3137 = arith.constant true
      %broadcast_in_dim3A_3138 = vector.broadcast %broadcast_in_dim3A_3137 : i1 to vector<16xi1>
      %masked_cummax3A_3139 = arith.constant -2147483648 : i32
      %masked_cummax3A_3140 = vector.broadcast %masked_cummax3A_3139 : i32 to vector<16xi32>
      %masked_cummax3A_3141 = arith.xori %get3A_3136, %masked_cummax3A_3140 : vector<16xi32>
      %masked_cummax3A_3142 = tpu.scan <max>, %masked_cummax3A_3141 masked %broadcast_in_dim3A_3138 : vector<16xi32>, vector<16xi1> -> vector<16xi32>
      %masked_cummax3A_3143 = arith.xori %masked_cummax3A_3142, %masked_cummax3A_3140 : vector<16xi32>
      %max3A_3144 = vector.broadcast %squeeze3A_3134 : i32 to vector<16xi32>
      %max3A_3145 = arith.maxsi %masked_cummax3A_3143, %max3A_3144 : vector<16xi32>
      %swap3A_3146 = arith.constant 4 : i32
      %swap3A_3147 = arith.index_cast %swap3A_3146 : i32 to index
      %swap3A_3148 = arith.constant 32 : index
      %swap3A_3149 = tpu.vector_load %arg16[%swap3A_3147, %swap3A_3148] {strides = array<i32>} : memref<5x128xi32, #tpu.memory_space<vmem>>, vector<16xi32>,
      tpu.vector_store %arg16[%swap3A_3147, %swap3A_3148], %max3A_3145 {strides = array<i32>} : memref<5x128xi32, #tpu.memory_space<vmem>>, vector<16xi32>,
      %slice3A_3150 = vector.extract_strided_slice %max3A_3145 {offsets = [15], sizes = [1], strides = [1]} : vector<16xi32> to vector<1xi32>
      %squeeze3A_3151 = vector.extract %slice3A_3150[0] : i32 from vector<1xi32>
      %get3A_3152 = arith.constant 560 : index
      %get3A_3153 = tpu.vector_load %arg11[%get3A_3152] {strides = array<i32>} : memref<640xi32, #tpu.memory_space<vmem>>, vector<16xi32>,
      %broadcast_in_dim3A_3154 = arith.constant true
      %broadcast_in_dim3A_3155 = vector.broadcast %broadcast_in_dim3A_3154 : i1 to vector<16xi1>
      %masked_cummax3A_3156 = arith.constant -2147483648 : i32
      %masked_cummax3A_3157 = vector.broadcast %masked_cummax3A_3156 : i32 to vector<16xi32>
      %masked_cummax3A_3158 = arith.xori %get3A_3153, %masked_cummax3A_3157 : vector<16xi32>
      %masked_cummax3A_3159 = tpu.scan <max>, %masked_cummax3A_3158 masked %broadcast_in_dim3A_3155 : vector<16xi32>, vector<16xi1> -> vector<16xi32>
      %masked_cummax3A_3160 = arith.xori %masked_cummax3A_3159, %masked_cummax3A_3157 : vector<16xi32>
      %max3A_3161 = vector.broadcast %squeeze3A_3151 : i32 to vector<16xi32>
      %max3A_3162 = arith.maxsi %masked_cummax3A_3160, %max3A_3161 : vector<16xi32>
      %swap3A_3163 = arith.constant 4 : i32
      %swap3A_3164 = arith.index_cast %swap3A_3163 : i32 to index
      %swap3A_3165 = arith.constant 48 : index
      %swap3A_3166 = tpu.vector_load %arg16[%swap3A_3164, %swap3A_3165] {strides = array<i32>} : memref<5x128xi32, #tpu.memory_space<vmem>>, vector<16xi32>,
      tpu.vector_store %arg16[%swap3A_3164, %swap3A_3165], %max3A_3162 {strides = array<i32>} : memref<5x128xi32, #tpu.memory_space<vmem>>, vector<16xi32>,
      %slice3A_3167 = vector.extract_strided_slice %max3A_3162 {offsets = [15], sizes = [1], strides = [1]} : vector<16xi32> to vector<1xi32>
      %squeeze3A_3168 = vector.extract %slice3A_3167[0] : i32 from vector<1xi32>
      %get3A_3169 = arith.constant 576 : index
      %get3A_3170 = tpu.vector_load %arg11[%get3A_3169] {strides = array<i32>} : memref<640xi32, #tpu.memory_space<vmem>>, vector<16xi32>,
      %broadcast_in_dim3A_3171 = arith.constant true
      %broadcast_in_dim3A_3172 = vector.broadcast %broadcast_in_dim3A_3171 : i1 to vector<16xi1>
      %masked_cummax3A_3173 = arith.constant -2147483648 : i32
      %masked_cummax3A_3174 = vector.broadcast %masked_cummax3A_3173 : i32 to vector<16xi32>
      %masked_cummax3A_3175 = arith.xori %get3A_3170, %masked_cummax3A_3174 : vector<16xi32>
      %masked_cummax3A_3176 = tpu.scan <max>, %masked_cummax3A_3175 masked %broadcast_in_dim3A_3172 : vector<16xi32>, vector<16xi1> -> vector<16xi32>
      %masked_cummax3A_3177 = arith.xori %masked_cummax3A_3176, %masked_cummax3A_3174 : vector<16xi32>
      %max3A_3178 = vector.broadcast %squeeze3A_3168 : i32 to vector<16xi32>
      %max3A_3179 = arith.maxsi %masked_cummax3A_3177, %max3A_3178 : vector<16xi32>
      %swap3A_3180 = arith.constant 4 : i32
      %swap3A_3181 = arith.index_cast %swap3A_3180 : i32 to index
      %swap3A_3182 = arith.constant 64 : index
      %swap3A_3183 = tpu.vector_load %arg16[%swap3A_3181, %swap3A_3182] {strides = array<i32>} : memref<5x128xi32, #tpu.memory_space<vmem>>, vector<16xi32>,
      tpu.vector_store %arg16[%swap3A_3181, %swap3A_3182], %max3A_3179 {strides = array<i32>} : memref<5x128xi32, #tpu.memory_space<vmem>>, vector<16xi32>,
      %slice3A_3184 = vector.extract_strided_slice %max3A_3179 {offsets = [15], sizes = [1], strides = [1]} : vector<16xi32> to vector<1xi32>
      %squeeze3A_3185 = vector.extract %slice3A_3184[0] : i32 from vector<1xi32>
      %get3A_3186 = arith.constant 592 : index
      %get3A_3187 = tpu.vector_load %arg11[%get3A_3186] {strides = array<i32>} : memref<640xi32, #tpu.memory_space<vmem>>, vector<16xi32>,
      %broadcast_in_dim3A_3188 = arith.constant true
      %broadcast_in_dim3A_3189 = vector.broadcast %broadcast_in_dim3A_3188 : i1 to vector<16xi1>
      %masked_cummax3A_3190 = arith.constant -2147483648 : i32
      %masked_cummax3A_3191 = vector.broadcast %masked_cummax3A_3190 : i32 to vector<16xi32>
      %masked_cummax3A_3192 = arith.xori %get3A_3187, %masked_cummax3A_3191 : vector<16xi32>
      %masked_cummax3A_3193 = tpu.scan <max>, %masked_cummax3A_3192 masked %broadcast_in_dim3A_3189 : vector<16xi32>, vector<16xi1> -> vector<16xi32>
      %masked_cummax3A_3194 = arith.xori %masked_cummax3A_3193, %masked_cummax3A_3191 : vector<16xi32>
      %max3A_3195 = vector.broadcast %squeeze3A_3185 : i32 to vector<16xi32>
      %max3A_3196 = arith.maxsi %masked_cummax3A_3194, %max3A_3195 : vector<16xi32>
      %swap3A_3197 = arith.constant 4 : i32
      %swap3A_3198 = arith.index_cast %swap3A_3197 : i32 to index
      %swap3A_3199 = arith.constant 80 : index
      %swap3A_3200 = tpu.vector_load %arg16[%swap3A_3198, %swap3A_3199] {strides = array<i32>} : memref<5x128xi32, #tpu.memory_space<vmem>>, vector<16xi32>,
      tpu.vector_store %arg16[%swap3A_3198, %swap3A_3199], %max3A_3196 {strides = array<i32>} : memref<5x128xi32, #tpu.memory_space<vmem>>, vector<16xi32>,
      %slice3A_3201 = vector.extract_strided_slice %max3A_3196 {offsets = [15], sizes = [1], strides = [1]} : vector<16xi32> to vector<1xi32>
      %squeeze3A_3202 = vector.extract %slice3A_3201[0] : i32 from vector<1xi32>
      %get3A_3203 = arith.constant 608 : index
      %get3A_3204 = tpu.vector_load %arg11[%get3A_3203] {strides = array<i32>} : memref<640xi32, #tpu.memory_space<vmem>>, vector<16xi32>,
      %broadcast_in_dim3A_3205 = arith.constant true
      %broadcast_in_dim3A_3206 = vector.broadcast %broadcast_in_dim3A_3205 : i1 to vector<16xi1>
      %masked_cummax3A_3207 = arith.constant -2147483648 : i32
      %masked_cummax3A_3208 = vector.broadcast %masked_cummax3A_3207 : i32 to vector<16xi32>
      %masked_cummax3A_3209 = arith.xori %get3A_3204, %masked_cummax3A_3208 : vector<16xi32>
      %masked_cummax3A_3210 = tpu.scan <max>, %masked_cummax3A_3209 masked %broadcast_in_dim3A_3206 : vector<16xi32>, vector<16xi1> -> vector<16xi32>
      %masked_cummax3A_3211 = arith.xori %masked_cummax3A_3210, %masked_cummax3A_3208 : vector<16xi32>
      %max3A_3212 = vector.broadcast %squeeze3A_3202 : i32 to vector<16xi32>
      %max3A_3213 = arith.maxsi %masked_cummax3A_3211, %max3A_3212 : vector<16xi32>
      %swap3A_3214 = arith.constant 4 : i32
      %swap3A_3215 = arith.index_cast %swap3A_3214 : i32 to index
      %swap3A_3216 = arith.constant 96 : index
      %swap3A_3217 = tpu.vector_load %arg16[%swap3A_3215, %swap3A_3216] {strides = array<i32>} : memref<5x128xi32, #tpu.memory_space<vmem>>, vector<16xi32>,
      tpu.vector_store %arg16[%swap3A_3215, %swap3A_3216], %max3A_3213 {strides = array<i32>} : memref<5x128xi32, #tpu.memory_space<vmem>>, vector<16xi32>,
      %slice3A_3218 = vector.extract_strided_slice %max3A_3213 {offsets = [15], sizes = [1], strides = [1]} : vector<16xi32> to vector<1xi32>
      %squeeze3A_3219 = vector.extract %slice3A_3218[0] : i32 from vector<1xi32>
      %get3A_3220 = arith.constant 624 : index
      %get3A_3221 = tpu.vector_load %arg11[%get3A_3220] {strides = array<i32>} : memref<640xi32, #tpu.memory_space<vmem>>, vector<16xi32>,
      %broadcast_in_dim3A_3222 = arith.constant true
      %broadcast_in_dim3A_3223 = vector.broadcast %broadcast_in_dim3A_3222 : i1 to vector<16xi1>
      %masked_cummax3A_3224 = arith.constant -2147483648 : i32
      %masked_cummax3A_3225 = vector.broadcast %masked_cummax3A_3224 : i32 to vector<16xi32>
      %masked_cummax3A_3226 = arith.xori %get3A_3221, %masked_cummax3A_3225 : vector<16xi32>
      %masked_cummax3A_3227 = tpu.scan <max>, %masked_cummax3A_3226 masked %broadcast_in_dim3A_3223 : vector<16xi32>, vector<16xi1> -> vector<16xi32>
      %masked_cummax3A_3228 = arith.xori %masked_cummax3A_3227, %masked_cummax3A_3225 : vector<16xi32>
      %max3A_3229 = vector.broadcast %squeeze3A_3219 : i32 to vector<16xi32>
      %max3A_3230 = arith.maxsi %masked_cummax3A_3228, %max3A_3229 : vector<16xi32>
      %swap3A_3231 = arith.constant 4 : i32
      %swap3A_3232 = arith.index_cast %swap3A_3231 : i32 to index
      %swap3A_3233 = arith.constant 112 : index
      %swap3A_3234 = tpu.vector_load %arg16[%swap3A_3232, %swap3A_3233] {strides = array<i32>} : memref<5x128xi32, #tpu.memory_space<vmem>>, vector<16xi32>,
      tpu.vector_store %arg16[%swap3A_3232, %swap3A_3233], %max3A_3230 {strides = array<i32>} : memref<5x128xi32, #tpu.memory_space<vmem>>, vector<16xi32>,
      %slice3A_3235 = vector.extract_strided_slice %max3A_3230 {offsets = [15], sizes = [1], strides = [1]} : vector<16xi32> to vector<1xi32>
      %squeeze3A_3236 = vector.extract %slice3A_3235[0] : i32 from vector<1xi32>
      %add3A_3237 = arith.constant 1 : i32
      %add3A_3238 = arith.addi %add3A_2256, %add3A_3237 : i32
      %lt3A_3239 = arith.constant 40 : i32
      %lt3A_3240 = arith.cmpi slt, %add3A_3238, %lt3A_3239 : i32
      %convert_element_type3A_3241 = arith.extui %lt3A_3240 : i1 to i32
      %cond3A_3242 = arith.constant 0 : i32
      %cond3A_3243 = arith.cmpi ne, %convert_element_type3A_3241, %cond3A_3242 : i32
      scf.if %cond3A_3243 {
        %add3A_3344 = arith.constant 1 : i32
        %add3A_3345 = arith.addi %add3A_2256, %add3A_3344 : i32
        %mul3A_3346 = arith.constant 640 : i32
        %mul3A_3347 = arith.muli %add3A_3345, %mul3A_3346 : i32
        %add3A_3348 = arith.addi %mul3A_2, %mul3A_3347 : i32
        %add3A_3349 = arith.constant 0 : i32
        %add3A_3350 = arith.addi %add3A_3348, %add3A_3349 : i32
        %dma_start3A_3351 = arith.constant 0 : i32
        %dma_start3A_3352 = arith.constant 0 : i32
        %dma_start3A_3353 = tpu.memref_slice %arg8[%dma_start3A_3351, %dma_start3A_3352] : memref<5x128xi32, #tpu.memory_space<vmem>> -> memref<1x128xi32, #tpu.memory_space<vmem>>
        %dma_start3A_3354 = tpu.memref_squeeze %dma_start3A_3353 : memref<1x128xi32, #tpu.memory_space<vmem>> -> memref<128xi32, #tpu.memory_space<vmem>>
        %dma_start3A_3355 = tpu.memref_slice %arg2[%add3A_3350] : memref<819200xi32, #tpu.memory_space<hbm>> -> memref<128xi32, #tpu.memory_space<hbm>>
        %dma_start3A_3356 = arith.constant 0 : i32
        %dma_start3A_3357 = tpu.memref_slice %arg8[%dma_start3A_3351, %dma_start3A_3356] : memref<5x128xi32, #tpu.memory_space<vmem>> -> memref<1x128xi32, #tpu.memory_space<vmem>>
        %dma_start3A_3358 = tpu.memref_squeeze %dma_start3A_3357 : memref<1x128xi32, #tpu.memory_space<vmem>> -> memref<128xi32, #tpu.memory_space<vmem>>
        %dma_start3A_3359 = tpu.memref_slice %arg2[%add3A_3350] : memref<819200xi32, #tpu.memory_space<hbm>> -> memref<128xi32, #tpu.memory_space<hbm>>
        tpu.enqueue_dma source(%dma_start3A_3359 : memref<128xi32, #tpu.memory_space<hbm>>) target(%dma_start3A_3358 : memref<128xi32, #tpu.memory_space<vmem>>) target_semaphore(%arg10 : memref<!tpu.dma_semaphore, #tpu.memory_space<semaphore_mem>>)
        %add3A_3360 = arith.constant 128 : i32
        %add3A_3361 = arith.addi %add3A_3348, %add3A_3360 : i32
        %dma_start3A_3362 = arith.constant 1 : i32
        %dma_start3A_3363 = arith.constant 0 : i32
        %dma_start3A_3364 = tpu.memref_slice %arg8[%dma_start3A_3362, %dma_start3A_3363] : memref<5x128xi32, #tpu.memory_space<vmem>> -> memref<1x128xi32, #tpu.memory_space<vmem>>
        %dma_start3A_3365 = tpu.memref_squeeze %dma_start3A_3364 : memref<1x128xi32, #tpu.memory_space<vmem>> -> memref<128xi32, #tpu.memory_space<vmem>>
        %dma_start3A_3366 = tpu.memref_slice %arg2[%add3A_3361] : memref<819200xi32, #tpu.memory_space<hbm>> -> memref<128xi32, #tpu.memory_space<hbm>>
        %dma_start3A_3367 = arith.constant 0 : i32
        %dma_start3A_3368 = tpu.memref_slice %arg8[%dma_start3A_3362, %dma_start3A_3367] : memref<5x128xi32, #tpu.memory_space<vmem>> -> memref<1x128xi32, #tpu.memory_space<vmem>>
        %dma_start3A_3369 = tpu.memref_squeeze %dma_start3A_3368 : memref<1x128xi32, #tpu.memory_space<vmem>> -> memref<128xi32, #tpu.memory_space<vmem>>
        %dma_start3A_3370 = tpu.memref_slice %arg2[%add3A_3361] : memref<819200xi32, #tpu.memory_space<hbm>> -> memref<128xi32, #tpu.memory_space<hbm>>
        tpu.enqueue_dma source(%dma_start3A_3370 : memref<128xi32, #tpu.memory_space<hbm>>) target(%dma_start3A_3369 : memref<128xi32, #tpu.memory_space<vmem>>) target_semaphore(%arg10 : memref<!tpu.dma_semaphore, #tpu.memory_space<semaphore_mem>>)
        %add3A_3371 = arith.constant 256 : i32
        %add3A_3372 = arith.addi %add3A_3348, %add3A_3371 : i32
        %dma_start3A_3373 = arith.constant 2 : i32
        %dma_start3A_3374 = arith.constant 0 : i32
        %dma_start3A_3375 = tpu.memref_slice %arg8[%dma_start3A_3373, %dma_start3A_3374] : memref<5x128xi32, #tpu.memory_space<vmem>> -> memref<1x128xi32, #tpu.memory_space<vmem>>
        %dma_start3A_3376 = tpu.memref_squeeze %dma_start3A_3375 : memref<1x128xi32, #tpu.memory_space<vmem>> -> memref<128xi32, #tpu.memory_space<vmem>>
        %dma_start3A_3377 = tpu.memref_slice %arg2[%add3A_3372] : memref<819200xi32, #tpu.memory_space<hbm>> -> memref<128xi32, #tpu.memory_space<hbm>>
        %dma_start3A_3378 = arith.constant 0 : i32
        %dma_start3A_3379 = tpu.memref_slice %arg8[%dma_start3A_3373, %dma_start3A_3378] : memref<5x128xi32, #tpu.memory_space<vmem>> -> memref<1x128xi32, #tpu.memory_space<vmem>>
        %dma_start3A_3380 = tpu.memref_squeeze %dma_start3A_3379 : memref<1x128xi32, #tpu.memory_space<vmem>> -> memref<128xi32, #tpu.memory_space<vmem>>
        %dma_start3A_3381 = tpu.memref_slice %arg2[%add3A_3372] : memref<819200xi32, #tpu.memory_space<hbm>> -> memref<128xi32, #tpu.memory_space<hbm>>
        tpu.enqueue_dma source(%dma_start3A_3381 : memref<128xi32, #tpu.memory_space<hbm>>) target(%dma_start3A_3380 : memref<128xi32, #tpu.memory_space<vmem>>) target_semaphore(%arg10 : memref<!tpu.dma_semaphore, #tpu.memory_space<semaphore_mem>>)
        %add3A_3382 = arith.constant 384 : i32
        %add3A_3383 = arith.addi %add3A_3348, %add3A_3382 : i32
        %dma_start3A_3384 = arith.constant 3 : i32
        %dma_start3A_3385 = arith.constant 0 : i32
        %dma_start3A_3386 = tpu.memref_slice %arg8[%dma_start3A_3384, %dma_start3A_3385] : memref<5x128xi32, #tpu.memory_space<vmem>> -> memref<1x128xi32, #tpu.memory_space<vmem>>
        %dma_start3A_3387 = tpu.memref_squeeze %dma_start3A_3386 : memref<1x128xi32, #tpu.memory_space<vmem>> -> memref<128xi32, #tpu.memory_space<vmem>>
        %dma_start3A_3388 = tpu.memref_slice %arg2[%add3A_3383] : memref<819200xi32, #tpu.memory_space<hbm>> -> memref<128xi32, #tpu.memory_space<hbm>>
        %dma_start3A_3389 = arith.constant 0 : i32
        %dma_start3A_3390 = tpu.memref_slice %arg8[%dma_start3A_3384, %dma_start3A_3389] : memref<5x128xi32, #tpu.memory_space<vmem>> -> memref<1x128xi32, #tpu.memory_space<vmem>>
        %dma_start3A_3391 = tpu.memref_squeeze %dma_start3A_3390 : memref<1x128xi32, #tpu.memory_space<vmem>> -> memref<128xi32, #tpu.memory_space<vmem>>
        %dma_start3A_3392 = tpu.memref_slice %arg2[%add3A_3383] : memref<819200xi32, #tpu.memory_space<hbm>> -> memref<128xi32, #tpu.memory_space<hbm>>
        tpu.enqueue_dma source(%dma_start3A_3392 : memref<128xi32, #tpu.memory_space<hbm>>) target(%dma_start3A_3391 : memref<128xi32, #tpu.memory_space<vmem>>) target_semaphore(%arg10 : memref<!tpu.dma_semaphore, #tpu.memory_space<semaphore_mem>>)
        %add3A_3393 = arith.constant 512 : i32
        %add3A_3394 = arith.addi %add3A_3348, %add3A_3393 : i32
        %dma_start3A_3395 = arith.constant 4 : i32
        %dma_start3A_3396 = arith.constant 0 : i32
        %dma_start3A_3397 = tpu.memref_slice %arg8[%dma_start3A_3395, %dma_start3A_3396] : memref<5x128xi32, #tpu.memory_space<vmem>> -> memref<1x128xi32, #tpu.memory_space<vmem>>
        %dma_start3A_3398 = tpu.memref_squeeze %dma_start3A_3397 : memref<1x128xi32, #tpu.memory_space<vmem>> -> memref<128xi32, #tpu.memory_space<vmem>>
        %dma_start3A_3399 = tpu.memref_slice %arg2[%add3A_3394] : memref<819200xi32, #tpu.memory_space<hbm>> -> memref<128xi32, #tpu.memory_space<hbm>>
        %dma_start3A_3400 = arith.constant 0 : i32
        %dma_start3A_3401 = tpu.memref_slice %arg8[%dma_start3A_3395, %dma_start3A_3400] : memref<5x128xi32, #tpu.memory_space<vmem>> -> memref<1x128xi32, #tpu.memory_space<vmem>>
        %dma_start3A_3402 = tpu.memref_squeeze %dma_start3A_3401 : memref<1x128xi32, #tpu.memory_space<vmem>> -> memref<128xi32, #tpu.memory_space<vmem>>
        %dma_start3A_3403 = tpu.memref_slice %arg2[%add3A_3394] : memref<819200xi32, #tpu.memory_space<hbm>> -> memref<128xi32, #tpu.memory_space<hbm>>
        tpu.enqueue_dma source(%dma_start3A_3403 : memref<128xi32, #tpu.memory_space<hbm>>) target(%dma_start3A_3402 : memref<128xi32, #tpu.memory_space<vmem>>) target_semaphore(%arg10 : memref<!tpu.dma_semaphore, #tpu.memory_space<semaphore_mem>>)
      } else {
      }
      %dma_wait3A_3244 = arith.constant 0 : i32
      %dma_wait3A_3245 = arith.constant 0 : i32
      %dma_wait3A_3246 = arith.constant 0 : i32
      %dma_wait3A_3247 = tpu.memref_slice %arg14[%dma_wait3A_3245, %dma_wait3A_3246] : memref<640x32xf32, #tpu.memory_space<vmem>> -> memref<128x32xf32, #tpu.memory_space<vmem>>
      %dma_wait3A_3248 = arith.constant 0 : i32
      %dma_wait3A_3249 = tpu.memref_slice %arg9[%dma_wait3A_3244, %dma_wait3A_3248] : memref<5x128xi32, #tpu.memory_space<vmem>> -> memref<1x128xi32, #tpu.memory_space<vmem>>
      %dma_wait3A_3250 = tpu.memref_squeeze %dma_wait3A_3249 : memref<1x128xi32, #tpu.memory_space<vmem>> -> memref<128xi32, #tpu.memory_space<vmem>>
      %dma_wait3A_3251 = arith.constant 0 : i32
      %dma_wait3A_3252 = arith.constant 0 : i32
      %dma_wait3A_3253 = tpu.memref_slice %arg4[%dma_wait3A_3251, %dma_wait3A_3252] : memref<1000000x32xf32, #tpu.memory_space<hbm>> -> memref<1000000x32xf32, #tpu.memory_space<hbm>>
      tpu.wait_indirect_dma semaphore(%arg7 : memref<!tpu.dma_semaphore, #tpu.memory_space<semaphore_mem>>) src(%dma_wait3A_3253 : memref<1000000x32xf32, #tpu.memory_space<hbm>>) dst(%dma_wait3A_3247 : memref<128x32xf32, #tpu.memory_space<vmem>>)
      %dma_wait3A_3254 = arith.constant 1 : i32
      %dma_wait3A_3255 = arith.constant 128 : i32
      %dma_wait3A_3256 = arith.constant 0 : i32
      %dma_wait3A_3257 = tpu.memref_slice %arg14[%dma_wait3A_3255, %dma_wait3A_3256] : memref<640x32xf32, #tpu.memory_space<vmem>> -> memref<128x32xf32, #tpu.memory_space<vmem>>
      %dma_wait3A_3258 = arith.constant 0 : i32
      %dma_wait3A_3259 = tpu.memref_slice %arg9[%dma_wait3A_3254, %dma_wait3A_3258] : memref<5x128xi32, #tpu.memory_space<vmem>> -> memref<1x128xi32, #tpu.memory_space<vmem>>
      %dma_wait3A_3260 = tpu.memref_squeeze %dma_wait3A_3259 : memref<1x128xi32, #tpu.memory_space<vmem>> -> memref<128xi32, #tpu.memory_space<vmem>>
      %dma_wait3A_3261 = arith.constant 0 : i32
      %dma_wait3A_3262 = arith.constant 0 : i32
      %dma_wait3A_3263 = tpu.memref_slice %arg4[%dma_wait3A_3261, %dma_wait3A_3262] : memref<1000000x32xf32, #tpu.memory_space<hbm>> -> memref<1000000x32xf32, #tpu.memory_space<hbm>>
      tpu.wait_indirect_dma semaphore(%arg7 : memref<!tpu.dma_semaphore, #tpu.memory_space<semaphore_mem>>) src(%dma_wait3A_3263 : memref<1000000x32xf32, #tpu.memory_space<hbm>>) dst(%dma_wait3A_3257 : memref<128x32xf32, #tpu.memory_space<vmem>>)
      %dma_wait3A_3264 = arith.constant 2 : i32
      %dma_wait3A_3265 = arith.constant 256 : i32
      %dma_wait3A_3266 = arith.constant 0 : i32
      %dma_wait3A_3267 = tpu.memref_slice %arg14[%dma_wait3A_3265, %dma_wait3A_3266] : memref<640x32xf32, #tpu.memory_space<vmem>> -> memref<128x32xf32, #tpu.memory_space<vmem>>
      %dma_wait3A_3268 = arith.constant 0 : i32
      %dma_wait3A_3269 = tpu.memref_slice %arg9[%dma_wait3A_3264, %dma_wait3A_3268] : memref<5x128xi32, #tpu.memory_space<vmem>> -> memref<1x128xi32, #tpu.memory_space<vmem>>
      %dma_wait3A_3270 = tpu.memref_squeeze %dma_wait3A_3269 : memref<1x128xi32, #tpu.memory_space<vmem>> -> memref<128xi32, #tpu.memory_space<vmem>>
      %dma_wait3A_3271 = arith.constant 0 : i32
      %dma_wait3A_3272 = arith.constant 0 : i32
      %dma_wait3A_3273 = tpu.memref_slice %arg4[%dma_wait3A_3271, %dma_wait3A_3272] : memref<1000000x32xf32, #tpu.memory_space<hbm>> -> memref<1000000x32xf32, #tpu.memory_space<hbm>>
      tpu.wait_indirect_dma semaphore(%arg7 : memref<!tpu.dma_semaphore, #tpu.memory_space<semaphore_mem>>) src(%dma_wait3A_3273 : memref<1000000x32xf32, #tpu.memory_space<hbm>>) dst(%dma_wait3A_3267 : memref<128x32xf32, #tpu.memory_space<vmem>>)
      %dma_wait3A_3274 = arith.constant 3 : i32
      %dma_wait3A_3275 = arith.constant 384 : i32
      %dma_wait3A_3276 = arith.constant 0 : i32
      %dma_wait3A_3277 = tpu.memref_slice %arg14[%dma_wait3A_3275, %dma_wait3A_3276] : memref<640x32xf32, #tpu.memory_space<vmem>> -> memref<128x32xf32, #tpu.memory_space<vmem>>
      %dma_wait3A_3278 = arith.constant 0 : i32
      %dma_wait3A_3279 = tpu.memref_slice %arg9[%dma_wait3A_3274, %dma_wait3A_3278] : memref<5x128xi32, #tpu.memory_space<vmem>> -> memref<1x128xi32, #tpu.memory_space<vmem>>
      %dma_wait3A_3280 = tpu.memref_squeeze %dma_wait3A_3279 : memref<1x128xi32, #tpu.memory_space<vmem>> -> memref<128xi32, #tpu.memory_space<vmem>>
      %dma_wait3A_3281 = arith.constant 0 : i32
      %dma_wait3A_3282 = arith.constant 0 : i32
      %dma_wait3A_3283 = tpu.memref_slice %arg4[%dma_wait3A_3281, %dma_wait3A_3282] : memref<1000000x32xf32, #tpu.memory_space<hbm>> -> memref<1000000x32xf32, #tpu.memory_space<hbm>>
      tpu.wait_indirect_dma semaphore(%arg7 : memref<!tpu.dma_semaphore, #tpu.memory_space<semaphore_mem>>) src(%dma_wait3A_3283 : memref<1000000x32xf32, #tpu.memory_space<hbm>>) dst(%dma_wait3A_3277 : memref<128x32xf32, #tpu.memory_space<vmem>>)
      %dma_wait3A_3284 = arith.constant 4 : i32
      %dma_wait3A_3285 = arith.constant 512 : i32
      %dma_wait3A_3286 = arith.constant 0 : i32
      %dma_wait3A_3287 = tpu.memref_slice %arg14[%dma_wait3A_3285, %dma_wait3A_3286] : memref<640x32xf32, #tpu.memory_space<vmem>> -> memref<128x32xf32, #tpu.memory_space<vmem>>
      %dma_wait3A_3288 = arith.constant 0 : i32
      %dma_wait3A_3289 = tpu.memref_slice %arg9[%dma_wait3A_3284, %dma_wait3A_3288] : memref<5x128xi32, #tpu.memory_space<vmem>> -> memref<1x128xi32, #tpu.memory_space<vmem>>
      %dma_wait3A_3290 = tpu.memref_squeeze %dma_wait3A_3289 : memref<1x128xi32, #tpu.memory_space<vmem>> -> memref<128xi32, #tpu.memory_space<vmem>>
      %dma_wait3A_3291 = arith.constant 0 : i32
      %dma_wait3A_3292 = arith.constant 0 : i32
      %dma_wait3A_3293 = tpu.memref_slice %arg4[%dma_wait3A_3291, %dma_wait3A_3292] : memref<1000000x32xf32, #tpu.memory_space<hbm>> -> memref<1000000x32xf32, #tpu.memory_space<hbm>>
      tpu.wait_indirect_dma semaphore(%arg7 : memref<!tpu.dma_semaphore, #tpu.memory_space<semaphore_mem>>) src(%dma_wait3A_3293 : memref<1000000x32xf32, #tpu.memory_space<hbm>>) dst(%dma_wait3A_3287 : memref<128x32xf32, #tpu.memory_space<vmem>>)
      %dma_start3A_3294 = arith.constant 0 : i32
      %dma_start3A_3295 = arith.constant 0 : i32
      %dma_start3A_3296 = arith.constant 0 : i32
      %dma_start3A_3297 = tpu.memref_slice %arg14[%dma_start3A_3295, %dma_start3A_3296] : memref<640x32xf32, #tpu.memory_space<vmem>> -> memref<128x32xf32, #tpu.memory_space<vmem>>
      %dma_start3A_3298 = arith.constant 0 : i32
      %dma_start3A_3299 = tpu.memref_slice %arg16[%dma_start3A_3294, %dma_start3A_3298] : memref<5x128xi32, #tpu.memory_space<vmem>> -> memref<1x128xi32, #tpu.memory_space<vmem>>
      %dma_start3A_3300 = tpu.memref_squeeze %dma_start3A_3299 : memref<1x128xi32, #tpu.memory_space<vmem>> -> memref<128xi32, #tpu.memory_space<vmem>>
      %dma_start3A_3301 = arith.constant 0 : i32
      %dma_start3A_3302 = arith.constant 0 : i32
      %dma_start3A_3303 = tpu.memref_slice %arg6[%dma_start3A_3301, %dma_start3A_3302] : memref<16384x32xf32, #tpu.memory_space<vmem_shared>> -> memref<16384x32xf32, #tpu.memory_space<vmem_shared>>
      tpu.enqueue_indirect_dma source(%dma_start3A_3297 : memref<128x32xf32, #tpu.memory_space<vmem>>) target(%dma_start3A_3303 : memref<16384x32xf32, #tpu.memory_space<vmem_shared>>) offsets(%dma_start3A_3300 : memref<128xi32, #tpu.memory_space<vmem>>) semaphore(%arg18 : memref<!tpu.dma_semaphore, #tpu.memory_space<semaphore_mem>>) {add = true}
      %dma_start3A_3304 = arith.constant 1 : i32
      %dma_start3A_3305 = arith.constant 128 : i32
      %dma_start3A_3306 = arith.constant 0 : i32
      %dma_start3A_3307 = tpu.memref_slice %arg14[%dma_start3A_3305, %dma_start3A_3306] : memref<640x32xf32, #tpu.memory_space<vmem>> -> memref<128x32xf32, #tpu.memory_space<vmem>>
      %dma_start3A_3308 = arith.constant 0 : i32
      %dma_start3A_3309 = tpu.memref_slice %arg16[%dma_start3A_3304, %dma_start3A_3308] : memref<5x128xi32, #tpu.memory_space<vmem>> -> memref<1x128xi32, #tpu.memory_space<vmem>>
      %dma_start3A_3310 = tpu.memref_squeeze %dma_start3A_3309 : memref<1x128xi32, #tpu.memory_space<vmem>> -> memref<128xi32, #tpu.memory_space<vmem>>
      %dma_start3A_3311 = arith.constant 0 : i32
      %dma_start3A_3312 = arith.constant 0 : i32
      %dma_start3A_3313 = tpu.memref_slice %arg6[%dma_start3A_3311, %dma_start3A_3312] : memref<16384x32xf32, #tpu.memory_space<vmem_shared>> -> memref<16384x32xf32, #tpu.memory_space<vmem_shared>>
      tpu.enqueue_indirect_dma source(%dma_start3A_3307 : memref<128x32xf32, #tpu.memory_space<vmem>>) target(%dma_start3A_3313 : memref<16384x32xf32, #tpu.memory_space<vmem_shared>>) offsets(%dma_start3A_3310 : memref<128xi32, #tpu.memory_space<vmem>>) semaphore(%arg18 : memref<!tpu.dma_semaphore, #tpu.memory_space<semaphore_mem>>) {add = true}
      %dma_start3A_3314 = arith.constant 2 : i32
      %dma_start3A_3315 = arith.constant 256 : i32
      %dma_start3A_3316 = arith.constant 0 : i32
      %dma_start3A_3317 = tpu.memref_slice %arg14[%dma_start3A_3315, %dma_start3A_3316] : memref<640x32xf32, #tpu.memory_space<vmem>> -> memref<128x32xf32, #tpu.memory_space<vmem>>
      %dma_start3A_3318 = arith.constant 0 : i32
      %dma_start3A_3319 = tpu.memref_slice %arg16[%dma_start3A_3314, %dma_start3A_3318] : memref<5x128xi32, #tpu.memory_space<vmem>> -> memref<1x128xi32, #tpu.memory_space<vmem>>
      %dma_start3A_3320 = tpu.memref_squeeze %dma_start3A_3319 : memref<1x128xi32, #tpu.memory_space<vmem>> -> memref<128xi32, #tpu.memory_space<vmem>>
      %dma_start3A_3321 = arith.constant 0 : i32
      %dma_start3A_3322 = arith.constant 0 : i32
      %dma_start3A_3323 = tpu.memref_slice %arg6[%dma_start3A_3321, %dma_start3A_3322] : memref<16384x32xf32, #tpu.memory_space<vmem_shared>> -> memref<16384x32xf32, #tpu.memory_space<vmem_shared>>
      tpu.enqueue_indirect_dma source(%dma_start3A_3317 : memref<128x32xf32, #tpu.memory_space<vmem>>) target(%dma_start3A_3323 : memref<16384x32xf32, #tpu.memory_space<vmem_shared>>) offsets(%dma_start3A_3320 : memref<128xi32, #tpu.memory_space<vmem>>) semaphore(%arg18 : memref<!tpu.dma_semaphore, #tpu.memory_space<semaphore_mem>>) {add = true}
      %dma_start3A_3324 = arith.constant 3 : i32
      %dma_start3A_3325 = arith.constant 384 : i32
      %dma_start3A_3326 = arith.constant 0 : i32
      %dma_start3A_3327 = tpu.memref_slice %arg14[%dma_start3A_3325, %dma_start3A_3326] : memref<640x32xf32, #tpu.memory_space<vmem>> -> memref<128x32xf32, #tpu.memory_space<vmem>>
      %dma_start3A_3328 = arith.constant 0 : i32
      %dma_start3A_3329 = tpu.memref_slice %arg16[%dma_start3A_3324, %dma_start3A_3328] : memref<5x128xi32, #tpu.memory_space<vmem>> -> memref<1x128xi32, #tpu.memory_space<vmem>>
      %dma_start3A_3330 = tpu.memref_squeeze %dma_start3A_3329 : memref<1x128xi32, #tpu.memory_space<vmem>> -> memref<128xi32, #tpu.memory_space<vmem>>
      %dma_start3A_3331 = arith.constant 0 : i32
      %dma_start3A_3332 = arith.constant 0 : i32
      %dma_start3A_3333 = tpu.memref_slice %arg6[%dma_start3A_3331, %dma_start3A_3332] : memref<16384x32xf32, #tpu.memory_space<vmem_shared>> -> memref<16384x32xf32, #tpu.memory_space<vmem_shared>>
      tpu.enqueue_indirect_dma source(%dma_start3A_3327 : memref<128x32xf32, #tpu.memory_space<vmem>>) target(%dma_start3A_3333 : memref<16384x32xf32, #tpu.memory_space<vmem_shared>>) offsets(%dma_start3A_3330 : memref<128xi32, #tpu.memory_space<vmem>>) semaphore(%arg18 : memref<!tpu.dma_semaphore, #tpu.memory_space<semaphore_mem>>) {add = true}
      %dma_start3A_3334 = arith.constant 4 : i32
      %dma_start3A_3335 = arith.constant 512 : i32
      %dma_start3A_3336 = arith.constant 0 : i32
      %dma_start3A_3337 = tpu.memref_slice %arg14[%dma_start3A_3335, %dma_start3A_3336] : memref<640x32xf32, #tpu.memory_space<vmem>> -> memref<128x32xf32, #tpu.memory_space<vmem>>
      %dma_start3A_3338 = arith.constant 0 : i32
      %dma_start3A_3339 = tpu.memref_slice %arg16[%dma_start3A_3334, %dma_start3A_3338] : memref<5x128xi32, #tpu.memory_space<vmem>> -> memref<1x128xi32, #tpu.memory_space<vmem>>
      %dma_start3A_3340 = tpu.memref_squeeze %dma_start3A_3339 : memref<1x128xi32, #tpu.memory_space<vmem>> -> memref<128xi32, #tpu.memory_space<vmem>>
      %dma_start3A_3341 = arith.constant 0 : i32
      %dma_start3A_3342 = arith.constant 0 : i32
      %dma_start3A_3343 = tpu.memref_slice %arg6[%dma_start3A_3341, %dma_start3A_3342] : memref<16384x32xf32, #tpu.memory_space<vmem_shared>> -> memref<16384x32xf32, #tpu.memory_space<vmem_shared>>
      tpu.enqueue_indirect_dma source(%dma_start3A_3337 : memref<128x32xf32, #tpu.memory_space<vmem>>) target(%dma_start3A_3343 : memref<16384x32xf32, #tpu.memory_space<vmem_shared>>) offsets(%dma_start3A_3340 : memref<128xi32, #tpu.memory_space<vmem>>) semaphore(%arg18 : memref<!tpu.dma_semaphore, #tpu.memory_space<semaphore_mem>>) {add = true}
      scf.yield %scan3A_2461#0, %squeeze3A_3236 : i32, i32
    }
    %scan3A_1154 = arith.constant 20 : i32
    %dma_wait3A = arith.constant 0 : i32
    %dma_wait3A_1155 = arith.constant 0 : i32
    %dma_wait3A_1156 = tpu.memref_slice %arg4[%dma_wait3A, %dma_wait3A_1155] : memref<1000000x32xf32, #tpu.memory_space<hbm>> -> memref<640x32xf32, #tpu.memory_space<hbm>>
    %dma_wait3A_1157 = arith.constant 0 : i32
    %dma_wait3A_1158 = arith.constant 0 : i32
    %dma_wait3A_1159 = tpu.memref_slice %arg4[%dma_wait3A_1157, %dma_wait3A_1158] : memref<1000000x32xf32, #tpu.memory_space<hbm>> -> memref<640x32xf32, #tpu.memory_space<hbm>>
    tpu.wait_dma2 semaphore(%arg17 : memref<!tpu.dma_semaphore, #tpu.memory_space<semaphore_mem>>) src(%dma_wait3A_1159 : memref<640x32xf32, #tpu.memory_space<hbm>>) dst(%arg13 : memref<640x32xf32, #tpu.memory_space<vmem>>)
    %dma_wait3A_1160 = arith.constant 0 : i32
    %dma_wait3A_1161 = arith.constant 0 : i32
    %dma_wait3A_1162 = tpu.memref_slice %arg4[%dma_wait3A_1160, %dma_wait3A_1161] : memref<1000000x32xf32, #tpu.memory_space<hbm>> -> memref<640x32xf32, #tpu.memory_space<hbm>>
    %dma_wait3A_1163 = arith.constant 0 : i32
    %dma_wait3A_1164 = arith.constant 0 : i32
    %dma_wait3A_1165 = tpu.memref_slice %arg4[%dma_wait3A_1163, %dma_wait3A_1164] : memref<1000000x32xf32, #tpu.memory_space<hbm>> -> memref<640x32xf32, #tpu.memory_space<hbm>>
    tpu.wait_dma2 semaphore(%arg18 : memref<!tpu.dma_semaphore, #tpu.memory_space<semaphore_mem>>) src(%dma_wait3A_1165 : memref<640x32xf32, #tpu.memory_space<hbm>>) dst(%arg14 : memref<640x32xf32, #tpu.memory_space<vmem>>)
    %barrier3A_1166 = arith.constant 0 : index
    tpu.barrier barrier_id(%barrier3A_1166)
    %mul3A_1167 = arith.constant 1024 : i32
    %mul3A_1168 = arith.muli %arg1, %mul3A_1167 : i32
    %add3A_1169 = arith.constant 0 : i32
    %add3A_1170 = arith.addi %mul3A_1168, %add3A_1169 : i32
    "tpu.region"() ({
      %run_scoped3A = tpu.sem_alloc : memref<!tpu.dma_semaphore, #tpu.memory_space<semaphore_mem>>
      %dma_start3A_1175 = arith.constant 0 : i32
      %dma_start3A_1176 = arith.constant 0 : i32
      %dma_start3A_1177 = tpu.memref_slice %arg13[%dma_start3A_1175, %dma_start3A_1176] : memref<640x32xf32, #tpu.memory_space<vmem>> -> memref<512x32xf32, #tpu.memory_space<vmem>>
      %dma_start3A_1178 = arith.constant 0 : i32
      %dma_start3A_1179 = tpu.memref_slice %arg6[%add3A_1170, %dma_start3A_1178] : memref<16384x32xf32, #tpu.memory_space<vmem_shared>> -> memref<512x32xf32, #tpu.memory_space<vmem_shared>>
      %dma_start3A_1180 = arith.constant 0 : i32
      %dma_start3A_1181 = arith.constant 0 : i32
      %dma_start3A_1182 = tpu.memref_slice %arg13[%dma_start3A_1180, %dma_start3A_1181] : memref<640x32xf32, #tpu.memory_space<vmem>> -> memref<512x32xf32, #tpu.memory_space<vmem>>
      %dma_start3A_1183 = arith.constant 0 : i32
      %dma_start3A_1184 = tpu.memref_slice %arg6[%add3A_1170, %dma_start3A_1183] : memref<16384x32xf32, #tpu.memory_space<vmem_shared>> -> memref<512x32xf32, #tpu.memory_space<vmem_shared>>
      tpu.enqueue_dma source(%dma_start3A_1184 : memref<512x32xf32, #tpu.memory_space<vmem_shared>>) target(%dma_start3A_1182 : memref<512x32xf32, #tpu.memory_space<vmem>>) target_semaphore(%run_scoped3A : memref<!tpu.dma_semaphore, #tpu.memory_space<semaphore_mem>>)
      %dma_wait3A_1185 = arith.constant 0 : i32
      %dma_wait3A_1186 = arith.constant 0 : i32
      %dma_wait3A_1187 = tpu.memref_slice %arg13[%dma_wait3A_1185, %dma_wait3A_1186] : memref<640x32xf32, #tpu.memory_space<vmem>> -> memref<512x32xf32, #tpu.memory_space<vmem>>
      %dma_wait3A_1188 = arith.constant 0 : i32
      %dma_wait3A_1189 = tpu.memref_slice %arg6[%add3A_1170, %dma_wait3A_1188] : memref<16384x32xf32, #tpu.memory_space<vmem_shared>> -> memref<512x32xf32, #tpu.memory_space<vmem_shared>>
      %dma_wait3A_1190 = arith.constant 0 : i32
      %dma_wait3A_1191 = arith.constant 0 : i32
      %dma_wait3A_1192 = tpu.memref_slice %arg13[%dma_wait3A_1190, %dma_wait3A_1191] : memref<640x32xf32, #tpu.memory_space<vmem>> -> memref<512x32xf32, #tpu.memory_space<vmem>>
      %dma_wait3A_1193 = arith.constant 0 : i32
      %dma_wait3A_1194 = tpu.memref_slice %arg6[%add3A_1170, %dma_wait3A_1193] : memref<16384x32xf32, #tpu.memory_space<vmem_shared>> -> memref<512x32xf32, #tpu.memory_space<vmem_shared>>
      tpu.wait_dma2 semaphore(%run_scoped3A : memref<!tpu.dma_semaphore, #tpu.memory_space<semaphore_mem>>) src(%dma_wait3A_1194 : memref<512x32xf32, #tpu.memory_space<vmem_shared>>) dst(%dma_wait3A_1192 : memref<512x32xf32, #tpu.memory_space<vmem>>)
      tpu.yield
    }) : () -> ()
    "tpu.region"() ({
      %run_scoped3A = tpu.sem_alloc : memref<!tpu.dma_semaphore, #tpu.memory_space<semaphore_mem>>
      %dma_start3A_1175 = arith.constant 0 : i32
      %dma_start3A_1176 = arith.constant 0 : i32
      %dma_start3A_1177 = tpu.memref_slice %arg13[%dma_start3A_1175, %dma_start3A_1176] : memref<640x32xf32, #tpu.memory_space<vmem>> -> memref<512x32xf32, #tpu.memory_space<vmem>>
      %dma_start3A_1178 = arith.constant 0 : i32
      %dma_start3A_1179 = tpu.memref_slice %arg5[%arg0, %add3A_1170, %dma_start3A_1178] : memref<2x16384x32xf32, #tpu.memory_space<hbm>> -> memref<1x512x32xf32, #tpu.memory_space<hbm>>
      %dma_start3A_1180 = tpu.memref_squeeze %dma_start3A_1179 : memref<1x512x32xf32, #tpu.memory_space<hbm>> -> memref<512x32xf32, #tpu.memory_space<hbm>>
      %dma_start3A_1181 = arith.constant 0 : i32
      %dma_start3A_1182 = tpu.memref_slice %arg5[%arg0, %add3A_1170, %dma_start3A_1181] : memref<2x16384x32xf32, #tpu.memory_space<hbm>> -> memref<1x512x32xf32, #tpu.memory_space<hbm>>
      %dma_start3A_1183 = tpu.memref_squeeze %dma_start3A_1182 : memref<1x512x32xf32, #tpu.memory_space<hbm>> -> memref<512x32xf32, #tpu.memory_space<hbm>>
      %dma_start3A_1184 = arith.constant 0 : i32
      %dma_start3A_1185 = arith.constant 0 : i32
      %dma_start3A_1186 = tpu.memref_slice %arg13[%dma_start3A_1184, %dma_start3A_1185] : memref<640x32xf32, #tpu.memory_space<vmem>> -> memref<512x32xf32, #tpu.memory_space<vmem>>
      tpu.enqueue_dma source(%dma_start3A_1186 : memref<512x32xf32, #tpu.memory_space<vmem>>) target(%dma_start3A_1183 : memref<512x32xf32, #tpu.memory_space<hbm>>) target_semaphore(%run_scoped3A : memref<!tpu.dma_semaphore, #tpu.memory_space<semaphore_mem>>)
      %dma_wait3A_1187 = arith.constant 0 : i32
      %dma_wait3A_1188 = arith.constant 0 : i32
      %dma_wait3A_1189 = tpu.memref_slice %arg13[%dma_wait3A_1187, %dma_wait3A_1188] : memref<640x32xf32, #tpu.memory_space<vmem>> -> memref<512x32xf32, #tpu.memory_space<vmem>>
      %dma_wait3A_1190 = arith.constant 0 : i32
      %dma_wait3A_1191 = tpu.memref_slice %arg5[%arg0, %add3A_1170, %dma_wait3A_1190] : memref<2x16384x32xf32, #tpu.memory_space<hbm>> -> memref<1x512x32xf32, #tpu.memory_space<hbm>>
      %dma_wait3A_1192 = tpu.memref_squeeze %dma_wait3A_1191 : memref<1x512x32xf32, #tpu.memory_space<hbm>> -> memref<512x32xf32, #tpu.memory_space<hbm>>
      %dma_wait3A_1193 = arith.constant 0 : i32
      %dma_wait3A_1194 = tpu.memref_slice %arg5[%arg0, %add3A_1170, %dma_wait3A_1193] : memref<2x16384x32xf32, #tpu.memory_space<hbm>> -> memref<1x512x32xf32, #tpu.memory_space<hbm>>
      %dma_wait3A_1195 = tpu.memref_squeeze %dma_wait3A_1194 : memref<1x512x32xf32, #tpu.memory_space<hbm>> -> memref<512x32xf32, #tpu.memory_space<hbm>>
      %dma_wait3A_1196 = arith.constant 0 : i32
      %dma_wait3A_1197 = arith.constant 0 : i32
      %dma_wait3A_1198 = tpu.memref_slice %arg13[%dma_wait3A_1196, %dma_wait3A_1197] : memref<640x32xf32, #tpu.memory_space<vmem>> -> memref<512x32xf32, #tpu.memory_space<vmem>>
      tpu.wait_dma2 semaphore(%run_scoped3A : memref<!tpu.dma_semaphore, #tpu.memory_space<semaphore_mem>>) src(%dma_wait3A_1198 : memref<512x32xf32, #tpu.memory_space<vmem>>) dst(%dma_wait3A_1195 : memref<512x32xf32, #tpu.memory_space<hbm>>)
      tpu.yield
    }) : () -> ()
    %mul3A_1171 = arith.constant 1024 : i32
    %mul3A_1172 = arith.muli %arg1, %mul3A_1171 : i32
    %add3A_1173 = arith.constant 512 : i32
    %add3A_1174 = arith.addi %mul3A_1172, %add3A_1173 : i32
    "tpu.region"() ({
      %run_scoped3A = tpu.sem_alloc : memref<!tpu.dma_semaphore, #tpu.memory_space<semaphore_mem>>
      %dma_start3A_1175 = arith.constant 0 : i32
      %dma_start3A_1176 = arith.constant 0 : i32
      %dma_start3A_1177 = tpu.memref_slice %arg13[%dma_start3A_1175, %dma_start3A_1176] : memref<640x32xf32, #tpu.memory_space<vmem>> -> memref<512x32xf32, #tpu.memory_space<vmem>>
      %dma_start3A_1178 = arith.constant 0 : i32
      %dma_start3A_1179 = tpu.memref_slice %arg6[%add3A_1174, %dma_start3A_1178] : memref<16384x32xf32, #tpu.memory_space<vmem_shared>> -> memref<512x32xf32, #tpu.memory_space<vmem_shared>>
      %dma_start3A_1180 = arith.constant 0 : i32
      %dma_start3A_1181 = arith.constant 0 : i32
      %dma_start3A_1182 = tpu.memref_slice %arg13[%dma_start3A_1180, %dma_start3A_1181] : memref<640x32xf32, #tpu.memory_space<vmem>> -> memref<512x32xf32, #tpu.memory_space<vmem>>
      %dma_start3A_1183 = arith.constant 0 : i32
      %dma_start3A_1184 = tpu.memref_slice %arg6[%add3A_1174, %dma_start3A_1183] : memref<16384x32xf32, #tpu.memory_space<vmem_shared>> -> memref<512x32xf32, #tpu.memory_space<vmem_shared>>
      tpu.enqueue_dma source(%dma_start3A_1184 : memref<512x32xf32, #tpu.memory_space<vmem_shared>>) target(%dma_start3A_1182 : memref<512x32xf32, #tpu.memory_space<vmem>>) target_semaphore(%run_scoped3A : memref<!tpu.dma_semaphore, #tpu.memory_space<semaphore_mem>>)
      %dma_wait3A_1185 = arith.constant 0 : i32
      %dma_wait3A_1186 = arith.constant 0 : i32
      %dma_wait3A_1187 = tpu.memref_slice %arg13[%dma_wait3A_1185, %dma_wait3A_1186] : memref<640x32xf32, #tpu.memory_space<vmem>> -> memref<512x32xf32, #tpu.memory_space<vmem>>
      %dma_wait3A_1188 = arith.constant 0 : i32
      %dma_wait3A_1189 = tpu.memref_slice %arg6[%add3A_1174, %dma_wait3A_1188] : memref<16384x32xf32, #tpu.memory_space<vmem_shared>> -> memref<512x32xf32, #tpu.memory_space<vmem_shared>>
      %dma_wait3A_1190 = arith.constant 0 : i32
      %dma_wait3A_1191 = arith.constant 0 : i32
      %dma_wait3A_1192 = tpu.memref_slice %arg13[%dma_wait3A_1190, %dma_wait3A_1191] : memref<640x32xf32, #tpu.memory_space<vmem>> -> memref<512x32xf32, #tpu.memory_space<vmem>>
      %dma_wait3A_1193 = arith.constant 0 : i32
      %dma_wait3A_1194 = tpu.memref_slice %arg6[%add3A_1174, %dma_wait3A_1193] : memref<16384x32xf32, #tpu.memory_space<vmem_shared>> -> memref<512x32xf32, #tpu.memory_space<vmem_shared>>
      tpu.wait_dma2 semaphore(%run_scoped3A : memref<!tpu.dma_semaphore, #tpu.memory_space<semaphore_mem>>) src(%dma_wait3A_1194 : memref<512x32xf32, #tpu.memory_space<vmem_shared>>) dst(%dma_wait3A_1192 : memref<512x32xf32, #tpu.memory_space<vmem>>)
      tpu.yield
    }) : () -> ()
    "tpu.region"() ({
      %run_scoped3A = tpu.sem_alloc : memref<!tpu.dma_semaphore, #tpu.memory_space<semaphore_mem>>
      %dma_start3A_1175 = arith.constant 0 : i32
      %dma_start3A_1176 = arith.constant 0 : i32
      %dma_start3A_1177 = tpu.memref_slice %arg13[%dma_start3A_1175, %dma_start3A_1176] : memref<640x32xf32, #tpu.memory_space<vmem>> -> memref<512x32xf32, #tpu.memory_space<vmem>>
      %dma_start3A_1178 = arith.constant 0 : i32
      %dma_start3A_1179 = tpu.memref_slice %arg5[%arg0, %add3A_1174, %dma_start3A_1178] : memref<2x16384x32xf32, #tpu.memory_space<hbm>> -> memref<1x512x32xf32, #tpu.memory_space<hbm>>
      %dma_start3A_1180 = tpu.memref_squeeze %dma_start3A_1179 : memref<1x512x32xf32, #tpu.memory_space<hbm>> -> memref<512x32xf32, #tpu.memory_space<hbm>>
      %dma_start3A_1181 = arith.constant 0 : i32
      %dma_start3A_1182 = tpu.memref_slice %arg5[%arg0, %add3A_1174, %dma_start3A_1181] : memref<2x16384x32xf32, #tpu.memory_space<hbm>> -> memref<1x512x32xf32, #tpu.memory_space<hbm>>
      %dma_start3A_1183 = tpu.memref_squeeze %dma_start3A_1182 : memref<1x512x32xf32, #tpu.memory_space<hbm>> -> memref<512x32xf32, #tpu.memory_space<hbm>>
      %dma_start3A_1184 = arith.constant 0 : i32
      %dma_start3A_1185 = arith.constant 0 : i32
      %dma_start3A_1186 = tpu.memref_slice %arg13[%dma_start3A_1184, %dma_start3A_1185] : memref<640x32xf32, #tpu.memory_space<vmem>> -> memref<512x32xf32, #tpu.memory_space<vmem>>
      tpu.enqueue_dma source(%dma_start3A_1186 : memref<512x32xf32, #tpu.memory_space<vmem>>) target(%dma_start3A_1183 : memref<512x32xf32, #tpu.memory_space<hbm>>) target_semaphore(%run_scoped3A : memref<!tpu.dma_semaphore, #tpu.memory_space<semaphore_mem>>)
      %dma_wait3A_1187 = arith.constant 0 : i32
      %dma_wait3A_1188 = arith.constant 0 : i32
      %dma_wait3A_1189 = tpu.memref_slice %arg13[%dma_wait3A_1187, %dma_wait3A_1188] : memref<640x32xf32, #tpu.memory_space<vmem>> -> memref<512x32xf32, #tpu.memory_space<vmem>>
      %dma_wait3A_1190 = arith.constant 0 : i32
      %dma_wait3A_1191 = tpu.memref_slice %arg5[%arg0, %add3A_1174, %dma_wait3A_1190] : memref<2x16384x32xf32, #tpu.memory_space<hbm>> -> memref<1x512x32xf32, #tpu.memory_space<hbm>>
      %dma_wait3A_1192 = tpu.memref_squeeze %dma_wait3A_1191 : memref<1x512x32xf32, #tpu.memory_space<hbm>> -> memref<512x32xf32, #tpu.memory_space<hbm>>
      %dma_wait3A_1193 = arith.constant 0 : i32
      %dma_wait3A_1194 = tpu.memref_slice %arg5[%arg0, %add3A_1174, %dma_wait3A_1193] : memref<2x16384x32xf32, #tpu.memory_space<hbm>> -> memref<1x512x32xf32, #tpu.memory_space<hbm>>
      %dma_wait3A_1195 = tpu.memref_squeeze %dma_wait3A_1194 : memref<1x512x32xf32, #tpu.memory_space<hbm>> -> memref<512x32xf32, #tpu.memory_space<hbm>>
      %dma_wait3A_1196 = arith.constant 0 : i32
      %dma_wait3A_1197 = arith.constant 0 : i32
      %dma_wait3A_1198 = tpu.memref_slice %arg13[%dma_wait3A_1196, %dma_wait3A_1197] : memref<640x32xf32, #tpu.memory_space<vmem>> -> memref<512x32xf32, #tpu.memory_space<vmem>>
      tpu.wait_dma2 semaphore(%run_scoped3A : memref<!tpu.dma_semaphore, #tpu.memory_space<semaphore_mem>>) src(%dma_wait3A_1198 : memref<512x32xf32, #tpu.memory_space<vmem>>) dst(%dma_wait3A_1195 : memref<512x32xf32, #tpu.memory_space<hbm>>)
      tpu.yield
    }) : () -> ()
    return
  }
}

#map = affine_map<(d0, d1) -> (0, 0, 0)>
#map1 = affine_map<(d0, d1) -> (0, 0)>
module attributes {stable_mosaic.version = 14 : i64} {
  func.func @comb_kernel(%arg0: i32, %arg1: i32, %arg2: memref<2x16384x32xf32, #tpu.memory_space<hbm>>, %arg3: memref<16384x32xf32, #tpu.memory_space<hbm>>, %arg4: memref<512x32xf32, #tpu.memory_space<vmem>>, %arg5: memref<512x32xf32, #tpu.memory_space<vmem>>) attributes {dimension_semantics = [#tpu.dimension_semantics<core_parallel>, #tpu.dimension_semantics<subcore_parallel>], iteration_bounds = array<i64: 2, 16>, scalar_prefetch = 0 : i64, scratch_operands = 2 : i64, tpu.core_type = #tpu.core_type<sc_vector_subcore>, window_params = [{transform_indices = #map}, {transform_indices = #map1}]} {
    %mul3A = arith.constant 16 : i32
    %mul3A_0 = arith.muli %arg0, %mul3A : i32
    %add3A = arith.addi %mul3A_0, %arg1 : i32
    %mul3A_1 = arith.constant 512 : i32
    %mul3A_2 = arith.muli %add3A, %mul3A_1 : i32
    %run_scoped3A = arith.constant 0 : i32
    "tpu.region"() ({
      %run_scoped3A_10 = tpu.sem_alloc : memref<!tpu.dma_semaphore, #tpu.memory_space<semaphore_mem>>
      %dma_start3A = arith.constant 0 : i32
      %dma_start3A_11 = tpu.memref_slice %arg2[%run_scoped3A, %mul3A_2, %dma_start3A] : memref<2x16384x32xf32, #tpu.memory_space<hbm>> -> memref<1x512x32xf32, #tpu.memory_space<hbm>>
      %dma_start3A_12 = tpu.memref_squeeze %dma_start3A_11 : memref<1x512x32xf32, #tpu.memory_space<hbm>> -> memref<512x32xf32, #tpu.memory_space<hbm>>
      %dma_start3A_13 = arith.constant 0 : i32
      %dma_start3A_14 = tpu.memref_slice %arg2[%run_scoped3A, %mul3A_2, %dma_start3A_13] : memref<2x16384x32xf32, #tpu.memory_space<hbm>> -> memref<1x512x32xf32, #tpu.memory_space<hbm>>
      %dma_start3A_15 = tpu.memref_squeeze %dma_start3A_14 : memref<1x512x32xf32, #tpu.memory_space<hbm>> -> memref<512x32xf32, #tpu.memory_space<hbm>>
      tpu.enqueue_dma source(%dma_start3A_15 : memref<512x32xf32, #tpu.memory_space<hbm>>) target(%arg4 : memref<512x32xf32, #tpu.memory_space<vmem>>) target_semaphore(%run_scoped3A_10 : memref<!tpu.dma_semaphore, #tpu.memory_space<semaphore_mem>>)
      %dma_wait3A = arith.constant 0 : i32
      %dma_wait3A_16 = tpu.memref_slice %arg2[%run_scoped3A, %mul3A_2, %dma_wait3A] : memref<2x16384x32xf32, #tpu.memory_space<hbm>> -> memref<1x512x32xf32, #tpu.memory_space<hbm>>
      %dma_wait3A_17 = tpu.memref_squeeze %dma_wait3A_16 : memref<1x512x32xf32, #tpu.memory_space<hbm>> -> memref<512x32xf32, #tpu.memory_space<hbm>>
      %dma_wait3A_18 = arith.constant 0 : i32
      %dma_wait3A_19 = tpu.memref_slice %arg2[%run_scoped3A, %mul3A_2, %dma_wait3A_18] : memref<2x16384x32xf32, #tpu.memory_space<hbm>> -> memref<1x512x32xf32, #tpu.memory_space<hbm>>
      %dma_wait3A_20 = tpu.memref_squeeze %dma_wait3A_19 : memref<1x512x32xf32, #tpu.memory_space<hbm>> -> memref<512x32xf32, #tpu.memory_space<hbm>>
      tpu.wait_dma2 semaphore(%run_scoped3A_10 : memref<!tpu.dma_semaphore, #tpu.memory_space<semaphore_mem>>) src(%dma_wait3A_20 : memref<512x32xf32, #tpu.memory_space<hbm>>) dst(%arg4 : memref<512x32xf32, #tpu.memory_space<vmem>>)
      tpu.yield
    }) : () -> ()
    %run_scoped3A_3 = arith.constant 1 : i32
    "tpu.region"() ({
      %run_scoped3A_10 = tpu.sem_alloc : memref<!tpu.dma_semaphore, #tpu.memory_space<semaphore_mem>>
      %dma_start3A = arith.constant 0 : i32
      %dma_start3A_11 = tpu.memref_slice %arg2[%run_scoped3A_3, %mul3A_2, %dma_start3A] : memref<2x16384x32xf32, #tpu.memory_space<hbm>> -> memref<1x512x32xf32, #tpu.memory_space<hbm>>
      %dma_start3A_12 = tpu.memref_squeeze %dma_start3A_11 : memref<1x512x32xf32, #tpu.memory_space<hbm>> -> memref<512x32xf32, #tpu.memory_space<hbm>>
      %dma_start3A_13 = arith.constant 0 : i32
      %dma_start3A_14 = tpu.memref_slice %arg2[%run_scoped3A_3, %mul3A_2, %dma_start3A_13] : memref<2x16384x32xf32, #tpu.memory_space<hbm>> -> memref<1x512x32xf32, #tpu.memory_space<hbm>>
      %dma_start3A_15 = tpu.memref_squeeze %dma_start3A_14 : memref<1x512x32xf32, #tpu.memory_space<hbm>> -> memref<512x32xf32, #tpu.memory_space<hbm>>
      tpu.enqueue_dma source(%dma_start3A_15 : memref<512x32xf32, #tpu.memory_space<hbm>>) target(%arg5 : memref<512x32xf32, #tpu.memory_space<vmem>>) target_semaphore(%run_scoped3A_10 : memref<!tpu.dma_semaphore, #tpu.memory_space<semaphore_mem>>)
      %dma_wait3A = arith.constant 0 : i32
      %dma_wait3A_16 = tpu.memref_slice %arg2[%run_scoped3A_3, %mul3A_2, %dma_wait3A] : memref<2x16384x32xf32, #tpu.memory_space<hbm>> -> memref<1x512x32xf32, #tpu.memory_space<hbm>>
      %dma_wait3A_17 = tpu.memref_squeeze %dma_wait3A_16 : memref<1x512x32xf32, #tpu.memory_space<hbm>> -> memref<512x32xf32, #tpu.memory_space<hbm>>
      %dma_wait3A_18 = arith.constant 0 : i32
      %dma_wait3A_19 = tpu.memref_slice %arg2[%run_scoped3A_3, %mul3A_2, %dma_wait3A_18] : memref<2x16384x32xf32, #tpu.memory_space<hbm>> -> memref<1x512x32xf32, #tpu.memory_space<hbm>>
      %dma_wait3A_20 = tpu.memref_squeeze %dma_wait3A_19 : memref<1x512x32xf32, #tpu.memory_space<hbm>> -> memref<512x32xf32, #tpu.memory_space<hbm>>
      tpu.wait_dma2 semaphore(%run_scoped3A_10 : memref<!tpu.dma_semaphore, #tpu.memory_space<semaphore_mem>>) src(%dma_wait3A_20 : memref<512x32xf32, #tpu.memory_space<hbm>>) dst(%arg5 : memref<512x32xf32, #tpu.memory_space<vmem>>)
      tpu.yield
    }) : () -> ()
    %scan3A = arith.constant 0 : i32
    %scan3A_4 = arith.constant 0 : i32
    %scan3A_5 = arith.constant 512 : i32
    %scan3A_6 = arith.addi %scan3A_4, %scan3A_5 : i32
    %scan3A_7 = arith.constant 1 : i32
    %scan3A_8 = scf.for %scan3A_10 = %scan3A_4 to %scan3A_6 step %scan3A_7 iter_args(%scan3A_11 = %scan3A) -> (i32)  : i32 {
      %get3A = arith.index_cast %scan3A_10 : i32 to index
      %get3A_12 = arith.constant 0 : index
      %get3A_13 = tpu.vector_load %arg4[%get3A, %get3A_12] {strides = array<i32>} : memref<512x32xf32, #tpu.memory_space<vmem>>, vector<16xf32>,
      %get3A_14 = arith.index_cast %scan3A_10 : i32 to index
      %get3A_15 = arith.constant 0 : index
      %get3A_16 = tpu.vector_load %arg5[%get3A_14, %get3A_15] {strides = array<i32>} : memref<512x32xf32, #tpu.memory_space<vmem>>, vector<16xf32>,
      %add3A_17 = arith.addf %get3A_13, %get3A_16 : vector<16xf32>
      %swap3A = arith.index_cast %scan3A_10 : i32 to index
      %swap3A_18 = arith.constant 0 : index
      %swap3A_19 = tpu.vector_load %arg4[%swap3A, %swap3A_18] {strides = array<i32>} : memref<512x32xf32, #tpu.memory_space<vmem>>, vector<16xf32>,
      tpu.vector_store %arg4[%swap3A, %swap3A_18], %add3A_17 {strides = array<i32>} : memref<512x32xf32, #tpu.memory_space<vmem>>, vector<16xf32>,
      %get3A_20 = arith.index_cast %scan3A_10 : i32 to index
      %get3A_21 = arith.constant 16 : index
      %get3A_22 = tpu.vector_load %arg4[%get3A_20, %get3A_21] {strides = array<i32>} : memref<512x32xf32, #tpu.memory_space<vmem>>, vector<16xf32>,
      %get3A_23 = arith.index_cast %scan3A_10 : i32 to index
      %get3A_24 = arith.constant 16 : index
      %get3A_25 = tpu.vector_load %arg5[%get3A_23, %get3A_24] {strides = array<i32>} : memref<512x32xf32, #tpu.memory_space<vmem>>, vector<16xf32>,
      %add3A_26 = arith.addf %get3A_22, %get3A_25 : vector<16xf32>
      %swap3A_27 = arith.index_cast %scan3A_10 : i32 to index
      %swap3A_28 = arith.constant 16 : index
      %swap3A_29 = tpu.vector_load %arg4[%swap3A_27, %swap3A_28] {strides = array<i32>} : memref<512x32xf32, #tpu.memory_space<vmem>>, vector<16xf32>,
      tpu.vector_store %arg4[%swap3A_27, %swap3A_28], %add3A_26 {strides = array<i32>} : memref<512x32xf32, #tpu.memory_space<vmem>>, vector<16xf32>,
      %scan3A_30 = arith.constant 0 : i32
      scf.yield %scan3A_30 : i32
    }
    %scan3A_9 = arith.constant 512 : i32
    "tpu.region"() ({
      %run_scoped3A_10 = tpu.sem_alloc : memref<!tpu.dma_semaphore, #tpu.memory_space<semaphore_mem>>
      %dma_start3A = arith.constant 0 : i32
      %dma_start3A_11 = tpu.memref_slice %arg3[%mul3A_2, %dma_start3A] : memref<16384x32xf32, #tpu.memory_space<hbm>> -> memref<512x32xf32, #tpu.memory_space<hbm>>
      %dma_start3A_12 = arith.constant 0 : i32
      %dma_start3A_13 = tpu.memref_slice %arg3[%mul3A_2, %dma_start3A_12] : memref<16384x32xf32, #tpu.memory_space<hbm>> -> memref<512x32xf32, #tpu.memory_space<hbm>>
      tpu.enqueue_dma source(%arg4 : memref<512x32xf32, #tpu.memory_space<vmem>>) target(%dma_start3A_13 : memref<512x32xf32, #tpu.memory_space<hbm>>) target_semaphore(%run_scoped3A_10 : memref<!tpu.dma_semaphore, #tpu.memory_space<semaphore_mem>>)
      %dma_wait3A = arith.constant 0 : i32
      %dma_wait3A_14 = tpu.memref_slice %arg3[%mul3A_2, %dma_wait3A] : memref<16384x32xf32, #tpu.memory_space<hbm>> -> memref<512x32xf32, #tpu.memory_space<hbm>>
      %dma_wait3A_15 = arith.constant 0 : i32
      %dma_wait3A_16 = tpu.memref_slice %arg3[%mul3A_2, %dma_wait3A_15] : memref<16384x32xf32, #tpu.memory_space<hbm>> -> memref<512x32xf32, #tpu.memory_space<hbm>>
      tpu.wait_dma2 semaphore(%run_scoped3A_10 : memref<!tpu.dma_semaphore, #tpu.memory_space<semaphore_mem>>) src(%arg4 : memref<512x32xf32, #tpu.memory_space<vmem>>) dst(%dma_wait3A_16 : memref<512x32xf32, #tpu.memory_space<hbm>>)
      tpu.yield
    }) : () -> ()
    return
  }
}

</mosaic_0001>

<sc_bundles>
// kernel: kernel.4.cloned.1.call-start
scs
__scs_entry_jumppad:
0x0: {  	(pc) =	sbr.rel $0x88, $3  }
0x1: {  	(tag) =	ssettag $0x0;
	lr =	simm.s32 $0x1  }
0x2: {  	[smem:$0x3F9E] =	sst lr;
	_ =	strace $0xD0000000  }
0x3: {  	_ = 	snop  }
0x4: {  	_ = 	snop  }
0x5: {  	_ = 	snop  }
0x6: {  	_ = 	snop  }
0x7: {  	_ = 	snop  }
__scs_overlays_trampoline_lowered:
0x8: {  	[smem:$0x3FAD] =	sst s0  }
0x9: {  	[smem:$0x3FAE] =	sst s1  }
0xa: {  	[smem:$0x3FAF] =	sst s2  }
0xb: {  	[smem:$0x3FB0] =	sst s3  }
0xc: {  	[smem:$0x3FB1] =	sst s4  }
0xd: {  	[smem:$0x3FB2] =	sst s5  }
0xe: {  	[smem:$0x3FB3] =	sst s6  }
0xf: {  	[smem:$0x3FB4] =	sst s7  }
0x10: {  	[smem:$0x3FB5] =	sst s8  }
0x11: {  	[smem:$0x3FB6] =	sst s9;
	s0 =	simm.s32 @!p0 $0x0  }
0x12: {  	s1 =	sld [smem:$0x3F9C];
	s0 =	simm.s32 @p0 $0x1  }
0x13: {  	[smem:$0x3FB7] =	sst s0;
	s0 =	simm.s32 @!p1 $0x0  }
0x14: {  	s2 =	sld [smem:$0x3F9B];
	s0 =	simm.s32 @p1 $0x1  }
0x15: {  	[smem:$0x3FB8] =	sst s0;
	s0 =	simm.s32 @!p2 $0x0  }
0x16: {  	s3 =	sld [smem:$0x3FDB];
	s0 =	simm.s32 @p2 $0x1  }
0x17: {  	s4 =	simm.s32 $0x1BF5;
	[smem:$0x3FBA] =	sst s0  }
0x18: {  	s0 =	sld [smem:$0x3F9D];
	_ =	swait.ge [sflag:s4], $0x0  }
0x19: {  	s7 =	sld [smem:$0x3F9E]  }
0x1a: {  	s8 =	sadd.s32 $0xFFFFE003, lr  }
0x1b: {  	s9 =	sadd.s32 $0xFFFFFEF7, lr;
	s5 =	simm.s32 $0xFFFFFFFF;
	p2 =	slt.u32 s8, $0xFFFFF086  }
0x1c: {  	p1 =	slt.u32 s9, $0xF7A;
	s5 =	simm.s32 @!p2 $0x0  }
0x1d: {  	s5 =	simm.s32 @p1 $0x1;
	p0 =	seq.s32 s7, s2  }
0x1e: {  	s7 =	smul.u32 @!p0 $0xF7A, s2;
	p2 =	seq.s32 @!p0 s5, $0x0  }
0x1f: {  	s9 =	smul.u32 $0xF7A, s1;
	s8 =	simm.s32 @!p0 $0x1BF5;
	p2 =	por !p2, p0  }
0x20: {  	[sflag:s8] =	ssyncset.s32 @!p0 $0xFFFFF086;
	s6 =	sadd.s32 @!p0 s3, s7;
	s7 =	simm.s32 @!p0 $0x108  }
0x21: {  	s3 =	sadd.s32 s3, s9;
	s6 =	sadd.s32 @!p0 $0x88, s6;
	s7 =	simm.s32 @p2 $0x1082  }
0x22: {  	[simem:s7], [sflag:s8] =	dma.local @!p0 [hbm:s6], $0xF7A  }
0x23: {  	s9 =	sor.u32 $0xD0000000, s2;
	s6 =	simm.s32 $0x108;
	_ =	swait.ge @!p0 [sflag:s8], $0x0  }
0x24: {  	s3 =	sadd.s32 $0x88, s3;
	s6 =	simm.s32 @!p1 $0x1082;
	[sflag:s4] =	ssyncset.s32 $0xFFFFF086  }
0x25: {  	[simem:s6], [sflag:s4] =	dma.local [hbm:s3], $0xF7A  }
0x26: {  	[smem:$0x3F9E] =	sst s1;
	(tag) =	ssettag s2;
	_ =	strace s9  }
0x27: {  	s1 =	sld [smem:$0x3FAE]  }
0x28: {  	s2 =	sld [smem:$0x3FAF]  }
0x29: {  	s4 =	sld [smem:$0x3FB1]  }
0x2a: {  	p0 =	seq.s32 s5, $0x0;
	s5 =	sld [smem:$0x3FB2]  }
0x2b: {  	s6 =	sld [smem:$0x3FB3]  }
0x2c: {  	s7 =	sld [smem:$0x3FB4]  }
0x2d: {  	s3 =	simm.s32 $0x108;
	s8 =	sld [smem:$0x3FB5]  }
0x2e: {  	s3 =	simm.s32 @!p0 $0x1082;
	s9 =	sld [smem:$0x3FB6]  }
0x2f: {  	lr =	sadd.s32 s0, s3;
	s0 =	sld [smem:$0x3FAD]  }
0x30: {  	s3 =	sld [smem:$0x3FB0]  }
0x31: {  	[smem:$0x3FB9] =	sst s10  }
0x32: {  	s10 =	sld [smem:$0x3FB7];
	_ =	sdelay $0x3  }
0x33: {  	p0 =	seq.s32 s10, $0x1;
	s10 =	sld [smem:$0x3FB9];
	_ =	sdelay $0x3  }
0x34: {  	[smem:$0x3FB9] =	sst s10  }
0x35: {  	s10 =	sld [smem:$0x3FB8];
	_ =	sdelay $0x3  }
0x36: {  	p1 =	seq.s32 s10, $0x1;
	s10 =	sld [smem:$0x3FB9];
	_ =	sdelay $0x3  }
0x37: {  	[smem:$0x3FB9] =	sst s10  }
0x38: {  	s10 =	sld [smem:$0x3FBA]  }
0x39: {  	_ = 	snop;
	(pc) =	sbr.ind lr, $3  }
0x3a: {  	_ = 	snop  }
0x3b: {  	_ = 	snop  }
0x3c: {  	p2 =	seq.s32 s10, $0x1;
	s10 =	sld [smem:$0x3FB9]  }
0x3d: {  	_ =	shalt  }
0x3e: {  	_ =	shalt  }
0x3f: {  	_ =	shalt  }
0x40: {  	_ =	shalt  }
0x41: {  	_ =	shalt  }
0x42: {  	_ =	shalt  }
0x43: {  	_ =	shalt  }
0x44: {  	_ =	shalt  }
0x45: {  	_ =	shalt  }
0x46: {  	_ =	shalt  }
0x47: {  	_ =	shalt  }
0x48: {  	_ =	shalt  }
0x49: {  	_ =	shalt  }
0x4a: {  	_ =	shalt  }
0x4b: {  	_ =	shalt  }
0x4c: {  	_ =	shalt  }
0x4d: {  	_ =	shalt  }
0x4e: {  	_ =	shalt  }
0x4f: {  	_ =	shalt  }
0x50: {  	_ =	shalt  }
0x51: {  	_ =	shalt  }
0x52: {  	_ =	shalt  }
0x53: {  	_ =	shalt  }
0x54: {  	_ =	shalt  }
0x55: {  	_ =	shalt  }
0x56: {  	_ =	shalt  }
0x57: {  	_ =	shalt  }
0x58: {  	_ =	shalt  }
0x59: {  	_ =	shalt  }
0x5a: {  	_ =	shalt  }
0x5b: {  	_ =	shalt  }
0x5c: {  	_ =	shalt  }
0x5d: {  	_ =	shalt  }
0x5e: {  	_ =	shalt  }
0x5f: {  	_ =	shalt  }
0x60: {  	_ =	shalt  }
0x61: {  	_ =	shalt  }
0x62: {  	_ =	shalt  }
0x63: {  	_ =	shalt  }
0x64: {  	_ =	shalt  }
0x65: {  	_ =	shalt  }
0x66: {  	_ =	shalt  }
0x67: {  	_ =	shalt  }
0x68: {  	_ =	shalt  }
0x69: {  	_ =	shalt  }
0x6a: {  	_ =	shalt  }
0x6b: {  	_ =	shalt  }
0x6c: {  	_ =	shalt  }
0x6d: {  	_ =	shalt  }
0x6e: {  	_ =	shalt  }
0x6f: {  	_ =	shalt  }
0x70: {  	_ =	shalt  }
0x71: {  	_ =	shalt  }
0x72: {  	_ =	shalt  }
0x73: {  	_ =	shalt  }
0x74: {  	_ =	shalt  }
0x75: {  	_ =	shalt  }
0x76: {  	_ =	shalt  }
0x77: {  	_ =	shalt  }
0x78: {  	_ =	shalt  }
0x79: {  	_ =	shalt  }
0x7a: {  	_ =	shalt  }
0x7b: {  	_ =	shalt  }
0x7c: {  	_ =	shalt  }
0x7d: {  	_ =	shalt  }
0x7e: {  	_ =	shalt  }
0x7f: {  	_ =	shalt  }
0x80: {  	_ =	shalt  }
0x81: {  	_ =	shalt  }
0x82: {  	_ =	shalt  }
0x83: {  	_ =	shalt  }
0x84: {  	_ =	shalt  }
0x85: {  	_ =	shalt  }
0x86: {  	_ =	shalt  }
0x87: {  	_ =	shalt  }
.Lfunc_end0:
.L_simem_size_0:
called_computation_lowered:
.L_overlay_start_0:
0x88: {  	s2 =	sld [smem:$0x3FD9]  }
0x89: {  	s3 =	sld [smem:$0x3FFE];
	_ =	sdelay $0x1  }
0x8a: {  	s1 =	srdreg.scid  }
0x8b: {  	s0 =	sand.u32 $0x1, s1  }
0x8c: {  	s17 =	sshll.u32 s0, $0xA;
	s2 =	sadd.s32 s3, s2  }
0x8d: {  	s2 =	sadd.s32 s2, s17  }
0x8e: {  	[smem:$0x3FC5] =	sst s2  }
0x8f: {  	_ = 	snop  }
0x90: {  	s2 =	sld [smem:$0x3FC9]  }
0x91: {  	s18 =	sld [smem:$0x3FC8];
	(tm) =	ssettm $0x1  }
0x92: {  	s4 =	sld [smem:$0x3FFB];
	_ =	sdelay $0x3  }
0x93: {  	_ =	strace s4  }
0x94: {  	s4 =	sld [smem:$0x3FFC];
	_ =	sdelay $0x3  }
0x95: {  	_ =	strace s4  }
0x96: {  	s4 =	sld [smem:$0x3FFD];
	_ =	sdelay $0x3  }
0x97: {  	_ =	strace s4  }
0x98: {  	_ =	strace $0x8FFFFFFF  }
0x99: {  	s19 =	sld [smem:$0x3FDB];
	_ =	sdelay $0x1  }
0x9a: {  	s5 =	simm.s32 $_scs_section_size  }
0x9b: {  	s6 =	simm.s32 $_size__tile_overlayer_lowered;
	s7 =	simm.s32 $_tile_overlayer_lowered  }
0x9c: {  	s22 =	simm.s32 $0x1BFF;
	s21 =	sshll.u32 s7, $0x1;
	s4 =	sadd.s32 s5, s19  }
0x9d: {  	s8 =	simm.s32 $0x0;
	s20 =	sshll.u32 s6, $0x1;
	s6 =	sadd.s32 s21, s4  }
0x9e: {  	[timem:s8], [sflag:s22] =	dma.local [hbm:s6], s20  }
0x9f: {  	_ =	swait.ge [sflag:s22], s20  }
0xa0: {  	s5 =	ssub.s32 $0x0, s20;
	[sflag:s22] =	ssyncset.done $0x0  }
0xa1: {  	[sflag:s22] =	ssyncadd.s32 s5;
	_ =	sdelay $0x1  }
0xa2: {  	s23 =	simm.s32 $0x1B8B  }
0xa3: {  	_ =	swait.ge [sflag:s23], $0x1  }
0xa4: {  	[sflag:s23] =	ssyncset.done $0x0  }
0xa5: {  	s25 =	simm.s32 $0x1B8E;
	s24 =	sld [smem:$0x3FFE];
	[sflag:s23] =	ssyncadd.s32 $0xFFFFFFFF  }
0xa6: {  	s26 =	simm.s32 $execute0_lowered;
	[smem:$0x3FD2] =	sst s25  }
0xa7: {  	s6 =	sshll.u32 s26, $0x1;
	_ =	strace $0x80000046;
	[dreg:$0x1] =	wrdreg $0xFFFFFFFF  }
0xa8: {  	s28 =	simm.s32 $_size_execute0_lowered;
	s4 =	sadd.s32 s4, s6;
	[dreg:$0x0] =	wrdreg $0x0  }
0xa9: {  	s6 =	sshll.u32 s28, $0x1;
	[dreg:$0x2] =	wrdreg s4  }
0xaa: {  	[dreg:$0x3] =	wrdreg s6  }
0xab: {  	[dreg:$0x4] =	wrdreg $0xC0  }
0xac: {  	_ =	task [dreg:s8], $0x5FFFF  }
0xad: {  	[dreg:$0x1] =	wrdreg $0xFFFFFFFF  }
0xae: {  	[dreg:$0x0] =	wrdreg $0x60  }
0xaf: {  	[dreg:$0x2] =	wrdreg s2  }
0xb0: {  	[dreg:$0x3] =	wrdreg s18  }
0xb1: {  	[dreg:$0x4] =	wrdreg s24  }
0xb2: {  	[dreg:$0x5] =	wrdreg $0x0  }
0xb3: {  	[dreg:$0x6] =	wrdreg $0x9  }
0xb4: {  	_ =	task.clear_ibuf [dreg:s8], $0x7FFFF;
	_ =	strace $0x90000046  }
0xb5: {  	s29 =	simm.s32 $0x9;
	_ =	strace $0x80000048  }
0xb6: {  	_ =	swait.ge [sflag:s29], $0x1  }
0xb7: {  	[sflag:s29] =	ssyncadd.s32 $0xFFFFFFFF  }
0xb8: {  	_ =	strace $0x90000048  }
0xb9: {  	_ =	sfence  }
0xba: {  	s30 =	sld [smem:$0x0];
	_ =	sdelay $0x2  }
0xbb: {  	s31 =	sshll.u32 s1, $0xD;
	s1 =	sshrl.u32 s1, $0x2  }
0xbc: {  	s3 =	sand.u32 $0x4000, s31;
	s1 =	sadd.s32 s1, s30  }
0xbd: {  	s0 =	sor.u32 s3, s0;
	s1 =	sshll.u32 s1, $0x11  }
0xbe: {  	s0 =	sor.u32 s1, s0  }
0xbf: {  	s0 =	sadd.s32 $0x8F2B, s0  }
0xc0: {  	[sflag:s0] =	ssyncadd.remote.s32 $0x1  }
0xc1: {  	_ =	sfence.sel $0xFFFF  }
0xc2: {  	[dreg:$0x0] =	wrdreg $0xFFFFFFFF;
	(pc) =	sbr.abs _section_cstart, $3  }
0xc3: {  	[dreg:$0x1] =	wrdreg $0xFFFFFFFF  }
0xc4: {  	_ =	task.clear_ibuf [dreg:s8], $0x2FFFF;
	_ =	strace $0x9FFFFFFF  }
0xc5: {  	(tm) =	ssettm $0x7FFFFFFF  }
tec
execute0_lowered:
.L_overlay_start_1:
0x0: {  	(tag) =	ssettag $0x1  }
0x1: {  	s18 =	rddreg [dreg:$0x0]  }
0x2: {  	s0 =	rddreg [dreg:$0x2]  }
0x3: {  	s3 =	rddreg [dreg:$0x3]  }
0x4: {  	s4 =	simm.s32 $0x0;
	s1 =	srdreg.scid;
	s9 =	stileid.u32  }
0x5: {  	s30 =	simm.s32 $0xC7A0;
	s31 =	simm.s32 $0x1;
	[smem:$0x7FF] =	sst s4  }
0x6: {  	s6 =	sadd.s32 $0xF42C00, s0;
	s0 =	sadd.s32 $0x800, s0;
	s1 =	sand.u32 $0x1, s1  }
0x7: {  	s7 =	sshll.u32 s9, $0xF;
	s10 =	sadd.s32 $0x10, s18;
	_ =	strace $0x80000047  }
0x8: {  	s2 =	ssub.s32 $0x2, s1;
	s5 =	sshll.u32 s1, $0x4;
	s13 =	sadd.s32 s7, s3  }
0x9: {  	s16 =	sor.u32 $0x4000, s7;
	[dreg:$0xd] =	wrdreg s10;
	s1 =	sshll.u32 s1, $0x13  }
0xa: {  	s8 =	sshrl.u32 s2, $0x1;
	s12 =	sadd.s32 $0x1000, s13;
	[dreg:$0x5] =	wrdreg s13  }
0xb: {  	s5 =	sor.u32 s9, s5;
	s14 =	sadd.s32 $0x2000, s13;
	[dreg:$0x6] =	wrdreg s12  }
0xc: {  	s15 =	sadd.s32 $0x3000, s13;
	s17 =	sadd.s32 $0x5000, s13;
	[dreg:$0x7] =	wrdreg s14  }
0xd: {  	s19 =	sadd.s32 $0x6000, s13;
	s20 =	sadd.s32 $0x7000, s13;
	[dreg:$0x8] =	wrdreg s15  }
0xe: {  	s7 =	sor.u32 s7, s1;
	s1 =	sor.u32 s1, s16;
	[dreg:$0xa] =	wrdreg s17  }
0xf: {  	s2 =	ssub.s32 s2, s8;
	s8 =	smul.u32 $0x6400, s5;
	[dreg:$0xb] =	wrdreg s19  }
0x10: {  	s14 =	sadd.s32 s16, s3;
	[dreg:$0xc] =	wrdreg s20;
	s24 =	sshrl.u32 s7, $0x3  }
0x11: {  	s1 =	sshrl.u32 s1, $0x3;
	s19 =	simm.s32 $0x8500;
	s20 =	simm.s32 $0x8280  }
0x12: {  	s7 =	simm.s32 $0x117A0;
	s5 =	sadd.s32 s0, s24;
	[dreg:$0x9] =	wrdreg s14  }
0x13: {  	s17 =	simm.s32 $0x127A0;
	s0 =	sadd.s32 s0, s1;
	[dreg:$0x13] =	wrdreg s5  }
0x14: {  	s12 =	simm.s32 $0x137A0;
	s28 =	smax.u32 s2, $0x1;
	[dreg:$0x14] =	wrdreg s0  }
0x15: {  	s2 =	simm.s32 $0x0;
	s26 =	sor.u32 $0x280, s8;
	[dreg:$0x16] =	wrdreg s28  }
0x16: {  	s21 =	sshrl.u32 s8, $0x3;
	s29 =	sadd.s32 $0x500, s8;
	[dreg:$0x15] =	wrdreg s26  }
0x17: {  	s0 =	simm.s32 $0x147A0;
	s9 =	sadd.s32 s21, s10;
	[dreg:$0x17] =	wrdreg s29  }
0x18: {  	s5 =	simm.s32 $0x157A0;
	s11 =	sadd.s32 s18, s21;
	[dreg:$0xf] =	wrdreg s9  }
.Ltmp0:
0x19: {  	s22 =	sadd.s32 $0x20, s11;
	[dreg:$0xe] =	wrdreg s11;
	(pc) =	sbr.rel .LBB2_1-.Ltmp0, $4  }
0x1a: {  	s10 =	simm.s32 $0x2;
	s23 =	sadd.s32 $0x30, s11;
	[dreg:$0x10] =	wrdreg s22  }
0x1b: {  	s21 =	simm.s32 $0x8300;
	s25 =	sadd.s32 $0x40, s11;
	[dreg:$0x11] =	wrdreg s23  }
0x1c: {  	v0 =	vimm.s32 $0x7FFFFFFF;
	s9 =	simm.s32 $0x5;
	s11 =	simm.s32 $0x80;
	[dreg:$0x12] =	wrdreg s25  }
0x1d: {  	v1 =	vimm.f32 $0.0e+00;
	v2 =	vimm.s32 $0xFFFFFFFF;
	v3 =	vlaneseq.u32;
	s22 =	simm.s32 $0x8380;
	s23 =	simm.s32 $0x8400;
	s25 =	simm.s32 $0x8480  }
.LBB2_15:
0x1e: {  	s1 =	simm.s32 $0x3  }
0x1f: {  	_ =	swait.ge [sflag:s1], $0x5000  }
0x20: {  	[sflag:s1] =	ssyncset.done $0x0  }
0x21: {  	s24 =	simm.s32 $0x4;
	[sflag:s1] =	ssyncadd.s32 $0xFFFFB000  }
0x22: {  	_ =	swait.ge [sflag:s24], $0x5000  }
0x23: {  	[sflag:s24] =	ssyncset.done $0x0  }
0x24: {  	[sflag:s24] =	ssyncadd.s32 $0xFFFFB000  }
0x25: {  	[bflag:$0x0] =	sbarrier.arrive $0xFFFF  }
0x26: {  	s9 =	simm.s32 $0x5;
	s13 =	rddreg [dreg:$0x5]  }
0x27: {  	[tilespmem:s30], [sflag:$0x5] =	stream.linear.gather [spmem:s13], $0x4000, $0x38;
	[tilespmem:$0x16CA0] =	vst v63  }
0x28: {  	_ =	swait.ge [sflag:s9], $0x4000  }
0x29: {  	[sflag:s9] =	ssyncset.done $0x0  }
0x2a: {  	s26 =	rddreg [dreg:$0x13];
	[sflag:s9] =	ssyncadd.s32 $0xFFFFC000  }
0x2b: {  	[hbm4b:s26+s4] =	stream.linear.scatter [tilespmem:s30], [sflag:$0x5], $0x4000, $0x38;
	[tilespmem:$0x16CA0] =	vst v63  }
0x2c: {  	_ =	swait.ge [sflag:s9], $0x4000  }
0x2d: {  	[sflag:s9] =	ssyncset.done $0x0  }
0x2e: {  	s14 =	rddreg [dreg:$0x9];
	[sflag:s9] =	ssyncadd.s32 $0xFFFFC000  }
0x2f: {  	[tilespmem:s30], [sflag:$0x5] =	stream.linear.gather [spmem:s14], $0x4000, $0x38;
	[tilespmem:$0x16CA0] =	vst v63  }
0x30: {  	_ =	swait.ge [sflag:s9], $0x4000  }
0x31: {  	[sflag:s9] =	ssyncset.done $0x0  }
0x32: {  	s28 =	rddreg [dreg:$0x14];
	[sflag:s9] =	ssyncadd.s32 $0xFFFFC000  }
0x33: {  	[hbm4b:s28+s4] =	stream.linear.scatter [tilespmem:s30], [sflag:$0x5], $0x4000, $0x38;
	[tilespmem:$0x16CA0] =	vst v63  }
0x34: {  	_ =	swait.ge [sflag:s9], $0x4000  }
0x35: {  	s2 =	rddreg [dreg:$0x18]  }
0x36: {  	s29 =	rddreg [dreg:$0x16];
	s2 =	sadd.s32 $0x1, s2  }
0x37: {  	p0 =	sne.s32 s2, s29  }
.Ltmp1:
0x38: {  	_ = 	snop;
	(pc) =	sbr.rel @!p0 .LBB2_16-.Ltmp1, $3  }
0x39: {  	_ =	sdelay $0x1  }
0x3a: {  	[sflag:s9] =	ssyncset.done $0x0  }
0x3b: {  	[sflag:s9] =	ssyncadd.s32 $0xFFFFC000  }
.LBB2_1:
0x3c: {  	[dreg:$0x18] =	wrdreg s2  }
0x3d: {  	s1 =	rddreg [dreg:$0x1];
	s29 =	simm.s32 $0x8780  }
0x3e: {  	[tilespmem:s29], [sflag:$0x5] =	stream.linear.gather [hbm4b:s1+s4], $0x4001, $0x38;
	[tilespmem:$0x16CA0] =	vst v63  }
0x3f: {  	_ =	swait.ge [sflag:s9], $0x4001  }
0x40: {  	[sflag:s9] =	ssyncset.done $0x0  }
0x41: {  	[sflag:s9] =	ssyncadd.s32 $0xFFFFBFFF  }
0x42: {  	[tilespmem:$0xC780] =	vst v0  }
0x43: {  	[tilespmem:$0xC790] =	vst v0  }
0x44: {  	[tilespmem:$0xC7A0] =	vst v1  }
0x45: {  	[tilespmem:$0xC7B0] =	vst v1  }
0x46: {  	[tilespmem:$0xC7C0] =	vst v1  }
0x47: {  	[tilespmem:$0xC7D0] =	vst v1  }
0x48: {  	[tilespmem:$0xC7E0] =	vst v1  }
0x49: {  	[tilespmem:$0xC7F0] =	vst v1  }
0x4a: {  	[tilespmem:$0xC800] =	vst v1  }
0x4b: {  	[tilespmem:$0xC810] =	vst v1  }
0x4c: {  	[tilespmem:$0xC820] =	vst v1  }
0x4d: {  	[tilespmem:$0xC830] =	vst v1  }
0x4e: {  	[tilespmem:$0xC840] =	vst v1  }
0x4f: {  	[tilespmem:$0xC850] =	vst v1  }
0x50: {  	[tilespmem:$0xC860] =	vst v1  }
0x51: {  	[tilespmem:$0xC870] =	vst v1  }
0x52: {  	[tilespmem:$0xC880] =	vst v1  }
0x53: {  	[tilespmem:$0xC890] =	vst v1  }
0x54: {  	[tilespmem:$0xC8A0] =	vst v1  }
0x55: {  	[tilespmem:$0xC8B0] =	vst v1  }
0x56: {  	[tilespmem:$0xC8C0] =	vst v1  }
0x57: {  	[tilespmem:$0xC8D0] =	vst v1  }
0x58: {  	[tilespmem:$0xC8E0] =	vst v1  }
0x59: {  	[tilespmem:$0xC8F0] =	vst v1  }
0x5a: {  	[tilespmem:$0xC900] =	vst v1  }
0x5b: {  	[tilespmem:$0xC910] =	vst v1  }
0x5c: {  	[tilespmem:$0xC920] =	vst v1  }
0x5d: {  	[tilespmem:$0xC930] =	vst v1  }
0x5e: {  	[tilespmem:$0xC940] =	vst v1  }
0x5f: {  	[tilespmem:$0xC950] =	vst v1  }
0x60: {  	[tilespmem:$0xC960] =	vst v1  }
0x61: {  	[tilespmem:$0xC970] =	vst v1  }
0x62: {  	[tilespmem:$0xC980] =	vst v1  }
0x63: {  	[tilespmem:$0xC990] =	vst v1  }
0x64: {  	[tilespmem:$0xC9A0] =	vst v1  }
0x65: {  	[tilespmem:$0xC9B0] =	vst v1  }
0x66: {  	[tilespmem:$0xC9C0] =	vst v1  }
0x67: {  	[tilespmem:$0xC9D0] =	vst v1  }
0x68: {  	[tilespmem:$0xC9E0] =	vst v1  }
0x69: {  	[tilespmem:$0xC9F0] =	vst v1  }
0x6a: {  	[tilespmem:$0xCA00] =	vst v1  }
0x6b: {  	[tilespmem:$0xCA10] =	vst v1  }
0x6c: {  	[tilespmem:$0xCA20] =	vst v1  }
0x6d: {  	[tilespmem:$0xCA30] =	vst v1  }
0x6e: {  	[tilespmem:$0xCA40] =	vst v1  }
0x6f: {  	[tilespmem:$0xCA50] =	vst v1  }
0x70: {  	[tilespmem:$0xCA60] =	vst v1  }
0x71: {  	[tilespmem:$0xCA70] =	vst v1  }
0x72: {  	[tilespmem:$0xCA80] =	vst v1  }
0x73: {  	[tilespmem:$0xCA90] =	vst v1  }
0x74: {  	[tilespmem:$0xCAA0] =	vst v1  }
0x75: {  	[tilespmem:$0xCAB0] =	vst v1  }
0x76: {  	[tilespmem:$0xCAC0] =	vst v1  }
0x77: {  	[tilespmem:$0xCAD0] =	vst v1  }
0x78: {  	[tilespmem:$0xCAE0] =	vst v1  }
0x79: {  	[tilespmem:$0xCAF0] =	vst v1  }
0x7a: {  	[tilespmem:$0xCB00] =	vst v1  }
0x7b: {  	[tilespmem:$0xCB10] =	vst v1  }
0x7c: {  	[tilespmem:$0xCB20] =	vst v1  }
0x7d: {  	[tilespmem:$0xCB30] =	vst v1  }
0x7e: {  	[tilespmem:$0xCB40] =	vst v1  }
0x7f: {  	[tilespmem:$0xCB50] =	vst v1  }
0x80: {  	[tilespmem:$0xCB60] =	vst v1  }
0x81: {  	[tilespmem:$0xCB70] =	vst v1  }
0x82: {  	[tilespmem:$0xCB80] =	vst v1  }
0x83: {  	[tilespmem:$0xCB90] =	vst v1  }
0x84: {  	[tilespmem:$0xCBA0] =	vst v1  }
0x85: {  	[tilespmem:$0xCBB0] =	vst v1  }
0x86: {  	[tilespmem:$0xCBC0] =	vst v1  }
0x87: {  	[tilespmem:$0xCBD0] =	vst v1  }
0x88: {  	[tilespmem:$0xCBE0] =	vst v1  }
0x89: {  	[tilespmem:$0xCBF0] =	vst v1  }
0x8a: {  	[tilespmem:$0xCC00] =	vst v1  }
0x8b: {  	[tilespmem:$0xCC10] =	vst v1  }
0x8c: {  	[tilespmem:$0xCC20] =	vst v1  }
0x8d: {  	[tilespmem:$0xCC30] =	vst v1  }
0x8e: {  	[tilespmem:$0xCC40] =	vst v1  }
0x8f: {  	[tilespmem:$0xCC50] =	vst v1  }
0x90: {  	[tilespmem:$0xCC60] =	vst v1  }
0x91: {  	[tilespmem:$0xCC70] =	vst v1  }
0x92: {  	[tilespmem:$0xCC80] =	vst v1  }
0x93: {  	[tilespmem:$0xCC90] =	vst v1  }
0x94: {  	[tilespmem:$0xCCA0] =	vst v1  }
0x95: {  	[tilespmem:$0xCCB0] =	vst v1  }
0x96: {  	[tilespmem:$0xCCC0] =	vst v1  }
0x97: {  	[tilespmem:$0xCCD0] =	vst v1  }
0x98: {  	[tilespmem:$0xCCE0] =	vst v1  }
0x99: {  	[tilespmem:$0xCCF0] =	vst v1  }
0x9a: {  	[tilespmem:$0xCD00] =	vst v1  }
0x9b: {  	[tilespmem:$0xCD10] =	vst v1  }
0x9c: {  	[tilespmem:$0xCD20] =	vst v1  }
0x9d: {  	[tilespmem:$0xCD30] =	vst v1  }
0x9e: {  	[tilespmem:$0xCD40] =	vst v1  }
0x9f: {  	[tilespmem:$0xCD50] =	vst v1  }
0xa0: {  	[tilespmem:$0xCD60] =	vst v1  }
0xa1: {  	[tilespmem:$0xCD70] =	vst v1  }
0xa2: {  	[tilespmem:$0xCD80] =	vst v1  }
0xa3: {  	[tilespmem:$0xCD90] =	vst v1  }
0xa4: {  	[tilespmem:$0xCDA0] =	vst v1  }
0xa5: {  	[tilespmem:$0xCDB0] =	vst v1  }
0xa6: {  	[tilespmem:$0xCDC0] =	vst v1  }
0xa7: {  	[tilespmem:$0xCDD0] =	vst v1  }
0xa8: {  	[tilespmem:$0xCDE0] =	vst v1  }
0xa9: {  	[tilespmem:$0xCDF0] =	vst v1  }
0xaa: {  	[tilespmem:$0xCE00] =	vst v1  }
0xab: {  	[tilespmem:$0xCE10] =	vst v1  }
0xac: {  	[tilespmem:$0xCE20] =	vst v1  }
0xad: {  	[tilespmem:$0xCE30] =	vst v1  }
0xae: {  	[tilespmem:$0xCE40] =	vst v1  }
0xaf: {  	[tilespmem:$0xCE50] =	vst v1  }
0xb0: {  	[tilespmem:$0xCE60] =	vst v1  }
0xb1: {  	[tilespmem:$0xCE70] =	vst v1  }
0xb2: {  	[tilespmem:$0xCE80] =	vst v1  }
0xb3: {  	[tilespmem:$0xCE90] =	vst v1  }
0xb4: {  	[tilespmem:$0xCEA0] =	vst v1  }
0xb5: {  	[tilespmem:$0xCEB0] =	vst v1  }
0xb6: {  	[tilespmem:$0xCEC0] =	vst v1  }
0xb7: {  	[tilespmem:$0xCED0] =	vst v1  }
0xb8: {  	[tilespmem:$0xCEE0] =	vst v1  }
0xb9: {  	[tilespmem:$0xCEF0] =	vst v1  }
0xba: {  	[tilespmem:$0xCF00] =	vst v1  }
0xbb: {  	[tilespmem:$0xCF10] =	vst v1  }
0xbc: {  	[tilespmem:$0xCF20] =	vst v1  }
0xbd: {  	[tilespmem:$0xCF30] =	vst v1  }
0xbe: {  	[tilespmem:$0xCF40] =	vst v1  }
0xbf: {  	[tilespmem:$0xCF50] =	vst v1  }
0xc0: {  	[tilespmem:$0xCF60] =	vst v1  }
0xc1: {  	[tilespmem:$0xCF70] =	vst v1  }
0xc2: {  	[tilespmem:$0xCF80] =	vst v1  }
0xc3: {  	[tilespmem:$0xCF90] =	vst v1  }
0xc4: {  	[tilespmem:$0xCFA0] =	vst v1  }
0xc5: {  	[tilespmem:$0xCFB0] =	vst v1  }
0xc6: {  	[tilespmem:$0xCFC0] =	vst v1  }
0xc7: {  	[tilespmem:$0xCFD0] =	vst v1  }
0xc8: {  	[tilespmem:$0xCFE0] =	vst v1  }
0xc9: {  	[tilespmem:$0xCFF0] =	vst v1  }
0xca: {  	[tilespmem:$0xD000] =	vst v1  }
0xcb: {  	[tilespmem:$0xD010] =	vst v1  }
0xcc: {  	[tilespmem:$0xD020] =	vst v1  }
0xcd: {  	[tilespmem:$0xD030] =	vst v1  }
0xce: {  	[tilespmem:$0xD040] =	vst v1  }
0xcf: {  	[tilespmem:$0xD050] =	vst v1  }
0xd0: {  	[tilespmem:$0xD060] =	vst v1  }
0xd1: {  	[tilespmem:$0xD070] =	vst v1  }
0xd2: {  	[tilespmem:$0xD080] =	vst v1  }
0xd3: {  	[tilespmem:$0xD090] =	vst v1  }
0xd4: {  	[tilespmem:$0xD0A0] =	vst v1  }
0xd5: {  	[tilespmem:$0xD0B0] =	vst v1  }
0xd6: {  	[tilespmem:$0xD0C0] =	vst v1  }
0xd7: {  	[tilespmem:$0xD0D0] =	vst v1  }
0xd8: {  	[tilespmem:$0xD0E0] =	vst v1  }
0xd9: {  	[tilespmem:$0xD0F0] =	vst v1  }
0xda: {  	[tilespmem:$0xD100] =	vst v1  }
0xdb: {  	[tilespmem:$0xD110] =	vst v1  }
0xdc: {  	[tilespmem:$0xD120] =	vst v1  }
0xdd: {  	[tilespmem:$0xD130] =	vst v1  }
0xde: {  	[tilespmem:$0xD140] =	vst v1  }
0xdf: {  	[tilespmem:$0xD150] =	vst v1  }
0xe0: {  	[tilespmem:$0xD160] =	vst v1  }
0xe1: {  	[tilespmem:$0xD170] =	vst v1  }
0xe2: {  	[tilespmem:$0xD180] =	vst v1  }
0xe3: {  	[tilespmem:$0xD190] =	vst v1  }
0xe4: {  	[tilespmem:$0xD1A0] =	vst v1  }
0xe5: {  	[tilespmem:$0xD1B0] =	vst v1  }
0xe6: {  	[tilespmem:$0xD1C0] =	vst v1  }
0xe7: {  	[tilespmem:$0xD1D0] =	vst v1  }
0xe8: {  	[tilespmem:$0xD1E0] =	vst v1  }
0xe9: {  	[tilespmem:$0xD1F0] =	vst v1  }
0xea: {  	[tilespmem:$0xD200] =	vst v1  }
0xeb: {  	[tilespmem:$0xD210] =	vst v1  }
0xec: {  	[tilespmem:$0xD220] =	vst v1  }
0xed: {  	[tilespmem:$0xD230] =	vst v1  }
0xee: {  	[tilespmem:$0xD240] =	vst v1  }
0xef: {  	[tilespmem:$0xD250] =	vst v1  }
0xf0: {  	[tilespmem:$0xD260] =	vst v1  }
0xf1: {  	[tilespmem:$0xD270] =	vst v1  }
0xf2: {  	[tilespmem:$0xD280] =	vst v1  }
0xf3: {  	[tilespmem:$0xD290] =	vst v1  }
0xf4: {  	[tilespmem:$0xD2A0] =	vst v1  }
0xf5: {  	[tilespmem:$0xD2B0] =	vst v1  }
0xf6: {  	[tilespmem:$0xD2C0] =	vst v1  }
0xf7: {  	[tilespmem:$0xD2D0] =	vst v1  }
0xf8: {  	[tilespmem:$0xD2E0] =	vst v1  }
0xf9: {  	[tilespmem:$0xD2F0] =	vst v1  }
0xfa: {  	[tilespmem:$0xD300] =	vst v1  }
0xfb: {  	[tilespmem:$0xD310] =	vst v1  }
0xfc: {  	[tilespmem:$0xD320] =	vst v1  }
0xfd: {  	[tilespmem:$0xD330] =	vst v1  }
0xfe: {  	[tilespmem:$0xD340] =	vst v1  }
0xff: {  	[tilespmem:$0xD350] =	vst v1  }
0x100: {  	[tilespmem:$0xD360] =	vst v1  }
0x101: {  	[tilespmem:$0xD370] =	vst v1  }
0x102: {  	[tilespmem:$0xD380] =	vst v1  }
0x103: {  	[tilespmem:$0xD390] =	vst v1  }
0x104: {  	[tilespmem:$0xD3A0] =	vst v1  }
0x105: {  	[tilespmem:$0xD3B0] =	vst v1  }
0x106: {  	[tilespmem:$0xD3C0] =	vst v1  }
0x107: {  	[tilespmem:$0xD3D0] =	vst v1  }
0x108: {  	[tilespmem:$0xD3E0] =	vst v1  }
0x109: {  	[tilespmem:$0xD3F0] =	vst v1  }
0x10a: {  	[tilespmem:$0xD400] =	vst v1  }
0x10b: {  	[tilespmem:$0xD410] =	vst v1  }
0x10c: {  	[tilespmem:$0xD420] =	vst v1  }
0x10d: {  	[tilespmem:$0xD430] =	vst v1  }
0x10e: {  	[tilespmem:$0xD440] =	vst v1  }
0x10f: {  	[tilespmem:$0xD450] =	vst v1  }
0x110: {  	[tilespmem:$0xD460] =	vst v1  }
0x111: {  	[tilespmem:$0xD470] =	vst v1  }
0x112: {  	[tilespmem:$0xD480] =	vst v1  }
0x113: {  	[tilespmem:$0xD490] =	vst v1  }
0x114: {  	[tilespmem:$0xD4A0] =	vst v1  }
0x115: {  	[tilespmem:$0xD4B0] =	vst v1  }
0x116: {  	[tilespmem:$0xD4C0] =	vst v1  }
0x117: {  	[tilespmem:$0xD4D0] =	vst v1  }
0x118: {  	[tilespmem:$0xD4E0] =	vst v1  }
0x119: {  	[tilespmem:$0xD4F0] =	vst v1  }
0x11a: {  	[tilespmem:$0xD500] =	vst v1  }
0x11b: {  	[tilespmem:$0xD510] =	vst v1  }
0x11c: {  	[tilespmem:$0xD520] =	vst v1  }
0x11d: {  	[tilespmem:$0xD530] =	vst v1  }
0x11e: {  	[tilespmem:$0xD540] =	vst v1  }
0x11f: {  	[tilespmem:$0xD550] =	vst v1  }
0x120: {  	[tilespmem:$0xD560] =	vst v1  }
0x121: {  	[tilespmem:$0xD570] =	vst v1  }
0x122: {  	[tilespmem:$0xD580] =	vst v1  }
0x123: {  	[tilespmem:$0xD590] =	vst v1  }
0x124: {  	[tilespmem:$0xD5A0] =	vst v1  }
0x125: {  	[tilespmem:$0xD5B0] =	vst v1  }
0x126: {  	[tilespmem:$0xD5C0] =	vst v1  }
0x127: {  	[tilespmem:$0xD5D0] =	vst v1  }
0x128: {  	[tilespmem:$0xD5E0] =	vst v1  }
0x129: {  	[tilespmem:$0xD5F0] =	vst v1  }
0x12a: {  	[tilespmem:$0xD600] =	vst v1  }
0x12b: {  	[tilespmem:$0xD610] =	vst v1  }
0x12c: {  	[tilespmem:$0xD620] =	vst v1  }
0x12d: {  	[tilespmem:$0xD630] =	vst v1  }
0x12e: {  	[tilespmem:$0xD640] =	vst v1  }
0x12f: {  	[tilespmem:$0xD650] =	vst v1  }
0x130: {  	[tilespmem:$0xD660] =	vst v1  }
0x131: {  	[tilespmem:$0xD670] =	vst v1  }
0x132: {  	[tilespmem:$0xD680] =	vst v1  }
0x133: {  	[tilespmem:$0xD690] =	vst v1  }
0x134: {  	[tilespmem:$0xD6A0] =	vst v1  }
0x135: {  	[tilespmem:$0xD6B0] =	vst v1  }
0x136: {  	[tilespmem:$0xD6C0] =	vst v1  }
0x137: {  	[tilespmem:$0xD6D0] =	vst v1  }
0x138: {  	[tilespmem:$0xD6E0] =	vst v1  }
0x139: {  	[tilespmem:$0xD6F0] =	vst v1  }
0x13a: {  	[tilespmem:$0xD700] =	vst v1  }
0x13b: {  	[tilespmem:$0xD710] =	vst v1  }
0x13c: {  	[tilespmem:$0xD720] =	vst v1  }
0x13d: {  	[tilespmem:$0xD730] =	vst v1  }
0x13e: {  	[tilespmem:$0xD740] =	vst v1  }
0x13f: {  	[tilespmem:$0xD750] =	vst v1  }
0x140: {  	[tilespmem:$0xD760] =	vst v1  }
0x141: {  	[tilespmem:$0xD770] =	vst v1  }
0x142: {  	[tilespmem:$0xD780] =	vst v1  }
0x143: {  	[tilespmem:$0xD790] =	vst v1  }
0x144: {  	[spmem:s13] =	stream.linear.scatter [tilespmem:s30], [sflag:$0x5], $0x1000, $0x38;
	[tilespmem:$0x16CA0] =	vst v63  }
0x145: {  	_ =	swait.ge [sflag:s9], $0x1000  }
0x146: {  	[sflag:s9] =	ssyncset.done $0x0  }
0x147: {  	s15 =	rddreg [dreg:$0x6];
	[sflag:s9] =	ssyncadd.s32 $0xFFFFF000  }
0x148: {  	[spmem:s15] =	stream.linear.scatter [tilespmem:s30], [sflag:$0x5], $0x1000, $0x38;
	[tilespmem:$0x16CA0] =	vst v63  }
0x149: {  	_ =	swait.ge [sflag:s9], $0x1000  }
0x14a: {  	[sflag:s9] =	ssyncset.done $0x0  }
0x14b: {  	s16 =	rddreg [dreg:$0x7];
	[sflag:s9] =	ssyncadd.s32 $0xFFFFF000  }
0x14c: {  	[spmem:s16] =	stream.linear.scatter [tilespmem:s30], [sflag:$0x5], $0x1000, $0x38;
	[tilespmem:$0x16CA0] =	vst v63  }
0x14d: {  	_ =	swait.ge [sflag:s9], $0x1000  }
0x14e: {  	[sflag:s9] =	ssyncset.done $0x0  }
0x14f: {  	s24 =	rddreg [dreg:$0x8];
	[sflag:s9] =	ssyncadd.s32 $0xFFFFF000  }
0x150: {  	[spmem:s24] =	stream.linear.scatter [tilespmem:s30], [sflag:$0x5], $0x1000, $0x38;
	[tilespmem:$0x16CA0] =	vst v63  }
0x151: {  	_ =	swait.ge [sflag:s9], $0x1000  }
0x152: {  	[sflag:s9] =	ssyncset.done $0x0  }
0x153: {  	[sflag:s9] =	ssyncadd.s32 $0xFFFFF000  }
0x154: {  	[spmem:s14] =	stream.linear.scatter [tilespmem:s30], [sflag:$0x5], $0x1000, $0x38;
	[tilespmem:$0x16CA0] =	vst v63  }
0x155: {  	_ =	swait.ge [sflag:s9], $0x1000  }
0x156: {  	[sflag:s9] =	ssyncset.done $0x0  }
0x157: {  	s26 =	rddreg [dreg:$0xa];
	[sflag:s9] =	ssyncadd.s32 $0xFFFFF000  }
0x158: {  	[spmem:s26] =	stream.linear.scatter [tilespmem:s30], [sflag:$0x5], $0x1000, $0x38;
	[tilespmem:$0x16CA0] =	vst v63  }
0x159: {  	_ =	swait.ge [sflag:s9], $0x1000  }
0x15a: {  	[sflag:s9] =	ssyncset.done $0x0  }
0x15b: {  	s28 =	rddreg [dreg:$0xb];
	[sflag:s9] =	ssyncadd.s32 $0xFFFFF000  }
0x15c: {  	[spmem:s28] =	stream.linear.scatter [tilespmem:s30], [sflag:$0x5], $0x1000, $0x38;
	[tilespmem:$0x16CA0] =	vst v63  }
0x15d: {  	_ =	swait.ge [sflag:s9], $0x1000  }
0x15e: {  	[sflag:s9] =	ssyncset.done $0x0  }
0x15f: {  	s29 =	rddreg [dreg:$0xc];
	[sflag:s9] =	ssyncadd.s32 $0xFFFFF000  }
0x160: {  	[spmem:s29] =	stream.linear.scatter [tilespmem:s30], [sflag:$0x5], $0x1000, $0x38;
	[tilespmem:$0x16CA0] =	vst v63  }
0x161: {  	_ =	swait.ge [sflag:s9], $0x1000  }
0x162: {  	[sflag:s9] =	ssyncset.done $0x0  }
0x163: {  	s2 =	simm.s32 $0x4000;
	s1 =	simm.s32 $0xE;
	[sflag:s9] =	ssyncadd.s32 $0xFFFFF000  }
0x164: {  	s13 =	simm.s32 $0x4000;
	s9 =	simm.s32 $0x0;
	[bflag:$0x0] =	sbarrier.arrive $0xFFFF  }
.LBB2_2:
0x165: {  	s14 =	smov.u32 s2  }
0x166: {  	p0 =	sne.s32 s1, $0x1;
	s2 =	sand.u32 $0x1, s13  }
0x167: {  	p1 =	slt.s32 s13, $0x1;
	p2 =	seq.s32 s2, $0x1  }
0x168: {  	s2 =	sshrl.u32 s13, $0x1F;
	p1 =	por !p1, !p2  }
0x169: {  	s2 =	sadd.s32 s2, s13;
	s13 =	simm.s32 $0x1;
	p1 =	por !p1, !p1  }
0x16a: {  	s2 =	sshra.s32 s2, $0x1;
	s13 =	simm.s32 @!p1 $0x0  }
0x16b: {  	s2 =	ssub.s32 s2, s13  }
0x16c: {  	v4 =	vld [tilespmem:s2+$0x8780];
	_ =	sdelay $0x4  }
0x16d: {  	(v2sf) =	vpush v4, $0x0;
	_ =	sdelay $0xd  }
.Ltmp2:
0x16e: {  	(pc) =	sbr.rel @p0 .LBB2_2-.Ltmp2, $4  }
0x16f: {  	s13 =	spop (v2sf)  }
0x170: {  	p1 =	slt.s32 s13, s8;
	s13 =	sadd.s32 $0x1, s2  }
0x171: {  	s9 =	smov.u32 @p1 s13;
	s2 =	smov.u32 @p1 s14  }
0x172: {  	s1 =	sadd.s32 $0xFFFFFFFF, s1;
	s13 =	sadd.s32 s9, s2  }
0x173: {  	s1 =	sand.u32 $0x1, s13  }
0x174: {  	p0 =	slt.s32 s13, $0x1;
	p1 =	seq.s32 s1, $0x1  }
0x175: {  	s24 =	sshrl.u32 s13, $0x1F;
	p0 =	por !p0, !p1  }
0x176: {  	s2 =	simm.s32 $0x1;
	s1 =	sadd.s32 s24, s13;
	p0 =	por !p0, !p0  }
0x177: {  	s1 =	sshra.s32 s1, $0x1;
	s2 =	simm.s32 @!p0 $0x0  }
0x178: {  	s1 =	ssub.s32 s1, s2  }
0x179: {  	v4 =	vld [tilespmem:s1+$0x8780];
	_ =	sdelay $0x4  }
0x17a: {  	(v2sf) =	vpush v4, $0x0;
	_ =	sdelay $0x3  }
0x17b: {  	s26 =	rddreg [dreg:$0xe];
	s14 =	simm.s32 $0x8000;
	s2 =	simm.s32 $0x0  }
0x17c: {  	[tilespmem:s14], [sflag:$0x2] =	stream.linear.gather [hbm4b:s26+s2], $0x80, $0x38;
	[tilespmem:$0x16CA0] =	vst v63  }
0x17d: {  	s28 =	rddreg [dreg:$0xf];
	s29 =	simm.s32 $0x8080  }
0x17e: {  	[tilespmem:s29], [sflag:$0x2] =	stream.linear.gather [hbm4b:s28+s2], $0x80, $0x38;
	[tilespmem:$0x16CA0] =	vst v63  }
0x17f: {  	s15 =	rddreg [dreg:$0x10];
	s16 =	simm.s32 $0x8100  }
0x180: {  	[tilespmem:s16], [sflag:$0x2] =	stream.linear.gather [hbm4b:s15+s2], $0x80, $0x38;
	[tilespmem:$0x16CA0] =	vst v63  }
0x181: {  	s26 =	rddreg [dreg:$0x11];
	s15 =	simm.s32 $0x8180  }
0x182: {  	[tilespmem:s15], [sflag:$0x2] =	stream.linear.gather [hbm4b:s26+s2], $0x80, $0x38;
	[tilespmem:$0x16CA0] =	vst v63  }
0x183: {  	s28 =	rddreg [dreg:$0x12];
	s29 =	simm.s32 $0x8200  }
0x184: {  	[tilespmem:s29], [sflag:$0x2] =	stream.linear.gather [hbm4b:s28+s2], $0x80, $0x38;
	[tilespmem:$0x16CA0] =	vst v63  }
.Ltmp3:
0x185: {  	_ = 	snop;
	(pc) =	sbr.rel .LBB2_4-.Ltmp3, $4  }
0x186: {  	s24 =	spop (v2sf)  }
0x187: {  	s1 =	sadd.s32 $0x1, s1;
	p0 =	slt.s32 s24, s8  }
0x188: {  	s9 =	smov.u32 @p0 s1  }
0x189: {  	s1 =	sadd.s32 $0xFFFFFFFF, s9  }
.LBB2_14:
0x18a: {  	v5 =	vld [tilespmem:$0x8500];
	_ =	sdelay $0x3  }
0x18b: {  	v6 =	vld [tilespmem:$0x8510]  }
0x18c: {  	v5 =	vxor.u32 $0x80000000, v5  }
0x18d: {  	(xrf0) =	vmax.scan.msk.u32 $0xffff, v5;
	_ =	sdelay $0x1  }
0x18e: {  	v5 =	vld [tilespmem:$0x8520]  }
0x18f: {  	v6 =	vxor.u32 $0x80000000, v6  }
0x190: {  	(xrf0) =	vmax.scan.msk.u32 $0xffff, v6;
	_ =	sdelay $0x1  }
0x191: {  	v4 =	vbroadcast v4, $0xF;
	v7 =	vld [tilespmem:$0x8530];
	v13, _, _ =	vpop (xrf0)  }
0x192: {  	v5 =	vxor.u32 $0x80000000, v5;
	v6 =	vxor.u32 $0x80000000, v13  }
0x193: {  	(xrf0) =	vmax.scan.msk.u32 $0xffff, v5;
	vm0 =	vgt.s32 v6, v4  }
0x194: {  	v4 =	vsel vm0, v6, v4  }
0x195: {  	v8 =	vld [tilespmem:$0x8540];
	v5, _, _ =	vpop (xrf0);
	v6 =	vbroadcast v4, $0xF  }
0x196: {  	v7 =	vxor.u32 $0x80000000, v7;
	v5 =	vxor.u32 $0x80000000, v5  }
0x197: {  	(xrf0) =	vmax.scan.msk.u32 $0xffff, v7;
	vm13 =	vgt.s32 v5, v6  }
0x198: {  	v5 =	vsel vm13, v5, v6  }
0x199: {  	v9 =	vld [tilespmem:$0x8550];
	v14, _, _ =	vpop (xrf0);
	v15 =	vbroadcast v5, $0xF  }
0x19a: {  	v8 =	vxor.u32 $0x80000000, v8;
	v6 =	vxor.u32 $0x80000000, v14  }
0x19b: {  	(xrf0) =	vmax.scan.msk.u32 $0xffff, v8;
	vm14 =	vgt.s32 v6, v15  }
0x19c: {  	v6 =	vsel vm14, v6, v15  }
0x19d: {  	v10 =	vld [tilespmem:$0x8560];
	v16, _, _ =	vpop (xrf0);
	v17 =	vbroadcast v6, $0xF  }
0x19e: {  	v9 =	vxor.u32 $0x80000000, v9;
	v7 =	vxor.u32 $0x80000000, v16  }
0x19f: {  	(xrf0) =	vmax.scan.msk.u32 $0xffff, v9;
	vm15 =	vgt.s32 v7, v17  }
0x1a0: {  	v7 =	vsel vm15, v7, v17  }
0x1a1: {  	v11 =	vld [tilespmem:$0x8570];
	v18, _, _ =	vpop (xrf0);
	v19 =	vbroadcast v7, $0xF  }
0x1a2: {  	v10 =	vxor.u32 $0x80000000, v10;
	v8 =	vxor.u32 $0x80000000, v18  }
0x1a3: {  	(xrf0) =	vmax.scan.msk.u32 $0xffff, v10;
	vm4 =	vgt.s32 v8, v19  }
0x1a4: {  	v8 =	vsel vm4, v8, v19  }
0x1a5: {  	v12 =	vld [tilespmem:$0x8580];
	v20, _, _ =	vpop (xrf0);
	v21 =	vbroadcast v8, $0xF  }
0x1a6: {  	v11 =	vxor.u32 $0x80000000, v11;
	v9 =	vxor.u32 $0x80000000, v20  }
0x1a7: {  	(xrf0) =	vmax.scan.msk.u32 $0xffff, v11;
	vm5 =	vgt.s32 v9, v21  }
0x1a8: {  	v9 =	vsel vm5, v9, v21  }
0x1a9: {  	v13 =	vld [tilespmem:$0x8590];
	v22, _, _ =	vpop (xrf0);
	v23 =	vbroadcast v9, $0xF  }
0x1aa: {  	v12 =	vxor.u32 $0x80000000, v12;
	v10 =	vxor.u32 $0x80000000, v22  }
0x1ab: {  	(xrf0) =	vmax.scan.msk.u32 $0xffff, v12;
	vm6 =	vgt.s32 v10, v23  }
0x1ac: {  	v10 =	vsel vm6, v10, v23  }
0x1ad: {  	v14 =	vld [tilespmem:$0x85A0];
	v24, _, _ =	vpop (xrf0);
	v25 =	vbroadcast v10, $0xF  }
0x1ae: {  	v13 =	vxor.u32 $0x80000000, v13;
	v11 =	vxor.u32 $0x80000000, v24  }
0x1af: {  	(xrf0) =	vmax.scan.msk.u32 $0xffff, v13;
	vm7 =	vgt.s32 v11, v25  }
0x1b0: {  	v11 =	vsel vm7, v11, v25  }
0x1b1: {  	v15 =	vld [tilespmem:$0x85B0];
	v26, _, _ =	vpop (xrf0);
	v27 =	vbroadcast v11, $0xF  }
0x1b2: {  	v14 =	vxor.u32 $0x80000000, v14;
	v12 =	vxor.u32 $0x80000000, v26  }
0x1b3: {  	(xrf0) =	vmax.scan.msk.u32 $0xffff, v14;
	vm8 =	vgt.s32 v12, v27  }
0x1b4: {  	v12 =	vsel vm8, v12, v27  }
0x1b5: {  	v16 =	vld [tilespmem:$0x85C0];
	v28, _, _ =	vpop (xrf0);
	v29 =	vbroadcast v12, $0xF  }
0x1b6: {  	v15 =	vxor.u32 $0x80000000, v15;
	v13 =	vxor.u32 $0x80000000, v28  }
0x1b7: {  	(xrf0) =	vmax.scan.msk.u32 $0xffff, v15;
	vm9 =	vgt.s32 v13, v29  }
0x1b8: {  	v13 =	vsel vm9, v13, v29  }
0x1b9: {  	v17 =	vld [tilespmem:$0x85D0];
	v30, _, _ =	vpop (xrf0);
	v31 =	vbroadcast v13, $0xF  }
0x1ba: {  	v16 =	vxor.u32 $0x80000000, v16;
	v14 =	vxor.u32 $0x80000000, v30  }
0x1bb: {  	(xrf0) =	vmax.scan.msk.u32 $0xffff, v16;
	vm10 =	vgt.s32 v14, v31  }
0x1bc: {  	v14 =	vsel vm10, v14, v31  }
0x1bd: {  	v18 =	vld [tilespmem:$0x85E0];
	v32, _, _ =	vpop (xrf0);
	v33 =	vbroadcast v14, $0xF  }
0x1be: {  	v17 =	vxor.u32 $0x80000000, v17;
	v15 =	vxor.u32 $0x80000000, v32  }
0x1bf: {  	(xrf0) =	vmax.scan.msk.u32 $0xffff, v17;
	vm11 =	vgt.s32 v15, v33  }
0x1c0: {  	v15 =	vsel vm11, v15, v33  }
0x1c1: {  	v19 =	vld [tilespmem:$0x85F0];
	v34, _, _ =	vpop (xrf0);
	v35 =	vbroadcast v15, $0xF  }
0x1c2: {  	v18 =	vxor.u32 $0x80000000, v18;
	v16 =	vxor.u32 $0x80000000, v34  }
0x1c3: {  	(xrf0) =	vmax.scan.msk.u32 $0xffff, v18;
	vm12 =	vgt.s32 v16, v35  }
0x1c4: {  	v16 =	vsel vm12, v16, v35  }
0x1c5: {  	v20 =	vld [tilespmem:$0x8600];
	v36, _, _ =	vpop (xrf0);
	v37 =	vbroadcast v16, $0xF  }
0x1c6: {  	v19 =	vxor.u32 $0x80000000, v19;
	v17 =	vxor.u32 $0x80000000, v36  }
0x1c7: {  	(xrf0) =	vmax.scan.msk.u32 $0xffff, v19;
	vm13 =	vgt.s32 v17, v37  }
0x1c8: {  	v17 =	vsel vm13, v17, v37  }
0x1c9: {  	v21 =	vld [tilespmem:$0x8610];
	v38, _, _ =	vpop (xrf0);
	v39 =	vbroadcast v17, $0xF  }
0x1ca: {  	v20 =	vxor.u32 $0x80000000, v20;
	v18 =	vxor.u32 $0x80000000, v38  }
0x1cb: {  	(xrf0) =	vmax.scan.msk.u32 $0xffff, v20;
	vm14 =	vgt.s32 v18, v39  }
0x1cc: {  	v18 =	vsel vm14, v18, v39  }
0x1cd: {  	v22 =	vld [tilespmem:$0x8620];
	v40, _, _ =	vpop (xrf0);
	v41 =	vbroadcast v18, $0xF  }
0x1ce: {  	v21 =	vxor.u32 $0x80000000, v21;
	v19 =	vxor.u32 $0x80000000, v40  }
0x1cf: {  	(xrf0) =	vmax.scan.msk.u32 $0xffff, v21;
	vm15 =	vgt.s32 v19, v41  }
0x1d0: {  	v19 =	vsel vm15, v19, v41  }
0x1d1: {  	v23 =	vld [tilespmem:$0x8630];
	v42, _, _ =	vpop (xrf0);
	v43 =	vbroadcast v19, $0xF  }
0x1d2: {  	v22 =	vxor.u32 $0x80000000, v22;
	v20 =	vxor.u32 $0x80000000, v42  }
0x1d3: {  	(xrf0) =	vmax.scan.msk.u32 $0xffff, v22;
	vm4 =	vgt.s32 v20, v43  }
0x1d4: {  	v20 =	vsel vm4, v20, v43  }
0x1d5: {  	v24 =	vld [tilespmem:$0x8640];
	v44, _, _ =	vpop (xrf0);
	v45 =	vbroadcast v20, $0xF  }
0x1d6: {  	v23 =	vxor.u32 $0x80000000, v23;
	v21 =	vxor.u32 $0x80000000, v44  }
0x1d7: {  	(xrf0) =	vmax.scan.msk.u32 $0xffff, v23;
	vm5 =	vgt.s32 v21, v45  }
0x1d8: {  	v21 =	vsel vm5, v21, v45  }
0x1d9: {  	v25 =	vld [tilespmem:$0x8650];
	v46, _, _ =	vpop (xrf0);
	v47 =	vbroadcast v21, $0xF  }
0x1da: {  	v24 =	vxor.u32 $0x80000000, v24;
	v22 =	vxor.u32 $0x80000000, v46  }
0x1db: {  	(xrf0) =	vmax.scan.msk.u32 $0xffff, v24;
	vm6 =	vgt.s32 v22, v47  }
0x1dc: {  	v22 =	vsel vm6, v22, v47  }
0x1dd: {  	v26 =	vld [tilespmem:$0x8660];
	v48, _, _ =	vpop (xrf0);
	v49 =	vbroadcast v22, $0xF  }
0x1de: {  	v25 =	vxor.u32 $0x80000000, v25;
	v23 =	vxor.u32 $0x80000000, v48  }
0x1df: {  	(xrf0) =	vmax.scan.msk.u32 $0xffff, v25;
	vm7 =	vgt.s32 v23, v49  }
0x1e0: {  	v23 =	vsel vm7, v23, v49  }
0x1e1: {  	v27 =	vld [tilespmem:$0x8670];
	v50, _, _ =	vpop (xrf0);
	v51 =	vbroadcast v23, $0xF  }
0x1e2: {  	v26 =	vxor.u32 $0x80000000, v26;
	v24 =	vxor.u32 $0x80000000, v50  }
0x1e3: {  	(xrf0) =	vmax.scan.msk.u32 $0xffff, v26;
	vm8 =	vgt.s32 v24, v51  }
0x1e4: {  	v24 =	vsel vm8, v24, v51  }
0x1e5: {  	v28 =	vld [tilespmem:$0x8680];
	v52, _, _ =	vpop (xrf0);
	v53 =	vbroadcast v24, $0xF  }
0x1e6: {  	v27 =	vxor.u32 $0x80000000, v27;
	v25 =	vxor.u32 $0x80000000, v52  }
0x1e7: {  	(xrf0) =	vmax.scan.msk.u32 $0xffff, v27;
	vm9 =	vgt.s32 v25, v53  }
0x1e8: {  	v25 =	vsel vm9, v25, v53  }
0x1e9: {  	v29 =	vld [tilespmem:$0x8690];
	v54, _, _ =	vpop (xrf0);
	v55 =	vbroadcast v25, $0xF  }
0x1ea: {  	v28 =	vxor.u32 $0x80000000, v28;
	v26 =	vxor.u32 $0x80000000, v54  }
0x1eb: {  	(xrf0) =	vmax.scan.msk.u32 $0xffff, v28;
	vm10 =	vgt.s32 v26, v55  }
0x1ec: {  	v26 =	vsel vm10, v26, v55  }
0x1ed: {  	v30 =	vld [tilespmem:$0x86A0];
	v56, _, _ =	vpop (xrf0);
	v57 =	vbroadcast v26, $0xF  }
0x1ee: {  	v29 =	vxor.u32 $0x80000000, v29;
	v27 =	vxor.u32 $0x80000000, v56  }
0x1ef: {  	(xrf0) =	vmax.scan.msk.u32 $0xffff, v29;
	vm11 =	vgt.s32 v27, v57  }
0x1f0: {  	v27 =	vsel vm11, v27, v57  }
0x1f1: {  	v31 =	vld [tilespmem:$0x86B0];
	v58, _, _ =	vpop (xrf0);
	v59 =	vbroadcast v27, $0xF  }
0x1f2: {  	v30 =	vxor.u32 $0x80000000, v30;
	v28 =	vxor.u32 $0x80000000, v58  }
0x1f3: {  	(xrf0) =	vmax.scan.msk.u32 $0xffff, v30;
	vm12 =	vgt.s32 v28, v59  }
0x1f4: {  	v28 =	vsel vm12, v28, v59  }
0x1f5: {  	v32 =	vld [tilespmem:$0x86C0];
	v60, _, _ =	vpop (xrf0);
	v61 =	vbroadcast v28, $0xF  }
0x1f6: {  	v31 =	vxor.u32 $0x80000000, v31;
	v29 =	vxor.u32 $0x80000000, v60  }
0x1f7: {  	(xrf0) =	vmax.scan.msk.u32 $0xffff, v31;
	vm13 =	vgt.s32 v29, v61  }
0x1f8: {  	v29 =	vsel vm13, v29, v61  }
0x1f9: {  	v33 =	vld [tilespmem:$0x86D0];
	v62, _, _ =	vpop (xrf0);
	v63 =	vbroadcast v29, $0xF  }
0x1fa: {  	v32 =	vxor.u32 $0x80000000, v32;
	v30 =	vxor.u32 $0x80000000, v62  }
0x1fb: {  	(xrf0) =	vmax.scan.msk.u32 $0xffff, v32;
	vm14 =	vgt.s32 v30, v63  }
0x1fc: {  	v30 =	vsel vm14, v30, v63  }
0x1fd: {  	v34 =	vld [tilespmem:$0x86E0];
	v36, _, _ =	vpop (xrf0);
	v37 =	vbroadcast v30, $0xF  }
0x1fe: {  	v33 =	vxor.u32 $0x80000000, v33;
	v31 =	vxor.u32 $0x80000000, v36  }
0x1ff: {  	(xrf0) =	vmax.scan.msk.u32 $0xffff, v33;
	vm15 =	vgt.s32 v31, v37  }
0x200: {  	v31 =	vsel vm15, v31, v37  }
0x201: {  	v35 =	vld [tilespmem:$0x86F0];
	v38, _, _ =	vpop (xrf0);
	v39 =	vbroadcast v31, $0xF  }
0x202: {  	v34 =	vxor.u32 $0x80000000, v34;
	v32 =	vxor.u32 $0x80000000, v38  }
0x203: {  	(xrf0) =	vmax.scan.msk.u32 $0xffff, v34;
	vm4 =	vgt.s32 v32, v39  }
0x204: {  	v32 =	vsel vm4, v32, v39  }
0x205: {  	v36 =	vld [tilespmem:$0x8700];
	v40, _, _ =	vpop (xrf0);
	v41 =	vbroadcast v32, $0xF  }
0x206: {  	v35 =	vxor.u32 $0x80000000, v35;
	v33 =	vxor.u32 $0x80000000, v40  }
0x207: {  	(xrf0) =	vmax.scan.msk.u32 $0xffff, v35;
	vm5 =	vgt.s32 v33, v41  }
0x208: {  	v33 =	vsel vm5, v33, v41  }
0x209: {  	v42, _, _ =	vpop (xrf0);
	v37 =	vld [tilespmem:$0x8710];
	v43 =	vbroadcast v33, $0xF  }
0x20a: {  	v36 =	vxor.u32 $0x80000000, v36;
	v34 =	vxor.u32 $0x80000000, v42  }
0x20b: {  	(xrf0) =	vmax.scan.msk.u32 $0xffff, v36;
	vm6 =	vgt.s32 v34, v43  }
0x20c: {  	v34 =	vsel vm6, v34, v43  }
0x20d: {  	v38 =	vld [tilespmem:$0x8720];
	v44, _, _ =	vpop (xrf0);
	v45 =	vbroadcast v34, $0xF  }
0x20e: {  	[tilespmem:$0x16A20] =	vst v4;
	v35 =	vxor.u32 $0x80000000, v44;
	v37 =	vxor.u32 $0x80000000, v37  }
0x20f: {  	[tilespmem:$0x16A30] =	vst v5;
	(xrf0) =	vmax.scan.msk.u32 $0xffff, v37;
	vm7 =	vgt.s32 v35, v45  }
0x210: {  	[tilespmem:$0x16A40] =	vst v6;
	v35 =	vsel vm7, v35, v45  }
0x211: {  	[tilespmem:$0x16A50] =	vst v7;
	v46 =	vld [tilespmem:$0x8730];
	v4, _, _ =	vpop (xrf0);
	v36 =	vbroadcast v35, $0xF  }
0x212: {  	[tilespmem:$0x16A60] =	vst v8;
	v5 =	vxor.u32 $0x80000000, v38;
	v4 =	vxor.u32 $0x80000000, v4  }
0x213: {  	[tilespmem:$0x16A70] =	vst v9;
	(xrf0) =	vmax.scan.msk.u32 $0xffff, v5;
	vm8 =	vgt.s32 v4, v36  }
0x214: {  	[tilespmem:$0x16A80] =	vst v10;
	v4 =	vsel vm8, v4, v36  }
0x215: {  	[tilespmem:$0x16A90] =	vst v11;
	v48 =	vld [tilespmem:$0x8740];
	v5, _, _ =	vpop (xrf0);
	v47 =	vbroadcast v4, $0xF  }
0x216: {  	[tilespmem:$0x16AA0] =	vst v12;
	v49 =	vxor.u32 $0x80000000, v46;
	v5 =	vxor.u32 $0x80000000, v5  }
0x217: {  	[tilespmem:$0x16AB0] =	vst v13;
	(xrf0) =	vmax.scan.msk.u32 $0xffff, v49;
	vm9 =	vgt.s32 v5, v47  }
0x218: {  	[tilespmem:$0x16AC0] =	vst v14;
	v5 =	vsel vm9, v5, v47  }
0x219: {  	[tilespmem:$0x16AD0] =	vst v15;
	v52 =	vld [tilespmem:$0x8750];
	v50, _, _ =	vpop (xrf0);
	v51 =	vbroadcast v5, $0xF  }
0x21a: {  	[tilespmem:$0x16AE0] =	vst v16;
	v7 =	vxor.u32 $0x80000000, v48;
	v6 =	vxor.u32 $0x80000000, v50  }
0x21b: {  	[tilespmem:$0x16AF0] =	vst v17;
	(xrf0) =	vmax.scan.msk.u32 $0xffff, v7;
	vm10 =	vgt.s32 v6, v51  }
0x21c: {  	[tilespmem:$0x16B00] =	vst v18;
	v6 =	vsel vm10, v6, v51  }
0x21d: {  	[tilespmem:$0x16B10] =	vst v19;
	v54 =	vld [tilespmem:$0x8760];
	v53, _, _ =	vpop (xrf0);
	v8 =	vbroadcast v6, $0xF  }
0x21e: {  	v9 =	vxor.u32 $0x80000000, v52;
	[tilespmem:$0x16B20] =	vst v20;
	v7 =	vxor.u32 $0x80000000, v53  }
0x21f: {  	[tilespmem:$0x16B30] =	vst v21;
	(xrf0) =	vmax.scan.msk.u32 $0xffff, v9;
	vm11 =	vgt.s32 v7, v8  }
0x220: {  	[tilespmem:$0x16B40] =	vst v22;
	v7 =	vsel vm11, v7, v8  }
0x221: {  	[tilespmem:$0x16B50] =	vst v23;
	v57 =	vld [tilespmem:$0x8770];
	v55, _, _ =	vpop (xrf0);
	v56 =	vbroadcast v7, $0xF  }
0x222: {  	v10 =	vxor.u32 $0x80000000, v54;
	[tilespmem:$0x16B60] =	vst v24;
	v8 =	vxor.u32 $0x80000000, v55  }
0x223: {  	[tilespmem:$0x16B70] =	vst v25;
	(xrf0) =	vmax.scan.msk.u32 $0xffff, v10;
	vm12 =	vgt.s32 v8, v56  }
0x224: {  	[tilespmem:$0x16B80] =	vst v26;
	v8 =	vsel vm12, v8, v56  }
0x225: {  	[tilespmem:$0x16B90] =	vst v27;
	v58, _, _ =	vpop (xrf0);
	v59 =	vbroadcast v8, $0xF  }
0x226: {  	v11 =	vxor.u32 $0x80000000, v57;
	[tilespmem:$0x16BA0] =	vst v28;
	v9 =	vxor.u32 $0x80000000, v58  }
0x227: {  	[tilespmem:$0x16BB0] =	vst v29;
	(xrf0) =	vmax.scan.msk.u32 $0xffff, v11;
	vm13 =	vgt.s32 v9, v59  }
0x228: {  	[tilespmem:$0x16BC0] =	vst v30;
	v9 =	vsel vm13, v9, v59  }
0x229: {  	[tilespmem:$0x16BD0] =	vst v31;
	v60, _, _ =	vpop (xrf0);
	v61 =	vbroadcast v9, $0xF  }
0x22a: {  	[tilespmem:$0x16BE0] =	vst v32;
	v10 =	vxor.u32 $0x80000000, v60  }
0x22b: {  	[tilespmem:$0x16BF0] =	vst v33;
	vm14 =	vgt.s32 v10, v61  }
0x22c: {  	[tilespmem:$0x16C00] =	vst v34;
	v10 =	vsel vm14, v10, v61  }
0x22d: {  	[tilespmem:$0x16C10] =	vst v35;
	v62, _, _ =	vpop (xrf0);
	v63 =	vbroadcast v10, $0xF  }
0x22e: {  	[tilespmem:$0x16C20] =	vst v4;
	v11 =	vxor.u32 $0x80000000, v62  }
0x22f: {  	[tilespmem:$0x16C30] =	vst v5;
	vm15 =	vgt.s32 v11, v63  }
0x230: {  	[tilespmem:$0x16C40] =	vst v6;
	v11 =	vsel vm15, v11, v63  }
0x231: {  	[tilespmem:$0x16C50] =	vst v7;
	(v2sf) =	vpush v11, $0xF  }
0x232: {  	p0 =	seq.s32 s2, $0x13;
	s1 =	rddreg [dreg:$0x17];
	[tilespmem:$0x16C60] =	vst v8  }
0x233: {  	s1 =	sadd.s32 @!p0 s28, s1;
	[tilespmem:$0x16C70] =	vst v9  }
0x234: {  	s1 =	sshrl.u32 @!p0 s1, $0x3;
	[tilespmem:$0x16C80] =	vst v10  }
0x235: {  	s14 =	simm.s32 @!p0 $0x0;
	s15 =	simm.s32 @!p0 $0x8000;
	s13 =	sadd.s32 @!p0 s18, s1;
	[tilespmem:$0x16C90] =	vst v11  }
0x236: {  	[tilespmem:s15], [sflag:$0x2] =	stream.linear.gather @!p0 [hbm4b:s13+s14], $0x80, $0x38;
	[tilespmem:$0x16CA0] =	vst v63  }
0x237: {  	s15 =	rddreg [dreg:$0xd]  }
0x238: {  	s1 =	sadd.s32 @!p0 s1, s15;
	s15 =	simm.s32 @!p0 $0x8080  }
0x239: {  	[tilespmem:s15], [sflag:$0x2] =	stream.linear.gather @!p0 [hbm4b:s1+s14], $0x80, $0x38;
	[tilespmem:$0x16CA0] =	vst v63  }
0x23a: {  	s1 =	sadd.s32 @!p0 $0x20, s13;
	s15 =	simm.s32 @!p0 $0x8100  }
0x23b: {  	[tilespmem:s15], [sflag:$0x2] =	stream.linear.gather @!p0 [hbm4b:s1+s14], $0x80, $0x38;
	[tilespmem:$0x16CA0] =	vst v63  }
0x23c: {  	s1 =	sadd.s32 @!p0 $0x30, s13;
	s15 =	simm.s32 @!p0 $0x8180  }
0x23d: {  	[tilespmem:s15], [sflag:$0x2] =	stream.linear.gather @!p0 [hbm4b:s1+s14], $0x80, $0x38;
	[tilespmem:$0x16CA0] =	vst v63  }
0x23e: {  	s13 =	sadd.s32 @!p0 $0x40, s13;
	s15 =	simm.s32 @!p0 $0x8200  }
0x23f: {  	[tilespmem:s15], [sflag:$0x2] =	stream.linear.gather @!p0 [hbm4b:s13+s14], $0x80, $0x38;
	[tilespmem:$0x16CA0] =	vst v63  }
0x240: {  	s1 =	spop (v2sf)  }
0x241: {  	_ =	swait.ge [sflag:s31], $0x1000  }
0x242: {  	[sflag:s31] =	ssyncset.done $0x0  }
0x243: {  	[sflag:s31] =	ssyncadd.s32 $0xFFFFF000  }
0x244: {  	_ =	swait.ge [sflag:s31], $0x1000  }
0x245: {  	[sflag:s31] =	ssyncset.done $0x0  }
0x246: {  	[sflag:s31] =	ssyncadd.s32 $0xFFFFF000  }
0x247: {  	_ =	swait.ge [sflag:s31], $0x1000  }
0x248: {  	[sflag:s31] =	ssyncset.done $0x0  }
0x249: {  	[sflag:s31] =	ssyncadd.s32 $0xFFFFF000  }
0x24a: {  	_ =	swait.ge [sflag:s31], $0x1000  }
0x24b: {  	[sflag:s31] =	ssyncset.done $0x0  }
0x24c: {  	[sflag:s31] =	ssyncadd.s32 $0xFFFFF000  }
0x24d: {  	_ =	swait.ge [sflag:s31], $0x1000  }
0x24e: {  	[sflag:s31] =	ssyncset.done $0x0  }
0x24f: {  	s16 =	simm.s32 $0x16A20;
	[sflag:s31] =	ssyncadd.s32 $0xFFFFF000  }
0x250: {  	[spmem:s3] =	stream.indirect.scatter.add.f32 [tilespmem:s7], [sflag:$0x4], $0x20, s16, s11, $0xb8;
	[tilespmem:$0x16CA0] =	vst v63  }
0x251: {  	s24 =	simm.s32 $0x16AA0;
	s2 =	sadd.s32 $0x1, s2  }
0x252: {  	[spmem:s3] =	stream.indirect.scatter.add.f32 [tilespmem:s17], [sflag:$0x4], $0x20, s24, s11, $0xb8;
	[tilespmem:$0x16CA0] =	vst v63  }
0x253: {  	s26 =	simm.s32 $0x16B20;
	p0 =	sne.s32 s2, $0x14  }
0x254: {  	[spmem:s3] =	stream.indirect.scatter.add.f32 [tilespmem:s12], [sflag:$0x4], $0x20, s26, s11, $0xb8;
	[tilespmem:$0x16CA0] =	vst v63  }
.Ltmp4:
0x255: {  	_ = 	snop;
	(pc) =	sbr.rel @!p0 .LBB2_15-.Ltmp4, $4  }
0x256: {  	s28 =	simm.s32 $0x16BA0  }
0x257: {  	[spmem:s3] =	stream.indirect.scatter.add.f32 [tilespmem:s0], [sflag:$0x4], $0x20, s28, s11, $0xb8;
	[tilespmem:$0x16CA0] =	vst v63  }
0x258: {  	s29 =	simm.s32 $0x16C20  }
0x259: {  	[spmem:s3] =	stream.indirect.scatter.add.f32 [tilespmem:s5], [sflag:$0x4], $0x20, s29, s11, $0xb8;
	[tilespmem:$0x16CA0] =	vst v63  }
.LBB2_4:
0x25a: {  	p0 =	seq.s32 s2, $0x0  }
0x25b: {  	s13 =	simm.s32 @!p0 $0x3  }
0x25c: {  	_ =	swait.ge @!p0 [sflag:s13], $0x5000  }
0x25d: {  	[sflag:s13] =	ssyncset.done @!p0 $0x0  }
0x25e: {  	[sflag:s13] =	ssyncadd.s32 @!p0 $0xFFFFB000  }
0x25f: {  	_ =	swait.ge [sflag:s10], $0x80  }
0x260: {  	[sflag:s10] =	ssyncset.done $0x0  }
0x261: {  	[sflag:s10] =	ssyncadd.s32 $0xFFFFFF80  }
0x262: {  	_ =	swait.ge [sflag:s10], $0x80  }
0x263: {  	[sflag:s10] =	ssyncset.done $0x0  }
0x264: {  	[sflag:s10] =	ssyncadd.s32 $0xFFFFFF80  }
0x265: {  	_ =	swait.ge [sflag:s10], $0x80  }
0x266: {  	[sflag:s10] =	ssyncset.done $0x0  }
0x267: {  	[sflag:s10] =	ssyncadd.s32 $0xFFFFFF80  }
0x268: {  	_ =	swait.ge [sflag:s10], $0x80  }
0x269: {  	[sflag:s10] =	ssyncset.done $0x0  }
0x26a: {  	[sflag:s10] =	ssyncadd.s32 $0xFFFFFF80  }
0x26b: {  	_ =	swait.ge [sflag:s10], $0x80  }
0x26c: {  	[sflag:s10] =	ssyncset.done $0x0  }
0x26d: {  	s15 =	simm.s32 $0x8000;
	[sflag:s10] =	ssyncadd.s32 $0xFFFFFF80  }
0x26e: {  	[tilespmem:s30], [sflag:$0x1] =	stream.indirect.gather [hbm4b:s6+s11], $0x20, s15, s11, $0xb8;
	[tilespmem:$0x16CA0] =	vst v63  }
0x26f: {  	s16 =	simm.s32 $0x8080;
	s14 =	simm.s32 $0xD7A0  }
0x270: {  	[tilespmem:s14], [sflag:$0x1] =	stream.indirect.gather [hbm4b:s6+s11], $0x20, s16, s11, $0xb8;
	[tilespmem:$0x16CA0] =	vst v63  }
0x271: {  	s24 =	simm.s32 $0x8100;
	s26 =	simm.s32 $0xE7A0  }
0x272: {  	[tilespmem:s26], [sflag:$0x1] =	stream.indirect.gather [hbm4b:s6+s11], $0x20, s24, s11, $0xb8;
	[tilespmem:$0x16CA0] =	vst v63  }
0x273: {  	s15 =	simm.s32 $0x8180;
	s16 =	simm.s32 $0xF7A0  }
0x274: {  	[tilespmem:s16], [sflag:$0x1] =	stream.indirect.gather [hbm4b:s6+s11], $0x20, s15, s11, $0xb8;
	[tilespmem:$0x16CA0] =	vst v63  }
0x275: {  	s24 =	simm.s32 $0x8200;
	s26 =	simm.s32 $0x107A0  }
0x276: {  	[tilespmem:s26], [sflag:$0x1] =	stream.indirect.gather [hbm4b:s6+s11], $0x20, s24, s11, $0xb8;
	[tilespmem:$0x16CA0] =	vst v63  }
0x277: {  	[tilespmem:$0x8500] =	vst v2  }
0x278: {  	[tilespmem:$0x8510] =	vst v2  }
0x279: {  	[tilespmem:$0x8520] =	vst v2  }
0x27a: {  	[tilespmem:$0x8530] =	vst v2  }
0x27b: {  	[tilespmem:$0x8540] =	vst v2  }
0x27c: {  	[tilespmem:$0x8550] =	vst v2  }
0x27d: {  	[tilespmem:$0x8560] =	vst v2  }
0x27e: {  	[tilespmem:$0x8570] =	vst v2  }
0x27f: {  	[tilespmem:$0x8580] =	vst v2  }
0x280: {  	[tilespmem:$0x8590] =	vst v2  }
0x281: {  	[tilespmem:$0x85A0] =	vst v2  }
0x282: {  	[tilespmem:$0x85B0] =	vst v2  }
0x283: {  	[tilespmem:$0x85C0] =	vst v2  }
0x284: {  	[tilespmem:$0x85D0] =	vst v2  }
0x285: {  	[tilespmem:$0x85E0] =	vst v2  }
0x286: {  	[tilespmem:$0x85F0] =	vst v2  }
0x287: {  	[tilespmem:$0x8600] =	vst v2  }
0x288: {  	[tilespmem:$0x8610] =	vst v2  }
0x289: {  	[tilespmem:$0x8620] =	vst v2  }
0x28a: {  	[tilespmem:$0x8630] =	vst v2  }
0x28b: {  	[tilespmem:$0x8640] =	vst v2  }
0x28c: {  	[tilespmem:$0x8650] =	vst v2  }
0x28d: {  	[tilespmem:$0x8660] =	vst v2  }
0x28e: {  	[tilespmem:$0x8670] =	vst v2  }
0x28f: {  	[tilespmem:$0x8680] =	vst v2  }
0x290: {  	[tilespmem:$0x8690] =	vst v2  }
0x291: {  	[tilespmem:$0x86A0] =	vst v2  }
0x292: {  	[tilespmem:$0x86B0] =	vst v2  }
0x293: {  	[tilespmem:$0x86C0] =	vst v2  }
0x294: {  	[tilespmem:$0x86D0] =	vst v2  }
0x295: {  	[tilespmem:$0x86E0] =	vst v2  }
0x296: {  	[tilespmem:$0x86F0] =	vst v2  }
0x297: {  	[tilespmem:$0x8700] =	vst v2  }
0x298: {  	[tilespmem:$0x8710] =	vst v2  }
0x299: {  	[tilespmem:$0x8720] =	vst v2  }
0x29a: {  	[tilespmem:$0x8730] =	vst v2  }
0x29b: {  	s28 =	smul.u32 $0x500, s2;
	[tilespmem:$0x8740] =	vst v2  }
0x29c: {  	[tilespmem:$0x8750] =	vst v2  }
0x29d: {  	s29 =	simm.s32 $0x0;
	s13 =	simm.s32 $0x4000;
	s16 =	sadd.s32 s8, s28;
	[tilespmem:$0x8760] =	vst v2  }
0x29e: {  	s14 =	simm.s32 $0x4000;
	s24 =	sadd.s32 $0x280, s16;
	s26 =	simm.s32 $0xE;
	[tilespmem:$0x8770] =	vst v2  }
.LBB2_5:
0x29f: {  	s15 =	smov.u32 s13  }
0x2a0: {  	p1 =	sne.s32 s26, $0x1;
	s13 =	sand.u32 $0x1, s14  }
0x2a1: {  	p2 =	slt.s32 s14, $0x1;
	p3 =	seq.s32 s13, $0x1  }
0x2a2: {  	s13 =	sshrl.u32 s14, $0x1F;
	p2 =	por !p2, !p3  }
0x2a3: {  	s13 =	sadd.s32 s13, s14;
	s14 =	simm.s32 $0x1;
	p2 =	por !p2, !p2  }
0x2a4: {  	s13 =	sshra.s32 s13, $0x1;
	s14 =	simm.s32 @!p2 $0x0  }
0x2a5: {  	s13 =	ssub.s32 s13, s14  }
0x2a6: {  	v4 =	vld [tilespmem:s13+$0x8780];
	_ =	sdelay $0x4  }
0x2a7: {  	(v2sf) =	vpush v4, $0x0;
	_ =	sdelay $0xd  }
.Ltmp5:
0x2a8: {  	(pc) =	sbr.rel @p1 .LBB2_5-.Ltmp5, $4  }
0x2a9: {  	s14 =	spop (v2sf)  }
0x2aa: {  	p2 =	slt.s32 s14, s24;
	s14 =	sadd.s32 $0x1, s13  }
0x2ab: {  	s29 =	smov.u32 @p2 s14;
	s13 =	smov.u32 @p2 s15  }
0x2ac: {  	s26 =	sadd.s32 $0xFFFFFFFF, s26;
	s14 =	sadd.s32 s29, s13  }
0x2ad: {  	s13 =	sand.u32 $0x1, s14  }
0x2ae: {  	p1 =	slt.s32 s14, $0x1;
	p2 =	seq.s32 s13, $0x1  }
0x2af: {  	s15 =	sshrl.u32 s14, $0x1F;
	p1 =	por !p1, !p2  }
0x2b0: {  	s13 =	sadd.s32 s15, s14;
	s14 =	simm.s32 $0x1;
	p1 =	por !p1, !p1  }
0x2b1: {  	s13 =	sshra.s32 s13, $0x1;
	s14 =	simm.s32 @!p1 $0x0  }
0x2b2: {  	s13 =	ssub.s32 s13, s14  }
0x2b3: {  	v4 =	vld [tilespmem:s13+$0x8780];
	_ =	sdelay $0x4  }
0x2b4: {  	(v2sf) =	vpush v4, $0x0;
	_ =	sdelay $0xe  }
0x2b5: {  	p3 =	slt.s32 s9, $0x1;
	s15 =	sshra.s32 s9, $0x1F;
	s26 =	spop (v2sf)  }
0x2b6: {  	s13 =	sadd.s32 $0x1, s13;
	p1 =	slt.s32 s26, s24;
	s26 =	sand.u32 $0xF, s9  }
0x2b7: {  	s29 =	smov.u32 @p1 s13;
	s13 =	sshrl.u32 s15, $0x1C;
	p4 =	sne.s32 s26, $0x0  }
0x2b8: {  	s26 =	simm.s32 $0x1;
	s13 =	sadd.s32 s13, s9;
	s14 =	sadd.s32 $0xFFFFFFFF, s29  }
0x2b9: {  	p1 =	por !p3, !p4;
	p6 =	slt.s32 s29, $0x2;
	s15 =	sand.u32 $0xF, s14  }
0x2ba: {  	p1 =	por !p1, !p1;
	p5 =	sne.s32 s15, $0x0;
	s15 =	sshra.s32 s14, $0x1F  }
0x2bb: {  	s13 =	sshra.s32 s13, $0x4;
	s26 =	simm.s32 @!p1 $0x0;
	s15 =	sshrl.u32 s15, $0x1C  }
0x2bc: {  	s13 =	ssub.s32 s13, s26;
	p1 =	por !p6, !p5;
	s14 =	sadd.s32 s15, s14  }
0x2bd: {  	p1 =	por !p1, !p1;
	s15 =	simm.s32 $0x1;
	s14 =	sshra.s32 s14, $0x4  }
0x2be: {  	s15 =	simm.s32 @!p1 $0x0;
	s14 =	ssub.s32 s14, s13  }
0x2bf: {  	p1 =	sle.s32 s29, s9;
	s9 =	ssub.s32 s14, s15  }
0x2c0: {  	p2 =	slt.s32 @!p1 s9, $0x0  }
0x2c1: {  	p1 =	por p1, p2  }
.Ltmp6:
0x2c2: {  	_ = 	snop;
	(pc) =	sbr.rel @p1 .LBB2_9-.Ltmp6, $1  }
0x2c3: {  	_ =	sdelay $0x3  }
0x2c4: {  	s14 =	sshll.u32 s13, $0x6  }
0x2c5: {  	s14 =	sshra.s32 s14, $0x2  }
0x2c6: {  	s14 =	sadd.s32 $0x8781, s14  }
0x2c7: {  	v6 =	vld [tilespmem:s14+$0xFFFFFFFF]  }
0x2c8: {  	v7 =	vld [tilespmem:s14+$0x0];
	_ =	sdelay $0x2  }
0x2c9: {  	v4 =	vmov s16;
	v5 =	vmov s24  }
0x2ca: {  	vm0 =	vge.s32 v6, v4;
	vm1 =	vlt.s32 v6, v5  }
0x2cb: {  	vm15 =	vne.s32 v6, v7;
	v7 =	vsub.s32 v6, v4;
	vm0 =	vmand vm0, vm1  }
0x2cc: {  	v6 =	vand.u32 $0x7, v6;
	v7 =	vand.u32 $0xFFFFFFF8, v7;
	vm0 =	vmand vm15, vm0  }
0x2cd: {  	p1 =	sgt.s32 s9, $0x0;
	v6 =	vor.u32 v6, v7  }
.Ltmp7:
0x2ce: {  	_ = 	snop;
	(pc) =	sbr.rel @!p1 .LBB2_9-.Ltmp7, $4  }
0x2cf: {  	_ = 	snop  }
0x2d0: {  	s13 =	sshll.u32 s13, $0x4  }
0x2d1: {  	v7 =	vor.u32 s13, v3  }
0x2d2: {  	s16 =	simm.s32 $0x0;
	s24 =	sadd.s32 $0x10, s14;
	[tilespmem:v6+s19+$0x0] =	vst.idx.msk vm0, v7  }
.LBB2_8:
0x2d3: {  	v6 =	vld [tilespmem:s24+$0xFFFFFFFF];
	s16 =	sadd.s32 $0x1, s16  }
0x2d4: {  	v7 =	vld [tilespmem:s24+$0x0];
	p1 =	sgt.s32 s9, s16;
	_ =	sdelay $0x3  }
0x2d5: {  	vm0 =	vge.s32 v6, v4;
	vm1 =	vlt.s32 v6, v5  }
0x2d6: {  	vm0 =	vmand vm0, vm1;
	vm1 =	vne.s32 v6, v7;
	v7 =	vsub.s32 v6, v4  }
0x2d7: {  	v6 =	vand.u32 $0x7, v6;
	vm0 =	vmand vm1, vm0;
	v7 =	vand.u32 $0xFFFFFFF8, v7  }
0x2d8: {  	v6 =	vor.u32 v6, v7  }
.Ltmp8:
0x2d9: {  	(pc) =	sbr.rel @p1 .LBB2_8-.Ltmp8, $4  }
0x2da: {  	_ = 	snop  }
0x2db: {  	s13 =	sadd.s32 $0x10, s13  }
0x2dc: {  	v7 =	vor.u32 s13, v3  }
0x2dd: {  	s24 =	sadd.s32 $0x10, s24;
	[tilespmem:v6+s19+$0x0] =	vst.idx.msk vm0, v7  }
.LBB2_9:
0x2de: {  	v4 =	vld [tilespmem:$0x8500];
	_ =	sdelay $0x3  }
0x2df: {  	v5 =	vld [tilespmem:$0x8510]  }
0x2e0: {  	v4 =	vxor.u32 $0x80000000, v4  }
0x2e1: {  	(xrf0) =	vmax.scan.msk.u32 $0xffff, v4;
	_ =	sdelay $0x1  }
0x2e2: {  	v4 =	vld [tilespmem:$0x8520]  }
0x2e3: {  	v5 =	vxor.u32 $0x80000000, v5  }
0x2e4: {  	(xrf0) =	vmax.scan.msk.u32 $0xffff, v5;
	_ =	sdelay $0x1  }
0x2e5: {  	v6 =	vld [tilespmem:$0x8530];
	v5, _, _ =	vpop (xrf0)  }
0x2e6: {  	v4 =	vxor.u32 $0x80000000, v4;
	v5 =	vxor.u32 $0x80000000, v5  }
0x2e7: {  	(xrf0) =	vmax.scan.msk.u32 $0xffff, v4;
	vm0 =	vgt.s32 v5, s1  }
0x2e8: {  	v4 =	vnsel vm0, s1, v5  }
0x2e9: {  	v8 =	vld [tilespmem:$0x8540];
	v5, _, _ =	vpop (xrf0);
	v7 =	vbroadcast v4, $0xF  }
0x2ea: {  	v6 =	vxor.u32 $0x80000000, v6;
	v5 =	vxor.u32 $0x80000000, v5  }
0x2eb: {  	(xrf0) =	vmax.scan.msk.u32 $0xffff, v6;
	vm13 =	vgt.s32 v5, v7  }
0x2ec: {  	v5 =	vsel vm13, v5, v7  }
0x2ed: {  	v9 =	vld [tilespmem:$0x8550];
	v6, _, _ =	vpop (xrf0);
	v7 =	vbroadcast v5, $0xF  }
0x2ee: {  	v8 =	vxor.u32 $0x80000000, v8;
	v6 =	vxor.u32 $0x80000000, v6  }
0x2ef: {  	(xrf0) =	vmax.scan.msk.u32 $0xffff, v8;
	vm14 =	vgt.s32 v6, v7  }
0x2f0: {  	v6 =	vsel vm14, v6, v7  }
0x2f1: {  	v10 =	vld [tilespmem:$0x8560];
	v7, _, _ =	vpop (xrf0);
	v24 =	vbroadcast v6, $0xF  }
0x2f2: {  	v9 =	vxor.u32 $0x80000000, v9;
	v7 =	vxor.u32 $0x80000000, v7  }
0x2f3: {  	(xrf0) =	vmax.scan.msk.u32 $0xffff, v9;
	vm15 =	vgt.s32 v7, v24  }
0x2f4: {  	v7 =	vsel vm15, v7, v24  }
0x2f5: {  	v11 =	vld [tilespmem:$0x8570];
	v25, _, _ =	vpop (xrf0);
	v26 =	vbroadcast v7, $0xF  }
0x2f6: {  	v10 =	vxor.u32 $0x80000000, v10;
	v8 =	vxor.u32 $0x80000000, v25  }
0x2f7: {  	(xrf0) =	vmax.scan.msk.u32 $0xffff, v10;
	vm4 =	vgt.s32 v8, v26  }
0x2f8: {  	v8 =	vsel vm4, v8, v26  }
0x2f9: {  	v12 =	vld [tilespmem:$0x8580];
	v27, _, _ =	vpop (xrf0);
	v28 =	vbroadcast v8, $0xF  }
0x2fa: {  	v11 =	vxor.u32 $0x80000000, v11;
	v9 =	vxor.u32 $0x80000000, v27  }
0x2fb: {  	(xrf0) =	vmax.scan.msk.u32 $0xffff, v11;
	vm5 =	vgt.s32 v9, v28  }
0x2fc: {  	v9 =	vsel vm5, v9, v28  }
0x2fd: {  	v13 =	vld [tilespmem:$0x8590];
	v29, _, _ =	vpop (xrf0);
	v30 =	vbroadcast v9, $0xF  }
0x2fe: {  	v12 =	vxor.u32 $0x80000000, v12;
	v10 =	vxor.u32 $0x80000000, v29  }
0x2ff: {  	(xrf0) =	vmax.scan.msk.u32 $0xffff, v12;
	vm6 =	vgt.s32 v10, v30  }
0x300: {  	v10 =	vsel vm6, v10, v30  }
0x301: {  	v14 =	vld [tilespmem:$0x85A0];
	v31, _, _ =	vpop (xrf0);
	v32 =	vbroadcast v10, $0xF  }
0x302: {  	v13 =	vxor.u32 $0x80000000, v13;
	v11 =	vxor.u32 $0x80000000, v31  }
0x303: {  	(xrf0) =	vmax.scan.msk.u32 $0xffff, v13;
	vm7 =	vgt.s32 v11, v32  }
0x304: {  	v11 =	vsel vm7, v11, v32  }
0x305: {  	v15 =	vld [tilespmem:$0x85B0];
	v33, _, _ =	vpop (xrf0);
	v34 =	vbroadcast v11, $0xF  }
0x306: {  	v14 =	vxor.u32 $0x80000000, v14;
	v12 =	vxor.u32 $0x80000000, v33  }
0x307: {  	(xrf0) =	vmax.scan.msk.u32 $0xffff, v14;
	vm8 =	vgt.s32 v12, v34  }
0x308: {  	v12 =	vsel vm8, v12, v34  }
0x309: {  	v16 =	vld [tilespmem:$0x85C0];
	v35, _, _ =	vpop (xrf0);
	v36 =	vbroadcast v12, $0xF  }
0x30a: {  	v15 =	vxor.u32 $0x80000000, v15;
	v13 =	vxor.u32 $0x80000000, v35  }
0x30b: {  	(xrf0) =	vmax.scan.msk.u32 $0xffff, v15;
	vm9 =	vgt.s32 v13, v36  }
0x30c: {  	v13 =	vsel vm9, v13, v36  }
0x30d: {  	v17 =	vld [tilespmem:$0x85D0];
	v37, _, _ =	vpop (xrf0);
	v38 =	vbroadcast v13, $0xF  }
0x30e: {  	v16 =	vxor.u32 $0x80000000, v16;
	v14 =	vxor.u32 $0x80000000, v37  }
0x30f: {  	(xrf0) =	vmax.scan.msk.u32 $0xffff, v16;
	vm10 =	vgt.s32 v14, v38  }
0x310: {  	v14 =	vsel vm10, v14, v38  }
0x311: {  	v18 =	vld [tilespmem:$0x85E0];
	v39, _, _ =	vpop (xrf0);
	v40 =	vbroadcast v14, $0xF  }
0x312: {  	v17 =	vxor.u32 $0x80000000, v17;
	v15 =	vxor.u32 $0x80000000, v39  }
0x313: {  	(xrf0) =	vmax.scan.msk.u32 $0xffff, v17;
	vm11 =	vgt.s32 v15, v40  }
0x314: {  	v15 =	vsel vm11, v15, v40  }
0x315: {  	v19 =	vld [tilespmem:$0x85F0];
	v41, _, _ =	vpop (xrf0);
	v42 =	vbroadcast v15, $0xF  }
0x316: {  	v18 =	vxor.u32 $0x80000000, v18;
	v16 =	vxor.u32 $0x80000000, v41  }
0x317: {  	(xrf0) =	vmax.scan.msk.u32 $0xffff, v18;
	vm12 =	vgt.s32 v16, v42  }
0x318: {  	v16 =	vsel vm12, v16, v42  }
0x319: {  	v20 =	vld [tilespmem:$0x8600];
	v43, _, _ =	vpop (xrf0);
	v44 =	vbroadcast v16, $0xF  }
0x31a: {  	v19 =	vxor.u32 $0x80000000, v19;
	v17 =	vxor.u32 $0x80000000, v43  }
0x31b: {  	(xrf0) =	vmax.scan.msk.u32 $0xffff, v19;
	vm13 =	vgt.s32 v17, v44  }
0x31c: {  	v17 =	vsel vm13, v17, v44  }
0x31d: {  	v21 =	vld [tilespmem:$0x8610];
	v45, _, _ =	vpop (xrf0);
	v46 =	vbroadcast v17, $0xF  }
0x31e: {  	v20 =	vxor.u32 $0x80000000, v20;
	v18 =	vxor.u32 $0x80000000, v45  }
0x31f: {  	(xrf0) =	vmax.scan.msk.u32 $0xffff, v20;
	vm14 =	vgt.s32 v18, v46  }
0x320: {  	v18 =	vsel vm14, v18, v46  }
0x321: {  	v22 =	vld [tilespmem:$0x8620];
	v47, _, _ =	vpop (xrf0);
	v48 =	vbroadcast v18, $0xF  }
0x322: {  	v21 =	vxor.u32 $0x80000000, v21;
	v19 =	vxor.u32 $0x80000000, v47  }
0x323: {  	(xrf0) =	vmax.scan.msk.u32 $0xffff, v21;
	vm15 =	vgt.s32 v19, v48  }
0x324: {  	v19 =	vsel vm15, v19, v48  }
0x325: {  	v23 =	vld [tilespmem:$0x8630];
	v49, _, _ =	vpop (xrf0);
	v50 =	vbroadcast v19, $0xF  }
0x326: {  	v22 =	vxor.u32 $0x80000000, v22;
	v20 =	vxor.u32 $0x80000000, v49  }
0x327: {  	(xrf0) =	vmax.scan.msk.u32 $0xffff, v22;
	vm4 =	vgt.s32 v20, v50  }
0x328: {  	v20 =	vsel vm4, v20, v50  }
0x329: {  	v24 =	vld [tilespmem:$0x8640];
	v51, _, _ =	vpop (xrf0);
	v52 =	vbroadcast v20, $0xF  }
0x32a: {  	v23 =	vxor.u32 $0x80000000, v23;
	v21 =	vxor.u32 $0x80000000, v51  }
0x32b: {  	(xrf0) =	vmax.scan.msk.u32 $0xffff, v23;
	vm5 =	vgt.s32 v21, v52  }
0x32c: {  	v21 =	vsel vm5, v21, v52  }
0x32d: {  	v25 =	vld [tilespmem:$0x8650];
	v53, _, _ =	vpop (xrf0);
	v54 =	vbroadcast v21, $0xF  }
0x32e: {  	v24 =	vxor.u32 $0x80000000, v24;
	v22 =	vxor.u32 $0x80000000, v53  }
0x32f: {  	(xrf0) =	vmax.scan.msk.u32 $0xffff, v24;
	vm6 =	vgt.s32 v22, v54  }
0x330: {  	v22 =	vsel vm6, v22, v54  }
0x331: {  	v26 =	vld [tilespmem:$0x8660];
	v55, _, _ =	vpop (xrf0);
	v56 =	vbroadcast v22, $0xF  }
0x332: {  	v25 =	vxor.u32 $0x80000000, v25;
	v23 =	vxor.u32 $0x80000000, v55  }
0x333: {  	(xrf0) =	vmax.scan.msk.u32 $0xffff, v25;
	vm7 =	vgt.s32 v23, v56  }
0x334: {  	v23 =	vsel vm7, v23, v56  }
0x335: {  	v27 =	vld [tilespmem:$0x8670];
	v57, _, _ =	vpop (xrf0);
	v58 =	vbroadcast v23, $0xF  }
0x336: {  	v26 =	vxor.u32 $0x80000000, v26;
	v24 =	vxor.u32 $0x80000000, v57  }
0x337: {  	(xrf0) =	vmax.scan.msk.u32 $0xffff, v26;
	vm8 =	vgt.s32 v24, v58  }
0x338: {  	v24 =	vsel vm8, v24, v58  }
0x339: {  	v28 =	vld [tilespmem:$0x8680];
	v59, _, _ =	vpop (xrf0);
	v60 =	vbroadcast v24, $0xF  }
0x33a: {  	v27 =	vxor.u32 $0x80000000, v27;
	v25 =	vxor.u32 $0x80000000, v59  }
0x33b: {  	(xrf0) =	vmax.scan.msk.u32 $0xffff, v27;
	vm9 =	vgt.s32 v25, v60  }
0x33c: {  	v25 =	vsel vm9, v25, v60  }
0x33d: {  	v29 =	vld [tilespmem:$0x8690];
	v61, _, _ =	vpop (xrf0);
	v62 =	vbroadcast v25, $0xF  }
0x33e: {  	v28 =	vxor.u32 $0x80000000, v28;
	v26 =	vxor.u32 $0x80000000, v61  }
0x33f: {  	(xrf0) =	vmax.scan.msk.u32 $0xffff, v28;
	vm10 =	vgt.s32 v26, v62  }
0x340: {  	v26 =	vsel vm10, v26, v62  }
0x341: {  	v30 =	vld [tilespmem:$0x86A0];
	v63, _, _ =	vpop (xrf0);
	v33 =	vbroadcast v26, $0xF  }
0x342: {  	v29 =	vxor.u32 $0x80000000, v29;
	v27 =	vxor.u32 $0x80000000, v63  }
0x343: {  	(xrf0) =	vmax.scan.msk.u32 $0xffff, v29;
	vm11 =	vgt.s32 v27, v33  }
0x344: {  	v27 =	vsel vm11, v27, v33  }
0x345: {  	v31 =	vld [tilespmem:$0x86B0];
	v34, _, _ =	vpop (xrf0);
	v35 =	vbroadcast v27, $0xF  }
0x346: {  	v30 =	vxor.u32 $0x80000000, v30;
	v28 =	vxor.u32 $0x80000000, v34  }
0x347: {  	(xrf0) =	vmax.scan.msk.u32 $0xffff, v30;
	vm12 =	vgt.s32 v28, v35  }
0x348: {  	v28 =	vsel vm12, v28, v35  }
0x349: {  	v32 =	vld [tilespmem:$0x86C0];
	v36, _, _ =	vpop (xrf0);
	v37 =	vbroadcast v28, $0xF  }
0x34a: {  	v31 =	vxor.u32 $0x80000000, v31;
	v29 =	vxor.u32 $0x80000000, v36  }
0x34b: {  	(xrf0) =	vmax.scan.msk.u32 $0xffff, v31;
	vm13 =	vgt.s32 v29, v37  }
0x34c: {  	v29 =	vsel vm13, v29, v37  }
0x34d: {  	v38, _, _ =	vpop (xrf0);
	v33 =	vld [tilespmem:$0x86D0];
	v39 =	vbroadcast v29, $0xF  }
0x34e: {  	v32 =	vxor.u32 $0x80000000, v32;
	v30 =	vxor.u32 $0x80000000, v38  }
0x34f: {  	(xrf0) =	vmax.scan.msk.u32 $0xffff, v32;
	vm14 =	vgt.s32 v30, v39  }
0x350: {  	v30 =	vsel vm14, v30, v39  }
0x351: {  	v34 =	vld [tilespmem:$0x86E0];
	v40, _, _ =	vpop (xrf0);
	v41 =	vbroadcast v30, $0xF  }
0x352: {  	v31 =	vxor.u32 $0x80000000, v40;
	v33 =	vxor.u32 $0x80000000, v33  }
0x353: {  	(xrf0) =	vmax.scan.msk.u32 $0xffff, v33;
	vm15 =	vgt.s32 v31, v41  }
0x354: {  	v31 =	vsel vm15, v31, v41  }
0x355: {  	v42, _, _ =	vpop (xrf0);
	v35 =	vld [tilespmem:$0x86F0];
	v43 =	vbroadcast v31, $0xF  }
0x356: {  	v34 =	vxor.u32 $0x80000000, v34;
	v32 =	vxor.u32 $0x80000000, v42  }
0x357: {  	(xrf0) =	vmax.scan.msk.u32 $0xffff, v34;
	vm4 =	vgt.s32 v32, v43  }
0x358: {  	v32 =	vsel vm4, v32, v43  }
0x359: {  	v36 =	vld [tilespmem:$0x8700];
	v44, _, _ =	vpop (xrf0);
	v45 =	vbroadcast v32, $0xF  }
0x35a: {  	v35 =	vxor.u32 $0x80000000, v35;
	v33 =	vxor.u32 $0x80000000, v44  }
0x35b: {  	(xrf0) =	vmax.scan.msk.u32 $0xffff, v35;
	vm5 =	vgt.s32 v33, v45  }
0x35c: {  	v33 =	vsel vm5, v33, v45  }
0x35d: {  	v37 =	vld [tilespmem:$0x8710];
	v46, _, _ =	vpop (xrf0);
	v47 =	vbroadcast v33, $0xF  }
0x35e: {  	[tilespmem:$0x167A0] =	vst v4;
	v48 =	vxor.u32 $0x80000000, v36;
	v4 =	vxor.u32 $0x80000000, v46  }
0x35f: {  	[tilespmem:$0x167B0] =	vst v5;
	(xrf0) =	vmax.scan.msk.u32 $0xffff, v48;
	vm6 =	vgt.s32 v4, v47  }
0x360: {  	[tilespmem:$0x167C0] =	vst v6;
	v4 =	vsel vm6, v4, v47  }
0x361: {  	[tilespmem:$0x167D0] =	vst v7;
	v7 =	vld [tilespmem:$0x8720];
	v5, _, _ =	vpop (xrf0);
	v6 =	vbroadcast v4, $0xF  }
0x362: {  	[tilespmem:$0x167E0] =	vst v8;
	v49 =	vxor.u32 $0x80000000, v37;
	v5 =	vxor.u32 $0x80000000, v5  }
0x363: {  	[tilespmem:$0x167F0] =	vst v9;
	(xrf0) =	vmax.scan.msk.u32 $0xffff, v49;
	vm7 =	vgt.s32 v5, v6  }
0x364: {  	[tilespmem:$0x16800] =	vst v10;
	v5 =	vsel vm7, v5, v6  }
0x365: {  	[tilespmem:$0x16810] =	vst v11;
	v51 =	vld [tilespmem:$0x8730];
	v6, _, _ =	vpop (xrf0);
	v50 =	vbroadcast v5, $0xF  }
0x366: {  	v7 =	vxor.u32 $0x80000000, v7;
	[tilespmem:$0x16820] =	vst v12;
	v6 =	vxor.u32 $0x80000000, v6  }
0x367: {  	[tilespmem:$0x16830] =	vst v13;
	(xrf0) =	vmax.scan.msk.u32 $0xffff, v7;
	vm8 =	vgt.s32 v6, v50  }
0x368: {  	[tilespmem:$0x16840] =	vst v14;
	v6 =	vsel vm8, v6, v50  }
0x369: {  	[tilespmem:$0x16850] =	vst v15;
	v52 =	vld [tilespmem:$0x8740];
	v7, _, _ =	vpop (xrf0);
	v8 =	vbroadcast v6, $0xF  }
0x36a: {  	[tilespmem:$0x16860] =	vst v16;
	v9 =	vxor.u32 $0x80000000, v51;
	v7 =	vxor.u32 $0x80000000, v7  }
0x36b: {  	[tilespmem:$0x16870] =	vst v17;
	(xrf0) =	vmax.scan.msk.u32 $0xffff, v9;
	vm9 =	vgt.s32 v7, v8  }
0x36c: {  	[tilespmem:$0x16880] =	vst v18;
	v7 =	vsel vm9, v7, v8  }
0x36d: {  	v55 =	vld [tilespmem:$0x8750];
	[tilespmem:$0x16890] =	vst v19;
	v53, _, _ =	vpop (xrf0);
	v54 =	vbroadcast v7, $0xF  }
0x36e: {  	[tilespmem:$0x168A0] =	vst v20;
	v10 =	vxor.u32 $0x80000000, v52;
	v8 =	vxor.u32 $0x80000000, v53  }
0x36f: {  	[tilespmem:$0x168B0] =	vst v21;
	(xrf0) =	vmax.scan.msk.u32 $0xffff, v10;
	vm10 =	vgt.s32 v8, v54  }
0x370: {  	[tilespmem:$0x168C0] =	vst v22;
	v8 =	vsel vm10, v8, v54  }
0x371: {  	[tilespmem:$0x168D0] =	vst v23;
	v58 =	vld [tilespmem:$0x8760];
	v56, _, _ =	vpop (xrf0);
	v57 =	vbroadcast v8, $0xF  }
0x372: {  	v11 =	vxor.u32 $0x80000000, v55;
	[tilespmem:$0x168E0] =	vst v24;
	v9 =	vxor.u32 $0x80000000, v56  }
0x373: {  	[tilespmem:$0x168F0] =	vst v25;
	(xrf0) =	vmax.scan.msk.u32 $0xffff, v11;
	vm11 =	vgt.s32 v9, v57  }
0x374: {  	[tilespmem:$0x16900] =	vst v26;
	v9 =	vsel vm11, v9, v57  }
0x375: {  	v61 =	vld [tilespmem:$0x8770];
	[tilespmem:$0x16910] =	vst v27;
	v59, _, _ =	vpop (xrf0);
	v60 =	vbroadcast v9, $0xF  }
0x376: {  	v12 =	vxor.u32 $0x80000000, v58;
	[tilespmem:$0x16920] =	vst v28;
	v10 =	vxor.u32 $0x80000000, v59  }
0x377: {  	[tilespmem:$0x16930] =	vst v29;
	(xrf0) =	vmax.scan.msk.u32 $0xffff, v12;
	vm12 =	vgt.s32 v10, v60  }
0x378: {  	[tilespmem:$0x16940] =	vst v30;
	v10 =	vsel vm12, v10, v60  }
0x379: {  	[tilespmem:$0x16950] =	vst v31;
	v62, _, _ =	vpop (xrf0);
	v63 =	vbroadcast v10, $0xF  }
0x37a: {  	v13 =	vxor.u32 $0x80000000, v61;
	[tilespmem:$0x16960] =	vst v32;
	v11 =	vxor.u32 $0x80000000, v62  }
0x37b: {  	[tilespmem:$0x16970] =	vst v33;
	(xrf0) =	vmax.scan.msk.u32 $0xffff, v13;
	vm13 =	vgt.s32 v11, v63  }
0x37c: {  	[tilespmem:$0x16980] =	vst v4;
	v11 =	vsel vm13, v11, v63  }
0x37d: {  	[tilespmem:$0x16990] =	vst v5;
	v4, _, _ =	vpop (xrf0);
	v5 =	vbroadcast v11, $0xF  }
0x37e: {  	[tilespmem:$0x169A0] =	vst v6;
	v4 =	vxor.u32 $0x80000000, v4  }
0x37f: {  	[tilespmem:$0x169B0] =	vst v7;
	vm14 =	vgt.s32 v4, v5  }
0x380: {  	[tilespmem:$0x169C0] =	vst v8;
	v4 =	vsel vm14, v4, v5  }
0x381: {  	[tilespmem:$0x169D0] =	vst v9;
	v5, _, _ =	vpop (xrf0);
	v6 =	vbroadcast v4, $0xF  }
0x382: {  	s13 =	rddreg [dreg:$0x15];
	[tilespmem:$0x169E0] =	vst v10;
	v5 =	vxor.u32 $0x80000000, v5  }
0x383: {  	s1 =	sadd.s32 s28, s13;
	[tilespmem:$0x169F0] =	vst v11;
	vm15 =	vgt.s32 v5, v6  }
0x384: {  	s9 =	sshrl.u32 s1, $0x3;
	[tilespmem:$0x16A00] =	vst v4;
	v4 =	vsel vm15, v5, v6  }
0x385: {  	s9 =	sadd.s32 s18, s9;
	[tilespmem:$0x16A10] =	vst v4  }
0x386: {  	[tilespmem:s20], [sflag:$0x2] =	stream.linear.gather [hbm4b:s9+s4], $0x80, $0x38;
	[tilespmem:$0x16CA0] =	vst v63  }
0x387: {  	s13 =	sadd.s32 $0x10, s9  }
0x388: {  	[tilespmem:s21], [sflag:$0x2] =	stream.linear.gather [hbm4b:s13+s4], $0x80, $0x38;
	[tilespmem:$0x16CA0] =	vst v63  }
0x389: {  	s14 =	sadd.s32 $0x20, s9  }
0x38a: {  	[tilespmem:s22], [sflag:$0x2] =	stream.linear.gather [hbm4b:s14+s4], $0x80, $0x38;
	[tilespmem:$0x16CA0] =	vst v63  }
0x38b: {  	s15 =	sadd.s32 $0x30, s9  }
0x38c: {  	[tilespmem:s23], [sflag:$0x2] =	stream.linear.gather [hbm4b:s15+s4], $0x80, $0x38;
	[tilespmem:$0x16CA0] =	vst v63  }
0x38d: {  	s9 =	sadd.s32 $0x40, s9  }
0x38e: {  	[tilespmem:s25], [sflag:$0x2] =	stream.linear.gather [hbm4b:s9+s4], $0x80, $0x38;
	[tilespmem:$0x16CA0] =	vst v63  }
0x38f: {  	_ =	swait.ge [sflag:s31], $0x1000  }
0x390: {  	[sflag:s31] =	ssyncset.done $0x0  }
0x391: {  	[sflag:s31] =	ssyncadd.s32 $0xFFFFF000  }
0x392: {  	_ =	swait.ge [sflag:s31], $0x1000  }
0x393: {  	[sflag:s31] =	ssyncset.done $0x0  }
0x394: {  	[sflag:s31] =	ssyncadd.s32 $0xFFFFF000  }
0x395: {  	_ =	swait.ge [sflag:s31], $0x1000  }
0x396: {  	[sflag:s31] =	ssyncset.done $0x0  }
0x397: {  	[sflag:s31] =	ssyncadd.s32 $0xFFFFF000  }
0x398: {  	_ =	swait.ge [sflag:s31], $0x1000  }
0x399: {  	[sflag:s31] =	ssyncset.done $0x0  }
0x39a: {  	[sflag:s31] =	ssyncadd.s32 $0xFFFFF000  }
0x39b: {  	_ =	swait.ge [sflag:s31], $0x1000  }
0x39c: {  	[sflag:s31] =	ssyncset.done $0x0  }
0x39d: {  	s16 =	simm.s32 $0x167A0;
	[sflag:s31] =	ssyncadd.s32 $0xFFFFF000  }
0x39e: {  	[spmem:s3] =	stream.indirect.scatter.add.f32 [tilespmem:s30], [sflag:$0x3], $0x20, s16, s11, $0xb8;
	[tilespmem:$0x16CA0] =	vst v63  }
0x39f: {  	s24 =	simm.s32 $0xD7A0;
	s26 =	simm.s32 $0x16820  }
0x3a0: {  	[spmem:s3] =	stream.indirect.scatter.add.f32 [tilespmem:s24], [sflag:$0x3], $0x20, s26, s11, $0xb8;
	[tilespmem:$0x16CA0] =	vst v63  }
0x3a1: {  	s13 =	simm.s32 $0xE7A0;
	s14 =	simm.s32 $0x168A0  }
0x3a2: {  	[spmem:s3] =	stream.indirect.scatter.add.f32 [tilespmem:s13], [sflag:$0x3], $0x20, s14, s11, $0xb8;
	[tilespmem:$0x16CA0] =	vst v63  }
0x3a3: {  	s15 =	simm.s32 $0xF7A0;
	s16 =	simm.s32 $0x16920  }
0x3a4: {  	[spmem:s3] =	stream.indirect.scatter.add.f32 [tilespmem:s15], [sflag:$0x3], $0x20, s16, s11, $0xb8;
	[tilespmem:$0x16CA0] =	vst v63  }
0x3a5: {  	s9 =	simm.s32 @!p0 $0x4;
	s24 =	simm.s32 $0x107A0;
	s26 =	simm.s32 $0x169A0  }
0x3a6: {  	[spmem:s3] =	stream.indirect.scatter.add.f32 [tilespmem:s24], [sflag:$0x3], $0x20, s26, s11, $0xb8;
	[tilespmem:$0x16CA0] =	vst v63  }
0x3a7: {  	_ =	swait.ge @!p0 [sflag:s9], $0x5000  }
0x3a8: {  	[sflag:s9] =	ssyncset.done @!p0 $0x0  }
0x3a9: {  	[sflag:s9] =	ssyncadd.s32 @!p0 $0xFFFFB000  }
0x3aa: {  	_ =	swait.ge [sflag:s10], $0x80  }
0x3ab: {  	[sflag:s10] =	ssyncset.done $0x0  }
0x3ac: {  	[sflag:s10] =	ssyncadd.s32 $0xFFFFFF80  }
0x3ad: {  	_ =	swait.ge [sflag:s10], $0x80  }
0x3ae: {  	[sflag:s10] =	ssyncset.done $0x0  }
0x3af: {  	[sflag:s10] =	ssyncadd.s32 $0xFFFFFF80  }
0x3b0: {  	_ =	swait.ge [sflag:s10], $0x80  }
0x3b1: {  	[sflag:s10] =	ssyncset.done $0x0  }
0x3b2: {  	[sflag:s10] =	ssyncadd.s32 $0xFFFFFF80  }
0x3b3: {  	_ =	swait.ge [sflag:s10], $0x80  }
0x3b4: {  	[sflag:s10] =	ssyncset.done $0x0  }
0x3b5: {  	[sflag:s10] =	ssyncadd.s32 $0xFFFFFF80  }
0x3b6: {  	_ =	swait.ge [sflag:s10], $0x80  }
0x3b7: {  	[sflag:s10] =	ssyncset.done $0x0  }
0x3b8: {  	[sflag:s10] =	ssyncadd.s32 $0xFFFFFF80  }
0x3b9: {  	[tilespmem:s7], [sflag:$0x1] =	stream.indirect.gather [hbm4b:s6+s11], $0x20, s20, s11, $0xb8;
	[tilespmem:$0x16CA0] =	vst v63  }
0x3ba: {  	_ = 	snop  }
0x3bb: {  	[tilespmem:s17], [sflag:$0x1] =	stream.indirect.gather [hbm4b:s6+s11], $0x20, s21, s11, $0xb8;
	[tilespmem:$0x16CA0] =	vst v63  }
0x3bc: {  	_ = 	snop  }
0x3bd: {  	[tilespmem:s12], [sflag:$0x1] =	stream.indirect.gather [hbm4b:s6+s11], $0x20, s22, s11, $0xb8;
	[tilespmem:$0x16CA0] =	vst v63  }
0x3be: {  	_ = 	snop  }
0x3bf: {  	[tilespmem:s0], [sflag:$0x1] =	stream.indirect.gather [hbm4b:s6+s11], $0x20, s23, s11, $0xb8;
	[tilespmem:$0x16CA0] =	vst v63  }
0x3c0: {  	_ = 	snop  }
0x3c1: {  	[tilespmem:s5], [sflag:$0x1] =	stream.indirect.gather [hbm4b:s6+s11], $0x20, s25, s11, $0xb8;
	[tilespmem:$0x16CA0] =	vst v63  }
0x3c2: {  	[tilespmem:$0x8500] =	vst v2  }
0x3c3: {  	[tilespmem:$0x8510] =	vst v2  }
0x3c4: {  	[tilespmem:$0x8520] =	vst v2  }
0x3c5: {  	[tilespmem:$0x8530] =	vst v2  }
0x3c6: {  	[tilespmem:$0x8540] =	vst v2  }
0x3c7: {  	[tilespmem:$0x8550] =	vst v2  }
0x3c8: {  	[tilespmem:$0x8560] =	vst v2  }
0x3c9: {  	[tilespmem:$0x8570] =	vst v2  }
0x3ca: {  	[tilespmem:$0x8580] =	vst v2  }
0x3cb: {  	[tilespmem:$0x8590] =	vst v2  }
0x3cc: {  	[tilespmem:$0x85A0] =	vst v2  }
0x3cd: {  	[tilespmem:$0x85B0] =	vst v2  }
0x3ce: {  	[tilespmem:$0x85C0] =	vst v2  }
0x3cf: {  	[tilespmem:$0x85D0] =	vst v2  }
0x3d0: {  	[tilespmem:$0x85E0] =	vst v2  }
0x3d1: {  	[tilespmem:$0x85F0] =	vst v2  }
0x3d2: {  	[tilespmem:$0x8600] =	vst v2  }
0x3d3: {  	[tilespmem:$0x8610] =	vst v2  }
0x3d4: {  	[tilespmem:$0x8620] =	vst v2  }
0x3d5: {  	[tilespmem:$0x8630] =	vst v2  }
0x3d6: {  	[tilespmem:$0x8640] =	vst v2  }
0x3d7: {  	[tilespmem:$0x8650] =	vst v2  }
0x3d8: {  	[tilespmem:$0x8660] =	vst v2  }
0x3d9: {  	[tilespmem:$0x8670] =	vst v2  }
0x3da: {  	[tilespmem:$0x8680] =	vst v2  }
0x3db: {  	[tilespmem:$0x8690] =	vst v2  }
0x3dc: {  	[tilespmem:$0x86A0] =	vst v2  }
0x3dd: {  	[tilespmem:$0x86B0] =	vst v2  }
0x3de: {  	[tilespmem:$0x86C0] =	vst v2  }
0x3df: {  	[tilespmem:$0x86D0] =	vst v2  }
0x3e0: {  	[tilespmem:$0x86E0] =	vst v2  }
0x3e1: {  	[tilespmem:$0x86F0] =	vst v2  }
0x3e2: {  	[tilespmem:$0x8700] =	vst v2  }
0x3e3: {  	[tilespmem:$0x8710] =	vst v2  }
0x3e4: {  	[tilespmem:$0x8720] =	vst v2  }
0x3e5: {  	[tilespmem:$0x8730] =	vst v2  }
0x3e6: {  	[tilespmem:$0x8740] =	vst v2  }
0x3e7: {  	[tilespmem:$0x8750] =	vst v2  }
0x3e8: {  	s13 =	simm.s32 $0x4000;
	s14 =	simm.s32 $0x4000;
	[tilespmem:$0x8760] =	vst v2  }
0x3e9: {  	s16 =	sadd.s32 $0x280, s1;
	s24 =	simm.s32 $0xE;
	s9 =	simm.s32 $0x0;
	[tilespmem:$0x8770] =	vst v2  }
.LBB2_10:
0x3ea: {  	s15 =	smov.u32 s13  }
0x3eb: {  	p0 =	sne.s32 s24, $0x1;
	s13 =	sand.u32 $0x1, s14  }
0x3ec: {  	p1 =	slt.s32 s14, $0x1;
	p2 =	seq.s32 s13, $0x1  }
0x3ed: {  	s13 =	sshrl.u32 s14, $0x1F;
	p1 =	por !p1, !p2  }
0x3ee: {  	s13 =	sadd.s32 s13, s14;
	s14 =	simm.s32 $0x1;
	p1 =	por !p1, !p1  }
0x3ef: {  	s13 =	sshra.s32 s13, $0x1;
	s14 =	simm.s32 @!p1 $0x0  }
0x3f0: {  	s13 =	ssub.s32 s13, s14  }
0x3f1: {  	v5 =	vld [tilespmem:s13+$0x8780];
	_ =	sdelay $0x4  }
0x3f2: {  	(v2sf) =	vpush v5, $0x0;
	_ =	sdelay $0xd  }
.Ltmp9:
0x3f3: {  	(pc) =	sbr.rel @p0 .LBB2_10-.Ltmp9, $4  }
0x3f4: {  	s14 =	spop (v2sf)  }
0x3f5: {  	p1 =	slt.s32 s14, s16;
	s14 =	sadd.s32 $0x1, s13  }
0x3f6: {  	s9 =	smov.u32 @p1 s14;
	s13 =	smov.u32 @p1 s15  }
0x3f7: {  	s24 =	sadd.s32 $0xFFFFFFFF, s24;
	s14 =	sadd.s32 s9, s13  }
0x3f8: {  	s13 =	sand.u32 $0x1, s14  }
0x3f9: {  	p0 =	slt.s32 s14, $0x1;
	p1 =	seq.s32 s13, $0x1  }
0x3fa: {  	s24 =	sshrl.u32 s14, $0x1F;
	p0 =	por !p0, !p1  }
0x3fb: {  	s13 =	sadd.s32 s24, s14;
	s14 =	simm.s32 $0x1;
	p0 =	por !p0, !p0  }
0x3fc: {  	s13 =	sshra.s32 s13, $0x1;
	s14 =	simm.s32 @!p0 $0x0  }
0x3fd: {  	s13 =	ssub.s32 s13, s14  }
0x3fe: {  	v5 =	vld [tilespmem:s13+$0x8780];
	_ =	sdelay $0x4  }
0x3ff: {  	(v2sf) =	vpush v5, $0x0;
	_ =	sdelay $0xe  }
0x400: {  	s15 =	sshra.s32 s29, $0x1F;
	p3 =	slt.s32 s29, $0x1;
	s26 =	spop (v2sf)  }
0x401: {  	s24 =	sand.u32 $0xF, s29;
	s13 =	sadd.s32 $0x1, s13;
	p0 =	slt.s32 s26, s16  }
0x402: {  	p4 =	sne.s32 s24, $0x0;
	s9 =	smov.u32 @p0 s13;
	s13 =	sshrl.u32 s15, $0x1C  }
0x403: {  	s24 =	simm.s32 $0x1;
	p0 =	por !p3, !p4;
	s13 =	sadd.s32 s13, s29  }
0x404: {  	s14 =	sadd.s32 $0xFFFFFFFF, s9;
	p0 =	por !p0, !p0;
	p6 =	slt.s32 s9, $0x2  }
0x405: {  	s13 =	sshra.s32 s13, $0x4;
	s15 =	sand.u32 $0xF, s14;
	s26 =	sshra.s32 s14, $0x1F  }
0x406: {  	s24 =	simm.s32 @!p0 $0x0;
	p5 =	sne.s32 s15, $0x0;
	s15 =	sshrl.u32 s26, $0x1C  }
0x407: {  	s13 =	ssub.s32 s13, s24;
	s14 =	sadd.s32 s15, s14;
	p0 =	por !p6, !p5  }
0x408: {  	s15 =	simm.s32 $0x1;
	s14 =	sshra.s32 s14, $0x4;
	p0 =	por !p0, !p0  }
0x409: {  	s14 =	ssub.s32 s14, s13;
	s15 =	simm.s32 @!p0 $0x0  }
0x40a: {  	p0 =	sle.s32 s9, s29;
	s24 =	ssub.s32 s14, s15  }
0x40b: {  	p1 =	slt.s32 @!p0 s24, $0x0  }
0x40c: {  	p0 =	por p0, p1  }
.Ltmp10:
0x40d: {  	_ = 	snop;
	(pc) =	sbr.rel @p0 .LBB2_14-.Ltmp10, $1  }
0x40e: {  	_ =	sdelay $0x3  }
0x40f: {  	s14 =	sshll.u32 s13, $0x6  }
0x410: {  	s14 =	sshra.s32 s14, $0x2  }
0x411: {  	s14 =	sadd.s32 $0x8781, s14  }
0x412: {  	v7 =	vld [tilespmem:s14+$0xFFFFFFFF]  }
0x413: {  	v8 =	vld [tilespmem:s14+$0x0];
	_ =	sdelay $0x2  }
0x414: {  	v5 =	vmov s1;
	v6 =	vmov s16  }
0x415: {  	vm0 =	vge.s32 v7, v5;
	vm1 =	vlt.s32 v7, v6  }
0x416: {  	vm15 =	vne.s32 v7, v8;
	v8 =	vsub.s32 v7, v5;
	vm0 =	vmand vm0, vm1  }
0x417: {  	v7 =	vand.u32 $0x7, v7;
	v8 =	vand.u32 $0xFFFFFFF8, v8;
	vm0 =	vmand vm15, vm0  }
0x418: {  	p0 =	sgt.s32 s24, $0x0;
	v7 =	vor.u32 v7, v8  }
.Ltmp11:
0x419: {  	_ = 	snop;
	(pc) =	sbr.rel @!p0 .LBB2_14-.Ltmp11, $4  }
0x41a: {  	_ = 	snop  }
0x41b: {  	s1 =	sshll.u32 s13, $0x4  }
0x41c: {  	v8 =	vor.u32 s1, v3  }
0x41d: {  	s13 =	simm.s32 $0x0;
	s16 =	sadd.s32 $0x10, s14;
	[tilespmem:v7+s19+$0x0] =	vst.idx.msk vm0, v8  }
.LBB2_13:
0x41e: {  	v7 =	vld [tilespmem:s16+$0xFFFFFFFF];
	s13 =	sadd.s32 $0x1, s13  }
0x41f: {  	v8 =	vld [tilespmem:s16+$0x0];
	p0 =	sgt.s32 s24, s13;
	_ =	sdelay $0x3  }
0x420: {  	vm0 =	vge.s32 v7, v5;
	vm1 =	vlt.s32 v7, v6  }
0x421: {  	vm0 =	vmand vm0, vm1;
	vm1 =	vne.s32 v7, v8;
	v8 =	vsub.s32 v7, v5  }
0x422: {  	v7 =	vand.u32 $0x7, v7;
	vm0 =	vmand vm1, vm0;
	v8 =	vand.u32 $0xFFFFFFF8, v8  }
0x423: {  	v7 =	vor.u32 v7, v8  }
.Ltmp12:
0x424: {  	(pc) =	sbr.rel @p0 .LBB2_13-.Ltmp12, $4  }
0x425: {  	_ = 	snop  }
0x426: {  	s1 =	sadd.s32 $0x10, s1  }
0x427: {  	v8 =	vor.u32 s1, v3  }
0x428: {  	s16 =	sadd.s32 $0x10, s16;
	[tilespmem:v7+s19+$0x0] =	vst.idx.msk vm0, v8  }
.Ltmp13:
0x429: {  	_ = 	snop;
	(pc) =	sbr.rel .LBB2_14-.Ltmp13, $1  }
0x42a: {  	_ =	sdelay $0x3  }
.LBB2_16:
0x42b: {  	_ =	sfence.sel $0x180000  }
0x42c: {  	[bflag:$0x0] =	sbarrier.arrive $0xFFFF  }
0x42d: {  	_ =	strace $0x90000047  }
0x42e: {  	s0 =	stileid.u32;
	[bflag:$0x2] =	sbarrier.arrive $0xFFFF  }
0x42f: {  	p0 =	sne.s32 s0, $0x0;
	s0 =	rddreg [dreg:$0x4]  }
0x430: {  	s0 =	sadd.s32 @!p0 $0x100000, s0  }
0x431: {  	[sflag:s0] =	ssyncadd.tile.s32 @!p0 $0x1;
	_ =	shalt  }
.Lfunc_end2:
_tile_overlayer_lowered:
.L_overlay_start_2:
0x432: {  	(tag) =	ssettag $0x2  }
0x433: {  	s0 =	rddreg [dreg:$0x0];
	s2 =	stileid.u32  }
0x434: {  	s1 =	rddreg [dreg:$0x1];
	p0 =	sne.s32 s2, $0x0  }
0x435: {  	s3 =	rddreg [dreg:$0x2];
	[bflag:$0x3] =	sbarrier.arrive $0xFFFF;
	s2 =	simm.s32 @!p0 $0x1C05  }
0x436: {  	[timem:s3], [sflag:s2] =	dma.local @!p0 [hbm:s0], s1  }
0x437: {  	s0 =	simm.s32 @!p0 $0x5  }
0x438: {  	_ =	swait.ge @!p0 [sflag:s0], s1  }
0x439: {  	s1 =	ssub.s32 @!p0 $0x0, s1;
	[sflag:s0] =	ssyncset.done @!p0 $0x0  }
0x43a: {  	[sflag:s0] =	ssyncadd.s32 @!p0 s1  }
0x43b: {  	[bflag:$0x3] =	sbarrier.arrive $0xFFFF  }
0x43c: {  	_ =	shalt  }

// kernel: kernel.7.cloned.1.call-start
scs
__scs_entry_jumppad:
0x0: {  	(pc) =	sbr.rel $0x88, $3  }
0x1: {  	(tag) =	ssettag $0x0;
	lr =	simm.s32 $0x1  }
0x2: {  	[smem:$0x3F9E] =	sst lr;
	_ =	strace $0xD0000000  }
0x3: {  	_ = 	snop  }
0x4: {  	_ = 	snop  }
0x5: {  	_ = 	snop  }
0x6: {  	_ = 	snop  }
0x7: {  	_ = 	snop  }
__scs_overlays_trampoline_lowered:
0x8: {  	[smem:$0x3FAD] =	sst s0  }
0x9: {  	[smem:$0x3FAE] =	sst s1  }
0xa: {  	[smem:$0x3FAF] =	sst s2  }
0xb: {  	[smem:$0x3FB0] =	sst s3  }
0xc: {  	[smem:$0x3FB1] =	sst s4  }
0xd: {  	[smem:$0x3FB2] =	sst s5  }
0xe: {  	[smem:$0x3FB3] =	sst s6  }
0xf: {  	[smem:$0x3FB4] =	sst s7  }
0x10: {  	[smem:$0x3FB5] =	sst s8  }
0x11: {  	[smem:$0x3FB6] =	sst s9;
	s0 =	simm.s32 @!p0 $0x0  }
0x12: {  	s1 =	sld [smem:$0x3F9C];
	s0 =	simm.s32 @p0 $0x1  }
0x13: {  	[smem:$0x3FB7] =	sst s0;
	s0 =	simm.s32 @!p1 $0x0  }
0x14: {  	s2 =	sld [smem:$0x3F9B];
	s0 =	simm.s32 @p1 $0x1  }
0x15: {  	[smem:$0x3FB8] =	sst s0;
	s0 =	simm.s32 @!p2 $0x0  }
0x16: {  	s3 =	sld [smem:$0x3FDB];
	s0 =	simm.s32 @p2 $0x1  }
0x17: {  	s4 =	simm.s32 $0x1BF5;
	[smem:$0x3FBA] =	sst s0  }
0x18: {  	s0 =	sld [smem:$0x3F9D];
	_ =	swait.ge [sflag:s4], $0x0  }
0x19: {  	s7 =	sld [smem:$0x3F9E]  }
0x1a: {  	s8 =	sadd.s32 $0xFFFFE003, lr  }
0x1b: {  	s9 =	sadd.s32 $0xFFFFFEF7, lr;
	s5 =	simm.s32 $0xFFFFFFFF;
	p2 =	slt.u32 s8, $0xFFFFF086  }
0x1c: {  	p1 =	slt.u32 s9, $0xF7A;
	s5 =	simm.s32 @!p2 $0x0  }
0x1d: {  	s5 =	simm.s32 @p1 $0x1;
	p0 =	seq.s32 s7, s2  }
0x1e: {  	s7 =	smul.u32 @!p0 $0xF7A, s2;
	p2 =	seq.s32 @!p0 s5, $0x0  }
0x1f: {  	s9 =	smul.u32 $0xF7A, s1;
	s8 =	simm.s32 @!p0 $0x1BF5;
	p2 =	por !p2, p0  }
0x20: {  	[sflag:s8] =	ssyncset.s32 @!p0 $0xFFFFF086;
	s6 =	sadd.s32 @!p0 s3, s7;
	s7 =	simm.s32 @!p0 $0x108  }
0x21: {  	s3 =	sadd.s32 s3, s9;
	s6 =	sadd.s32 @!p0 $0x88, s6;
	s7 =	simm.s32 @p2 $0x1082  }
0x22: {  	[simem:s7], [sflag:s8] =	dma.local @!p0 [hbm:s6], $0xF7A  }
0x23: {  	s9 =	sor.u32 $0xD0000000, s2;
	s6 =	simm.s32 $0x108;
	_ =	swait.ge @!p0 [sflag:s8], $0x0  }
0x24: {  	s3 =	sadd.s32 $0x88, s3;
	s6 =	simm.s32 @!p1 $0x1082;
	[sflag:s4] =	ssyncset.s32 $0xFFFFF086  }
0x25: {  	[simem:s6], [sflag:s4] =	dma.local [hbm:s3], $0xF7A  }
0x26: {  	[smem:$0x3F9E] =	sst s1;
	(tag) =	ssettag s2;
	_ =	strace s9  }
0x27: {  	s1 =	sld [smem:$0x3FAE]  }
0x28: {  	s2 =	sld [smem:$0x3FAF]  }
0x29: {  	s4 =	sld [smem:$0x3FB1]  }
0x2a: {  	p0 =	seq.s32 s5, $0x0;
	s5 =	sld [smem:$0x3FB2]  }
0x2b: {  	s6 =	sld [smem:$0x3FB3]  }
0x2c: {  	s7 =	sld [smem:$0x3FB4]  }
0x2d: {  	s3 =	simm.s32 $0x108;
	s8 =	sld [smem:$0x3FB5]  }
0x2e: {  	s3 =	simm.s32 @!p0 $0x1082;
	s9 =	sld [smem:$0x3FB6]  }
0x2f: {  	lr =	sadd.s32 s0, s3;
	s0 =	sld [smem:$0x3FAD]  }
0x30: {  	s3 =	sld [smem:$0x3FB0]  }
0x31: {  	[smem:$0x3FB9] =	sst s10  }
0x32: {  	s10 =	sld [smem:$0x3FB7];
	_ =	sdelay $0x3  }
0x33: {  	p0 =	seq.s32 s10, $0x1;
	s10 =	sld [smem:$0x3FB9];
	_ =	sdelay $0x3  }
0x34: {  	[smem:$0x3FB9] =	sst s10  }
0x35: {  	s10 =	sld [smem:$0x3FB8];
	_ =	sdelay $0x3  }
0x36: {  	p1 =	seq.s32 s10, $0x1;
	s10 =	sld [smem:$0x3FB9];
	_ =	sdelay $0x3  }
0x37: {  	[smem:$0x3FB9] =	sst s10  }
0x38: {  	s10 =	sld [smem:$0x3FBA]  }
0x39: {  	_ = 	snop;
	(pc) =	sbr.ind lr, $3  }
0x3a: {  	_ = 	snop  }
0x3b: {  	_ = 	snop  }
0x3c: {  	p2 =	seq.s32 s10, $0x1;
	s10 =	sld [smem:$0x3FB9]  }
0x3d: {  	_ =	shalt  }
0x3e: {  	_ =	shalt  }
0x3f: {  	_ =	shalt  }
0x40: {  	_ =	shalt  }
0x41: {  	_ =	shalt  }
0x42: {  	_ =	shalt  }
0x43: {  	_ =	shalt  }
0x44: {  	_ =	shalt  }
0x45: {  	_ =	shalt  }
0x46: {  	_ =	shalt  }
0x47: {  	_ =	shalt  }
0x48: {  	_ =	shalt  }
0x49: {  	_ =	shalt  }
0x4a: {  	_ =	shalt  }
0x4b: {  	_ =	shalt  }
0x4c: {  	_ =	shalt  }
0x4d: {  	_ =	shalt  }
0x4e: {  	_ =	shalt  }
0x4f: {  	_ =	shalt  }
0x50: {  	_ =	shalt  }
0x51: {  	_ =	shalt  }
0x52: {  	_ =	shalt  }
0x53: {  	_ =	shalt  }
0x54: {  	_ =	shalt  }
0x55: {  	_ =	shalt  }
0x56: {  	_ =	shalt  }
0x57: {  	_ =	shalt  }
0x58: {  	_ =	shalt  }
0x59: {  	_ =	shalt  }
0x5a: {  	_ =	shalt  }
0x5b: {  	_ =	shalt  }
0x5c: {  	_ =	shalt  }
0x5d: {  	_ =	shalt  }
0x5e: {  	_ =	shalt  }
0x5f: {  	_ =	shalt  }
0x60: {  	_ =	shalt  }
0x61: {  	_ =	shalt  }
0x62: {  	_ =	shalt  }
0x63: {  	_ =	shalt  }
0x64: {  	_ =	shalt  }
0x65: {  	_ =	shalt  }
0x66: {  	_ =	shalt  }
0x67: {  	_ =	shalt  }
0x68: {  	_ =	shalt  }
0x69: {  	_ =	shalt  }
0x6a: {  	_ =	shalt  }
0x6b: {  	_ =	shalt  }
0x6c: {  	_ =	shalt  }
0x6d: {  	_ =	shalt  }
0x6e: {  	_ =	shalt  }
0x6f: {  	_ =	shalt  }
0x70: {  	_ =	shalt  }
0x71: {  	_ =	shalt  }
0x72: {  	_ =	shalt  }
0x73: {  	_ =	shalt  }
0x74: {  	_ =	shalt  }
0x75: {  	_ =	shalt  }
0x76: {  	_ =	shalt  }
0x77: {  	_ =	shalt  }
0x78: {  	_ =	shalt  }
0x79: {  	_ =	shalt  }
0x7a: {  	_ =	shalt  }
0x7b: {  	_ =	shalt  }
0x7c: {  	_ =	shalt  }
0x7d: {  	_ =	shalt  }
0x7e: {  	_ =	shalt  }
0x7f: {  	_ =	shalt  }
0x80: {  	_ =	shalt  }
0x81: {  	_ =	shalt  }
0x82: {  	_ =	shalt  }
0x83: {  	_ =	shalt  }
0x84: {  	_ =	shalt  }
0x85: {  	_ =	shalt  }
0x86: {  	_ =	shalt  }
0x87: {  	_ =	shalt  }
.Lfunc_end0:
.L_simem_size_0:
called_computation.1_lowered:
.L_overlay_start_0:
0x88: {  	s2 =	sld [smem:$0x3FD9]  }
0x89: {  	s3 =	sld [smem:$0x3FFE];
	_ =	sdelay $0x1  }
0x8a: {  	s1 =	srdreg.scid  }
0x8b: {  	s0 =	sand.u32 $0x1, s1  }
0x8c: {  	s17 =	sshll.u32 s0, $0xA;
	s2 =	sadd.s32 s3, s2  }
0x8d: {  	s2 =	sadd.s32 s2, s17  }
0x8e: {  	[smem:$0x3FC5] =	sst s2  }
0x8f: {  	_ = 	snop  }
0x90: {  	s2 =	sld [smem:$0x3FD0];
	(tm) =	ssettm $0x1  }
0x91: {  	s18 =	sld [smem:$0x3FFB];
	_ =	sdelay $0x3  }
0x92: {  	_ =	strace s18  }
0x93: {  	s3 =	sld [smem:$0x3FFC];
	_ =	sdelay $0x3  }
0x94: {  	_ =	strace s3  }
0x95: {  	s3 =	sld [smem:$0x3FFD];
	_ =	sdelay $0x3  }
0x96: {  	_ =	strace s3  }
0x97: {  	_ =	strace $0x8FFFFFFF  }
0x98: {  	s19 =	sld [smem:$0x3FDB];
	_ =	sdelay $0x1  }
0x99: {  	s4 =	simm.s32 $_scs_section_size  }
0x9a: {  	s5 =	simm.s32 $_size__tile_overlayer_lowered;
	s6 =	simm.s32 $_tile_overlayer_lowered  }
0x9b: {  	s22 =	simm.s32 $0x1BFF;
	s21 =	sshll.u32 s6, $0x1;
	s3 =	sadd.s32 s4, s19  }
0x9c: {  	s7 =	simm.s32 $0x0;
	s20 =	sshll.u32 s5, $0x1;
	s5 =	sadd.s32 s21, s3  }
0x9d: {  	[timem:s7], [sflag:s22] =	dma.local [hbm:s5], s20  }
0x9e: {  	_ =	swait.ge [sflag:s22], s20  }
0x9f: {  	s4 =	ssub.s32 $0x0, s20;
	[sflag:s22] =	ssyncset.done $0x0  }
0xa0: {  	[sflag:s22] =	ssyncadd.s32 s4;
	_ =	sdelay $0x1  }
0xa1: {  	s23 =	simm.s32 $0x1B8B  }
0xa2: {  	_ =	swait.ge [sflag:s23], $0x1  }
0xa3: {  	[sflag:s23] =	ssyncset.done $0x0  }
0xa4: {  	s25 =	simm.s32 $0x1B8E;
	s24 =	sld [smem:$0x3FFE];
	[sflag:s23] =	ssyncadd.s32 $0xFFFFFFFF  }
0xa5: {  	s26 =	simm.s32 $execute0_lowered;
	[smem:$0x3FD2] =	sst s25  }
0xa6: {  	s5 =	sshll.u32 s26, $0x1;
	_ =	strace $0x80000049;
	[dreg:$0x1] =	wrdreg $0xFFFFFFFF  }
0xa7: {  	s28 =	simm.s32 $_size_execute0_lowered;
	s3 =	sadd.s32 s3, s5;
	[dreg:$0x0] =	wrdreg $0x0  }
0xa8: {  	s5 =	sshll.u32 s28, $0x1;
	[dreg:$0x2] =	wrdreg s3  }
0xa9: {  	[dreg:$0x3] =	wrdreg s5  }
0xaa: {  	[dreg:$0x4] =	wrdreg $0xC0  }
0xab: {  	_ =	task [dreg:s7], $0x5FFFF  }
0xac: {  	[dreg:$0x1] =	wrdreg $0xFFFFFFFF  }
0xad: {  	[dreg:$0x0] =	wrdreg $0x60  }
0xae: {  	[dreg:$0x2] =	wrdreg s24  }
0xaf: {  	[dreg:$0x3] =	wrdreg s2  }
0xb0: {  	[dreg:$0x4] =	wrdreg $0x9  }
0xb1: {  	_ =	task.clear_ibuf [dreg:s7], $0x5FFFF;
	_ =	strace $0x90000049  }
0xb2: {  	s29 =	simm.s32 $0x9;
	_ =	strace $0x8000004B  }
0xb3: {  	_ =	swait.ge [sflag:s29], $0x1  }
0xb4: {  	[sflag:s29] =	ssyncadd.s32 $0xFFFFFFFF  }
0xb5: {  	_ =	strace $0x9000004B  }
0xb6: {  	_ =	sfence  }
0xb7: {  	s30 =	sld [smem:$0x0];
	_ =	sdelay $0x2  }
0xb8: {  	s31 =	sshll.u32 s1, $0xD;
	s1 =	sshrl.u32 s1, $0x2  }
0xb9: {  	s3 =	sand.u32 $0x4000, s31;
	s1 =	sadd.s32 s1, s30  }
0xba: {  	s0 =	sor.u32 s3, s0;
	s1 =	sshll.u32 s1, $0x11  }
0xbb: {  	s0 =	sor.u32 s1, s0  }
0xbc: {  	s0 =	sadd.s32 $0x8F2B, s0  }
0xbd: {  	[sflag:s0] =	ssyncadd.remote.s32 $0x1  }
0xbe: {  	_ =	sfence.sel $0xFFFF  }
0xbf: {  	[dreg:$0x0] =	wrdreg $0xFFFFFFFF;
	(pc) =	sbr.abs _section_cstart, $3  }
0xc0: {  	[dreg:$0x1] =	wrdreg $0xFFFFFFFF  }
0xc1: {  	_ =	task.clear_ibuf [dreg:s7], $0x2FFFF;
	_ =	strace $0x9FFFFFFF  }
0xc2: {  	(tm) =	ssettm $0x7FFFFFFF  }
0xc3: {  	_ =	shalt  }
tec
execute0_lowered:
.L_overlay_start_1:
0x0: {  	(tag) =	ssettag $0x1  }
0x1: {  	s3 =	rddreg [dreg:$0x0];
	s0 =	srdreg.scid  }
0x2: {  	s5 =	rddreg [dreg:$0x1];
	s1 =	stileid.u32;
	s2 =	simm.s32 $0x0  }
0x3: {  	s9 =	simm.s32 $0x0;
	s4 =	sand.u32 $0x1, s0;
	s0 =	rddreg [dreg:$0x2]  }
0x4: {  	s7 =	sshll.u32 s1, $0xB;
	s6 =	sshll.u32 s4, $0xF;
	s4 =	ssub.s32 $0x2, s4  }
0x5: {  	[smem:$0x7FF] =	sst s2;
	s6 =	sor.u32 s7, s6;
	s31 =	sshrl.u32 s4, $0x1  }
0x6: {  	_ =	strace $0x8000004A;
	s7 =	sadd.s32 s6, s3;
	s8 =	ssub.s32 s4, s31  }
0x7: {  	s5 =	sadd.s32 s5, s6;
	s3 =	sadd.s32 $0x800, s7;
	s4 =	sadd.s32 $0x10800, s7  }
0x8: {  	s6 =	smax.u32 s8, $0x1;
	s7 =	simm.s32 $0x1;
	s8 =	simm.s32 $0x4000  }
.LBB2_1:
0x9: {  	[tilespmem:s2], [sflag:$0x1] =	stream.linear.gather [hbm4b:s3+s2], $0x4000, $0x38;
	[tilespmem:$0x8000] =	vst v63  }
0xa: {  	_ =	swait.ge [sflag:s7], $0x4000  }
0xb: {  	[sflag:s7] =	ssyncset.done $0x0  }
0xc: {  	[sflag:s7] =	ssyncadd.s32 $0xFFFFC000  }
0xd: {  	[tilespmem:s8], [sflag:$0x1] =	stream.linear.gather [hbm4b:s4+s2], $0x4000, $0x38;
	[tilespmem:$0x8000] =	vst v63  }
0xe: {  	_ =	swait.ge [sflag:s7], $0x4000  }
0xf: {  	[sflag:s7] =	ssyncset.done $0x0  }
0x10: {  	s10 =	simm.s32 $0x0;
	[sflag:s7] =	ssyncadd.s32 $0xFFFFC000  }
0x11: {  	v0 =	vld [tilespmem:s10+$0x4000]  }
0x12: {  	v1 =	vld [tilespmem:s10+$0x4010]  }
0x13: {  	s11 =	simm.s32 $0x80;
	v2 =	vld [tilespmem:s10+$0x0]  }
.LBB2_2:
0x14: {  	p0 =	sne.s32 s11, $0xFF80;
	v3 =	vld [tilespmem:s10+$0x10];
	_ =	sdelay $0x2  }
.Ltmp0:
0x15: {  	(pc) =	sbr.rel @p0 .LBB2_2-.Ltmp0, $4  }
0x16: {  	s12 =	sshra.s32 s11, $0x2;
	v2 =	vadd.f32 v0, v2  }
0x17: {  	v0 =	vld [tilespmem:s12+$0x4000];
	v3 =	vadd.f32 v1, v3  }
0x18: {  	v1 =	vld [tilespmem:s12+$0x4010];
	[tilespmem:s10+$0x0] =	vst v2  }
0x19: {  	s11 =	sadd.s32 $0x80, s11;
	v2 =	vld [tilespmem:s12+$0x0];
	[tilespmem:s10+$0x10] =	vst v3;
	s10 =	smov.u32 s12  }
0x1a: {  	v3 =	vld [tilespmem:s10+$0x10];
	_ =	sdelay $0x3  }
0x1b: {  	v0 =	vadd.f32 v0, v2  }
0x1c: {  	s9 =	sadd.s32 $0x1, s9;
	v1 =	vadd.f32 v1, v3  }
0x1d: {  	p0 =	sne.s32 s9, s6;
	[tilespmem:s10+$0x0] =	vst v0  }
.Ltmp1:
0x1e: {  	[tilespmem:s10+$0x10] =	vst v1;
	(pc) =	sbr.rel @p0 .LBB2_1-.Ltmp1, $4  }
0x1f: {  	[hbm4b:s5+s2] =	stream.linear.scatter [tilespmem:s2], [sflag:$0x1], $0x4000, $0x38;
	[tilespmem:$0x8000] =	vst v63  }
0x20: {  	_ =	swait.ge [sflag:s7], $0x4000  }
0x21: {  	[sflag:s7] =	ssyncset.done $0x0  }
0x22: {  	[sflag:s7] =	ssyncadd.s32 $0xFFFFC000  }
0x23: {  	_ =	sfence.sel $0x180000  }
0x24: {  	[bflag:$0x0] =	sbarrier.arrive $0xFFFF  }
0x25: {  	p0 =	sne.s32 s1, $0x0;
	_ =	strace $0x9000004A  }
0x26: {  	s0 =	sadd.s32 @!p0 $0x100000, s0;
	[bflag:$0x2] =	sbarrier.arrive $0xFFFF  }
0x27: {  	[sflag:s0] =	ssyncadd.tile.s32 @!p0 $0x1;
	_ =	shalt  }
.Lfunc_end2:
_tile_overlayer_lowered:
.L_overlay_start_2:
0x28: {  	(tag) =	ssettag $0x2  }
0x29: {  	s0 =	rddreg [dreg:$0x0];
	s2 =	stileid.u32  }
0x2a: {  	s1 =	rddreg [dreg:$0x1];
	p0 =	sne.s32 s2, $0x0  }
0x2b: {  	s3 =	rddreg [dreg:$0x2];
	[bflag:$0x3] =	sbarrier.arrive $0xFFFF;
	s2 =	simm.s32 @!p0 $0x1C01  }
0x2c: {  	[timem:s3], [sflag:s2] =	dma.local @!p0 [hbm:s0], s1  }
0x2d: {  	s0 =	simm.s32 @!p0 $0x1  }
0x2e: {  	_ =	swait.ge @!p0 [sflag:s0], s1  }
0x2f: {  	s1 =	ssub.s32 @!p0 $0x0, s1;
	[sflag:s0] =	ssyncset.done @!p0 $0x0  }
0x30: {  	[sflag:s0] =	ssyncadd.s32 @!p0 s1  }
0x31: {  	[bflag:$0x3] =	sbarrier.arrive $0xFFFF  }
0x32: {  	_ =	shalt  }

</sc_bundles>
